<compile_context>
chip_gen: v7x
topology: tpu7x:2x2x1
jax: 0.10.2.dev20260603
libtpu: 0.0.44.dev20260713+nightly
codegen_flags: <defaults>
</compile_context>

<pallas_src>
import functools

import jax
import jax.numpy as jnp
from jax import lax
from jax.experimental import pallas as pl
from jax.experimental.pallas import tpu as pltpu
from jax.experimental.pallas import tpu_sc as plsc


@functools.lru_cache(maxsize=None)
def _build(B, S, H, V):
    info = plsc.get_sparse_core_info()
    NC, NS = info.num_cores, info.num_subcores
    NW = NC * NS
    L = 16
    BT = 128
    assert B // BT == NW
    HT = H // 8
    assert H % L == 0 and S % 2 == 0
    mesh = plsc.VectorSubcoreMesh(core_axis_name="c", subcore_axis_name="s")

    @functools.partial(
        pl.kernel,
        out_type=jax.ShapeDtypeStruct((S, HT, NW, 8 * BT), jnp.float32),
        mesh=mesh,
        compiler_params=pltpu.CompilerParams(
            use_tc_tiling_on_sc=False, needs_layout_passes=False),
        scratch_types=[
            pltpu.VMEM((S, BT), jnp.int32),
            pltpu.VMEM((BT, H), jnp.float32),
            pltpu.VMEM((BT, H), jnp.float32),
            pltpu.VMEM((HT * 8 * BT,), jnp.float32),
            pltpu.VMEM((HT * 8 * BT,), jnp.float32),
            pltpu.VMEM((S, H), jnp.float32),
            pltpu.SemaphoreType.DMA,
            pltpu.SemaphoreType.DMA,
            pltpu.SemaphoreType.DMA,
            pltpu.SemaphoreType.DMA,
        ],
    )
    def k(xt_hbm, emb_hbm, pos_hbm, out_hbm,
          idxall, rows0, rows1, tr0, tr1, pos_v, sg0, sg1, so0, so1):
        wid = lax.axis_index("s") * NC + lax.axis_index("c")
        pltpu.sync_copy(xt_hbm.at[:, pl.ds(wid * BT, BT)], idxall)
        pltpu.sync_copy(pos_hbm, pos_v)
        rows = (rows0, rows1)
        tr = (tr0, tr1)
        sg = (sg0, sg1)
        so = (so0, so1)
        iota = lax.iota(jnp.int32, L)
        m15 = jnp.full((L,), L - 1, jnp.int32)
        perm = [jax.lax.bitwise_and(iota + d, m15) for d in range(L)]
        pio = [jax.lax.shift_left(perm[d], jnp.full((L,), 7, jnp.int32))
               + iota for d in range(L)]

        def gather_start(s, b):
            pltpu.make_async_copy(
                emb_hbm.at[idxall.at[s]], rows[b], sg[b]).start()

        def gather_wait(b):
            pltpu.make_async_copy(
                emb_hbm.at[idxall.at[0]], rows[b], sg[b]).wait()

        TILE = 8 * BT

        def out_start(s, b):
            for ht in range(HT):
                pltpu.make_async_copy(
                    tr[b].at[pl.ds(ht * TILE, TILE)],
                    out_hbm.at[s, ht, wid], so[b]).start()

        def out_wait(b):
            for ht in range(HT):
                pltpu.make_async_copy(
                    tr[b].at[pl.ds(ht * TILE, TILE)],
                    out_hbm.at[0, ht, wid], so[b]).wait()

        dnums = jax.lax.GatherDimensionNumbers(
            offset_dims=(), collapsed_slice_dims=(0,),
            start_index_map=(0,))

        def take16(vec, idx):
            return jax.lax.gather(
                vec, idx[:, None], dnums, (1,),
                mode=jax.lax.GatherScatterMode.PROMISE_IN_BOUNDS)

        def compute(s, b):
            rv_ref, tr_ref = rows[b], tr[b]
            pv = [pos_v[s, pl.ds(j * L, L)] for j in range(H // L)]

            def blk_body(i, carry):
                t0 = i * L
                for j in range(H // L):
                    rowv = iota + t0
                    doff = j * L * BT + t0
                    dvecs = [plsc.load_gather(rv_ref,
                                              [rowv, perm[d] + j * L])
                             for d in range(L)]
                    for d in range(L):
                        plsc.store_scatter(
                            tr_ref, [pio[d] + doff],
                            dvecs[d] + take16(pv[j], perm[d]))
                return carry

            lax.fori_loop(0, BT // L, blk_body, 0)

        gather_start(0, 0)

        def step(i, carry):
            for b in range(2):
                s = 2 * i + b
                nxt = s + 1

                @pl.when(nxt < S)
                def _():
                    gather_start(nxt, 1 - b)

                gather_wait(b)

                @pl.when(s >= 2)
                def _():
                    out_wait(b)

                compute(s, b)
                out_start(s, b)
            return carry

        lax.fori_loop(0, S // 2, step, 0)
        out_wait(0)
        out_wait(1)

    return k


def kernel(x, emb_table, pos_table):
    B, S = x.shape
    V, H = emb_table.shape
    k = _build(B, S, H, V)
    xt = jnp.swapaxes(x.astype(jnp.int32), 0, 1)
    out4 = k(xt, emb_table, pos_table)
    out5 = out4.reshape(S, H // 8, B // 128, 8, 128)
    return jnp.transpose(out5, (2, 4, 0, 1, 3)).reshape(B, S, H)

# --- scband reference (transcript-rebuilt; emitter-appended) ---
"""Pipeline reference for scband-token-embedding-74371653698027 (READ-ONLY COPY).

The authoritative reference and input builder live on the scoring server;
editing this copy changes nothing except your own understanding.
"""

import jax, jax.numpy as jnp
import numpy as np

NUM_VOCAB = 100000
MAXLEN = 200
NUM_HID = 64
BATCH = 4096
SEQ = 200

def setup_inputs(seed: int = 0) -> dict:
    key = jax.random.key(seed)
    k1, k2, k3 = jax.random.split(key, 3)
    x = jax.random.randint(k1, (BATCH, SEQ), 0, NUM_VOCAB, dtype=jnp.int64 if jax.config.jax_enable_x64 else jnp.int32)
    emb_table = jax.random.normal(k2, (NUM_VOCAB, NUM_HID), dtype=jnp.float32) * 0.02
    pos_table = jax.random.normal(k3, (MAXLEN, NUM_HID), dtype=jnp.float32) * 0.02
    return {"x": x, "emb_table": emb_table, "pos_table": pos_table}

def reference(x, emb_table, pos_table):
    # token embedding lookup
    tok = jnp.take(emb_table, x, axis=0)  # [B, S, H]
    # positional embedding over the sequence length
    positions = jnp.arange(x.shape[-1])
    pos = jnp.take(pos_table, positions, axis=0)  # [S, H]
    return tok + pos[None, :, :]

if __name__ == "__main__":
    import jax
    _d = setup_inputs()
    print(jax.jit(kernel)(*tuple(_d.values())))

</pallas_src>

<mosaic_0001>
#map = affine_map<(d0, d1) -> (0, 0)>
#map1 = affine_map<(d0, d1) -> (0, 0, 0, 0)>
module attributes {stable_mosaic.version = 14 : i64} {
  func.func @k(%arg0: i32, %arg1: i32, %arg2: memref<200x4096xi32, #tpu.memory_space<hbm>>, %arg3: memref<100000x64xf32, #tpu.memory_space<hbm>>, %arg4: memref<200x64xf32, #tpu.memory_space<hbm>>, %arg5: memref<200x8x32x1024xf32, #tpu.memory_space<hbm>>, %arg6: memref<200x128xi32, #tpu.memory_space<vmem>>, %arg7: memref<128x64xf32, #tpu.memory_space<vmem>>, %arg8: memref<128x64xf32, #tpu.memory_space<vmem>>, %arg9: memref<8192xf32, #tpu.memory_space<vmem>>, %arg10: memref<8192xf32, #tpu.memory_space<vmem>>, %arg11: memref<200x64xf32, #tpu.memory_space<vmem>>, %arg12: memref<!tpu.dma_semaphore, #tpu.memory_space<semaphore_mem>>, %arg13: memref<!tpu.dma_semaphore, #tpu.memory_space<semaphore_mem>>, %arg14: memref<!tpu.dma_semaphore, #tpu.memory_space<semaphore_mem>>, %arg15: memref<!tpu.dma_semaphore, #tpu.memory_space<semaphore_mem>>) attributes {dimension_semantics = [#tpu.dimension_semantics<core_parallel>, #tpu.dimension_semantics<subcore_parallel>], iteration_bounds = array<i64: 2, 16>, scalar_prefetch = 0 : i64, scratch_operands = 10 : i64, tpu.core_type = #tpu.core_type<sc_vector_subcore>, window_params = [{transform_indices = #map}, {transform_indices = #map}, {transform_indices = #map}, {transform_indices = #map1}]} {
    %mul3A = arith.constant 2 : i32
    %mul3A_0 = arith.muli %arg1, %mul3A : i32
    %add3A = arith.addi %mul3A_0, %arg0 : i32
    %mul3A_1 = arith.constant 128 : i32
    %mul3A_2 = arith.muli %add3A, %mul3A_1 : i32
    "tpu.region"() ({
      %run_scoped3A = tpu.sem_alloc : memref<!tpu.dma_semaphore, #tpu.memory_space<semaphore_mem>>
      %dma_start3A_332 = arith.constant 0 : i32
      %dma_start3A_333 = tpu.memref_slice %arg2[%dma_start3A_332, %mul3A_2] : memref<200x4096xi32, #tpu.memory_space<hbm>> -> memref<200x128xi32, #tpu.memory_space<hbm>>
      %dma_start3A_334 = arith.constant 0 : i32
      %dma_start3A_335 = tpu.memref_slice %arg2[%dma_start3A_334, %mul3A_2] : memref<200x4096xi32, #tpu.memory_space<hbm>> -> memref<200x128xi32, #tpu.memory_space<hbm>>
      tpu.enqueue_dma source(%dma_start3A_335 : memref<200x128xi32, #tpu.memory_space<hbm>>) target(%arg6 : memref<200x128xi32, #tpu.memory_space<vmem>>) target_semaphore(%run_scoped3A : memref<!tpu.dma_semaphore, #tpu.memory_space<semaphore_mem>>)
      %dma_wait3A_336 = arith.constant 0 : i32
      %dma_wait3A_337 = tpu.memref_slice %arg2[%dma_wait3A_336, %mul3A_2] : memref<200x4096xi32, #tpu.memory_space<hbm>> -> memref<200x128xi32, #tpu.memory_space<hbm>>
      %dma_wait3A_338 = arith.constant 0 : i32
      %dma_wait3A_339 = tpu.memref_slice %arg2[%dma_wait3A_338, %mul3A_2] : memref<200x4096xi32, #tpu.memory_space<hbm>> -> memref<200x128xi32, #tpu.memory_space<hbm>>
      tpu.wait_dma2 semaphore(%run_scoped3A : memref<!tpu.dma_semaphore, #tpu.memory_space<semaphore_mem>>) src(%dma_wait3A_339 : memref<200x128xi32, #tpu.memory_space<hbm>>) dst(%arg6 : memref<200x128xi32, #tpu.memory_space<vmem>>)
      tpu.yield
    }) : () -> ()
    "tpu.region"() ({
      %run_scoped3A = tpu.sem_alloc : memref<!tpu.dma_semaphore, #tpu.memory_space<semaphore_mem>>
      tpu.enqueue_dma source(%arg4 : memref<200x64xf32, #tpu.memory_space<hbm>>) target(%arg11 : memref<200x64xf32, #tpu.memory_space<vmem>>) target_semaphore(%run_scoped3A : memref<!tpu.dma_semaphore, #tpu.memory_space<semaphore_mem>>)
      tpu.wait_dma2 semaphore(%run_scoped3A : memref<!tpu.dma_semaphore, #tpu.memory_space<semaphore_mem>>) src(%arg4 : memref<200x64xf32, #tpu.memory_space<hbm>>) dst(%arg11 : memref<200x64xf32, #tpu.memory_space<vmem>>)
      tpu.yield
    }) : () -> ()
    %iota3A = tpu.iota {dimensions = array<i32: 0>} : vector<16xi32>
    %broadcast_in_dim3A = arith.constant 15 : i32
    %broadcast_in_dim3A_3 = vector.broadcast %broadcast_in_dim3A : i32 to vector<16xi32>
    %add3A_4 = arith.constant 0 : i32
    %add3A_5 = vector.broadcast %add3A_4 : i32 to vector<16xi32>
    %add3A_6 = arith.addi %iota3A, %add3A_5 : vector<16xi32>
    %and3A = arith.andi %add3A_6, %broadcast_in_dim3A_3 : vector<16xi32>
    %add3A_7 = arith.constant 1 : i32
    %add3A_8 = vector.broadcast %add3A_7 : i32 to vector<16xi32>
    %add3A_9 = arith.addi %iota3A, %add3A_8 : vector<16xi32>
    %and3A_10 = arith.andi %add3A_9, %broadcast_in_dim3A_3 : vector<16xi32>
    %add3A_11 = arith.constant 2 : i32
    %add3A_12 = vector.broadcast %add3A_11 : i32 to vector<16xi32>
    %add3A_13 = arith.addi %iota3A, %add3A_12 : vector<16xi32>
    %and3A_14 = arith.andi %add3A_13, %broadcast_in_dim3A_3 : vector<16xi32>
    %add3A_15 = arith.constant 3 : i32
    %add3A_16 = vector.broadcast %add3A_15 : i32 to vector<16xi32>
    %add3A_17 = arith.addi %iota3A, %add3A_16 : vector<16xi32>
    %and3A_18 = arith.andi %add3A_17, %broadcast_in_dim3A_3 : vector<16xi32>
    %add3A_19 = arith.constant 4 : i32
    %add3A_20 = vector.broadcast %add3A_19 : i32 to vector<16xi32>
    %add3A_21 = arith.addi %iota3A, %add3A_20 : vector<16xi32>
    %and3A_22 = arith.andi %add3A_21, %broadcast_in_dim3A_3 : vector<16xi32>
    %add3A_23 = arith.constant 5 : i32
    %add3A_24 = vector.broadcast %add3A_23 : i32 to vector<16xi32>
    %add3A_25 = arith.addi %iota3A, %add3A_24 : vector<16xi32>
    %and3A_26 = arith.andi %add3A_25, %broadcast_in_dim3A_3 : vector<16xi32>
    %add3A_27 = arith.constant 6 : i32
    %add3A_28 = vector.broadcast %add3A_27 : i32 to vector<16xi32>
    %add3A_29 = arith.addi %iota3A, %add3A_28 : vector<16xi32>
    %and3A_30 = arith.andi %add3A_29, %broadcast_in_dim3A_3 : vector<16xi32>
    %add3A_31 = arith.constant 7 : i32
    %add3A_32 = vector.broadcast %add3A_31 : i32 to vector<16xi32>
    %add3A_33 = arith.addi %iota3A, %add3A_32 : vector<16xi32>
    %and3A_34 = arith.andi %add3A_33, %broadcast_in_dim3A_3 : vector<16xi32>
    %add3A_35 = arith.constant 8 : i32
    %add3A_36 = vector.broadcast %add3A_35 : i32 to vector<16xi32>
    %add3A_37 = arith.addi %iota3A, %add3A_36 : vector<16xi32>
    %and3A_38 = arith.andi %add3A_37, %broadcast_in_dim3A_3 : vector<16xi32>
    %add3A_39 = arith.constant 9 : i32
    %add3A_40 = vector.broadcast %add3A_39 : i32 to vector<16xi32>
    %add3A_41 = arith.addi %iota3A, %add3A_40 : vector<16xi32>
    %and3A_42 = arith.andi %add3A_41, %broadcast_in_dim3A_3 : vector<16xi32>
    %add3A_43 = arith.constant 10 : i32
    %add3A_44 = vector.broadcast %add3A_43 : i32 to vector<16xi32>
    %add3A_45 = arith.addi %iota3A, %add3A_44 : vector<16xi32>
    %and3A_46 = arith.andi %add3A_45, %broadcast_in_dim3A_3 : vector<16xi32>
    %add3A_47 = arith.constant 11 : i32
    %add3A_48 = vector.broadcast %add3A_47 : i32 to vector<16xi32>
    %add3A_49 = arith.addi %iota3A, %add3A_48 : vector<16xi32>
    %and3A_50 = arith.andi %add3A_49, %broadcast_in_dim3A_3 : vector<16xi32>
    %add3A_51 = arith.constant 12 : i32
    %add3A_52 = vector.broadcast %add3A_51 : i32 to vector<16xi32>
    %add3A_53 = arith.addi %iota3A, %add3A_52 : vector<16xi32>
    %and3A_54 = arith.andi %add3A_53, %broadcast_in_dim3A_3 : vector<16xi32>
    %add3A_55 = arith.constant 13 : i32
    %add3A_56 = vector.broadcast %add3A_55 : i32 to vector<16xi32>
    %add3A_57 = arith.addi %iota3A, %add3A_56 : vector<16xi32>
    %and3A_58 = arith.andi %add3A_57, %broadcast_in_dim3A_3 : vector<16xi32>
    %add3A_59 = arith.constant 14 : i32
    %add3A_60 = vector.broadcast %add3A_59 : i32 to vector<16xi32>
    %add3A_61 = arith.addi %iota3A, %add3A_60 : vector<16xi32>
    %and3A_62 = arith.andi %add3A_61, %broadcast_in_dim3A_3 : vector<16xi32>
    %add3A_63 = arith.constant 15 : i32
    %add3A_64 = vector.broadcast %add3A_63 : i32 to vector<16xi32>
    %add3A_65 = arith.addi %iota3A, %add3A_64 : vector<16xi32>
    %and3A_66 = arith.andi %add3A_65, %broadcast_in_dim3A_3 : vector<16xi32>
    %broadcast_in_dim3A_67 = arith.constant 7 : i32
    %broadcast_in_dim3A_68 = vector.broadcast %broadcast_in_dim3A_67 : i32 to vector<16xi32>
    %shift_left3A = arith.shli %and3A, %broadcast_in_dim3A_68 : vector<16xi32>
    %add3A_69 = arith.addi %shift_left3A, %iota3A : vector<16xi32>
    %broadcast_in_dim3A_70 = arith.constant 7 : i32
    %broadcast_in_dim3A_71 = vector.broadcast %broadcast_in_dim3A_70 : i32 to vector<16xi32>
    %shift_left3A_72 = arith.shli %and3A_10, %broadcast_in_dim3A_71 : vector<16xi32>
    %add3A_73 = arith.addi %shift_left3A_72, %iota3A : vector<16xi32>
    %broadcast_in_dim3A_74 = arith.constant 7 : i32
    %broadcast_in_dim3A_75 = vector.broadcast %broadcast_in_dim3A_74 : i32 to vector<16xi32>
    %shift_left3A_76 = arith.shli %and3A_14, %broadcast_in_dim3A_75 : vector<16xi32>
    %add3A_77 = arith.addi %shift_left3A_76, %iota3A : vector<16xi32>
    %broadcast_in_dim3A_78 = arith.constant 7 : i32
    %broadcast_in_dim3A_79 = vector.broadcast %broadcast_in_dim3A_78 : i32 to vector<16xi32>
    %shift_left3A_80 = arith.shli %and3A_18, %broadcast_in_dim3A_79 : vector<16xi32>
    %add3A_81 = arith.addi %shift_left3A_80, %iota3A : vector<16xi32>
    %broadcast_in_dim3A_82 = arith.constant 7 : i32
    %broadcast_in_dim3A_83 = vector.broadcast %broadcast_in_dim3A_82 : i32 to vector<16xi32>
    %shift_left3A_84 = arith.shli %and3A_22, %broadcast_in_dim3A_83 : vector<16xi32>
    %add3A_85 = arith.addi %shift_left3A_84, %iota3A : vector<16xi32>
    %broadcast_in_dim3A_86 = arith.constant 7 : i32
    %broadcast_in_dim3A_87 = vector.broadcast %broadcast_in_dim3A_86 : i32 to vector<16xi32>
    %shift_left3A_88 = arith.shli %and3A_26, %broadcast_in_dim3A_87 : vector<16xi32>
    %add3A_89 = arith.addi %shift_left3A_88, %iota3A : vector<16xi32>
    %broadcast_in_dim3A_90 = arith.constant 7 : i32
    %broadcast_in_dim3A_91 = vector.broadcast %broadcast_in_dim3A_90 : i32 to vector<16xi32>
    %shift_left3A_92 = arith.shli %and3A_30, %broadcast_in_dim3A_91 : vector<16xi32>
    %add3A_93 = arith.addi %shift_left3A_92, %iota3A : vector<16xi32>
    %broadcast_in_dim3A_94 = arith.constant 7 : i32
    %broadcast_in_dim3A_95 = vector.broadcast %broadcast_in_dim3A_94 : i32 to vector<16xi32>
    %shift_left3A_96 = arith.shli %and3A_34, %broadcast_in_dim3A_95 : vector<16xi32>
    %add3A_97 = arith.addi %shift_left3A_96, %iota3A : vector<16xi32>
    %broadcast_in_dim3A_98 = arith.constant 7 : i32
    %broadcast_in_dim3A_99 = vector.broadcast %broadcast_in_dim3A_98 : i32 to vector<16xi32>
    %shift_left3A_100 = arith.shli %and3A_38, %broadcast_in_dim3A_99 : vector<16xi32>
    %add3A_101 = arith.addi %shift_left3A_100, %iota3A : vector<16xi32>
    %broadcast_in_dim3A_102 = arith.constant 7 : i32
    %broadcast_in_dim3A_103 = vector.broadcast %broadcast_in_dim3A_102 : i32 to vector<16xi32>
    %shift_left3A_104 = arith.shli %and3A_42, %broadcast_in_dim3A_103 : vector<16xi32>
    %add3A_105 = arith.addi %shift_left3A_104, %iota3A : vector<16xi32>
    %broadcast_in_dim3A_106 = arith.constant 7 : i32
    %broadcast_in_dim3A_107 = vector.broadcast %broadcast_in_dim3A_106 : i32 to vector<16xi32>
    %shift_left3A_108 = arith.shli %and3A_46, %broadcast_in_dim3A_107 : vector<16xi32>
    %add3A_109 = arith.addi %shift_left3A_108, %iota3A : vector<16xi32>
    %broadcast_in_dim3A_110 = arith.constant 7 : i32
    %broadcast_in_dim3A_111 = vector.broadcast %broadcast_in_dim3A_110 : i32 to vector<16xi32>
    %shift_left3A_112 = arith.shli %and3A_50, %broadcast_in_dim3A_111 : vector<16xi32>
    %add3A_113 = arith.addi %shift_left3A_112, %iota3A : vector<16xi32>
    %broadcast_in_dim3A_114 = arith.constant 7 : i32
    %broadcast_in_dim3A_115 = vector.broadcast %broadcast_in_dim3A_114 : i32 to vector<16xi32>
    %shift_left3A_116 = arith.shli %and3A_54, %broadcast_in_dim3A_115 : vector<16xi32>
    %add3A_117 = arith.addi %shift_left3A_116, %iota3A : vector<16xi32>
    %broadcast_in_dim3A_118 = arith.constant 7 : i32
    %broadcast_in_dim3A_119 = vector.broadcast %broadcast_in_dim3A_118 : i32 to vector<16xi32>
    %shift_left3A_120 = arith.shli %and3A_58, %broadcast_in_dim3A_119 : vector<16xi32>
    %add3A_121 = arith.addi %shift_left3A_120, %iota3A : vector<16xi32>
    %broadcast_in_dim3A_122 = arith.constant 7 : i32
    %broadcast_in_dim3A_123 = vector.broadcast %broadcast_in_dim3A_122 : i32 to vector<16xi32>
    %shift_left3A_124 = arith.shli %and3A_62, %broadcast_in_dim3A_123 : vector<16xi32>
    %add3A_125 = arith.addi %shift_left3A_124, %iota3A : vector<16xi32>
    %broadcast_in_dim3A_126 = arith.constant 7 : i32
    %broadcast_in_dim3A_127 = vector.broadcast %broadcast_in_dim3A_126 : i32 to vector<16xi32>
    %shift_left3A_128 = arith.shli %and3A_66, %broadcast_in_dim3A_127 : vector<16xi32>
    %add3A_129 = arith.addi %shift_left3A_128, %iota3A : vector<16xi32>
    %dma_start3A = arith.constant 0 : i32
    %dma_start3A_130 = arith.constant 0 : i32
    %dma_start3A_131 = tpu.memref_slice %arg6[%dma_start3A, %dma_start3A_130] : memref<200x128xi32, #tpu.memory_space<vmem>> -> memref<1x128xi32, #tpu.memory_space<vmem>>
    %dma_start3A_132 = tpu.memref_squeeze %dma_start3A_131 : memref<1x128xi32, #tpu.memory_space<vmem>> -> memref<128xi32, #tpu.memory_space<vmem>>
    %dma_start3A_133 = arith.constant 0 : i32
    %dma_start3A_134 = arith.constant 0 : i32
    %dma_start3A_135 = tpu.memref_slice %arg3[%dma_start3A_133, %dma_start3A_134] : memref<100000x64xf32, #tpu.memory_space<hbm>> -> memref<100000x64xf32, #tpu.memory_space<hbm>>
    tpu.enqueue_indirect_dma source(%dma_start3A_135 : memref<100000x64xf32, #tpu.memory_space<hbm>>) target(%arg7 : memref<128x64xf32, #tpu.memory_space<vmem>>) offsets(%dma_start3A_132 : memref<128xi32, #tpu.memory_space<vmem>>) semaphore(%arg12 : memref<!tpu.dma_semaphore, #tpu.memory_space<semaphore_mem>>)
    %scan3A = arith.constant 0 : i32
    %scan3A_136 = arith.constant 0 : i32
    %scan3A_137 = arith.constant 100 : i32
    %scan3A_138 = arith.addi %scan3A_136, %scan3A_137 : i32
    %scan3A_139 = arith.constant 1 : i32
    scf.for %scan3A_332 = %scan3A_136 to %scan3A_138 step %scan3A_139  : i32 {
      %mul3A_333 = arith.constant 2 : i32
      %mul3A_334 = arith.muli %mul3A_333, %scan3A_332 : i32
      %add3A_335 = arith.constant 0 : i32
      %add3A_336 = arith.addi %mul3A_334, %add3A_335 : i32
      %add3A_337 = arith.constant 1 : i32
      %add3A_338 = arith.addi %add3A_336, %add3A_337 : i32
      %lt3A = arith.constant 200 : i32
      %lt3A_339 = arith.cmpi slt, %add3A_338, %lt3A : i32
      %convert_element_type3A = arith.extui %lt3A_339 : i1 to i32
      %cond3A = arith.constant 0 : i32
      %cond3A_340 = arith.cmpi ne, %convert_element_type3A, %cond3A : i32
      scf.if %cond3A_340 {
        %dma_start3A_586 = arith.constant 0 : i32
        %dma_start3A_587 = tpu.memref_slice %arg6[%add3A_338, %dma_start3A_586] : memref<200x128xi32, #tpu.memory_space<vmem>> -> memref<1x128xi32, #tpu.memory_space<vmem>>
        %dma_start3A_588 = tpu.memref_squeeze %dma_start3A_587 : memref<1x128xi32, #tpu.memory_space<vmem>> -> memref<128xi32, #tpu.memory_space<vmem>>
        %dma_start3A_589 = arith.constant 0 : i32
        %dma_start3A_590 = arith.constant 0 : i32
        %dma_start3A_591 = tpu.memref_slice %arg3[%dma_start3A_589, %dma_start3A_590] : memref<100000x64xf32, #tpu.memory_space<hbm>> -> memref<100000x64xf32, #tpu.memory_space<hbm>>
        tpu.enqueue_indirect_dma source(%dma_start3A_591 : memref<100000x64xf32, #tpu.memory_space<hbm>>) target(%arg8 : memref<128x64xf32, #tpu.memory_space<vmem>>) offsets(%dma_start3A_588 : memref<128xi32, #tpu.memory_space<vmem>>) semaphore(%arg13 : memref<!tpu.dma_semaphore, #tpu.memory_space<semaphore_mem>>)
      } else {
      }
      %dma_wait3A_341 = arith.constant 0 : i32
      %dma_wait3A_342 = arith.constant 0 : i32
      %dma_wait3A_343 = tpu.memref_slice %arg6[%dma_wait3A_341, %dma_wait3A_342] : memref<200x128xi32, #tpu.memory_space<vmem>> -> memref<1x128xi32, #tpu.memory_space<vmem>>
      %dma_wait3A_344 = tpu.memref_squeeze %dma_wait3A_343 : memref<1x128xi32, #tpu.memory_space<vmem>> -> memref<128xi32, #tpu.memory_space<vmem>>
      %dma_wait3A_345 = arith.constant 0 : i32
      %dma_wait3A_346 = arith.constant 0 : i32
      %dma_wait3A_347 = tpu.memref_slice %arg3[%dma_wait3A_345, %dma_wait3A_346] : memref<100000x64xf32, #tpu.memory_space<hbm>> -> memref<100000x64xf32, #tpu.memory_space<hbm>>
      tpu.wait_indirect_dma semaphore(%arg12 : memref<!tpu.dma_semaphore, #tpu.memory_space<semaphore_mem>>) src(%dma_wait3A_347 : memref<100000x64xf32, #tpu.memory_space<hbm>>) dst(%arg7 : memref<128x64xf32, #tpu.memory_space<vmem>>)
      %ge3A = arith.constant 2 : i32
      %ge3A_348 = arith.cmpi sge, %add3A_336, %ge3A : i32
      %convert_element_type3A_349 = arith.extui %ge3A_348 : i1 to i32
      %cond3A_350 = arith.constant 0 : i32
      %cond3A_351 = arith.cmpi ne, %convert_element_type3A_349, %cond3A_350 : i32
      scf.if %cond3A_351 {
        %dma_wait3A_586 = arith.constant 0 : i32
        %dma_wait3A_587 = arith.constant 0 : i32
        %dma_wait3A_588 = arith.constant 0 : i32
        %dma_wait3A_589 = tpu.memref_slice %arg9[%dma_wait3A_588] : memref<8192xf32, #tpu.memory_space<vmem>> -> memref<1024xf32, #tpu.memory_space<vmem>>
        %dma_wait3A_590 = arith.constant 0 : i32
        %dma_wait3A_591 = tpu.memref_slice %arg5[%dma_wait3A_586, %dma_wait3A_587, %add3A, %dma_wait3A_590] : memref<200x8x32x1024xf32, #tpu.memory_space<hbm>> -> memref<1x1x1x1024xf32, #tpu.memory_space<hbm>>
        %dma_wait3A_592 = tpu.memref_squeeze %dma_wait3A_591 : memref<1x1x1x1024xf32, #tpu.memory_space<hbm>> -> memref<1024xf32, #tpu.memory_space<hbm>>
        %dma_wait3A_593 = arith.constant 0 : i32
        %dma_wait3A_594 = tpu.memref_slice %arg5[%dma_wait3A_586, %dma_wait3A_587, %add3A, %dma_wait3A_593] : memref<200x8x32x1024xf32, #tpu.memory_space<hbm>> -> memref<1x1x1x1024xf32, #tpu.memory_space<hbm>>
        %dma_wait3A_595 = tpu.memref_squeeze %dma_wait3A_594 : memref<1x1x1x1024xf32, #tpu.memory_space<hbm>> -> memref<1024xf32, #tpu.memory_space<hbm>>
        %dma_wait3A_596 = arith.constant 0 : i32
        %dma_wait3A_597 = tpu.memref_slice %arg9[%dma_wait3A_596] : memref<8192xf32, #tpu.memory_space<vmem>> -> memref<1024xf32, #tpu.memory_space<vmem>>
        tpu.wait_dma2 semaphore(%arg14 : memref<!tpu.dma_semaphore, #tpu.memory_space<semaphore_mem>>) src(%dma_wait3A_597 : memref<1024xf32, #tpu.memory_space<vmem>>) dst(%dma_wait3A_595 : memref<1024xf32, #tpu.memory_space<hbm>>)
        %dma_wait3A_598 = arith.constant 0 : i32
        %dma_wait3A_599 = arith.constant 1 : i32
        %dma_wait3A_600 = arith.constant 1024 : i32
        %dma_wait3A_601 = tpu.memref_slice %arg9[%dma_wait3A_600] : memref<8192xf32, #tpu.memory_space<vmem>> -> memref<1024xf32, #tpu.memory_space<vmem>>
        %dma_wait3A_602 = arith.constant 0 : i32
        %dma_wait3A_603 = tpu.memref_slice %arg5[%dma_wait3A_598, %dma_wait3A_599, %add3A, %dma_wait3A_602] : memref<200x8x32x1024xf32, #tpu.memory_space<hbm>> -> memref<1x1x1x1024xf32, #tpu.memory_space<hbm>>
        %dma_wait3A_604 = tpu.memref_squeeze %dma_wait3A_603 : memref<1x1x1x1024xf32, #tpu.memory_space<hbm>> -> memref<1024xf32, #tpu.memory_space<hbm>>
        %dma_wait3A_605 = arith.constant 0 : i32
        %dma_wait3A_606 = tpu.memref_slice %arg5[%dma_wait3A_598, %dma_wait3A_599, %add3A, %dma_wait3A_605] : memref<200x8x32x1024xf32, #tpu.memory_space<hbm>> -> memref<1x1x1x1024xf32, #tpu.memory_space<hbm>>
        %dma_wait3A_607 = tpu.memref_squeeze %dma_wait3A_606 : memref<1x1x1x1024xf32, #tpu.memory_space<hbm>> -> memref<1024xf32, #tpu.memory_space<hbm>>
        %dma_wait3A_608 = arith.constant 1024 : i32
        %dma_wait3A_609 = tpu.memref_slice %arg9[%dma_wait3A_608] : memref<8192xf32, #tpu.memory_space<vmem>> -> memref<1024xf32, #tpu.memory_space<vmem>>
        tpu.wait_dma2 semaphore(%arg14 : memref<!tpu.dma_semaphore, #tpu.memory_space<semaphore_mem>>) src(%dma_wait3A_609 : memref<1024xf32, #tpu.memory_space<vmem>>) dst(%dma_wait3A_607 : memref<1024xf32, #tpu.memory_space<hbm>>)
        %dma_wait3A_610 = arith.constant 0 : i32
        %dma_wait3A_611 = arith.constant 2 : i32
        %dma_wait3A_612 = arith.constant 2048 : i32
        %dma_wait3A_613 = tpu.memref_slice %arg9[%dma_wait3A_612] : memref<8192xf32, #tpu.memory_space<vmem>> -> memref<1024xf32, #tpu.memory_space<vmem>>
        %dma_wait3A_614 = arith.constant 0 : i32
        %dma_wait3A_615 = tpu.memref_slice %arg5[%dma_wait3A_610, %dma_wait3A_611, %add3A, %dma_wait3A_614] : memref<200x8x32x1024xf32, #tpu.memory_space<hbm>> -> memref<1x1x1x1024xf32, #tpu.memory_space<hbm>>
        %dma_wait3A_616 = tpu.memref_squeeze %dma_wait3A_615 : memref<1x1x1x1024xf32, #tpu.memory_space<hbm>> -> memref<1024xf32, #tpu.memory_space<hbm>>
        %dma_wait3A_617 = arith.constant 0 : i32
        %dma_wait3A_618 = tpu.memref_slice %arg5[%dma_wait3A_610, %dma_wait3A_611, %add3A, %dma_wait3A_617] : memref<200x8x32x1024xf32, #tpu.memory_space<hbm>> -> memref<1x1x1x1024xf32, #tpu.memory_space<hbm>>
        %dma_wait3A_619 = tpu.memref_squeeze %dma_wait3A_618 : memref<1x1x1x1024xf32, #tpu.memory_space<hbm>> -> memref<1024xf32, #tpu.memory_space<hbm>>
        %dma_wait3A_620 = arith.constant 2048 : i32
        %dma_wait3A_621 = tpu.memref_slice %arg9[%dma_wait3A_620] : memref<8192xf32, #tpu.memory_space<vmem>> -> memref<1024xf32, #tpu.memory_space<vmem>>
        tpu.wait_dma2 semaphore(%arg14 : memref<!tpu.dma_semaphore, #tpu.memory_space<semaphore_mem>>) src(%dma_wait3A_621 : memref<1024xf32, #tpu.memory_space<vmem>>) dst(%dma_wait3A_619 : memref<1024xf32, #tpu.memory_space<hbm>>)
        %dma_wait3A_622 = arith.constant 0 : i32
        %dma_wait3A_623 = arith.constant 3 : i32
        %dma_wait3A_624 = arith.constant 3072 : i32
        %dma_wait3A_625 = tpu.memref_slice %arg9[%dma_wait3A_624] : memref<8192xf32, #tpu.memory_space<vmem>> -> memref<1024xf32, #tpu.memory_space<vmem>>
        %dma_wait3A_626 = arith.constant 0 : i32
        %dma_wait3A_627 = tpu.memref_slice %arg5[%dma_wait3A_622, %dma_wait3A_623, %add3A, %dma_wait3A_626] : memref<200x8x32x1024xf32, #tpu.memory_space<hbm>> -> memref<1x1x1x1024xf32, #tpu.memory_space<hbm>>
        %dma_wait3A_628 = tpu.memref_squeeze %dma_wait3A_627 : memref<1x1x1x1024xf32, #tpu.memory_space<hbm>> -> memref<1024xf32, #tpu.memory_space<hbm>>
        %dma_wait3A_629 = arith.constant 0 : i32
        %dma_wait3A_630 = tpu.memref_slice %arg5[%dma_wait3A_622, %dma_wait3A_623, %add3A, %dma_wait3A_629] : memref<200x8x32x1024xf32, #tpu.memory_space<hbm>> -> memref<1x1x1x1024xf32, #tpu.memory_space<hbm>>
        %dma_wait3A_631 = tpu.memref_squeeze %dma_wait3A_630 : memref<1x1x1x1024xf32, #tpu.memory_space<hbm>> -> memref<1024xf32, #tpu.memory_space<hbm>>
        %dma_wait3A_632 = arith.constant 3072 : i32
        %dma_wait3A_633 = tpu.memref_slice %arg9[%dma_wait3A_632] : memref<8192xf32, #tpu.memory_space<vmem>> -> memref<1024xf32, #tpu.memory_space<vmem>>
        tpu.wait_dma2 semaphore(%arg14 : memref<!tpu.dma_semaphore, #tpu.memory_space<semaphore_mem>>) src(%dma_wait3A_633 : memref<1024xf32, #tpu.memory_space<vmem>>) dst(%dma_wait3A_631 : memref<1024xf32, #tpu.memory_space<hbm>>)
        %dma_wait3A_634 = arith.constant 0 : i32
        %dma_wait3A_635 = arith.constant 4 : i32
        %dma_wait3A_636 = arith.constant 4096 : i32
        %dma_wait3A_637 = tpu.memref_slice %arg9[%dma_wait3A_636] : memref<8192xf32, #tpu.memory_space<vmem>> -> memref<1024xf32, #tpu.memory_space<vmem>>
        %dma_wait3A_638 = arith.constant 0 : i32
        %dma_wait3A_639 = tpu.memref_slice %arg5[%dma_wait3A_634, %dma_wait3A_635, %add3A, %dma_wait3A_638] : memref<200x8x32x1024xf32, #tpu.memory_space<hbm>> -> memref<1x1x1x1024xf32, #tpu.memory_space<hbm>>
        %dma_wait3A_640 = tpu.memref_squeeze %dma_wait3A_639 : memref<1x1x1x1024xf32, #tpu.memory_space<hbm>> -> memref<1024xf32, #tpu.memory_space<hbm>>
        %dma_wait3A_641 = arith.constant 0 : i32
        %dma_wait3A_642 = tpu.memref_slice %arg5[%dma_wait3A_634, %dma_wait3A_635, %add3A, %dma_wait3A_641] : memref<200x8x32x1024xf32, #tpu.memory_space<hbm>> -> memref<1x1x1x1024xf32, #tpu.memory_space<hbm>>
        %dma_wait3A_643 = tpu.memref_squeeze %dma_wait3A_642 : memref<1x1x1x1024xf32, #tpu.memory_space<hbm>> -> memref<1024xf32, #tpu.memory_space<hbm>>
        %dma_wait3A_644 = arith.constant 4096 : i32
        %dma_wait3A_645 = tpu.memref_slice %arg9[%dma_wait3A_644] : memref<8192xf32, #tpu.memory_space<vmem>> -> memref<1024xf32, #tpu.memory_space<vmem>>
        tpu.wait_dma2 semaphore(%arg14 : memref<!tpu.dma_semaphore, #tpu.memory_space<semaphore_mem>>) src(%dma_wait3A_645 : memref<1024xf32, #tpu.memory_space<vmem>>) dst(%dma_wait3A_643 : memref<1024xf32, #tpu.memory_space<hbm>>)
        %dma_wait3A_646 = arith.constant 0 : i32
        %dma_wait3A_647 = arith.constant 5 : i32
        %dma_wait3A_648 = arith.constant 5120 : i32
        %dma_wait3A_649 = tpu.memref_slice %arg9[%dma_wait3A_648] : memref<8192xf32, #tpu.memory_space<vmem>> -> memref<1024xf32, #tpu.memory_space<vmem>>
        %dma_wait3A_650 = arith.constant 0 : i32
        %dma_wait3A_651 = tpu.memref_slice %arg5[%dma_wait3A_646, %dma_wait3A_647, %add3A, %dma_wait3A_650] : memref<200x8x32x1024xf32, #tpu.memory_space<hbm>> -> memref<1x1x1x1024xf32, #tpu.memory_space<hbm>>
        %dma_wait3A_652 = tpu.memref_squeeze %dma_wait3A_651 : memref<1x1x1x1024xf32, #tpu.memory_space<hbm>> -> memref<1024xf32, #tpu.memory_space<hbm>>
        %dma_wait3A_653 = arith.constant 0 : i32
        %dma_wait3A_654 = tpu.memref_slice %arg5[%dma_wait3A_646, %dma_wait3A_647, %add3A, %dma_wait3A_653] : memref<200x8x32x1024xf32, #tpu.memory_space<hbm>> -> memref<1x1x1x1024xf32, #tpu.memory_space<hbm>>
        %dma_wait3A_655 = tpu.memref_squeeze %dma_wait3A_654 : memref<1x1x1x1024xf32, #tpu.memory_space<hbm>> -> memref<1024xf32, #tpu.memory_space<hbm>>
        %dma_wait3A_656 = arith.constant 5120 : i32
        %dma_wait3A_657 = tpu.memref_slice %arg9[%dma_wait3A_656] : memref<8192xf32, #tpu.memory_space<vmem>> -> memref<1024xf32, #tpu.memory_space<vmem>>
        tpu.wait_dma2 semaphore(%arg14 : memref<!tpu.dma_semaphore, #tpu.memory_space<semaphore_mem>>) src(%dma_wait3A_657 : memref<1024xf32, #tpu.memory_space<vmem>>) dst(%dma_wait3A_655 : memref<1024xf32, #tpu.memory_space<hbm>>)
        %dma_wait3A_658 = arith.constant 0 : i32
        %dma_wait3A_659 = arith.constant 6 : i32
        %dma_wait3A_660 = arith.constant 6144 : i32
        %dma_wait3A_661 = tpu.memref_slice %arg9[%dma_wait3A_660] : memref<8192xf32, #tpu.memory_space<vmem>> -> memref<1024xf32, #tpu.memory_space<vmem>>
        %dma_wait3A_662 = arith.constant 0 : i32
        %dma_wait3A_663 = tpu.memref_slice %arg5[%dma_wait3A_658, %dma_wait3A_659, %add3A, %dma_wait3A_662] : memref<200x8x32x1024xf32, #tpu.memory_space<hbm>> -> memref<1x1x1x1024xf32, #tpu.memory_space<hbm>>
        %dma_wait3A_664 = tpu.memref_squeeze %dma_wait3A_663 : memref<1x1x1x1024xf32, #tpu.memory_space<hbm>> -> memref<1024xf32, #tpu.memory_space<hbm>>
        %dma_wait3A_665 = arith.constant 0 : i32
        %dma_wait3A_666 = tpu.memref_slice %arg5[%dma_wait3A_658, %dma_wait3A_659, %add3A, %dma_wait3A_665] : memref<200x8x32x1024xf32, #tpu.memory_space<hbm>> -> memref<1x1x1x1024xf32, #tpu.memory_space<hbm>>
        %dma_wait3A_667 = tpu.memref_squeeze %dma_wait3A_666 : memref<1x1x1x1024xf32, #tpu.memory_space<hbm>> -> memref<1024xf32, #tpu.memory_space<hbm>>
        %dma_wait3A_668 = arith.constant 6144 : i32
        %dma_wait3A_669 = tpu.memref_slice %arg9[%dma_wait3A_668] : memref<8192xf32, #tpu.memory_space<vmem>> -> memref<1024xf32, #tpu.memory_space<vmem>>
        tpu.wait_dma2 semaphore(%arg14 : memref<!tpu.dma_semaphore, #tpu.memory_space<semaphore_mem>>) src(%dma_wait3A_669 : memref<1024xf32, #tpu.memory_space<vmem>>) dst(%dma_wait3A_667 : memref<1024xf32, #tpu.memory_space<hbm>>)
        %dma_wait3A_670 = arith.constant 0 : i32
        %dma_wait3A_671 = arith.constant 7 : i32
        %dma_wait3A_672 = arith.constant 7168 : i32
        %dma_wait3A_673 = tpu.memref_slice %arg9[%dma_wait3A_672] : memref<8192xf32, #tpu.memory_space<vmem>> -> memref<1024xf32, #tpu.memory_space<vmem>>
        %dma_wait3A_674 = arith.constant 0 : i32
        %dma_wait3A_675 = tpu.memref_slice %arg5[%dma_wait3A_670, %dma_wait3A_671, %add3A, %dma_wait3A_674] : memref<200x8x32x1024xf32, #tpu.memory_space<hbm>> -> memref<1x1x1x1024xf32, #tpu.memory_space<hbm>>
        %dma_wait3A_676 = tpu.memref_squeeze %dma_wait3A_675 : memref<1x1x1x1024xf32, #tpu.memory_space<hbm>> -> memref<1024xf32, #tpu.memory_space<hbm>>
        %dma_wait3A_677 = arith.constant 0 : i32
        %dma_wait3A_678 = tpu.memref_slice %arg5[%dma_wait3A_670, %dma_wait3A_671, %add3A, %dma_wait3A_677] : memref<200x8x32x1024xf32, #tpu.memory_space<hbm>> -> memref<1x1x1x1024xf32, #tpu.memory_space<hbm>>
        %dma_wait3A_679 = tpu.memref_squeeze %dma_wait3A_678 : memref<1x1x1x1024xf32, #tpu.memory_space<hbm>> -> memref<1024xf32, #tpu.memory_space<hbm>>
        %dma_wait3A_680 = arith.constant 7168 : i32
        %dma_wait3A_681 = tpu.memref_slice %arg9[%dma_wait3A_680] : memref<8192xf32, #tpu.memory_space<vmem>> -> memref<1024xf32, #tpu.memory_space<vmem>>
        tpu.wait_dma2 semaphore(%arg14 : memref<!tpu.dma_semaphore, #tpu.memory_space<semaphore_mem>>) src(%dma_wait3A_681 : memref<1024xf32, #tpu.memory_space<vmem>>) dst(%dma_wait3A_679 : memref<1024xf32, #tpu.memory_space<hbm>>)
      } else {
      }
      %get3A = arith.index_cast %add3A_336 : i32 to index
      %get3A_352 = arith.constant 0 : index
      %get3A_353 = tpu.vector_load %arg11[%get3A, %get3A_352] {strides = array<i32>} : memref<200x64xf32, #tpu.memory_space<vmem>>, vector<16xf32>,
      %get3A_354 = arith.index_cast %add3A_336 : i32 to index
      %get3A_355 = arith.constant 16 : index
      %get3A_356 = tpu.vector_load %arg11[%get3A_354, %get3A_355] {strides = array<i32>} : memref<200x64xf32, #tpu.memory_space<vmem>>, vector<16xf32>,
      %get3A_357 = arith.index_cast %add3A_336 : i32 to index
      %get3A_358 = arith.constant 32 : index
      %get3A_359 = tpu.vector_load %arg11[%get3A_357, %get3A_358] {strides = array<i32>} : memref<200x64xf32, #tpu.memory_space<vmem>>, vector<16xf32>,
      %get3A_360 = arith.index_cast %add3A_336 : i32 to index
      %get3A_361 = arith.constant 48 : index
      %get3A_362 = tpu.vector_load %arg11[%get3A_360, %get3A_361] {strides = array<i32>} : memref<200x64xf32, #tpu.memory_space<vmem>>, vector<16xf32>,
      %scan3A_363 = arith.constant 0 : i32
      %scan3A_364 = arith.constant 0 : i32
      %scan3A_365 = arith.constant 8 : i32
      %scan3A_366 = arith.addi %scan3A_364, %scan3A_365 : i32
      %scan3A_367 = arith.constant 1 : i32
      scf.for %scan3A_586 = %scan3A_364 to %scan3A_366 step %scan3A_367  : i32 {
        %mul3A_587 = arith.constant 16 : i32
        %mul3A_588 = arith.muli %scan3A_586, %mul3A_587 : i32
        %add3A_589 = vector.broadcast %mul3A_588 : i32 to vector<16xi32>
        %add3A_590 = arith.addi %iota3A, %add3A_589 : vector<16xi32>
        %add3A_591 = arith.constant 0 : i32
        %add3A_592 = arith.addi %add3A_591, %mul3A_588 : i32
        %add3A_593 = arith.constant 0 : i32
        %add3A_594 = vector.broadcast %add3A_593 : i32 to vector<16xi32>
        %add3A_595 = arith.addi %and3A, %add3A_594 : vector<16xi32>
        %gather3A = tpu.vector_load_idx %arg7[%add3A_590, %add3A_595] : memref<128x64xf32, #tpu.memory_space<vmem>>[vector<16xi32>, vector<16xi32>], vector<16xf32>,
        %add3A_596 = arith.constant 0 : i32
        %add3A_597 = vector.broadcast %add3A_596 : i32 to vector<16xi32>
        %add3A_598 = arith.addi %and3A_10, %add3A_597 : vector<16xi32>
        %gather3A_599 = tpu.vector_load_idx %arg7[%add3A_590, %add3A_598] : memref<128x64xf32, #tpu.memory_space<vmem>>[vector<16xi32>, vector<16xi32>], vector<16xf32>,
        %add3A_600 = arith.constant 0 : i32
        %add3A_601 = vector.broadcast %add3A_600 : i32 to vector<16xi32>
        %add3A_602 = arith.addi %and3A_14, %add3A_601 : vector<16xi32>
        %gather3A_603 = tpu.vector_load_idx %arg7[%add3A_590, %add3A_602] : memref<128x64xf32, #tpu.memory_space<vmem>>[vector<16xi32>, vector<16xi32>], vector<16xf32>,
        %add3A_604 = arith.constant 0 : i32
        %add3A_605 = vector.broadcast %add3A_604 : i32 to vector<16xi32>
        %add3A_606 = arith.addi %and3A_18, %add3A_605 : vector<16xi32>
        %gather3A_607 = tpu.vector_load_idx %arg7[%add3A_590, %add3A_606] : memref<128x64xf32, #tpu.memory_space<vmem>>[vector<16xi32>, vector<16xi32>], vector<16xf32>,
        %add3A_608 = arith.constant 0 : i32
        %add3A_609 = vector.broadcast %add3A_608 : i32 to vector<16xi32>
        %add3A_610 = arith.addi %and3A_22, %add3A_609 : vector<16xi32>
        %gather3A_611 = tpu.vector_load_idx %arg7[%add3A_590, %add3A_610] : memref<128x64xf32, #tpu.memory_space<vmem>>[vector<16xi32>, vector<16xi32>], vector<16xf32>,
        %add3A_612 = arith.constant 0 : i32
        %add3A_613 = vector.broadcast %add3A_612 : i32 to vector<16xi32>
        %add3A_614 = arith.addi %and3A_26, %add3A_613 : vector<16xi32>
        %gather3A_615 = tpu.vector_load_idx %arg7[%add3A_590, %add3A_614] : memref<128x64xf32, #tpu.memory_space<vmem>>[vector<16xi32>, vector<16xi32>], vector<16xf32>,
        %add3A_616 = arith.constant 0 : i32
        %add3A_617 = vector.broadcast %add3A_616 : i32 to vector<16xi32>
        %add3A_618 = arith.addi %and3A_30, %add3A_617 : vector<16xi32>
        %gather3A_619 = tpu.vector_load_idx %arg7[%add3A_590, %add3A_618] : memref<128x64xf32, #tpu.memory_space<vmem>>[vector<16xi32>, vector<16xi32>], vector<16xf32>,
        %add3A_620 = arith.constant 0 : i32
        %add3A_621 = vector.broadcast %add3A_620 : i32 to vector<16xi32>
        %add3A_622 = arith.addi %and3A_34, %add3A_621 : vector<16xi32>
        %gather3A_623 = tpu.vector_load_idx %arg7[%add3A_590, %add3A_622] : memref<128x64xf32, #tpu.memory_space<vmem>>[vector<16xi32>, vector<16xi32>], vector<16xf32>,
        %add3A_624 = arith.constant 0 : i32
        %add3A_625 = vector.broadcast %add3A_624 : i32 to vector<16xi32>
        %add3A_626 = arith.addi %and3A_38, %add3A_625 : vector<16xi32>
        %gather3A_627 = tpu.vector_load_idx %arg7[%add3A_590, %add3A_626] : memref<128x64xf32, #tpu.memory_space<vmem>>[vector<16xi32>, vector<16xi32>], vector<16xf32>,
        %add3A_628 = arith.constant 0 : i32
        %add3A_629 = vector.broadcast %add3A_628 : i32 to vector<16xi32>
        %add3A_630 = arith.addi %and3A_42, %add3A_629 : vector<16xi32>
        %gather3A_631 = tpu.vector_load_idx %arg7[%add3A_590, %add3A_630] : memref<128x64xf32, #tpu.memory_space<vmem>>[vector<16xi32>, vector<16xi32>], vector<16xf32>,
        %add3A_632 = arith.constant 0 : i32
        %add3A_633 = vector.broadcast %add3A_632 : i32 to vector<16xi32>
        %add3A_634 = arith.addi %and3A_46, %add3A_633 : vector<16xi32>
        %gather3A_635 = tpu.vector_load_idx %arg7[%add3A_590, %add3A_634] : memref<128x64xf32, #tpu.memory_space<vmem>>[vector<16xi32>, vector<16xi32>], vector<16xf32>,
        %add3A_636 = arith.constant 0 : i32
        %add3A_637 = vector.broadcast %add3A_636 : i32 to vector<16xi32>
        %add3A_638 = arith.addi %and3A_50, %add3A_637 : vector<16xi32>
        %gather3A_639 = tpu.vector_load_idx %arg7[%add3A_590, %add3A_638] : memref<128x64xf32, #tpu.memory_space<vmem>>[vector<16xi32>, vector<16xi32>], vector<16xf32>,
        %add3A_640 = arith.constant 0 : i32
        %add3A_641 = vector.broadcast %add3A_640 : i32 to vector<16xi32>
        %add3A_642 = arith.addi %and3A_54, %add3A_641 : vector<16xi32>
        %gather3A_643 = tpu.vector_load_idx %arg7[%add3A_590, %add3A_642] : memref<128x64xf32, #tpu.memory_space<vmem>>[vector<16xi32>, vector<16xi32>], vector<16xf32>,
        %add3A_644 = arith.constant 0 : i32
        %add3A_645 = vector.broadcast %add3A_644 : i32 to vector<16xi32>
        %add3A_646 = arith.addi %and3A_58, %add3A_645 : vector<16xi32>
        %gather3A_647 = tpu.vector_load_idx %arg7[%add3A_590, %add3A_646] : memref<128x64xf32, #tpu.memory_space<vmem>>[vector<16xi32>, vector<16xi32>], vector<16xf32>,
        %add3A_648 = arith.constant 0 : i32
        %add3A_649 = vector.broadcast %add3A_648 : i32 to vector<16xi32>
        %add3A_650 = arith.addi %and3A_62, %add3A_649 : vector<16xi32>
        %gather3A_651 = tpu.vector_load_idx %arg7[%add3A_590, %add3A_650] : memref<128x64xf32, #tpu.memory_space<vmem>>[vector<16xi32>, vector<16xi32>], vector<16xf32>,
        %add3A_652 = arith.constant 0 : i32
        %add3A_653 = vector.broadcast %add3A_652 : i32 to vector<16xi32>
        %add3A_654 = arith.addi %and3A_66, %add3A_653 : vector<16xi32>
        %gather3A_655 = tpu.vector_load_idx %arg7[%add3A_590, %add3A_654] : memref<128x64xf32, #tpu.memory_space<vmem>>[vector<16xi32>, vector<16xi32>], vector<16xf32>,
        %add3A_656 = vector.broadcast %add3A_592 : i32 to vector<16xi32>
        %add3A_657 = arith.addi %add3A_69, %add3A_656 : vector<16xi32>
        %broadcast_in_dim3A_658 = vector.shape_cast %and3A : vector<16xi32> to vector<16x1xi32>
        %gather3A_659 = vector.shape_cast %broadcast_in_dim3A_658 : vector<16x1xi32> to vector<16xi32>
        %gather3A_660 = tpu.dynamic_gather %get3A_353[%gather3A_659] in [0] : vector<16xf32>, vector<16xi32> -> vector<16xf32>
        %add3A_661 = arith.addf %gather3A, %gather3A_660 : vector<16xf32>
        tpu.vector_store_idx %arg9[%add3A_657], %add3A_661 : memref<8192xf32, #tpu.memory_space<vmem>>[vector<16xi32>], vector<16xf32>,
        %add3A_662 = vector.broadcast %add3A_592 : i32 to vector<16xi32>
        %add3A_663 = arith.addi %add3A_73, %add3A_662 : vector<16xi32>
        %broadcast_in_dim3A_664 = vector.shape_cast %and3A_10 : vector<16xi32> to vector<16x1xi32>
        %gather3A_665 = vector.shape_cast %broadcast_in_dim3A_664 : vector<16x1xi32> to vector<16xi32>
        %gather3A_666 = tpu.dynamic_gather %get3A_353[%gather3A_665] in [0] : vector<16xf32>, vector<16xi32> -> vector<16xf32>
        %add3A_667 = arith.addf %gather3A_599, %gather3A_666 : vector<16xf32>
        tpu.vector_store_idx %arg9[%add3A_663], %add3A_667 : memref<8192xf32, #tpu.memory_space<vmem>>[vector<16xi32>], vector<16xf32>,
        %add3A_668 = vector.broadcast %add3A_592 : i32 to vector<16xi32>
        %add3A_669 = arith.addi %add3A_77, %add3A_668 : vector<16xi32>
        %broadcast_in_dim3A_670 = vector.shape_cast %and3A_14 : vector<16xi32> to vector<16x1xi32>
        %gather3A_671 = vector.shape_cast %broadcast_in_dim3A_670 : vector<16x1xi32> to vector<16xi32>
        %gather3A_672 = tpu.dynamic_gather %get3A_353[%gather3A_671] in [0] : vector<16xf32>, vector<16xi32> -> vector<16xf32>
        %add3A_673 = arith.addf %gather3A_603, %gather3A_672 : vector<16xf32>
        tpu.vector_store_idx %arg9[%add3A_669], %add3A_673 : memref<8192xf32, #tpu.memory_space<vmem>>[vector<16xi32>], vector<16xf32>,
        %add3A_674 = vector.broadcast %add3A_592 : i32 to vector<16xi32>
        %add3A_675 = arith.addi %add3A_81, %add3A_674 : vector<16xi32>
        %broadcast_in_dim3A_676 = vector.shape_cast %and3A_18 : vector<16xi32> to vector<16x1xi32>
        %gather3A_677 = vector.shape_cast %broadcast_in_dim3A_676 : vector<16x1xi32> to vector<16xi32>
        %gather3A_678 = tpu.dynamic_gather %get3A_353[%gather3A_677] in [0] : vector<16xf32>, vector<16xi32> -> vector<16xf32>
        %add3A_679 = arith.addf %gather3A_607, %gather3A_678 : vector<16xf32>
        tpu.vector_store_idx %arg9[%add3A_675], %add3A_679 : memref<8192xf32, #tpu.memory_space<vmem>>[vector<16xi32>], vector<16xf32>,
        %add3A_680 = vector.broadcast %add3A_592 : i32 to vector<16xi32>
        %add3A_681 = arith.addi %add3A_85, %add3A_680 : vector<16xi32>
        %broadcast_in_dim3A_682 = vector.shape_cast %and3A_22 : vector<16xi32> to vector<16x1xi32>
        %gather3A_683 = vector.shape_cast %broadcast_in_dim3A_682 : vector<16x1xi32> to vector<16xi32>
        %gather3A_684 = tpu.dynamic_gather %get3A_353[%gather3A_683] in [0] : vector<16xf32>, vector<16xi32> -> vector<16xf32>
        %add3A_685 = arith.addf %gather3A_611, %gather3A_684 : vector<16xf32>
        tpu.vector_store_idx %arg9[%add3A_681], %add3A_685 : memref<8192xf32, #tpu.memory_space<vmem>>[vector<16xi32>], vector<16xf32>,
        %add3A_686 = vector.broadcast %add3A_592 : i32 to vector<16xi32>
        %add3A_687 = arith.addi %add3A_89, %add3A_686 : vector<16xi32>
        %broadcast_in_dim3A_688 = vector.shape_cast %and3A_26 : vector<16xi32> to vector<16x1xi32>
        %gather3A_689 = vector.shape_cast %broadcast_in_dim3A_688 : vector<16x1xi32> to vector<16xi32>
        %gather3A_690 = tpu.dynamic_gather %get3A_353[%gather3A_689] in [0] : vector<16xf32>, vector<16xi32> -> vector<16xf32>
        %add3A_691 = arith.addf %gather3A_615, %gather3A_690 : vector<16xf32>
        tpu.vector_store_idx %arg9[%add3A_687], %add3A_691 : memref<8192xf32, #tpu.memory_space<vmem>>[vector<16xi32>], vector<16xf32>,
        %add3A_692 = vector.broadcast %add3A_592 : i32 to vector<16xi32>
        %add3A_693 = arith.addi %add3A_93, %add3A_692 : vector<16xi32>
        %broadcast_in_dim3A_694 = vector.shape_cast %and3A_30 : vector<16xi32> to vector<16x1xi32>
        %gather3A_695 = vector.shape_cast %broadcast_in_dim3A_694 : vector<16x1xi32> to vector<16xi32>
        %gather3A_696 = tpu.dynamic_gather %get3A_353[%gather3A_695] in [0] : vector<16xf32>, vector<16xi32> -> vector<16xf32>
        %add3A_697 = arith.addf %gather3A_619, %gather3A_696 : vector<16xf32>
        tpu.vector_store_idx %arg9[%add3A_693], %add3A_697 : memref<8192xf32, #tpu.memory_space<vmem>>[vector<16xi32>], vector<16xf32>,
        %add3A_698 = vector.broadcast %add3A_592 : i32 to vector<16xi32>
        %add3A_699 = arith.addi %add3A_97, %add3A_698 : vector<16xi32>
        %broadcast_in_dim3A_700 = vector.shape_cast %and3A_34 : vector<16xi32> to vector<16x1xi32>
        %gather3A_701 = vector.shape_cast %broadcast_in_dim3A_700 : vector<16x1xi32> to vector<16xi32>
        %gather3A_702 = tpu.dynamic_gather %get3A_353[%gather3A_701] in [0] : vector<16xf32>, vector<16xi32> -> vector<16xf32>
        %add3A_703 = arith.addf %gather3A_623, %gather3A_702 : vector<16xf32>
        tpu.vector_store_idx %arg9[%add3A_699], %add3A_703 : memref<8192xf32, #tpu.memory_space<vmem>>[vector<16xi32>], vector<16xf32>,
        %add3A_704 = vector.broadcast %add3A_592 : i32 to vector<16xi32>
        %add3A_705 = arith.addi %add3A_101, %add3A_704 : vector<16xi32>
        %broadcast_in_dim3A_706 = vector.shape_cast %and3A_38 : vector<16xi32> to vector<16x1xi32>
        %gather3A_707 = vector.shape_cast %broadcast_in_dim3A_706 : vector<16x1xi32> to vector<16xi32>
        %gather3A_708 = tpu.dynamic_gather %get3A_353[%gather3A_707] in [0] : vector<16xf32>, vector<16xi32> -> vector<16xf32>
        %add3A_709 = arith.addf %gather3A_627, %gather3A_708 : vector<16xf32>
        tpu.vector_store_idx %arg9[%add3A_705], %add3A_709 : memref<8192xf32, #tpu.memory_space<vmem>>[vector<16xi32>], vector<16xf32>,
        %add3A_710 = vector.broadcast %add3A_592 : i32 to vector<16xi32>
        %add3A_711 = arith.addi %add3A_105, %add3A_710 : vector<16xi32>
        %broadcast_in_dim3A_712 = vector.shape_cast %and3A_42 : vector<16xi32> to vector<16x1xi32>
        %gather3A_713 = vector.shape_cast %broadcast_in_dim3A_712 : vector<16x1xi32> to vector<16xi32>
        %gather3A_714 = tpu.dynamic_gather %get3A_353[%gather3A_713] in [0] : vector<16xf32>, vector<16xi32> -> vector<16xf32>
        %add3A_715 = arith.addf %gather3A_631, %gather3A_714 : vector<16xf32>
        tpu.vector_store_idx %arg9[%add3A_711], %add3A_715 : memref<8192xf32, #tpu.memory_space<vmem>>[vector<16xi32>], vector<16xf32>,
        %add3A_716 = vector.broadcast %add3A_592 : i32 to vector<16xi32>
        %add3A_717 = arith.addi %add3A_109, %add3A_716 : vector<16xi32>
        %broadcast_in_dim3A_718 = vector.shape_cast %and3A_46 : vector<16xi32> to vector<16x1xi32>
        %gather3A_719 = vector.shape_cast %broadcast_in_dim3A_718 : vector<16x1xi32> to vector<16xi32>
        %gather3A_720 = tpu.dynamic_gather %get3A_353[%gather3A_719] in [0] : vector<16xf32>, vector<16xi32> -> vector<16xf32>
        %add3A_721 = arith.addf %gather3A_635, %gather3A_720 : vector<16xf32>
        tpu.vector_store_idx %arg9[%add3A_717], %add3A_721 : memref<8192xf32, #tpu.memory_space<vmem>>[vector<16xi32>], vector<16xf32>,
        %add3A_722 = vector.broadcast %add3A_592 : i32 to vector<16xi32>
        %add3A_723 = arith.addi %add3A_113, %add3A_722 : vector<16xi32>
        %broadcast_in_dim3A_724 = vector.shape_cast %and3A_50 : vector<16xi32> to vector<16x1xi32>
        %gather3A_725 = vector.shape_cast %broadcast_in_dim3A_724 : vector<16x1xi32> to vector<16xi32>
        %gather3A_726 = tpu.dynamic_gather %get3A_353[%gather3A_725] in [0] : vector<16xf32>, vector<16xi32> -> vector<16xf32>
        %add3A_727 = arith.addf %gather3A_639, %gather3A_726 : vector<16xf32>
        tpu.vector_store_idx %arg9[%add3A_723], %add3A_727 : memref<8192xf32, #tpu.memory_space<vmem>>[vector<16xi32>], vector<16xf32>,
        %add3A_728 = vector.broadcast %add3A_592 : i32 to vector<16xi32>
        %add3A_729 = arith.addi %add3A_117, %add3A_728 : vector<16xi32>
        %broadcast_in_dim3A_730 = vector.shape_cast %and3A_54 : vector<16xi32> to vector<16x1xi32>
        %gather3A_731 = vector.shape_cast %broadcast_in_dim3A_730 : vector<16x1xi32> to vector<16xi32>
        %gather3A_732 = tpu.dynamic_gather %get3A_353[%gather3A_731] in [0] : vector<16xf32>, vector<16xi32> -> vector<16xf32>
        %add3A_733 = arith.addf %gather3A_643, %gather3A_732 : vector<16xf32>
        tpu.vector_store_idx %arg9[%add3A_729], %add3A_733 : memref<8192xf32, #tpu.memory_space<vmem>>[vector<16xi32>], vector<16xf32>,
        %add3A_734 = vector.broadcast %add3A_592 : i32 to vector<16xi32>
        %add3A_735 = arith.addi %add3A_121, %add3A_734 : vector<16xi32>
        %broadcast_in_dim3A_736 = vector.shape_cast %and3A_58 : vector<16xi32> to vector<16x1xi32>
        %gather3A_737 = vector.shape_cast %broadcast_in_dim3A_736 : vector<16x1xi32> to vector<16xi32>
        %gather3A_738 = tpu.dynamic_gather %get3A_353[%gather3A_737] in [0] : vector<16xf32>, vector<16xi32> -> vector<16xf32>
        %add3A_739 = arith.addf %gather3A_647, %gather3A_738 : vector<16xf32>
        tpu.vector_store_idx %arg9[%add3A_735], %add3A_739 : memref<8192xf32, #tpu.memory_space<vmem>>[vector<16xi32>], vector<16xf32>,
        %add3A_740 = vector.broadcast %add3A_592 : i32 to vector<16xi32>
        %add3A_741 = arith.addi %add3A_125, %add3A_740 : vector<16xi32>
        %broadcast_in_dim3A_742 = vector.shape_cast %and3A_62 : vector<16xi32> to vector<16x1xi32>
        %gather3A_743 = vector.shape_cast %broadcast_in_dim3A_742 : vector<16x1xi32> to vector<16xi32>
        %gather3A_744 = tpu.dynamic_gather %get3A_353[%gather3A_743] in [0] : vector<16xf32>, vector<16xi32> -> vector<16xf32>
        %add3A_745 = arith.addf %gather3A_651, %gather3A_744 : vector<16xf32>
        tpu.vector_store_idx %arg9[%add3A_741], %add3A_745 : memref<8192xf32, #tpu.memory_space<vmem>>[vector<16xi32>], vector<16xf32>,
        %add3A_746 = vector.broadcast %add3A_592 : i32 to vector<16xi32>
        %add3A_747 = arith.addi %add3A_129, %add3A_746 : vector<16xi32>
        %broadcast_in_dim3A_748 = vector.shape_cast %and3A_66 : vector<16xi32> to vector<16x1xi32>
        %gather3A_749 = vector.shape_cast %broadcast_in_dim3A_748 : vector<16x1xi32> to vector<16xi32>
        %gather3A_750 = tpu.dynamic_gather %get3A_353[%gather3A_749] in [0] : vector<16xf32>, vector<16xi32> -> vector<16xf32>
        %add3A_751 = arith.addf %gather3A_655, %gather3A_750 : vector<16xf32>
        tpu.vector_store_idx %arg9[%add3A_747], %add3A_751 : memref<8192xf32, #tpu.memory_space<vmem>>[vector<16xi32>], vector<16xf32>,
        %add3A_752 = vector.broadcast %mul3A_588 : i32 to vector<16xi32>
        %add3A_753 = arith.addi %iota3A, %add3A_752 : vector<16xi32>
        %add3A_754 = arith.constant 2048 : i32
        %add3A_755 = arith.addi %add3A_754, %mul3A_588 : i32
        %add3A_756 = arith.constant 16 : i32
        %add3A_757 = vector.broadcast %add3A_756 : i32 to vector<16xi32>
        %add3A_758 = arith.addi %and3A, %add3A_757 : vector<16xi32>
        %gather3A_759 = tpu.vector_load_idx %arg7[%add3A_753, %add3A_758] : memref<128x64xf32, #tpu.memory_space<vmem>>[vector<16xi32>, vector<16xi32>], vector<16xf32>,
        %add3A_760 = arith.constant 16 : i32
        %add3A_761 = vector.broadcast %add3A_760 : i32 to vector<16xi32>
        %add3A_762 = arith.addi %and3A_10, %add3A_761 : vector<16xi32>
        %gather3A_763 = tpu.vector_load_idx %arg7[%add3A_753, %add3A_762] : memref<128x64xf32, #tpu.memory_space<vmem>>[vector<16xi32>, vector<16xi32>], vector<16xf32>,
        %add3A_764 = arith.constant 16 : i32
        %add3A_765 = vector.broadcast %add3A_764 : i32 to vector<16xi32>
        %add3A_766 = arith.addi %and3A_14, %add3A_765 : vector<16xi32>
        %gather3A_767 = tpu.vector_load_idx %arg7[%add3A_753, %add3A_766] : memref<128x64xf32, #tpu.memory_space<vmem>>[vector<16xi32>, vector<16xi32>], vector<16xf32>,
        %add3A_768 = arith.constant 16 : i32
        %add3A_769 = vector.broadcast %add3A_768 : i32 to vector<16xi32>
        %add3A_770 = arith.addi %and3A_18, %add3A_769 : vector<16xi32>
        %gather3A_771 = tpu.vector_load_idx %arg7[%add3A_753, %add3A_770] : memref<128x64xf32, #tpu.memory_space<vmem>>[vector<16xi32>, vector<16xi32>], vector<16xf32>,
        %add3A_772 = arith.constant 16 : i32
        %add3A_773 = vector.broadcast %add3A_772 : i32 to vector<16xi32>
        %add3A_774 = arith.addi %and3A_22, %add3A_773 : vector<16xi32>
        %gather3A_775 = tpu.vector_load_idx %arg7[%add3A_753, %add3A_774] : memref<128x64xf32, #tpu.memory_space<vmem>>[vector<16xi32>, vector<16xi32>], vector<16xf32>,
        %add3A_776 = arith.constant 16 : i32
        %add3A_777 = vector.broadcast %add3A_776 : i32 to vector<16xi32>
        %add3A_778 = arith.addi %and3A_26, %add3A_777 : vector<16xi32>
        %gather3A_779 = tpu.vector_load_idx %arg7[%add3A_753, %add3A_778] : memref<128x64xf32, #tpu.memory_space<vmem>>[vector<16xi32>, vector<16xi32>], vector<16xf32>,
        %add3A_780 = arith.constant 16 : i32
        %add3A_781 = vector.broadcast %add3A_780 : i32 to vector<16xi32>
        %add3A_782 = arith.addi %and3A_30, %add3A_781 : vector<16xi32>
        %gather3A_783 = tpu.vector_load_idx %arg7[%add3A_753, %add3A_782] : memref<128x64xf32, #tpu.memory_space<vmem>>[vector<16xi32>, vector<16xi32>], vector<16xf32>,
        %add3A_784 = arith.constant 16 : i32
        %add3A_785 = vector.broadcast %add3A_784 : i32 to vector<16xi32>
        %add3A_786 = arith.addi %and3A_34, %add3A_785 : vector<16xi32>
        %gather3A_787 = tpu.vector_load_idx %arg7[%add3A_753, %add3A_786] : memref<128x64xf32, #tpu.memory_space<vmem>>[vector<16xi32>, vector<16xi32>], vector<16xf32>,
        %add3A_788 = arith.constant 16 : i32
        %add3A_789 = vector.broadcast %add3A_788 : i32 to vector<16xi32>
        %add3A_790 = arith.addi %and3A_38, %add3A_789 : vector<16xi32>
        %gather3A_791 = tpu.vector_load_idx %arg7[%add3A_753, %add3A_790] : memref<128x64xf32, #tpu.memory_space<vmem>>[vector<16xi32>, vector<16xi32>], vector<16xf32>,
        %add3A_792 = arith.constant 16 : i32
        %add3A_793 = vector.broadcast %add3A_792 : i32 to vector<16xi32>
        %add3A_794 = arith.addi %and3A_42, %add3A_793 : vector<16xi32>
        %gather3A_795 = tpu.vector_load_idx %arg7[%add3A_753, %add3A_794] : memref<128x64xf32, #tpu.memory_space<vmem>>[vector<16xi32>, vector<16xi32>], vector<16xf32>,
        %add3A_796 = arith.constant 16 : i32
        %add3A_797 = vector.broadcast %add3A_796 : i32 to vector<16xi32>
        %add3A_798 = arith.addi %and3A_46, %add3A_797 : vector<16xi32>
        %gather3A_799 = tpu.vector_load_idx %arg7[%add3A_753, %add3A_798] : memref<128x64xf32, #tpu.memory_space<vmem>>[vector<16xi32>, vector<16xi32>], vector<16xf32>,
        %add3A_800 = arith.constant 16 : i32
        %add3A_801 = vector.broadcast %add3A_800 : i32 to vector<16xi32>
        %add3A_802 = arith.addi %and3A_50, %add3A_801 : vector<16xi32>
        %gather3A_803 = tpu.vector_load_idx %arg7[%add3A_753, %add3A_802] : memref<128x64xf32, #tpu.memory_space<vmem>>[vector<16xi32>, vector<16xi32>], vector<16xf32>,
        %add3A_804 = arith.constant 16 : i32
        %add3A_805 = vector.broadcast %add3A_804 : i32 to vector<16xi32>
        %add3A_806 = arith.addi %and3A_54, %add3A_805 : vector<16xi32>
        %gather3A_807 = tpu.vector_load_idx %arg7[%add3A_753, %add3A_806] : memref<128x64xf32, #tpu.memory_space<vmem>>[vector<16xi32>, vector<16xi32>], vector<16xf32>,
        %add3A_808 = arith.constant 16 : i32
        %add3A_809 = vector.broadcast %add3A_808 : i32 to vector<16xi32>
        %add3A_810 = arith.addi %and3A_58, %add3A_809 : vector<16xi32>
        %gather3A_811 = tpu.vector_load_idx %arg7[%add3A_753, %add3A_810] : memref<128x64xf32, #tpu.memory_space<vmem>>[vector<16xi32>, vector<16xi32>], vector<16xf32>,
        %add3A_812 = arith.constant 16 : i32
        %add3A_813 = vector.broadcast %add3A_812 : i32 to vector<16xi32>
        %add3A_814 = arith.addi %and3A_62, %add3A_813 : vector<16xi32>
        %gather3A_815 = tpu.vector_load_idx %arg7[%add3A_753, %add3A_814] : memref<128x64xf32, #tpu.memory_space<vmem>>[vector<16xi32>, vector<16xi32>], vector<16xf32>,
        %add3A_816 = arith.constant 16 : i32
        %add3A_817 = vector.broadcast %add3A_816 : i32 to vector<16xi32>
        %add3A_818 = arith.addi %and3A_66, %add3A_817 : vector<16xi32>
        %gather3A_819 = tpu.vector_load_idx %arg7[%add3A_753, %add3A_818] : memref<128x64xf32, #tpu.memory_space<vmem>>[vector<16xi32>, vector<16xi32>], vector<16xf32>,
        %add3A_820 = vector.broadcast %add3A_755 : i32 to vector<16xi32>
        %add3A_821 = arith.addi %add3A_69, %add3A_820 : vector<16xi32>
        %broadcast_in_dim3A_822 = vector.shape_cast %and3A : vector<16xi32> to vector<16x1xi32>
        %gather3A_823 = vector.shape_cast %broadcast_in_dim3A_822 : vector<16x1xi32> to vector<16xi32>
        %gather3A_824 = tpu.dynamic_gather %get3A_356[%gather3A_823] in [0] : vector<16xf32>, vector<16xi32> -> vector<16xf32>
        %add3A_825 = arith.addf %gather3A_759, %gather3A_824 : vector<16xf32>
        tpu.vector_store_idx %arg9[%add3A_821], %add3A_825 : memref<8192xf32, #tpu.memory_space<vmem>>[vector<16xi32>], vector<16xf32>,
        %add3A_826 = vector.broadcast %add3A_755 : i32 to vector<16xi32>
        %add3A_827 = arith.addi %add3A_73, %add3A_826 : vector<16xi32>
        %broadcast_in_dim3A_828 = vector.shape_cast %and3A_10 : vector<16xi32> to vector<16x1xi32>
        %gather3A_829 = vector.shape_cast %broadcast_in_dim3A_828 : vector<16x1xi32> to vector<16xi32>
        %gather3A_830 = tpu.dynamic_gather %get3A_356[%gather3A_829] in [0] : vector<16xf32>, vector<16xi32> -> vector<16xf32>
        %add3A_831 = arith.addf %gather3A_763, %gather3A_830 : vector<16xf32>
        tpu.vector_store_idx %arg9[%add3A_827], %add3A_831 : memref<8192xf32, #tpu.memory_space<vmem>>[vector<16xi32>], vector<16xf32>,
        %add3A_832 = vector.broadcast %add3A_755 : i32 to vector<16xi32>
        %add3A_833 = arith.addi %add3A_77, %add3A_832 : vector<16xi32>
        %broadcast_in_dim3A_834 = vector.shape_cast %and3A_14 : vector<16xi32> to vector<16x1xi32>
        %gather3A_835 = vector.shape_cast %broadcast_in_dim3A_834 : vector<16x1xi32> to vector<16xi32>
        %gather3A_836 = tpu.dynamic_gather %get3A_356[%gather3A_835] in [0] : vector<16xf32>, vector<16xi32> -> vector<16xf32>
        %add3A_837 = arith.addf %gather3A_767, %gather3A_836 : vector<16xf32>
        tpu.vector_store_idx %arg9[%add3A_833], %add3A_837 : memref<8192xf32, #tpu.memory_space<vmem>>[vector<16xi32>], vector<16xf32>,
        %add3A_838 = vector.broadcast %add3A_755 : i32 to vector<16xi32>
        %add3A_839 = arith.addi %add3A_81, %add3A_838 : vector<16xi32>
        %broadcast_in_dim3A_840 = vector.shape_cast %and3A_18 : vector<16xi32> to vector<16x1xi32>
        %gather3A_841 = vector.shape_cast %broadcast_in_dim3A_840 : vector<16x1xi32> to vector<16xi32>
        %gather3A_842 = tpu.dynamic_gather %get3A_356[%gather3A_841] in [0] : vector<16xf32>, vector<16xi32> -> vector<16xf32>
        %add3A_843 = arith.addf %gather3A_771, %gather3A_842 : vector<16xf32>
        tpu.vector_store_idx %arg9[%add3A_839], %add3A_843 : memref<8192xf32, #tpu.memory_space<vmem>>[vector<16xi32>], vector<16xf32>,
        %add3A_844 = vector.broadcast %add3A_755 : i32 to vector<16xi32>
        %add3A_845 = arith.addi %add3A_85, %add3A_844 : vector<16xi32>
        %broadcast_in_dim3A_846 = vector.shape_cast %and3A_22 : vector<16xi32> to vector<16x1xi32>
        %gather3A_847 = vector.shape_cast %broadcast_in_dim3A_846 : vector<16x1xi32> to vector<16xi32>
        %gather3A_848 = tpu.dynamic_gather %get3A_356[%gather3A_847] in [0] : vector<16xf32>, vector<16xi32> -> vector<16xf32>
        %add3A_849 = arith.addf %gather3A_775, %gather3A_848 : vector<16xf32>
        tpu.vector_store_idx %arg9[%add3A_845], %add3A_849 : memref<8192xf32, #tpu.memory_space<vmem>>[vector<16xi32>], vector<16xf32>,
        %add3A_850 = vector.broadcast %add3A_755 : i32 to vector<16xi32>
        %add3A_851 = arith.addi %add3A_89, %add3A_850 : vector<16xi32>
        %broadcast_in_dim3A_852 = vector.shape_cast %and3A_26 : vector<16xi32> to vector<16x1xi32>
        %gather3A_853 = vector.shape_cast %broadcast_in_dim3A_852 : vector<16x1xi32> to vector<16xi32>
        %gather3A_854 = tpu.dynamic_gather %get3A_356[%gather3A_853] in [0] : vector<16xf32>, vector<16xi32> -> vector<16xf32>
        %add3A_855 = arith.addf %gather3A_779, %gather3A_854 : vector<16xf32>
        tpu.vector_store_idx %arg9[%add3A_851], %add3A_855 : memref<8192xf32, #tpu.memory_space<vmem>>[vector<16xi32>], vector<16xf32>,
        %add3A_856 = vector.broadcast %add3A_755 : i32 to vector<16xi32>
        %add3A_857 = arith.addi %add3A_93, %add3A_856 : vector<16xi32>
        %broadcast_in_dim3A_858 = vector.shape_cast %and3A_30 : vector<16xi32> to vector<16x1xi32>
        %gather3A_859 = vector.shape_cast %broadcast_in_dim3A_858 : vector<16x1xi32> to vector<16xi32>
        %gather3A_860 = tpu.dynamic_gather %get3A_356[%gather3A_859] in [0] : vector<16xf32>, vector<16xi32> -> vector<16xf32>
        %add3A_861 = arith.addf %gather3A_783, %gather3A_860 : vector<16xf32>
        tpu.vector_store_idx %arg9[%add3A_857], %add3A_861 : memref<8192xf32, #tpu.memory_space<vmem>>[vector<16xi32>], vector<16xf32>,
        %add3A_862 = vector.broadcast %add3A_755 : i32 to vector<16xi32>
        %add3A_863 = arith.addi %add3A_97, %add3A_862 : vector<16xi32>
        %broadcast_in_dim3A_864 = vector.shape_cast %and3A_34 : vector<16xi32> to vector<16x1xi32>
        %gather3A_865 = vector.shape_cast %broadcast_in_dim3A_864 : vector<16x1xi32> to vector<16xi32>
        %gather3A_866 = tpu.dynamic_gather %get3A_356[%gather3A_865] in [0] : vector<16xf32>, vector<16xi32> -> vector<16xf32>
        %add3A_867 = arith.addf %gather3A_787, %gather3A_866 : vector<16xf32>
        tpu.vector_store_idx %arg9[%add3A_863], %add3A_867 : memref<8192xf32, #tpu.memory_space<vmem>>[vector<16xi32>], vector<16xf32>,
        %add3A_868 = vector.broadcast %add3A_755 : i32 to vector<16xi32>
        %add3A_869 = arith.addi %add3A_101, %add3A_868 : vector<16xi32>
        %broadcast_in_dim3A_870 = vector.shape_cast %and3A_38 : vector<16xi32> to vector<16x1xi32>
        %gather3A_871 = vector.shape_cast %broadcast_in_dim3A_870 : vector<16x1xi32> to vector<16xi32>
        %gather3A_872 = tpu.dynamic_gather %get3A_356[%gather3A_871] in [0] : vector<16xf32>, vector<16xi32> -> vector<16xf32>
        %add3A_873 = arith.addf %gather3A_791, %gather3A_872 : vector<16xf32>
        tpu.vector_store_idx %arg9[%add3A_869], %add3A_873 : memref<8192xf32, #tpu.memory_space<vmem>>[vector<16xi32>], vector<16xf32>,
        %add3A_874 = vector.broadcast %add3A_755 : i32 to vector<16xi32>
        %add3A_875 = arith.addi %add3A_105, %add3A_874 : vector<16xi32>
        %broadcast_in_dim3A_876 = vector.shape_cast %and3A_42 : vector<16xi32> to vector<16x1xi32>
        %gather3A_877 = vector.shape_cast %broadcast_in_dim3A_876 : vector<16x1xi32> to vector<16xi32>
        %gather3A_878 = tpu.dynamic_gather %get3A_356[%gather3A_877] in [0] : vector<16xf32>, vector<16xi32> -> vector<16xf32>
        %add3A_879 = arith.addf %gather3A_795, %gather3A_878 : vector<16xf32>
        tpu.vector_store_idx %arg9[%add3A_875], %add3A_879 : memref<8192xf32, #tpu.memory_space<vmem>>[vector<16xi32>], vector<16xf32>,
        %add3A_880 = vector.broadcast %add3A_755 : i32 to vector<16xi32>
        %add3A_881 = arith.addi %add3A_109, %add3A_880 : vector<16xi32>
        %broadcast_in_dim3A_882 = vector.shape_cast %and3A_46 : vector<16xi32> to vector<16x1xi32>
        %gather3A_883 = vector.shape_cast %broadcast_in_dim3A_882 : vector<16x1xi32> to vector<16xi32>
        %gather3A_884 = tpu.dynamic_gather %get3A_356[%gather3A_883] in [0] : vector<16xf32>, vector<16xi32> -> vector<16xf32>
        %add3A_885 = arith.addf %gather3A_799, %gather3A_884 : vector<16xf32>
        tpu.vector_store_idx %arg9[%add3A_881], %add3A_885 : memref<8192xf32, #tpu.memory_space<vmem>>[vector<16xi32>], vector<16xf32>,
        %add3A_886 = vector.broadcast %add3A_755 : i32 to vector<16xi32>
        %add3A_887 = arith.addi %add3A_113, %add3A_886 : vector<16xi32>
        %broadcast_in_dim3A_888 = vector.shape_cast %and3A_50 : vector<16xi32> to vector<16x1xi32>
        %gather3A_889 = vector.shape_cast %broadcast_in_dim3A_888 : vector<16x1xi32> to vector<16xi32>
        %gather3A_890 = tpu.dynamic_gather %get3A_356[%gather3A_889] in [0] : vector<16xf32>, vector<16xi32> -> vector<16xf32>
        %add3A_891 = arith.addf %gather3A_803, %gather3A_890 : vector<16xf32>
        tpu.vector_store_idx %arg9[%add3A_887], %add3A_891 : memref<8192xf32, #tpu.memory_space<vmem>>[vector<16xi32>], vector<16xf32>,
        %add3A_892 = vector.broadcast %add3A_755 : i32 to vector<16xi32>
        %add3A_893 = arith.addi %add3A_117, %add3A_892 : vector<16xi32>
        %broadcast_in_dim3A_894 = vector.shape_cast %and3A_54 : vector<16xi32> to vector<16x1xi32>
        %gather3A_895 = vector.shape_cast %broadcast_in_dim3A_894 : vector<16x1xi32> to vector<16xi32>
        %gather3A_896 = tpu.dynamic_gather %get3A_356[%gather3A_895] in [0] : vector<16xf32>, vector<16xi32> -> vector<16xf32>
        %add3A_897 = arith.addf %gather3A_807, %gather3A_896 : vector<16xf32>
        tpu.vector_store_idx %arg9[%add3A_893], %add3A_897 : memref<8192xf32, #tpu.memory_space<vmem>>[vector<16xi32>], vector<16xf32>,
        %add3A_898 = vector.broadcast %add3A_755 : i32 to vector<16xi32>
        %add3A_899 = arith.addi %add3A_121, %add3A_898 : vector<16xi32>
        %broadcast_in_dim3A_900 = vector.shape_cast %and3A_58 : vector<16xi32> to vector<16x1xi32>
        %gather3A_901 = vector.shape_cast %broadcast_in_dim3A_900 : vector<16x1xi32> to vector<16xi32>
        %gather3A_902 = tpu.dynamic_gather %get3A_356[%gather3A_901] in [0] : vector<16xf32>, vector<16xi32> -> vector<16xf32>
        %add3A_903 = arith.addf %gather3A_811, %gather3A_902 : vector<16xf32>
        tpu.vector_store_idx %arg9[%add3A_899], %add3A_903 : memref<8192xf32, #tpu.memory_space<vmem>>[vector<16xi32>], vector<16xf32>,
        %add3A_904 = vector.broadcast %add3A_755 : i32 to vector<16xi32>
        %add3A_905 = arith.addi %add3A_125, %add3A_904 : vector<16xi32>
        %broadcast_in_dim3A_906 = vector.shape_cast %and3A_62 : vector<16xi32> to vector<16x1xi32>
        %gather3A_907 = vector.shape_cast %broadcast_in_dim3A_906 : vector<16x1xi32> to vector<16xi32>
        %gather3A_908 = tpu.dynamic_gather %get3A_356[%gather3A_907] in [0] : vector<16xf32>, vector<16xi32> -> vector<16xf32>
        %add3A_909 = arith.addf %gather3A_815, %gather3A_908 : vector<16xf32>
        tpu.vector_store_idx %arg9[%add3A_905], %add3A_909 : memref<8192xf32, #tpu.memory_space<vmem>>[vector<16xi32>], vector<16xf32>,
        %add3A_910 = vector.broadcast %add3A_755 : i32 to vector<16xi32>
        %add3A_911 = arith.addi %add3A_129, %add3A_910 : vector<16xi32>
        %broadcast_in_dim3A_912 = vector.shape_cast %and3A_66 : vector<16xi32> to vector<16x1xi32>
        %gather3A_913 = vector.shape_cast %broadcast_in_dim3A_912 : vector<16x1xi32> to vector<16xi32>
        %gather3A_914 = tpu.dynamic_gather %get3A_356[%gather3A_913] in [0] : vector<16xf32>, vector<16xi32> -> vector<16xf32>
        %add3A_915 = arith.addf %gather3A_819, %gather3A_914 : vector<16xf32>
        tpu.vector_store_idx %arg9[%add3A_911], %add3A_915 : memref<8192xf32, #tpu.memory_space<vmem>>[vector<16xi32>], vector<16xf32>,
        %add3A_916 = vector.broadcast %mul3A_588 : i32 to vector<16xi32>
        %add3A_917 = arith.addi %iota3A, %add3A_916 : vector<16xi32>
        %add3A_918 = arith.constant 4096 : i32
        %add3A_919 = arith.addi %add3A_918, %mul3A_588 : i32
        %add3A_920 = arith.constant 32 : i32
        %add3A_921 = vector.broadcast %add3A_920 : i32 to vector<16xi32>
        %add3A_922 = arith.addi %and3A, %add3A_921 : vector<16xi32>
        %gather3A_923 = tpu.vector_load_idx %arg7[%add3A_917, %add3A_922] : memref<128x64xf32, #tpu.memory_space<vmem>>[vector<16xi32>, vector<16xi32>], vector<16xf32>,
        %add3A_924 = arith.constant 32 : i32
        %add3A_925 = vector.broadcast %add3A_924 : i32 to vector<16xi32>
        %add3A_926 = arith.addi %and3A_10, %add3A_925 : vector<16xi32>
        %gather3A_927 = tpu.vector_load_idx %arg7[%add3A_917, %add3A_926] : memref<128x64xf32, #tpu.memory_space<vmem>>[vector<16xi32>, vector<16xi32>], vector<16xf32>,
        %add3A_928 = arith.constant 32 : i32
        %add3A_929 = vector.broadcast %add3A_928 : i32 to vector<16xi32>
        %add3A_930 = arith.addi %and3A_14, %add3A_929 : vector<16xi32>
        %gather3A_931 = tpu.vector_load_idx %arg7[%add3A_917, %add3A_930] : memref<128x64xf32, #tpu.memory_space<vmem>>[vector<16xi32>, vector<16xi32>], vector<16xf32>,
        %add3A_932 = arith.constant 32 : i32
        %add3A_933 = vector.broadcast %add3A_932 : i32 to vector<16xi32>
        %add3A_934 = arith.addi %and3A_18, %add3A_933 : vector<16xi32>
        %gather3A_935 = tpu.vector_load_idx %arg7[%add3A_917, %add3A_934] : memref<128x64xf32, #tpu.memory_space<vmem>>[vector<16xi32>, vector<16xi32>], vector<16xf32>,
        %add3A_936 = arith.constant 32 : i32
        %add3A_937 = vector.broadcast %add3A_936 : i32 to vector<16xi32>
        %add3A_938 = arith.addi %and3A_22, %add3A_937 : vector<16xi32>
        %gather3A_939 = tpu.vector_load_idx %arg7[%add3A_917, %add3A_938] : memref<128x64xf32, #tpu.memory_space<vmem>>[vector<16xi32>, vector<16xi32>], vector<16xf32>,
        %add3A_940 = arith.constant 32 : i32
        %add3A_941 = vector.broadcast %add3A_940 : i32 to vector<16xi32>
        %add3A_942 = arith.addi %and3A_26, %add3A_941 : vector<16xi32>
        %gather3A_943 = tpu.vector_load_idx %arg7[%add3A_917, %add3A_942] : memref<128x64xf32, #tpu.memory_space<vmem>>[vector<16xi32>, vector<16xi32>], vector<16xf32>,
        %add3A_944 = arith.constant 32 : i32
        %add3A_945 = vector.broadcast %add3A_944 : i32 to vector<16xi32>
        %add3A_946 = arith.addi %and3A_30, %add3A_945 : vector<16xi32>
        %gather3A_947 = tpu.vector_load_idx %arg7[%add3A_917, %add3A_946] : memref<128x64xf32, #tpu.memory_space<vmem>>[vector<16xi32>, vector<16xi32>], vector<16xf32>,
        %add3A_948 = arith.constant 32 : i32
        %add3A_949 = vector.broadcast %add3A_948 : i32 to vector<16xi32>
        %add3A_950 = arith.addi %and3A_34, %add3A_949 : vector<16xi32>
        %gather3A_951 = tpu.vector_load_idx %arg7[%add3A_917, %add3A_950] : memref<128x64xf32, #tpu.memory_space<vmem>>[vector<16xi32>, vector<16xi32>], vector<16xf32>,
        %add3A_952 = arith.constant 32 : i32
        %add3A_953 = vector.broadcast %add3A_952 : i32 to vector<16xi32>
        %add3A_954 = arith.addi %and3A_38, %add3A_953 : vector<16xi32>
        %gather3A_955 = tpu.vector_load_idx %arg7[%add3A_917, %add3A_954] : memref<128x64xf32, #tpu.memory_space<vmem>>[vector<16xi32>, vector<16xi32>], vector<16xf32>,
        %add3A_956 = arith.constant 32 : i32
        %add3A_957 = vector.broadcast %add3A_956 : i32 to vector<16xi32>
        %add3A_958 = arith.addi %and3A_42, %add3A_957 : vector<16xi32>
        %gather3A_959 = tpu.vector_load_idx %arg7[%add3A_917, %add3A_958] : memref<128x64xf32, #tpu.memory_space<vmem>>[vector<16xi32>, vector<16xi32>], vector<16xf32>,
        %add3A_960 = arith.constant 32 : i32
        %add3A_961 = vector.broadcast %add3A_960 : i32 to vector<16xi32>
        %add3A_962 = arith.addi %and3A_46, %add3A_961 : vector<16xi32>
        %gather3A_963 = tpu.vector_load_idx %arg7[%add3A_917, %add3A_962] : memref<128x64xf32, #tpu.memory_space<vmem>>[vector<16xi32>, vector<16xi32>], vector<16xf32>,
        %add3A_964 = arith.constant 32 : i32
        %add3A_965 = vector.broadcast %add3A_964 : i32 to vector<16xi32>
        %add3A_966 = arith.addi %and3A_50, %add3A_965 : vector<16xi32>
        %gather3A_967 = tpu.vector_load_idx %arg7[%add3A_917, %add3A_966] : memref<128x64xf32, #tpu.memory_space<vmem>>[vector<16xi32>, vector<16xi32>], vector<16xf32>,
        %add3A_968 = arith.constant 32 : i32
        %add3A_969 = vector.broadcast %add3A_968 : i32 to vector<16xi32>
        %add3A_970 = arith.addi %and3A_54, %add3A_969 : vector<16xi32>
        %gather3A_971 = tpu.vector_load_idx %arg7[%add3A_917, %add3A_970] : memref<128x64xf32, #tpu.memory_space<vmem>>[vector<16xi32>, vector<16xi32>], vector<16xf32>,
        %add3A_972 = arith.constant 32 : i32
        %add3A_973 = vector.broadcast %add3A_972 : i32 to vector<16xi32>
        %add3A_974 = arith.addi %and3A_58, %add3A_973 : vector<16xi32>
        %gather3A_975 = tpu.vector_load_idx %arg7[%add3A_917, %add3A_974] : memref<128x64xf32, #tpu.memory_space<vmem>>[vector<16xi32>, vector<16xi32>], vector<16xf32>,
        %add3A_976 = arith.constant 32 : i32
        %add3A_977 = vector.broadcast %add3A_976 : i32 to vector<16xi32>
        %add3A_978 = arith.addi %and3A_62, %add3A_977 : vector<16xi32>
        %gather3A_979 = tpu.vector_load_idx %arg7[%add3A_917, %add3A_978] : memref<128x64xf32, #tpu.memory_space<vmem>>[vector<16xi32>, vector<16xi32>], vector<16xf32>,
        %add3A_980 = arith.constant 32 : i32
        %add3A_981 = vector.broadcast %add3A_980 : i32 to vector<16xi32>
        %add3A_982 = arith.addi %and3A_66, %add3A_981 : vector<16xi32>
        %gather3A_983 = tpu.vector_load_idx %arg7[%add3A_917, %add3A_982] : memref<128x64xf32, #tpu.memory_space<vmem>>[vector<16xi32>, vector<16xi32>], vector<16xf32>,
        %add3A_984 = vector.broadcast %add3A_919 : i32 to vector<16xi32>
        %add3A_985 = arith.addi %add3A_69, %add3A_984 : vector<16xi32>
        %broadcast_in_dim3A_986 = vector.shape_cast %and3A : vector<16xi32> to vector<16x1xi32>
        %gather3A_987 = vector.shape_cast %broadcast_in_dim3A_986 : vector<16x1xi32> to vector<16xi32>
        %gather3A_988 = tpu.dynamic_gather %get3A_359[%gather3A_987] in [0] : vector<16xf32>, vector<16xi32> -> vector<16xf32>
        %add3A_989 = arith.addf %gather3A_923, %gather3A_988 : vector<16xf32>
        tpu.vector_store_idx %arg9[%add3A_985], %add3A_989 : memref<8192xf32, #tpu.memory_space<vmem>>[vector<16xi32>], vector<16xf32>,
        %add3A_990 = vector.broadcast %add3A_919 : i32 to vector<16xi32>
        %add3A_991 = arith.addi %add3A_73, %add3A_990 : vector<16xi32>
        %broadcast_in_dim3A_992 = vector.shape_cast %and3A_10 : vector<16xi32> to vector<16x1xi32>
        %gather3A_993 = vector.shape_cast %broadcast_in_dim3A_992 : vector<16x1xi32> to vector<16xi32>
        %gather3A_994 = tpu.dynamic_gather %get3A_359[%gather3A_993] in [0] : vector<16xf32>, vector<16xi32> -> vector<16xf32>
        %add3A_995 = arith.addf %gather3A_927, %gather3A_994 : vector<16xf32>
        tpu.vector_store_idx %arg9[%add3A_991], %add3A_995 : memref<8192xf32, #tpu.memory_space<vmem>>[vector<16xi32>], vector<16xf32>,
        %add3A_996 = vector.broadcast %add3A_919 : i32 to vector<16xi32>
        %add3A_997 = arith.addi %add3A_77, %add3A_996 : vector<16xi32>
        %broadcast_in_dim3A_998 = vector.shape_cast %and3A_14 : vector<16xi32> to vector<16x1xi32>
        %gather3A_999 = vector.shape_cast %broadcast_in_dim3A_998 : vector<16x1xi32> to vector<16xi32>
        %gather3A_1000 = tpu.dynamic_gather %get3A_359[%gather3A_999] in [0] : vector<16xf32>, vector<16xi32> -> vector<16xf32>
        %add3A_1001 = arith.addf %gather3A_931, %gather3A_1000 : vector<16xf32>
        tpu.vector_store_idx %arg9[%add3A_997], %add3A_1001 : memref<8192xf32, #tpu.memory_space<vmem>>[vector<16xi32>], vector<16xf32>,
        %add3A_1002 = vector.broadcast %add3A_919 : i32 to vector<16xi32>
        %add3A_1003 = arith.addi %add3A_81, %add3A_1002 : vector<16xi32>
        %broadcast_in_dim3A_1004 = vector.shape_cast %and3A_18 : vector<16xi32> to vector<16x1xi32>
        %gather3A_1005 = vector.shape_cast %broadcast_in_dim3A_1004 : vector<16x1xi32> to vector<16xi32>
        %gather3A_1006 = tpu.dynamic_gather %get3A_359[%gather3A_1005] in [0] : vector<16xf32>, vector<16xi32> -> vector<16xf32>
        %add3A_1007 = arith.addf %gather3A_935, %gather3A_1006 : vector<16xf32>
        tpu.vector_store_idx %arg9[%add3A_1003], %add3A_1007 : memref<8192xf32, #tpu.memory_space<vmem>>[vector<16xi32>], vector<16xf32>,
        %add3A_1008 = vector.broadcast %add3A_919 : i32 to vector<16xi32>
        %add3A_1009 = arith.addi %add3A_85, %add3A_1008 : vector<16xi32>
        %broadcast_in_dim3A_1010 = vector.shape_cast %and3A_22 : vector<16xi32> to vector<16x1xi32>
        %gather3A_1011 = vector.shape_cast %broadcast_in_dim3A_1010 : vector<16x1xi32> to vector<16xi32>
        %gather3A_1012 = tpu.dynamic_gather %get3A_359[%gather3A_1011] in [0] : vector<16xf32>, vector<16xi32> -> vector<16xf32>
        %add3A_1013 = arith.addf %gather3A_939, %gather3A_1012 : vector<16xf32>
        tpu.vector_store_idx %arg9[%add3A_1009], %add3A_1013 : memref<8192xf32, #tpu.memory_space<vmem>>[vector<16xi32>], vector<16xf32>,
        %add3A_1014 = vector.broadcast %add3A_919 : i32 to vector<16xi32>
        %add3A_1015 = arith.addi %add3A_89, %add3A_1014 : vector<16xi32>
        %broadcast_in_dim3A_1016 = vector.shape_cast %and3A_26 : vector<16xi32> to vector<16x1xi32>
        %gather3A_1017 = vector.shape_cast %broadcast_in_dim3A_1016 : vector<16x1xi32> to vector<16xi32>
        %gather3A_1018 = tpu.dynamic_gather %get3A_359[%gather3A_1017] in [0] : vector<16xf32>, vector<16xi32> -> vector<16xf32>
        %add3A_1019 = arith.addf %gather3A_943, %gather3A_1018 : vector<16xf32>
        tpu.vector_store_idx %arg9[%add3A_1015], %add3A_1019 : memref<8192xf32, #tpu.memory_space<vmem>>[vector<16xi32>], vector<16xf32>,
        %add3A_1020 = vector.broadcast %add3A_919 : i32 to vector<16xi32>
        %add3A_1021 = arith.addi %add3A_93, %add3A_1020 : vector<16xi32>
        %broadcast_in_dim3A_1022 = vector.shape_cast %and3A_30 : vector<16xi32> to vector<16x1xi32>
        %gather3A_1023 = vector.shape_cast %broadcast_in_dim3A_1022 : vector<16x1xi32> to vector<16xi32>
        %gather3A_1024 = tpu.dynamic_gather %get3A_359[%gather3A_1023] in [0] : vector<16xf32>, vector<16xi32> -> vector<16xf32>
        %add3A_1025 = arith.addf %gather3A_947, %gather3A_1024 : vector<16xf32>
        tpu.vector_store_idx %arg9[%add3A_1021], %add3A_1025 : memref<8192xf32, #tpu.memory_space<vmem>>[vector<16xi32>], vector<16xf32>,
        %add3A_1026 = vector.broadcast %add3A_919 : i32 to vector<16xi32>
        %add3A_1027 = arith.addi %add3A_97, %add3A_1026 : vector<16xi32>
        %broadcast_in_dim3A_1028 = vector.shape_cast %and3A_34 : vector<16xi32> to vector<16x1xi32>
        %gather3A_1029 = vector.shape_cast %broadcast_in_dim3A_1028 : vector<16x1xi32> to vector<16xi32>
        %gather3A_1030 = tpu.dynamic_gather %get3A_359[%gather3A_1029] in [0] : vector<16xf32>, vector<16xi32> -> vector<16xf32>
        %add3A_1031 = arith.addf %gather3A_951, %gather3A_1030 : vector<16xf32>
        tpu.vector_store_idx %arg9[%add3A_1027], %add3A_1031 : memref<8192xf32, #tpu.memory_space<vmem>>[vector<16xi32>], vector<16xf32>,
        %add3A_1032 = vector.broadcast %add3A_919 : i32 to vector<16xi32>
        %add3A_1033 = arith.addi %add3A_101, %add3A_1032 : vector<16xi32>
        %broadcast_in_dim3A_1034 = vector.shape_cast %and3A_38 : vector<16xi32> to vector<16x1xi32>
        %gather3A_1035 = vector.shape_cast %broadcast_in_dim3A_1034 : vector<16x1xi32> to vector<16xi32>
        %gather3A_1036 = tpu.dynamic_gather %get3A_359[%gather3A_1035] in [0] : vector<16xf32>, vector<16xi32> -> vector<16xf32>
        %add3A_1037 = arith.addf %gather3A_955, %gather3A_1036 : vector<16xf32>
        tpu.vector_store_idx %arg9[%add3A_1033], %add3A_1037 : memref<8192xf32, #tpu.memory_space<vmem>>[vector<16xi32>], vector<16xf32>,
        %add3A_1038 = vector.broadcast %add3A_919 : i32 to vector<16xi32>
        %add3A_1039 = arith.addi %add3A_105, %add3A_1038 : vector<16xi32>
        %broadcast_in_dim3A_1040 = vector.shape_cast %and3A_42 : vector<16xi32> to vector<16x1xi32>
        %gather3A_1041 = vector.shape_cast %broadcast_in_dim3A_1040 : vector<16x1xi32> to vector<16xi32>
        %gather3A_1042 = tpu.dynamic_gather %get3A_359[%gather3A_1041] in [0] : vector<16xf32>, vector<16xi32> -> vector<16xf32>
        %add3A_1043 = arith.addf %gather3A_959, %gather3A_1042 : vector<16xf32>
        tpu.vector_store_idx %arg9[%add3A_1039], %add3A_1043 : memref<8192xf32, #tpu.memory_space<vmem>>[vector<16xi32>], vector<16xf32>,
        %add3A_1044 = vector.broadcast %add3A_919 : i32 to vector<16xi32>
        %add3A_1045 = arith.addi %add3A_109, %add3A_1044 : vector<16xi32>
        %broadcast_in_dim3A_1046 = vector.shape_cast %and3A_46 : vector<16xi32> to vector<16x1xi32>
        %gather3A_1047 = vector.shape_cast %broadcast_in_dim3A_1046 : vector<16x1xi32> to vector<16xi32>
        %gather3A_1048 = tpu.dynamic_gather %get3A_359[%gather3A_1047] in [0] : vector<16xf32>, vector<16xi32> -> vector<16xf32>
        %add3A_1049 = arith.addf %gather3A_963, %gather3A_1048 : vector<16xf32>
        tpu.vector_store_idx %arg9[%add3A_1045], %add3A_1049 : memref<8192xf32, #tpu.memory_space<vmem>>[vector<16xi32>], vector<16xf32>,
        %add3A_1050 = vector.broadcast %add3A_919 : i32 to vector<16xi32>
        %add3A_1051 = arith.addi %add3A_113, %add3A_1050 : vector<16xi32>
        %broadcast_in_dim3A_1052 = vector.shape_cast %and3A_50 : vector<16xi32> to vector<16x1xi32>
        %gather3A_1053 = vector.shape_cast %broadcast_in_dim3A_1052 : vector<16x1xi32> to vector<16xi32>
        %gather3A_1054 = tpu.dynamic_gather %get3A_359[%gather3A_1053] in [0] : vector<16xf32>, vector<16xi32> -> vector<16xf32>
        %add3A_1055 = arith.addf %gather3A_967, %gather3A_1054 : vector<16xf32>
        tpu.vector_store_idx %arg9[%add3A_1051], %add3A_1055 : memref<8192xf32, #tpu.memory_space<vmem>>[vector<16xi32>], vector<16xf32>,
        %add3A_1056 = vector.broadcast %add3A_919 : i32 to vector<16xi32>
        %add3A_1057 = arith.addi %add3A_117, %add3A_1056 : vector<16xi32>
        %broadcast_in_dim3A_1058 = vector.shape_cast %and3A_54 : vector<16xi32> to vector<16x1xi32>
        %gather3A_1059 = vector.shape_cast %broadcast_in_dim3A_1058 : vector<16x1xi32> to vector<16xi32>
        %gather3A_1060 = tpu.dynamic_gather %get3A_359[%gather3A_1059] in [0] : vector<16xf32>, vector<16xi32> -> vector<16xf32>
        %add3A_1061 = arith.addf %gather3A_971, %gather3A_1060 : vector<16xf32>
        tpu.vector_store_idx %arg9[%add3A_1057], %add3A_1061 : memref<8192xf32, #tpu.memory_space<vmem>>[vector<16xi32>], vector<16xf32>,
        %add3A_1062 = vector.broadcast %add3A_919 : i32 to vector<16xi32>
        %add3A_1063 = arith.addi %add3A_121, %add3A_1062 : vector<16xi32>
        %broadcast_in_dim3A_1064 = vector.shape_cast %and3A_58 : vector<16xi32> to vector<16x1xi32>
        %gather3A_1065 = vector.shape_cast %broadcast_in_dim3A_1064 : vector<16x1xi32> to vector<16xi32>
        %gather3A_1066 = tpu.dynamic_gather %get3A_359[%gather3A_1065] in [0] : vector<16xf32>, vector<16xi32> -> vector<16xf32>
        %add3A_1067 = arith.addf %gather3A_975, %gather3A_1066 : vector<16xf32>
        tpu.vector_store_idx %arg9[%add3A_1063], %add3A_1067 : memref<8192xf32, #tpu.memory_space<vmem>>[vector<16xi32>], vector<16xf32>,
        %add3A_1068 = vector.broadcast %add3A_919 : i32 to vector<16xi32>
        %add3A_1069 = arith.addi %add3A_125, %add3A_1068 : vector<16xi32>
        %broadcast_in_dim3A_1070 = vector.shape_cast %and3A_62 : vector<16xi32> to vector<16x1xi32>
        %gather3A_1071 = vector.shape_cast %broadcast_in_dim3A_1070 : vector<16x1xi32> to vector<16xi32>
        %gather3A_1072 = tpu.dynamic_gather %get3A_359[%gather3A_1071] in [0] : vector<16xf32>, vector<16xi32> -> vector<16xf32>
        %add3A_1073 = arith.addf %gather3A_979, %gather3A_1072 : vector<16xf32>
        tpu.vector_store_idx %arg9[%add3A_1069], %add3A_1073 : memref<8192xf32, #tpu.memory_space<vmem>>[vector<16xi32>], vector<16xf32>,
        %add3A_1074 = vector.broadcast %add3A_919 : i32 to vector<16xi32>
        %add3A_1075 = arith.addi %add3A_129, %add3A_1074 : vector<16xi32>
        %broadcast_in_dim3A_1076 = vector.shape_cast %and3A_66 : vector<16xi32> to vector<16x1xi32>
        %gather3A_1077 = vector.shape_cast %broadcast_in_dim3A_1076 : vector<16x1xi32> to vector<16xi32>
        %gather3A_1078 = tpu.dynamic_gather %get3A_359[%gather3A_1077] in [0] : vector<16xf32>, vector<16xi32> -> vector<16xf32>
        %add3A_1079 = arith.addf %gather3A_983, %gather3A_1078 : vector<16xf32>
        tpu.vector_store_idx %arg9[%add3A_1075], %add3A_1079 : memref<8192xf32, #tpu.memory_space<vmem>>[vector<16xi32>], vector<16xf32>,
        %add3A_1080 = vector.broadcast %mul3A_588 : i32 to vector<16xi32>
        %add3A_1081 = arith.addi %iota3A, %add3A_1080 : vector<16xi32>
        %add3A_1082 = arith.constant 6144 : i32
        %add3A_1083 = arith.addi %add3A_1082, %mul3A_588 : i32
        %add3A_1084 = arith.constant 48 : i32
        %add3A_1085 = vector.broadcast %add3A_1084 : i32 to vector<16xi32>
        %add3A_1086 = arith.addi %and3A, %add3A_1085 : vector<16xi32>
        %gather3A_1087 = tpu.vector_load_idx %arg7[%add3A_1081, %add3A_1086] : memref<128x64xf32, #tpu.memory_space<vmem>>[vector<16xi32>, vector<16xi32>], vector<16xf32>,
        %add3A_1088 = arith.constant 48 : i32
        %add3A_1089 = vector.broadcast %add3A_1088 : i32 to vector<16xi32>
        %add3A_1090 = arith.addi %and3A_10, %add3A_1089 : vector<16xi32>
        %gather3A_1091 = tpu.vector_load_idx %arg7[%add3A_1081, %add3A_1090] : memref<128x64xf32, #tpu.memory_space<vmem>>[vector<16xi32>, vector<16xi32>], vector<16xf32>,
        %add3A_1092 = arith.constant 48 : i32
        %add3A_1093 = vector.broadcast %add3A_1092 : i32 to vector<16xi32>
        %add3A_1094 = arith.addi %and3A_14, %add3A_1093 : vector<16xi32>
        %gather3A_1095 = tpu.vector_load_idx %arg7[%add3A_1081, %add3A_1094] : memref<128x64xf32, #tpu.memory_space<vmem>>[vector<16xi32>, vector<16xi32>], vector<16xf32>,
        %add3A_1096 = arith.constant 48 : i32
        %add3A_1097 = vector.broadcast %add3A_1096 : i32 to vector<16xi32>
        %add3A_1098 = arith.addi %and3A_18, %add3A_1097 : vector<16xi32>
        %gather3A_1099 = tpu.vector_load_idx %arg7[%add3A_1081, %add3A_1098] : memref<128x64xf32, #tpu.memory_space<vmem>>[vector<16xi32>, vector<16xi32>], vector<16xf32>,
        %add3A_1100 = arith.constant 48 : i32
        %add3A_1101 = vector.broadcast %add3A_1100 : i32 to vector<16xi32>
        %add3A_1102 = arith.addi %and3A_22, %add3A_1101 : vector<16xi32>
        %gather3A_1103 = tpu.vector_load_idx %arg7[%add3A_1081, %add3A_1102] : memref<128x64xf32, #tpu.memory_space<vmem>>[vector<16xi32>, vector<16xi32>], vector<16xf32>,
        %add3A_1104 = arith.constant 48 : i32
        %add3A_1105 = vector.broadcast %add3A_1104 : i32 to vector<16xi32>
        %add3A_1106 = arith.addi %and3A_26, %add3A_1105 : vector<16xi32>
        %gather3A_1107 = tpu.vector_load_idx %arg7[%add3A_1081, %add3A_1106] : memref<128x64xf32, #tpu.memory_space<vmem>>[vector<16xi32>, vector<16xi32>], vector<16xf32>,
        %add3A_1108 = arith.constant 48 : i32
        %add3A_1109 = vector.broadcast %add3A_1108 : i32 to vector<16xi32>
        %add3A_1110 = arith.addi %and3A_30, %add3A_1109 : vector<16xi32>
        %gather3A_1111 = tpu.vector_load_idx %arg7[%add3A_1081, %add3A_1110] : memref<128x64xf32, #tpu.memory_space<vmem>>[vector<16xi32>, vector<16xi32>], vector<16xf32>,
        %add3A_1112 = arith.constant 48 : i32
        %add3A_1113 = vector.broadcast %add3A_1112 : i32 to vector<16xi32>
        %add3A_1114 = arith.addi %and3A_34, %add3A_1113 : vector<16xi32>
        %gather3A_1115 = tpu.vector_load_idx %arg7[%add3A_1081, %add3A_1114] : memref<128x64xf32, #tpu.memory_space<vmem>>[vector<16xi32>, vector<16xi32>], vector<16xf32>,
        %add3A_1116 = arith.constant 48 : i32
        %add3A_1117 = vector.broadcast %add3A_1116 : i32 to vector<16xi32>
        %add3A_1118 = arith.addi %and3A_38, %add3A_1117 : vector<16xi32>
        %gather3A_1119 = tpu.vector_load_idx %arg7[%add3A_1081, %add3A_1118] : memref<128x64xf32, #tpu.memory_space<vmem>>[vector<16xi32>, vector<16xi32>], vector<16xf32>,
        %add3A_1120 = arith.constant 48 : i32
        %add3A_1121 = vector.broadcast %add3A_1120 : i32 to vector<16xi32>
        %add3A_1122 = arith.addi %and3A_42, %add3A_1121 : vector<16xi32>
        %gather3A_1123 = tpu.vector_load_idx %arg7[%add3A_1081, %add3A_1122] : memref<128x64xf32, #tpu.memory_space<vmem>>[vector<16xi32>, vector<16xi32>], vector<16xf32>,
        %add3A_1124 = arith.constant 48 : i32
        %add3A_1125 = vector.broadcast %add3A_1124 : i32 to vector<16xi32>
        %add3A_1126 = arith.addi %and3A_46, %add3A_1125 : vector<16xi32>
        %gather3A_1127 = tpu.vector_load_idx %arg7[%add3A_1081, %add3A_1126] : memref<128x64xf32, #tpu.memory_space<vmem>>[vector<16xi32>, vector<16xi32>], vector<16xf32>,
        %add3A_1128 = arith.constant 48 : i32
        %add3A_1129 = vector.broadcast %add3A_1128 : i32 to vector<16xi32>
        %add3A_1130 = arith.addi %and3A_50, %add3A_1129 : vector<16xi32>
        %gather3A_1131 = tpu.vector_load_idx %arg7[%add3A_1081, %add3A_1130] : memref<128x64xf32, #tpu.memory_space<vmem>>[vector<16xi32>, vector<16xi32>], vector<16xf32>,
        %add3A_1132 = arith.constant 48 : i32
        %add3A_1133 = vector.broadcast %add3A_1132 : i32 to vector<16xi32>
        %add3A_1134 = arith.addi %and3A_54, %add3A_1133 : vector<16xi32>
        %gather3A_1135 = tpu.vector_load_idx %arg7[%add3A_1081, %add3A_1134] : memref<128x64xf32, #tpu.memory_space<vmem>>[vector<16xi32>, vector<16xi32>], vector<16xf32>,
        %add3A_1136 = arith.constant 48 : i32
        %add3A_1137 = vector.broadcast %add3A_1136 : i32 to vector<16xi32>
        %add3A_1138 = arith.addi %and3A_58, %add3A_1137 : vector<16xi32>
        %gather3A_1139 = tpu.vector_load_idx %arg7[%add3A_1081, %add3A_1138] : memref<128x64xf32, #tpu.memory_space<vmem>>[vector<16xi32>, vector<16xi32>], vector<16xf32>,
        %add3A_1140 = arith.constant 48 : i32
        %add3A_1141 = vector.broadcast %add3A_1140 : i32 to vector<16xi32>
        %add3A_1142 = arith.addi %and3A_62, %add3A_1141 : vector<16xi32>
        %gather3A_1143 = tpu.vector_load_idx %arg7[%add3A_1081, %add3A_1142] : memref<128x64xf32, #tpu.memory_space<vmem>>[vector<16xi32>, vector<16xi32>], vector<16xf32>,
        %add3A_1144 = arith.constant 48 : i32
        %add3A_1145 = vector.broadcast %add3A_1144 : i32 to vector<16xi32>
        %add3A_1146 = arith.addi %and3A_66, %add3A_1145 : vector<16xi32>
        %gather3A_1147 = tpu.vector_load_idx %arg7[%add3A_1081, %add3A_1146] : memref<128x64xf32, #tpu.memory_space<vmem>>[vector<16xi32>, vector<16xi32>], vector<16xf32>,
        %add3A_1148 = vector.broadcast %add3A_1083 : i32 to vector<16xi32>
        %add3A_1149 = arith.addi %add3A_69, %add3A_1148 : vector<16xi32>
        %broadcast_in_dim3A_1150 = vector.shape_cast %and3A : vector<16xi32> to vector<16x1xi32>
        %gather3A_1151 = vector.shape_cast %broadcast_in_dim3A_1150 : vector<16x1xi32> to vector<16xi32>
        %gather3A_1152 = tpu.dynamic_gather %get3A_362[%gather3A_1151] in [0] : vector<16xf32>, vector<16xi32> -> vector<16xf32>
        %add3A_1153 = arith.addf %gather3A_1087, %gather3A_1152 : vector<16xf32>
        tpu.vector_store_idx %arg9[%add3A_1149], %add3A_1153 : memref<8192xf32, #tpu.memory_space<vmem>>[vector<16xi32>], vector<16xf32>,
        %add3A_1154 = vector.broadcast %add3A_1083 : i32 to vector<16xi32>
        %add3A_1155 = arith.addi %add3A_73, %add3A_1154 : vector<16xi32>
        %broadcast_in_dim3A_1156 = vector.shape_cast %and3A_10 : vector<16xi32> to vector<16x1xi32>
        %gather3A_1157 = vector.shape_cast %broadcast_in_dim3A_1156 : vector<16x1xi32> to vector<16xi32>
        %gather3A_1158 = tpu.dynamic_gather %get3A_362[%gather3A_1157] in [0] : vector<16xf32>, vector<16xi32> -> vector<16xf32>
        %add3A_1159 = arith.addf %gather3A_1091, %gather3A_1158 : vector<16xf32>
        tpu.vector_store_idx %arg9[%add3A_1155], %add3A_1159 : memref<8192xf32, #tpu.memory_space<vmem>>[vector<16xi32>], vector<16xf32>,
        %add3A_1160 = vector.broadcast %add3A_1083 : i32 to vector<16xi32>
        %add3A_1161 = arith.addi %add3A_77, %add3A_1160 : vector<16xi32>
        %broadcast_in_dim3A_1162 = vector.shape_cast %and3A_14 : vector<16xi32> to vector<16x1xi32>
        %gather3A_1163 = vector.shape_cast %broadcast_in_dim3A_1162 : vector<16x1xi32> to vector<16xi32>
        %gather3A_1164 = tpu.dynamic_gather %get3A_362[%gather3A_1163] in [0] : vector<16xf32>, vector<16xi32> -> vector<16xf32>
        %add3A_1165 = arith.addf %gather3A_1095, %gather3A_1164 : vector<16xf32>
        tpu.vector_store_idx %arg9[%add3A_1161], %add3A_1165 : memref<8192xf32, #tpu.memory_space<vmem>>[vector<16xi32>], vector<16xf32>,
        %add3A_1166 = vector.broadcast %add3A_1083 : i32 to vector<16xi32>
        %add3A_1167 = arith.addi %add3A_81, %add3A_1166 : vector<16xi32>
        %broadcast_in_dim3A_1168 = vector.shape_cast %and3A_18 : vector<16xi32> to vector<16x1xi32>
        %gather3A_1169 = vector.shape_cast %broadcast_in_dim3A_1168 : vector<16x1xi32> to vector<16xi32>
        %gather3A_1170 = tpu.dynamic_gather %get3A_362[%gather3A_1169] in [0] : vector<16xf32>, vector<16xi32> -> vector<16xf32>
        %add3A_1171 = arith.addf %gather3A_1099, %gather3A_1170 : vector<16xf32>
        tpu.vector_store_idx %arg9[%add3A_1167], %add3A_1171 : memref<8192xf32, #tpu.memory_space<vmem>>[vector<16xi32>], vector<16xf32>,
        %add3A_1172 = vector.broadcast %add3A_1083 : i32 to vector<16xi32>
        %add3A_1173 = arith.addi %add3A_85, %add3A_1172 : vector<16xi32>
        %broadcast_in_dim3A_1174 = vector.shape_cast %and3A_22 : vector<16xi32> to vector<16x1xi32>
        %gather3A_1175 = vector.shape_cast %broadcast_in_dim3A_1174 : vector<16x1xi32> to vector<16xi32>
        %gather3A_1176 = tpu.dynamic_gather %get3A_362[%gather3A_1175] in [0] : vector<16xf32>, vector<16xi32> -> vector<16xf32>
        %add3A_1177 = arith.addf %gather3A_1103, %gather3A_1176 : vector<16xf32>
        tpu.vector_store_idx %arg9[%add3A_1173], %add3A_1177 : memref<8192xf32, #tpu.memory_space<vmem>>[vector<16xi32>], vector<16xf32>,
        %add3A_1178 = vector.broadcast %add3A_1083 : i32 to vector<16xi32>
        %add3A_1179 = arith.addi %add3A_89, %add3A_1178 : vector<16xi32>
        %broadcast_in_dim3A_1180 = vector.shape_cast %and3A_26 : vector<16xi32> to vector<16x1xi32>
        %gather3A_1181 = vector.shape_cast %broadcast_in_dim3A_1180 : vector<16x1xi32> to vector<16xi32>
        %gather3A_1182 = tpu.dynamic_gather %get3A_362[%gather3A_1181] in [0] : vector<16xf32>, vector<16xi32> -> vector<16xf32>
        %add3A_1183 = arith.addf %gather3A_1107, %gather3A_1182 : vector<16xf32>
        tpu.vector_store_idx %arg9[%add3A_1179], %add3A_1183 : memref<8192xf32, #tpu.memory_space<vmem>>[vector<16xi32>], vector<16xf32>,
        %add3A_1184 = vector.broadcast %add3A_1083 : i32 to vector<16xi32>
        %add3A_1185 = arith.addi %add3A_93, %add3A_1184 : vector<16xi32>
        %broadcast_in_dim3A_1186 = vector.shape_cast %and3A_30 : vector<16xi32> to vector<16x1xi32>
        %gather3A_1187 = vector.shape_cast %broadcast_in_dim3A_1186 : vector<16x1xi32> to vector<16xi32>
        %gather3A_1188 = tpu.dynamic_gather %get3A_362[%gather3A_1187] in [0] : vector<16xf32>, vector<16xi32> -> vector<16xf32>
        %add3A_1189 = arith.addf %gather3A_1111, %gather3A_1188 : vector<16xf32>
        tpu.vector_store_idx %arg9[%add3A_1185], %add3A_1189 : memref<8192xf32, #tpu.memory_space<vmem>>[vector<16xi32>], vector<16xf32>,
        %add3A_1190 = vector.broadcast %add3A_1083 : i32 to vector<16xi32>
        %add3A_1191 = arith.addi %add3A_97, %add3A_1190 : vector<16xi32>
        %broadcast_in_dim3A_1192 = vector.shape_cast %and3A_34 : vector<16xi32> to vector<16x1xi32>
        %gather3A_1193 = vector.shape_cast %broadcast_in_dim3A_1192 : vector<16x1xi32> to vector<16xi32>
        %gather3A_1194 = tpu.dynamic_gather %get3A_362[%gather3A_1193] in [0] : vector<16xf32>, vector<16xi32> -> vector<16xf32>
        %add3A_1195 = arith.addf %gather3A_1115, %gather3A_1194 : vector<16xf32>
        tpu.vector_store_idx %arg9[%add3A_1191], %add3A_1195 : memref<8192xf32, #tpu.memory_space<vmem>>[vector<16xi32>], vector<16xf32>,
        %add3A_1196 = vector.broadcast %add3A_1083 : i32 to vector<16xi32>
        %add3A_1197 = arith.addi %add3A_101, %add3A_1196 : vector<16xi32>
        %broadcast_in_dim3A_1198 = vector.shape_cast %and3A_38 : vector<16xi32> to vector<16x1xi32>
        %gather3A_1199 = vector.shape_cast %broadcast_in_dim3A_1198 : vector<16x1xi32> to vector<16xi32>
        %gather3A_1200 = tpu.dynamic_gather %get3A_362[%gather3A_1199] in [0] : vector<16xf32>, vector<16xi32> -> vector<16xf32>
        %add3A_1201 = arith.addf %gather3A_1119, %gather3A_1200 : vector<16xf32>
        tpu.vector_store_idx %arg9[%add3A_1197], %add3A_1201 : memref<8192xf32, #tpu.memory_space<vmem>>[vector<16xi32>], vector<16xf32>,
        %add3A_1202 = vector.broadcast %add3A_1083 : i32 to vector<16xi32>
        %add3A_1203 = arith.addi %add3A_105, %add3A_1202 : vector<16xi32>
        %broadcast_in_dim3A_1204 = vector.shape_cast %and3A_42 : vector<16xi32> to vector<16x1xi32>
        %gather3A_1205 = vector.shape_cast %broadcast_in_dim3A_1204 : vector<16x1xi32> to vector<16xi32>
        %gather3A_1206 = tpu.dynamic_gather %get3A_362[%gather3A_1205] in [0] : vector<16xf32>, vector<16xi32> -> vector<16xf32>
        %add3A_1207 = arith.addf %gather3A_1123, %gather3A_1206 : vector<16xf32>
        tpu.vector_store_idx %arg9[%add3A_1203], %add3A_1207 : memref<8192xf32, #tpu.memory_space<vmem>>[vector<16xi32>], vector<16xf32>,
        %add3A_1208 = vector.broadcast %add3A_1083 : i32 to vector<16xi32>
        %add3A_1209 = arith.addi %add3A_109, %add3A_1208 : vector<16xi32>
        %broadcast_in_dim3A_1210 = vector.shape_cast %and3A_46 : vector<16xi32> to vector<16x1xi32>
        %gather3A_1211 = vector.shape_cast %broadcast_in_dim3A_1210 : vector<16x1xi32> to vector<16xi32>
        %gather3A_1212 = tpu.dynamic_gather %get3A_362[%gather3A_1211] in [0] : vector<16xf32>, vector<16xi32> -> vector<16xf32>
        %add3A_1213 = arith.addf %gather3A_1127, %gather3A_1212 : vector<16xf32>
        tpu.vector_store_idx %arg9[%add3A_1209], %add3A_1213 : memref<8192xf32, #tpu.memory_space<vmem>>[vector<16xi32>], vector<16xf32>,
        %add3A_1214 = vector.broadcast %add3A_1083 : i32 to vector<16xi32>
        %add3A_1215 = arith.addi %add3A_113, %add3A_1214 : vector<16xi32>
        %broadcast_in_dim3A_1216 = vector.shape_cast %and3A_50 : vector<16xi32> to vector<16x1xi32>
        %gather3A_1217 = vector.shape_cast %broadcast_in_dim3A_1216 : vector<16x1xi32> to vector<16xi32>
        %gather3A_1218 = tpu.dynamic_gather %get3A_362[%gather3A_1217] in [0] : vector<16xf32>, vector<16xi32> -> vector<16xf32>
        %add3A_1219 = arith.addf %gather3A_1131, %gather3A_1218 : vector<16xf32>
        tpu.vector_store_idx %arg9[%add3A_1215], %add3A_1219 : memref<8192xf32, #tpu.memory_space<vmem>>[vector<16xi32>], vector<16xf32>,
        %add3A_1220 = vector.broadcast %add3A_1083 : i32 to vector<16xi32>
        %add3A_1221 = arith.addi %add3A_117, %add3A_1220 : vector<16xi32>
        %broadcast_in_dim3A_1222 = vector.shape_cast %and3A_54 : vector<16xi32> to vector<16x1xi32>
        %gather3A_1223 = vector.shape_cast %broadcast_in_dim3A_1222 : vector<16x1xi32> to vector<16xi32>
        %gather3A_1224 = tpu.dynamic_gather %get3A_362[%gather3A_1223] in [0] : vector<16xf32>, vector<16xi32> -> vector<16xf32>
        %add3A_1225 = arith.addf %gather3A_1135, %gather3A_1224 : vector<16xf32>
        tpu.vector_store_idx %arg9[%add3A_1221], %add3A_1225 : memref<8192xf32, #tpu.memory_space<vmem>>[vector<16xi32>], vector<16xf32>,
        %add3A_1226 = vector.broadcast %add3A_1083 : i32 to vector<16xi32>
        %add3A_1227 = arith.addi %add3A_121, %add3A_1226 : vector<16xi32>
        %broadcast_in_dim3A_1228 = vector.shape_cast %and3A_58 : vector<16xi32> to vector<16x1xi32>
        %gather3A_1229 = vector.shape_cast %broadcast_in_dim3A_1228 : vector<16x1xi32> to vector<16xi32>
        %gather3A_1230 = tpu.dynamic_gather %get3A_362[%gather3A_1229] in [0] : vector<16xf32>, vector<16xi32> -> vector<16xf32>
        %add3A_1231 = arith.addf %gather3A_1139, %gather3A_1230 : vector<16xf32>
        tpu.vector_store_idx %arg9[%add3A_1227], %add3A_1231 : memref<8192xf32, #tpu.memory_space<vmem>>[vector<16xi32>], vector<16xf32>,
        %add3A_1232 = vector.broadcast %add3A_1083 : i32 to vector<16xi32>
        %add3A_1233 = arith.addi %add3A_125, %add3A_1232 : vector<16xi32>
        %broadcast_in_dim3A_1234 = vector.shape_cast %and3A_62 : vector<16xi32> to vector<16x1xi32>
        %gather3A_1235 = vector.shape_cast %broadcast_in_dim3A_1234 : vector<16x1xi32> to vector<16xi32>
        %gather3A_1236 = tpu.dynamic_gather %get3A_362[%gather3A_1235] in [0] : vector<16xf32>, vector<16xi32> -> vector<16xf32>
        %add3A_1237 = arith.addf %gather3A_1143, %gather3A_1236 : vector<16xf32>
        tpu.vector_store_idx %arg9[%add3A_1233], %add3A_1237 : memref<8192xf32, #tpu.memory_space<vmem>>[vector<16xi32>], vector<16xf32>,
        %add3A_1238 = vector.broadcast %add3A_1083 : i32 to vector<16xi32>
        %add3A_1239 = arith.addi %add3A_129, %add3A_1238 : vector<16xi32>
        %broadcast_in_dim3A_1240 = vector.shape_cast %and3A_66 : vector<16xi32> to vector<16x1xi32>
        %gather3A_1241 = vector.shape_cast %broadcast_in_dim3A_1240 : vector<16x1xi32> to vector<16xi32>
        %gather3A_1242 = tpu.dynamic_gather %get3A_362[%gather3A_1241] in [0] : vector<16xf32>, vector<16xi32> -> vector<16xf32>
        %add3A_1243 = arith.addf %gather3A_1147, %gather3A_1242 : vector<16xf32>
        tpu.vector_store_idx %arg9[%add3A_1239], %add3A_1243 : memref<8192xf32, #tpu.memory_space<vmem>>[vector<16xi32>], vector<16xf32>,
      }
      %scan3A_368 = arith.constant 8 : i32
      %dma_start3A_369 = arith.constant 0 : i32
      %dma_start3A_370 = arith.constant 0 : i32
      %dma_start3A_371 = tpu.memref_slice %arg9[%dma_start3A_370] : memref<8192xf32, #tpu.memory_space<vmem>> -> memref<1024xf32, #tpu.memory_space<vmem>>
      %dma_start3A_372 = arith.constant 0 : i32
      %dma_start3A_373 = tpu.memref_slice %arg5[%add3A_336, %dma_start3A_369, %add3A, %dma_start3A_372] : memref<200x8x32x1024xf32, #tpu.memory_space<hbm>> -> memref<1x1x1x1024xf32, #tpu.memory_space<hbm>>
      %dma_start3A_374 = tpu.memref_squeeze %dma_start3A_373 : memref<1x1x1x1024xf32, #tpu.memory_space<hbm>> -> memref<1024xf32, #tpu.memory_space<hbm>>
      %dma_start3A_375 = arith.constant 0 : i32
      %dma_start3A_376 = tpu.memref_slice %arg5[%add3A_336, %dma_start3A_369, %add3A, %dma_start3A_375] : memref<200x8x32x1024xf32, #tpu.memory_space<hbm>> -> memref<1x1x1x1024xf32, #tpu.memory_space<hbm>>
      %dma_start3A_377 = tpu.memref_squeeze %dma_start3A_376 : memref<1x1x1x1024xf32, #tpu.memory_space<hbm>> -> memref<1024xf32, #tpu.memory_space<hbm>>
      %dma_start3A_378 = arith.constant 0 : i32
      %dma_start3A_379 = tpu.memref_slice %arg9[%dma_start3A_378] : memref<8192xf32, #tpu.memory_space<vmem>> -> memref<1024xf32, #tpu.memory_space<vmem>>
      tpu.enqueue_dma source(%dma_start3A_379 : memref<1024xf32, #tpu.memory_space<vmem>>) target(%dma_start3A_377 : memref<1024xf32, #tpu.memory_space<hbm>>) target_semaphore(%arg14 : memref<!tpu.dma_semaphore, #tpu.memory_space<semaphore_mem>>)
      %dma_start3A_380 = arith.constant 1 : i32
      %dma_start3A_381 = arith.constant 1024 : i32
      %dma_start3A_382 = tpu.memref_slice %arg9[%dma_start3A_381] : memref<8192xf32, #tpu.memory_space<vmem>> -> memref<1024xf32, #tpu.memory_space<vmem>>
      %dma_start3A_383 = arith.constant 0 : i32
      %dma_start3A_384 = tpu.memref_slice %arg5[%add3A_336, %dma_start3A_380, %add3A, %dma_start3A_383] : memref<200x8x32x1024xf32, #tpu.memory_space<hbm>> -> memref<1x1x1x1024xf32, #tpu.memory_space<hbm>>
      %dma_start3A_385 = tpu.memref_squeeze %dma_start3A_384 : memref<1x1x1x1024xf32, #tpu.memory_space<hbm>> -> memref<1024xf32, #tpu.memory_space<hbm>>
      %dma_start3A_386 = arith.constant 0 : i32
      %dma_start3A_387 = tpu.memref_slice %arg5[%add3A_336, %dma_start3A_380, %add3A, %dma_start3A_386] : memref<200x8x32x1024xf32, #tpu.memory_space<hbm>> -> memref<1x1x1x1024xf32, #tpu.memory_space<hbm>>
      %dma_start3A_388 = tpu.memref_squeeze %dma_start3A_387 : memref<1x1x1x1024xf32, #tpu.memory_space<hbm>> -> memref<1024xf32, #tpu.memory_space<hbm>>
      %dma_start3A_389 = arith.constant 1024 : i32
      %dma_start3A_390 = tpu.memref_slice %arg9[%dma_start3A_389] : memref<8192xf32, #tpu.memory_space<vmem>> -> memref<1024xf32, #tpu.memory_space<vmem>>
      tpu.enqueue_dma source(%dma_start3A_390 : memref<1024xf32, #tpu.memory_space<vmem>>) target(%dma_start3A_388 : memref<1024xf32, #tpu.memory_space<hbm>>) target_semaphore(%arg14 : memref<!tpu.dma_semaphore, #tpu.memory_space<semaphore_mem>>)
      %dma_start3A_391 = arith.constant 2 : i32
      %dma_start3A_392 = arith.constant 2048 : i32
      %dma_start3A_393 = tpu.memref_slice %arg9[%dma_start3A_392] : memref<8192xf32, #tpu.memory_space<vmem>> -> memref<1024xf32, #tpu.memory_space<vmem>>
      %dma_start3A_394 = arith.constant 0 : i32
      %dma_start3A_395 = tpu.memref_slice %arg5[%add3A_336, %dma_start3A_391, %add3A, %dma_start3A_394] : memref<200x8x32x1024xf32, #tpu.memory_space<hbm>> -> memref<1x1x1x1024xf32, #tpu.memory_space<hbm>>
      %dma_start3A_396 = tpu.memref_squeeze %dma_start3A_395 : memref<1x1x1x1024xf32, #tpu.memory_space<hbm>> -> memref<1024xf32, #tpu.memory_space<hbm>>
      %dma_start3A_397 = arith.constant 0 : i32
      %dma_start3A_398 = tpu.memref_slice %arg5[%add3A_336, %dma_start3A_391, %add3A, %dma_start3A_397] : memref<200x8x32x1024xf32, #tpu.memory_space<hbm>> -> memref<1x1x1x1024xf32, #tpu.memory_space<hbm>>
      %dma_start3A_399 = tpu.memref_squeeze %dma_start3A_398 : memref<1x1x1x1024xf32, #tpu.memory_space<hbm>> -> memref<1024xf32, #tpu.memory_space<hbm>>
      %dma_start3A_400 = arith.constant 2048 : i32
      %dma_start3A_401 = tpu.memref_slice %arg9[%dma_start3A_400] : memref<8192xf32, #tpu.memory_space<vmem>> -> memref<1024xf32, #tpu.memory_space<vmem>>
      tpu.enqueue_dma source(%dma_start3A_401 : memref<1024xf32, #tpu.memory_space<vmem>>) target(%dma_start3A_399 : memref<1024xf32, #tpu.memory_space<hbm>>) target_semaphore(%arg14 : memref<!tpu.dma_semaphore, #tpu.memory_space<semaphore_mem>>)
      %dma_start3A_402 = arith.constant 3 : i32
      %dma_start3A_403 = arith.constant 3072 : i32
      %dma_start3A_404 = tpu.memref_slice %arg9[%dma_start3A_403] : memref<8192xf32, #tpu.memory_space<vmem>> -> memref<1024xf32, #tpu.memory_space<vmem>>
      %dma_start3A_405 = arith.constant 0 : i32
      %dma_start3A_406 = tpu.memref_slice %arg5[%add3A_336, %dma_start3A_402, %add3A, %dma_start3A_405] : memref<200x8x32x1024xf32, #tpu.memory_space<hbm>> -> memref<1x1x1x1024xf32, #tpu.memory_space<hbm>>
      %dma_start3A_407 = tpu.memref_squeeze %dma_start3A_406 : memref<1x1x1x1024xf32, #tpu.memory_space<hbm>> -> memref<1024xf32, #tpu.memory_space<hbm>>
      %dma_start3A_408 = arith.constant 0 : i32
      %dma_start3A_409 = tpu.memref_slice %arg5[%add3A_336, %dma_start3A_402, %add3A, %dma_start3A_408] : memref<200x8x32x1024xf32, #tpu.memory_space<hbm>> -> memref<1x1x1x1024xf32, #tpu.memory_space<hbm>>
      %dma_start3A_410 = tpu.memref_squeeze %dma_start3A_409 : memref<1x1x1x1024xf32, #tpu.memory_space<hbm>> -> memref<1024xf32, #tpu.memory_space<hbm>>
      %dma_start3A_411 = arith.constant 3072 : i32
      %dma_start3A_412 = tpu.memref_slice %arg9[%dma_start3A_411] : memref<8192xf32, #tpu.memory_space<vmem>> -> memref<1024xf32, #tpu.memory_space<vmem>>
      tpu.enqueue_dma source(%dma_start3A_412 : memref<1024xf32, #tpu.memory_space<vmem>>) target(%dma_start3A_410 : memref<1024xf32, #tpu.memory_space<hbm>>) target_semaphore(%arg14 : memref<!tpu.dma_semaphore, #tpu.memory_space<semaphore_mem>>)
      %dma_start3A_413 = arith.constant 4 : i32
      %dma_start3A_414 = arith.constant 4096 : i32
      %dma_start3A_415 = tpu.memref_slice %arg9[%dma_start3A_414] : memref<8192xf32, #tpu.memory_space<vmem>> -> memref<1024xf32, #tpu.memory_space<vmem>>
      %dma_start3A_416 = arith.constant 0 : i32
      %dma_start3A_417 = tpu.memref_slice %arg5[%add3A_336, %dma_start3A_413, %add3A, %dma_start3A_416] : memref<200x8x32x1024xf32, #tpu.memory_space<hbm>> -> memref<1x1x1x1024xf32, #tpu.memory_space<hbm>>
      %dma_start3A_418 = tpu.memref_squeeze %dma_start3A_417 : memref<1x1x1x1024xf32, #tpu.memory_space<hbm>> -> memref<1024xf32, #tpu.memory_space<hbm>>
      %dma_start3A_419 = arith.constant 0 : i32
      %dma_start3A_420 = tpu.memref_slice %arg5[%add3A_336, %dma_start3A_413, %add3A, %dma_start3A_419] : memref<200x8x32x1024xf32, #tpu.memory_space<hbm>> -> memref<1x1x1x1024xf32, #tpu.memory_space<hbm>>
      %dma_start3A_421 = tpu.memref_squeeze %dma_start3A_420 : memref<1x1x1x1024xf32, #tpu.memory_space<hbm>> -> memref<1024xf32, #tpu.memory_space<hbm>>
      %dma_start3A_422 = arith.constant 4096 : i32
      %dma_start3A_423 = tpu.memref_slice %arg9[%dma_start3A_422] : memref<8192xf32, #tpu.memory_space<vmem>> -> memref<1024xf32, #tpu.memory_space<vmem>>
      tpu.enqueue_dma source(%dma_start3A_423 : memref<1024xf32, #tpu.memory_space<vmem>>) target(%dma_start3A_421 : memref<1024xf32, #tpu.memory_space<hbm>>) target_semaphore(%arg14 : memref<!tpu.dma_semaphore, #tpu.memory_space<semaphore_mem>>)
      %dma_start3A_424 = arith.constant 5 : i32
      %dma_start3A_425 = arith.constant 5120 : i32
      %dma_start3A_426 = tpu.memref_slice %arg9[%dma_start3A_425] : memref<8192xf32, #tpu.memory_space<vmem>> -> memref<1024xf32, #tpu.memory_space<vmem>>
      %dma_start3A_427 = arith.constant 0 : i32
      %dma_start3A_428 = tpu.memref_slice %arg5[%add3A_336, %dma_start3A_424, %add3A, %dma_start3A_427] : memref<200x8x32x1024xf32, #tpu.memory_space<hbm>> -> memref<1x1x1x1024xf32, #tpu.memory_space<hbm>>
      %dma_start3A_429 = tpu.memref_squeeze %dma_start3A_428 : memref<1x1x1x1024xf32, #tpu.memory_space<hbm>> -> memref<1024xf32, #tpu.memory_space<hbm>>
      %dma_start3A_430 = arith.constant 0 : i32
      %dma_start3A_431 = tpu.memref_slice %arg5[%add3A_336, %dma_start3A_424, %add3A, %dma_start3A_430] : memref<200x8x32x1024xf32, #tpu.memory_space<hbm>> -> memref<1x1x1x1024xf32, #tpu.memory_space<hbm>>
      %dma_start3A_432 = tpu.memref_squeeze %dma_start3A_431 : memref<1x1x1x1024xf32, #tpu.memory_space<hbm>> -> memref<1024xf32, #tpu.memory_space<hbm>>
      %dma_start3A_433 = arith.constant 5120 : i32
      %dma_start3A_434 = tpu.memref_slice %arg9[%dma_start3A_433] : memref<8192xf32, #tpu.memory_space<vmem>> -> memref<1024xf32, #tpu.memory_space<vmem>>
      tpu.enqueue_dma source(%dma_start3A_434 : memref<1024xf32, #tpu.memory_space<vmem>>) target(%dma_start3A_432 : memref<1024xf32, #tpu.memory_space<hbm>>) target_semaphore(%arg14 : memref<!tpu.dma_semaphore, #tpu.memory_space<semaphore_mem>>)
      %dma_start3A_435 = arith.constant 6 : i32
      %dma_start3A_436 = arith.constant 6144 : i32
      %dma_start3A_437 = tpu.memref_slice %arg9[%dma_start3A_436] : memref<8192xf32, #tpu.memory_space<vmem>> -> memref<1024xf32, #tpu.memory_space<vmem>>
      %dma_start3A_438 = arith.constant 0 : i32
      %dma_start3A_439 = tpu.memref_slice %arg5[%add3A_336, %dma_start3A_435, %add3A, %dma_start3A_438] : memref<200x8x32x1024xf32, #tpu.memory_space<hbm>> -> memref<1x1x1x1024xf32, #tpu.memory_space<hbm>>
      %dma_start3A_440 = tpu.memref_squeeze %dma_start3A_439 : memref<1x1x1x1024xf32, #tpu.memory_space<hbm>> -> memref<1024xf32, #tpu.memory_space<hbm>>
      %dma_start3A_441 = arith.constant 0 : i32
      %dma_start3A_442 = tpu.memref_slice %arg5[%add3A_336, %dma_start3A_435, %add3A, %dma_start3A_441] : memref<200x8x32x1024xf32, #tpu.memory_space<hbm>> -> memref<1x1x1x1024xf32, #tpu.memory_space<hbm>>
      %dma_start3A_443 = tpu.memref_squeeze %dma_start3A_442 : memref<1x1x1x1024xf32, #tpu.memory_space<hbm>> -> memref<1024xf32, #tpu.memory_space<hbm>>
      %dma_start3A_444 = arith.constant 6144 : i32
      %dma_start3A_445 = tpu.memref_slice %arg9[%dma_start3A_444] : memref<8192xf32, #tpu.memory_space<vmem>> -> memref<1024xf32, #tpu.memory_space<vmem>>
      tpu.enqueue_dma source(%dma_start3A_445 : memref<1024xf32, #tpu.memory_space<vmem>>) target(%dma_start3A_443 : memref<1024xf32, #tpu.memory_space<hbm>>) target_semaphore(%arg14 : memref<!tpu.dma_semaphore, #tpu.memory_space<semaphore_mem>>)
      %dma_start3A_446 = arith.constant 7 : i32
      %dma_start3A_447 = arith.constant 7168 : i32
      %dma_start3A_448 = tpu.memref_slice %arg9[%dma_start3A_447] : memref<8192xf32, #tpu.memory_space<vmem>> -> memref<1024xf32, #tpu.memory_space<vmem>>
      %dma_start3A_449 = arith.constant 0 : i32
      %dma_start3A_450 = tpu.memref_slice %arg5[%add3A_336, %dma_start3A_446, %add3A, %dma_start3A_449] : memref<200x8x32x1024xf32, #tpu.memory_space<hbm>> -> memref<1x1x1x1024xf32, #tpu.memory_space<hbm>>
      %dma_start3A_451 = tpu.memref_squeeze %dma_start3A_450 : memref<1x1x1x1024xf32, #tpu.memory_space<hbm>> -> memref<1024xf32, #tpu.memory_space<hbm>>
      %dma_start3A_452 = arith.constant 0 : i32
      %dma_start3A_453 = tpu.memref_slice %arg5[%add3A_336, %dma_start3A_446, %add3A, %dma_start3A_452] : memref<200x8x32x1024xf32, #tpu.memory_space<hbm>> -> memref<1x1x1x1024xf32, #tpu.memory_space<hbm>>
      %dma_start3A_454 = tpu.memref_squeeze %dma_start3A_453 : memref<1x1x1x1024xf32, #tpu.memory_space<hbm>> -> memref<1024xf32, #tpu.memory_space<hbm>>
      %dma_start3A_455 = arith.constant 7168 : i32
      %dma_start3A_456 = tpu.memref_slice %arg9[%dma_start3A_455] : memref<8192xf32, #tpu.memory_space<vmem>> -> memref<1024xf32, #tpu.memory_space<vmem>>
      tpu.enqueue_dma source(%dma_start3A_456 : memref<1024xf32, #tpu.memory_space<vmem>>) target(%dma_start3A_454 : memref<1024xf32, #tpu.memory_space<hbm>>) target_semaphore(%arg14 : memref<!tpu.dma_semaphore, #tpu.memory_space<semaphore_mem>>)
      %mul3A_457 = arith.constant 2 : i32
      %mul3A_458 = arith.muli %mul3A_457, %scan3A_332 : i32
      %add3A_459 = arith.constant 1 : i32
      %add3A_460 = arith.addi %mul3A_458, %add3A_459 : i32
      %add3A_461 = arith.constant 1 : i32
      %add3A_462 = arith.addi %add3A_460, %add3A_461 : i32
      %lt3A_463 = arith.constant 200 : i32
      %lt3A_464 = arith.cmpi slt, %add3A_462, %lt3A_463 : i32
      %convert_element_type3A_465 = arith.extui %lt3A_464 : i1 to i32
      %cond3A_466 = arith.constant 0 : i32
      %cond3A_467 = arith.cmpi ne, %convert_element_type3A_465, %cond3A_466 : i32
      scf.if %cond3A_467 {
        %dma_start3A_586 = arith.constant 0 : i32
        %dma_start3A_587 = tpu.memref_slice %arg6[%add3A_462, %dma_start3A_586] : memref<200x128xi32, #tpu.memory_space<vmem>> -> memref<1x128xi32, #tpu.memory_space<vmem>>
        %dma_start3A_588 = tpu.memref_squeeze %dma_start3A_587 : memref<1x128xi32, #tpu.memory_space<vmem>> -> memref<128xi32, #tpu.memory_space<vmem>>
        %dma_start3A_589 = arith.constant 0 : i32
        %dma_start3A_590 = arith.constant 0 : i32
        %dma_start3A_591 = tpu.memref_slice %arg3[%dma_start3A_589, %dma_start3A_590] : memref<100000x64xf32, #tpu.memory_space<hbm>> -> memref<100000x64xf32, #tpu.memory_space<hbm>>
        tpu.enqueue_indirect_dma source(%dma_start3A_591 : memref<100000x64xf32, #tpu.memory_space<hbm>>) target(%arg7 : memref<128x64xf32, #tpu.memory_space<vmem>>) offsets(%dma_start3A_588 : memref<128xi32, #tpu.memory_space<vmem>>) semaphore(%arg12 : memref<!tpu.dma_semaphore, #tpu.memory_space<semaphore_mem>>)
      } else {
      }
      %dma_wait3A_468 = arith.constant 0 : i32
      %dma_wait3A_469 = arith.constant 0 : i32
      %dma_wait3A_470 = tpu.memref_slice %arg6[%dma_wait3A_468, %dma_wait3A_469] : memref<200x128xi32, #tpu.memory_space<vmem>> -> memref<1x128xi32, #tpu.memory_space<vmem>>
      %dma_wait3A_471 = tpu.memref_squeeze %dma_wait3A_470 : memref<1x128xi32, #tpu.memory_space<vmem>> -> memref<128xi32, #tpu.memory_space<vmem>>
      %dma_wait3A_472 = arith.constant 0 : i32
      %dma_wait3A_473 = arith.constant 0 : i32
      %dma_wait3A_474 = tpu.memref_slice %arg3[%dma_wait3A_472, %dma_wait3A_473] : memref<100000x64xf32, #tpu.memory_space<hbm>> -> memref<100000x64xf32, #tpu.memory_space<hbm>>
      tpu.wait_indirect_dma semaphore(%arg13 : memref<!tpu.dma_semaphore, #tpu.memory_space<semaphore_mem>>) src(%dma_wait3A_474 : memref<100000x64xf32, #tpu.memory_space<hbm>>) dst(%arg8 : memref<128x64xf32, #tpu.memory_space<vmem>>)
      %ge3A_475 = arith.constant 2 : i32
      %ge3A_476 = arith.cmpi sge, %add3A_460, %ge3A_475 : i32
      %convert_element_type3A_477 = arith.extui %ge3A_476 : i1 to i32
      %cond3A_478 = arith.constant 0 : i32
      %cond3A_479 = arith.cmpi ne, %convert_element_type3A_477, %cond3A_478 : i32
      scf.if %cond3A_479 {
        %dma_wait3A_586 = arith.constant 0 : i32
        %dma_wait3A_587 = arith.constant 0 : i32
        %dma_wait3A_588 = arith.constant 0 : i32
        %dma_wait3A_589 = tpu.memref_slice %arg10[%dma_wait3A_588] : memref<8192xf32, #tpu.memory_space<vmem>> -> memref<1024xf32, #tpu.memory_space<vmem>>
        %dma_wait3A_590 = arith.constant 0 : i32
        %dma_wait3A_591 = tpu.memref_slice %arg5[%dma_wait3A_586, %dma_wait3A_587, %add3A, %dma_wait3A_590] : memref<200x8x32x1024xf32, #tpu.memory_space<hbm>> -> memref<1x1x1x1024xf32, #tpu.memory_space<hbm>>
        %dma_wait3A_592 = tpu.memref_squeeze %dma_wait3A_591 : memref<1x1x1x1024xf32, #tpu.memory_space<hbm>> -> memref<1024xf32, #tpu.memory_space<hbm>>
        %dma_wait3A_593 = arith.constant 0 : i32
        %dma_wait3A_594 = tpu.memref_slice %arg5[%dma_wait3A_586, %dma_wait3A_587, %add3A, %dma_wait3A_593] : memref<200x8x32x1024xf32, #tpu.memory_space<hbm>> -> memref<1x1x1x1024xf32, #tpu.memory_space<hbm>>
        %dma_wait3A_595 = tpu.memref_squeeze %dma_wait3A_594 : memref<1x1x1x1024xf32, #tpu.memory_space<hbm>> -> memref<1024xf32, #tpu.memory_space<hbm>>
        %dma_wait3A_596 = arith.constant 0 : i32
        %dma_wait3A_597 = tpu.memref_slice %arg10[%dma_wait3A_596] : memref<8192xf32, #tpu.memory_space<vmem>> -> memref<1024xf32, #tpu.memory_space<vmem>>
        tpu.wait_dma2 semaphore(%arg15 : memref<!tpu.dma_semaphore, #tpu.memory_space<semaphore_mem>>) src(%dma_wait3A_597 : memref<1024xf32, #tpu.memory_space<vmem>>) dst(%dma_wait3A_595 : memref<1024xf32, #tpu.memory_space<hbm>>)
        %dma_wait3A_598 = arith.constant 0 : i32
        %dma_wait3A_599 = arith.constant 1 : i32
        %dma_wait3A_600 = arith.constant 1024 : i32
        %dma_wait3A_601 = tpu.memref_slice %arg10[%dma_wait3A_600] : memref<8192xf32, #tpu.memory_space<vmem>> -> memref<1024xf32, #tpu.memory_space<vmem>>
        %dma_wait3A_602 = arith.constant 0 : i32
        %dma_wait3A_603 = tpu.memref_slice %arg5[%dma_wait3A_598, %dma_wait3A_599, %add3A, %dma_wait3A_602] : memref<200x8x32x1024xf32, #tpu.memory_space<hbm>> -> memref<1x1x1x1024xf32, #tpu.memory_space<hbm>>
        %dma_wait3A_604 = tpu.memref_squeeze %dma_wait3A_603 : memref<1x1x1x1024xf32, #tpu.memory_space<hbm>> -> memref<1024xf32, #tpu.memory_space<hbm>>
        %dma_wait3A_605 = arith.constant 0 : i32
        %dma_wait3A_606 = tpu.memref_slice %arg5[%dma_wait3A_598, %dma_wait3A_599, %add3A, %dma_wait3A_605] : memref<200x8x32x1024xf32, #tpu.memory_space<hbm>> -> memref<1x1x1x1024xf32, #tpu.memory_space<hbm>>
        %dma_wait3A_607 = tpu.memref_squeeze %dma_wait3A_606 : memref<1x1x1x1024xf32, #tpu.memory_space<hbm>> -> memref<1024xf32, #tpu.memory_space<hbm>>
        %dma_wait3A_608 = arith.constant 1024 : i32
        %dma_wait3A_609 = tpu.memref_slice %arg10[%dma_wait3A_608] : memref<8192xf32, #tpu.memory_space<vmem>> -> memref<1024xf32, #tpu.memory_space<vmem>>
        tpu.wait_dma2 semaphore(%arg15 : memref<!tpu.dma_semaphore, #tpu.memory_space<semaphore_mem>>) src(%dma_wait3A_609 : memref<1024xf32, #tpu.memory_space<vmem>>) dst(%dma_wait3A_607 : memref<1024xf32, #tpu.memory_space<hbm>>)
        %dma_wait3A_610 = arith.constant 0 : i32
        %dma_wait3A_611 = arith.constant 2 : i32
        %dma_wait3A_612 = arith.constant 2048 : i32
        %dma_wait3A_613 = tpu.memref_slice %arg10[%dma_wait3A_612] : memref<8192xf32, #tpu.memory_space<vmem>> -> memref<1024xf32, #tpu.memory_space<vmem>>
        %dma_wait3A_614 = arith.constant 0 : i32
        %dma_wait3A_615 = tpu.memref_slice %arg5[%dma_wait3A_610, %dma_wait3A_611, %add3A, %dma_wait3A_614] : memref<200x8x32x1024xf32, #tpu.memory_space<hbm>> -> memref<1x1x1x1024xf32, #tpu.memory_space<hbm>>
        %dma_wait3A_616 = tpu.memref_squeeze %dma_wait3A_615 : memref<1x1x1x1024xf32, #tpu.memory_space<hbm>> -> memref<1024xf32, #tpu.memory_space<hbm>>
        %dma_wait3A_617 = arith.constant 0 : i32
        %dma_wait3A_618 = tpu.memref_slice %arg5[%dma_wait3A_610, %dma_wait3A_611, %add3A, %dma_wait3A_617] : memref<200x8x32x1024xf32, #tpu.memory_space<hbm>> -> memref<1x1x1x1024xf32, #tpu.memory_space<hbm>>
        %dma_wait3A_619 = tpu.memref_squeeze %dma_wait3A_618 : memref<1x1x1x1024xf32, #tpu.memory_space<hbm>> -> memref<1024xf32, #tpu.memory_space<hbm>>
        %dma_wait3A_620 = arith.constant 2048 : i32
        %dma_wait3A_621 = tpu.memref_slice %arg10[%dma_wait3A_620] : memref<8192xf32, #tpu.memory_space<vmem>> -> memref<1024xf32, #tpu.memory_space<vmem>>
        tpu.wait_dma2 semaphore(%arg15 : memref<!tpu.dma_semaphore, #tpu.memory_space<semaphore_mem>>) src(%dma_wait3A_621 : memref<1024xf32, #tpu.memory_space<vmem>>) dst(%dma_wait3A_619 : memref<1024xf32, #tpu.memory_space<hbm>>)
        %dma_wait3A_622 = arith.constant 0 : i32
        %dma_wait3A_623 = arith.constant 3 : i32
        %dma_wait3A_624 = arith.constant 3072 : i32
        %dma_wait3A_625 = tpu.memref_slice %arg10[%dma_wait3A_624] : memref<8192xf32, #tpu.memory_space<vmem>> -> memref<1024xf32, #tpu.memory_space<vmem>>
        %dma_wait3A_626 = arith.constant 0 : i32
        %dma_wait3A_627 = tpu.memref_slice %arg5[%dma_wait3A_622, %dma_wait3A_623, %add3A, %dma_wait3A_626] : memref<200x8x32x1024xf32, #tpu.memory_space<hbm>> -> memref<1x1x1x1024xf32, #tpu.memory_space<hbm>>
        %dma_wait3A_628 = tpu.memref_squeeze %dma_wait3A_627 : memref<1x1x1x1024xf32, #tpu.memory_space<hbm>> -> memref<1024xf32, #tpu.memory_space<hbm>>
        %dma_wait3A_629 = arith.constant 0 : i32
        %dma_wait3A_630 = tpu.memref_slice %arg5[%dma_wait3A_622, %dma_wait3A_623, %add3A, %dma_wait3A_629] : memref<200x8x32x1024xf32, #tpu.memory_space<hbm>> -> memref<1x1x1x1024xf32, #tpu.memory_space<hbm>>
        %dma_wait3A_631 = tpu.memref_squeeze %dma_wait3A_630 : memref<1x1x1x1024xf32, #tpu.memory_space<hbm>> -> memref<1024xf32, #tpu.memory_space<hbm>>
        %dma_wait3A_632 = arith.constant 3072 : i32
        %dma_wait3A_633 = tpu.memref_slice %arg10[%dma_wait3A_632] : memref<8192xf32, #tpu.memory_space<vmem>> -> memref<1024xf32, #tpu.memory_space<vmem>>
        tpu.wait_dma2 semaphore(%arg15 : memref<!tpu.dma_semaphore, #tpu.memory_space<semaphore_mem>>) src(%dma_wait3A_633 : memref<1024xf32, #tpu.memory_space<vmem>>) dst(%dma_wait3A_631 : memref<1024xf32, #tpu.memory_space<hbm>>)
        %dma_wait3A_634 = arith.constant 0 : i32
        %dma_wait3A_635 = arith.constant 4 : i32
        %dma_wait3A_636 = arith.constant 4096 : i32
        %dma_wait3A_637 = tpu.memref_slice %arg10[%dma_wait3A_636] : memref<8192xf32, #tpu.memory_space<vmem>> -> memref<1024xf32, #tpu.memory_space<vmem>>
        %dma_wait3A_638 = arith.constant 0 : i32
        %dma_wait3A_639 = tpu.memref_slice %arg5[%dma_wait3A_634, %dma_wait3A_635, %add3A, %dma_wait3A_638] : memref<200x8x32x1024xf32, #tpu.memory_space<hbm>> -> memref<1x1x1x1024xf32, #tpu.memory_space<hbm>>
        %dma_wait3A_640 = tpu.memref_squeeze %dma_wait3A_639 : memref<1x1x1x1024xf32, #tpu.memory_space<hbm>> -> memref<1024xf32, #tpu.memory_space<hbm>>
        %dma_wait3A_641 = arith.constant 0 : i32
        %dma_wait3A_642 = tpu.memref_slice %arg5[%dma_wait3A_634, %dma_wait3A_635, %add3A, %dma_wait3A_641] : memref<200x8x32x1024xf32, #tpu.memory_space<hbm>> -> memref<1x1x1x1024xf32, #tpu.memory_space<hbm>>
        %dma_wait3A_643 = tpu.memref_squeeze %dma_wait3A_642 : memref<1x1x1x1024xf32, #tpu.memory_space<hbm>> -> memref<1024xf32, #tpu.memory_space<hbm>>
        %dma_wait3A_644 = arith.constant 4096 : i32
        %dma_wait3A_645 = tpu.memref_slice %arg10[%dma_wait3A_644] : memref<8192xf32, #tpu.memory_space<vmem>> -> memref<1024xf32, #tpu.memory_space<vmem>>
        tpu.wait_dma2 semaphore(%arg15 : memref<!tpu.dma_semaphore, #tpu.memory_space<semaphore_mem>>) src(%dma_wait3A_645 : memref<1024xf32, #tpu.memory_space<vmem>>) dst(%dma_wait3A_643 : memref<1024xf32, #tpu.memory_space<hbm>>)
        %dma_wait3A_646 = arith.constant 0 : i32
        %dma_wait3A_647 = arith.constant 5 : i32
        %dma_wait3A_648 = arith.constant 5120 : i32
        %dma_wait3A_649 = tpu.memref_slice %arg10[%dma_wait3A_648] : memref<8192xf32, #tpu.memory_space<vmem>> -> memref<1024xf32, #tpu.memory_space<vmem>>
        %dma_wait3A_650 = arith.constant 0 : i32
        %dma_wait3A_651 = tpu.memref_slice %arg5[%dma_wait3A_646, %dma_wait3A_647, %add3A, %dma_wait3A_650] : memref<200x8x32x1024xf32, #tpu.memory_space<hbm>> -> memref<1x1x1x1024xf32, #tpu.memory_space<hbm>>
        %dma_wait3A_652 = tpu.memref_squeeze %dma_wait3A_651 : memref<1x1x1x1024xf32, #tpu.memory_space<hbm>> -> memref<1024xf32, #tpu.memory_space<hbm>>
        %dma_wait3A_653 = arith.constant 0 : i32
        %dma_wait3A_654 = tpu.memref_slice %arg5[%dma_wait3A_646, %dma_wait3A_647, %add3A, %dma_wait3A_653] : memref<200x8x32x1024xf32, #tpu.memory_space<hbm>> -> memref<1x1x1x1024xf32, #tpu.memory_space<hbm>>
        %dma_wait3A_655 = tpu.memref_squeeze %dma_wait3A_654 : memref<1x1x1x1024xf32, #tpu.memory_space<hbm>> -> memref<1024xf32, #tpu.memory_space<hbm>>
        %dma_wait3A_656 = arith.constant 5120 : i32
        %dma_wait3A_657 = tpu.memref_slice %arg10[%dma_wait3A_656] : memref<8192xf32, #tpu.memory_space<vmem>> -> memref<1024xf32, #tpu.memory_space<vmem>>
        tpu.wait_dma2 semaphore(%arg15 : memref<!tpu.dma_semaphore, #tpu.memory_space<semaphore_mem>>) src(%dma_wait3A_657 : memref<1024xf32, #tpu.memory_space<vmem>>) dst(%dma_wait3A_655 : memref<1024xf32, #tpu.memory_space<hbm>>)
        %dma_wait3A_658 = arith.constant 0 : i32
        %dma_wait3A_659 = arith.constant 6 : i32
        %dma_wait3A_660 = arith.constant 6144 : i32
        %dma_wait3A_661 = tpu.memref_slice %arg10[%dma_wait3A_660] : memref<8192xf32, #tpu.memory_space<vmem>> -> memref<1024xf32, #tpu.memory_space<vmem>>
        %dma_wait3A_662 = arith.constant 0 : i32
        %dma_wait3A_663 = tpu.memref_slice %arg5[%dma_wait3A_658, %dma_wait3A_659, %add3A, %dma_wait3A_662] : memref<200x8x32x1024xf32, #tpu.memory_space<hbm>> -> memref<1x1x1x1024xf32, #tpu.memory_space<hbm>>
        %dma_wait3A_664 = tpu.memref_squeeze %dma_wait3A_663 : memref<1x1x1x1024xf32, #tpu.memory_space<hbm>> -> memref<1024xf32, #tpu.memory_space<hbm>>
        %dma_wait3A_665 = arith.constant 0 : i32
        %dma_wait3A_666 = tpu.memref_slice %arg5[%dma_wait3A_658, %dma_wait3A_659, %add3A, %dma_wait3A_665] : memref<200x8x32x1024xf32, #tpu.memory_space<hbm>> -> memref<1x1x1x1024xf32, #tpu.memory_space<hbm>>
        %dma_wait3A_667 = tpu.memref_squeeze %dma_wait3A_666 : memref<1x1x1x1024xf32, #tpu.memory_space<hbm>> -> memref<1024xf32, #tpu.memory_space<hbm>>
        %dma_wait3A_668 = arith.constant 6144 : i32
        %dma_wait3A_669 = tpu.memref_slice %arg10[%dma_wait3A_668] : memref<8192xf32, #tpu.memory_space<vmem>> -> memref<1024xf32, #tpu.memory_space<vmem>>
        tpu.wait_dma2 semaphore(%arg15 : memref<!tpu.dma_semaphore, #tpu.memory_space<semaphore_mem>>) src(%dma_wait3A_669 : memref<1024xf32, #tpu.memory_space<vmem>>) dst(%dma_wait3A_667 : memref<1024xf32, #tpu.memory_space<hbm>>)
        %dma_wait3A_670 = arith.constant 0 : i32
        %dma_wait3A_671 = arith.constant 7 : i32
        %dma_wait3A_672 = arith.constant 7168 : i32
        %dma_wait3A_673 = tpu.memref_slice %arg10[%dma_wait3A_672] : memref<8192xf32, #tpu.memory_space<vmem>> -> memref<1024xf32, #tpu.memory_space<vmem>>
        %dma_wait3A_674 = arith.constant 0 : i32
        %dma_wait3A_675 = tpu.memref_slice %arg5[%dma_wait3A_670, %dma_wait3A_671, %add3A, %dma_wait3A_674] : memref<200x8x32x1024xf32, #tpu.memory_space<hbm>> -> memref<1x1x1x1024xf32, #tpu.memory_space<hbm>>
        %dma_wait3A_676 = tpu.memref_squeeze %dma_wait3A_675 : memref<1x1x1x1024xf32, #tpu.memory_space<hbm>> -> memref<1024xf32, #tpu.memory_space<hbm>>
        %dma_wait3A_677 = arith.constant 0 : i32
        %dma_wait3A_678 = tpu.memref_slice %arg5[%dma_wait3A_670, %dma_wait3A_671, %add3A, %dma_wait3A_677] : memref<200x8x32x1024xf32, #tpu.memory_space<hbm>> -> memref<1x1x1x1024xf32, #tpu.memory_space<hbm>>
        %dma_wait3A_679 = tpu.memref_squeeze %dma_wait3A_678 : memref<1x1x1x1024xf32, #tpu.memory_space<hbm>> -> memref<1024xf32, #tpu.memory_space<hbm>>
        %dma_wait3A_680 = arith.constant 7168 : i32
        %dma_wait3A_681 = tpu.memref_slice %arg10[%dma_wait3A_680] : memref<8192xf32, #tpu.memory_space<vmem>> -> memref<1024xf32, #tpu.memory_space<vmem>>
        tpu.wait_dma2 semaphore(%arg15 : memref<!tpu.dma_semaphore, #tpu.memory_space<semaphore_mem>>) src(%dma_wait3A_681 : memref<1024xf32, #tpu.memory_space<vmem>>) dst(%dma_wait3A_679 : memref<1024xf32, #tpu.memory_space<hbm>>)
      } else {
      }
      %get3A_480 = arith.index_cast %add3A_460 : i32 to index
      %get3A_481 = arith.constant 0 : index
      %get3A_482 = tpu.vector_load %arg11[%get3A_480, %get3A_481] {strides = array<i32>} : memref<200x64xf32, #tpu.memory_space<vmem>>, vector<16xf32>,
      %get3A_483 = arith.index_cast %add3A_460 : i32 to index
      %get3A_484 = arith.constant 16 : index
      %get3A_485 = tpu.vector_load %arg11[%get3A_483, %get3A_484] {strides = array<i32>} : memref<200x64xf32, #tpu.memory_space<vmem>>, vector<16xf32>,
      %get3A_486 = arith.index_cast %add3A_460 : i32 to index
      %get3A_487 = arith.constant 32 : index
      %get3A_488 = tpu.vector_load %arg11[%get3A_486, %get3A_487] {strides = array<i32>} : memref<200x64xf32, #tpu.memory_space<vmem>>, vector<16xf32>,
      %get3A_489 = arith.index_cast %add3A_460 : i32 to index
      %get3A_490 = arith.constant 48 : index
      %get3A_491 = tpu.vector_load %arg11[%get3A_489, %get3A_490] {strides = array<i32>} : memref<200x64xf32, #tpu.memory_space<vmem>>, vector<16xf32>,
      %scan3A_492 = arith.constant 0 : i32
      %scan3A_493 = arith.constant 0 : i32
      %scan3A_494 = arith.constant 8 : i32
      %scan3A_495 = arith.addi %scan3A_493, %scan3A_494 : i32
      %scan3A_496 = arith.constant 1 : i32
      scf.for %scan3A_586 = %scan3A_493 to %scan3A_495 step %scan3A_496  : i32 {
        %mul3A_587 = arith.constant 16 : i32
        %mul3A_588 = arith.muli %scan3A_586, %mul3A_587 : i32
        %add3A_589 = vector.broadcast %mul3A_588 : i32 to vector<16xi32>
        %add3A_590 = arith.addi %iota3A, %add3A_589 : vector<16xi32>
        %add3A_591 = arith.constant 0 : i32
        %add3A_592 = arith.addi %add3A_591, %mul3A_588 : i32
        %add3A_593 = arith.constant 0 : i32
        %add3A_594 = vector.broadcast %add3A_593 : i32 to vector<16xi32>
        %add3A_595 = arith.addi %and3A, %add3A_594 : vector<16xi32>
        %gather3A = tpu.vector_load_idx %arg8[%add3A_590, %add3A_595] : memref<128x64xf32, #tpu.memory_space<vmem>>[vector<16xi32>, vector<16xi32>], vector<16xf32>,
        %add3A_596 = arith.constant 0 : i32
        %add3A_597 = vector.broadcast %add3A_596 : i32 to vector<16xi32>
        %add3A_598 = arith.addi %and3A_10, %add3A_597 : vector<16xi32>
        %gather3A_599 = tpu.vector_load_idx %arg8[%add3A_590, %add3A_598] : memref<128x64xf32, #tpu.memory_space<vmem>>[vector<16xi32>, vector<16xi32>], vector<16xf32>,
        %add3A_600 = arith.constant 0 : i32
        %add3A_601 = vector.broadcast %add3A_600 : i32 to vector<16xi32>
        %add3A_602 = arith.addi %and3A_14, %add3A_601 : vector<16xi32>
        %gather3A_603 = tpu.vector_load_idx %arg8[%add3A_590, %add3A_602] : memref<128x64xf32, #tpu.memory_space<vmem>>[vector<16xi32>, vector<16xi32>], vector<16xf32>,
        %add3A_604 = arith.constant 0 : i32
        %add3A_605 = vector.broadcast %add3A_604 : i32 to vector<16xi32>
        %add3A_606 = arith.addi %and3A_18, %add3A_605 : vector<16xi32>
        %gather3A_607 = tpu.vector_load_idx %arg8[%add3A_590, %add3A_606] : memref<128x64xf32, #tpu.memory_space<vmem>>[vector<16xi32>, vector<16xi32>], vector<16xf32>,
        %add3A_608 = arith.constant 0 : i32
        %add3A_609 = vector.broadcast %add3A_608 : i32 to vector<16xi32>
        %add3A_610 = arith.addi %and3A_22, %add3A_609 : vector<16xi32>
        %gather3A_611 = tpu.vector_load_idx %arg8[%add3A_590, %add3A_610] : memref<128x64xf32, #tpu.memory_space<vmem>>[vector<16xi32>, vector<16xi32>], vector<16xf32>,
        %add3A_612 = arith.constant 0 : i32
        %add3A_613 = vector.broadcast %add3A_612 : i32 to vector<16xi32>
        %add3A_614 = arith.addi %and3A_26, %add3A_613 : vector<16xi32>
        %gather3A_615 = tpu.vector_load_idx %arg8[%add3A_590, %add3A_614] : memref<128x64xf32, #tpu.memory_space<vmem>>[vector<16xi32>, vector<16xi32>], vector<16xf32>,
        %add3A_616 = arith.constant 0 : i32
        %add3A_617 = vector.broadcast %add3A_616 : i32 to vector<16xi32>
        %add3A_618 = arith.addi %and3A_30, %add3A_617 : vector<16xi32>
        %gather3A_619 = tpu.vector_load_idx %arg8[%add3A_590, %add3A_618] : memref<128x64xf32, #tpu.memory_space<vmem>>[vector<16xi32>, vector<16xi32>], vector<16xf32>,
        %add3A_620 = arith.constant 0 : i32
        %add3A_621 = vector.broadcast %add3A_620 : i32 to vector<16xi32>
        %add3A_622 = arith.addi %and3A_34, %add3A_621 : vector<16xi32>
        %gather3A_623 = tpu.vector_load_idx %arg8[%add3A_590, %add3A_622] : memref<128x64xf32, #tpu.memory_space<vmem>>[vector<16xi32>, vector<16xi32>], vector<16xf32>,
        %add3A_624 = arith.constant 0 : i32
        %add3A_625 = vector.broadcast %add3A_624 : i32 to vector<16xi32>
        %add3A_626 = arith.addi %and3A_38, %add3A_625 : vector<16xi32>
        %gather3A_627 = tpu.vector_load_idx %arg8[%add3A_590, %add3A_626] : memref<128x64xf32, #tpu.memory_space<vmem>>[vector<16xi32>, vector<16xi32>], vector<16xf32>,
        %add3A_628 = arith.constant 0 : i32
        %add3A_629 = vector.broadcast %add3A_628 : i32 to vector<16xi32>
        %add3A_630 = arith.addi %and3A_42, %add3A_629 : vector<16xi32>
        %gather3A_631 = tpu.vector_load_idx %arg8[%add3A_590, %add3A_630] : memref<128x64xf32, #tpu.memory_space<vmem>>[vector<16xi32>, vector<16xi32>], vector<16xf32>,
        %add3A_632 = arith.constant 0 : i32
        %add3A_633 = vector.broadcast %add3A_632 : i32 to vector<16xi32>
        %add3A_634 = arith.addi %and3A_46, %add3A_633 : vector<16xi32>
        %gather3A_635 = tpu.vector_load_idx %arg8[%add3A_590, %add3A_634] : memref<128x64xf32, #tpu.memory_space<vmem>>[vector<16xi32>, vector<16xi32>], vector<16xf32>,
        %add3A_636 = arith.constant 0 : i32
        %add3A_637 = vector.broadcast %add3A_636 : i32 to vector<16xi32>
        %add3A_638 = arith.addi %and3A_50, %add3A_637 : vector<16xi32>
        %gather3A_639 = tpu.vector_load_idx %arg8[%add3A_590, %add3A_638] : memref<128x64xf32, #tpu.memory_space<vmem>>[vector<16xi32>, vector<16xi32>], vector<16xf32>,
        %add3A_640 = arith.constant 0 : i32
        %add3A_641 = vector.broadcast %add3A_640 : i32 to vector<16xi32>
        %add3A_642 = arith.addi %and3A_54, %add3A_641 : vector<16xi32>
        %gather3A_643 = tpu.vector_load_idx %arg8[%add3A_590, %add3A_642] : memref<128x64xf32, #tpu.memory_space<vmem>>[vector<16xi32>, vector<16xi32>], vector<16xf32>,
        %add3A_644 = arith.constant 0 : i32
        %add3A_645 = vector.broadcast %add3A_644 : i32 to vector<16xi32>
        %add3A_646 = arith.addi %and3A_58, %add3A_645 : vector<16xi32>
        %gather3A_647 = tpu.vector_load_idx %arg8[%add3A_590, %add3A_646] : memref<128x64xf32, #tpu.memory_space<vmem>>[vector<16xi32>, vector<16xi32>], vector<16xf32>,
        %add3A_648 = arith.constant 0 : i32
        %add3A_649 = vector.broadcast %add3A_648 : i32 to vector<16xi32>
        %add3A_650 = arith.addi %and3A_62, %add3A_649 : vector<16xi32>
        %gather3A_651 = tpu.vector_load_idx %arg8[%add3A_590, %add3A_650] : memref<128x64xf32, #tpu.memory_space<vmem>>[vector<16xi32>, vector<16xi32>], vector<16xf32>,
        %add3A_652 = arith.constant 0 : i32
        %add3A_653 = vector.broadcast %add3A_652 : i32 to vector<16xi32>
        %add3A_654 = arith.addi %and3A_66, %add3A_653 : vector<16xi32>
        %gather3A_655 = tpu.vector_load_idx %arg8[%add3A_590, %add3A_654] : memref<128x64xf32, #tpu.memory_space<vmem>>[vector<16xi32>, vector<16xi32>], vector<16xf32>,
        %add3A_656 = vector.broadcast %add3A_592 : i32 to vector<16xi32>
        %add3A_657 = arith.addi %add3A_69, %add3A_656 : vector<16xi32>
        %broadcast_in_dim3A_658 = vector.shape_cast %and3A : vector<16xi32> to vector<16x1xi32>
        %gather3A_659 = vector.shape_cast %broadcast_in_dim3A_658 : vector<16x1xi32> to vector<16xi32>
        %gather3A_660 = tpu.dynamic_gather %get3A_482[%gather3A_659] in [0] : vector<16xf32>, vector<16xi32> -> vector<16xf32>
        %add3A_661 = arith.addf %gather3A, %gather3A_660 : vector<16xf32>
        tpu.vector_store_idx %arg10[%add3A_657], %add3A_661 : memref<8192xf32, #tpu.memory_space<vmem>>[vector<16xi32>], vector<16xf32>,
        %add3A_662 = vector.broadcast %add3A_592 : i32 to vector<16xi32>
        %add3A_663 = arith.addi %add3A_73, %add3A_662 : vector<16xi32>
        %broadcast_in_dim3A_664 = vector.shape_cast %and3A_10 : vector<16xi32> to vector<16x1xi32>
        %gather3A_665 = vector.shape_cast %broadcast_in_dim3A_664 : vector<16x1xi32> to vector<16xi32>
        %gather3A_666 = tpu.dynamic_gather %get3A_482[%gather3A_665] in [0] : vector<16xf32>, vector<16xi32> -> vector<16xf32>
        %add3A_667 = arith.addf %gather3A_599, %gather3A_666 : vector<16xf32>
        tpu.vector_store_idx %arg10[%add3A_663], %add3A_667 : memref<8192xf32, #tpu.memory_space<vmem>>[vector<16xi32>], vector<16xf32>,
        %add3A_668 = vector.broadcast %add3A_592 : i32 to vector<16xi32>
        %add3A_669 = arith.addi %add3A_77, %add3A_668 : vector<16xi32>
        %broadcast_in_dim3A_670 = vector.shape_cast %and3A_14 : vector<16xi32> to vector<16x1xi32>
        %gather3A_671 = vector.shape_cast %broadcast_in_dim3A_670 : vector<16x1xi32> to vector<16xi32>
        %gather3A_672 = tpu.dynamic_gather %get3A_482[%gather3A_671] in [0] : vector<16xf32>, vector<16xi32> -> vector<16xf32>
        %add3A_673 = arith.addf %gather3A_603, %gather3A_672 : vector<16xf32>
        tpu.vector_store_idx %arg10[%add3A_669], %add3A_673 : memref<8192xf32, #tpu.memory_space<vmem>>[vector<16xi32>], vector<16xf32>,
        %add3A_674 = vector.broadcast %add3A_592 : i32 to vector<16xi32>
        %add3A_675 = arith.addi %add3A_81, %add3A_674 : vector<16xi32>
        %broadcast_in_dim3A_676 = vector.shape_cast %and3A_18 : vector<16xi32> to vector<16x1xi32>
        %gather3A_677 = vector.shape_cast %broadcast_in_dim3A_676 : vector<16x1xi32> to vector<16xi32>
        %gather3A_678 = tpu.dynamic_gather %get3A_482[%gather3A_677] in [0] : vector<16xf32>, vector<16xi32> -> vector<16xf32>
        %add3A_679 = arith.addf %gather3A_607, %gather3A_678 : vector<16xf32>
        tpu.vector_store_idx %arg10[%add3A_675], %add3A_679 : memref<8192xf32, #tpu.memory_space<vmem>>[vector<16xi32>], vector<16xf32>,
        %add3A_680 = vector.broadcast %add3A_592 : i32 to vector<16xi32>
        %add3A_681 = arith.addi %add3A_85, %add3A_680 : vector<16xi32>
        %broadcast_in_dim3A_682 = vector.shape_cast %and3A_22 : vector<16xi32> to vector<16x1xi32>
        %gather3A_683 = vector.shape_cast %broadcast_in_dim3A_682 : vector<16x1xi32> to vector<16xi32>
        %gather3A_684 = tpu.dynamic_gather %get3A_482[%gather3A_683] in [0] : vector<16xf32>, vector<16xi32> -> vector<16xf32>
        %add3A_685 = arith.addf %gather3A_611, %gather3A_684 : vector<16xf32>
        tpu.vector_store_idx %arg10[%add3A_681], %add3A_685 : memref<8192xf32, #tpu.memory_space<vmem>>[vector<16xi32>], vector<16xf32>,
        %add3A_686 = vector.broadcast %add3A_592 : i32 to vector<16xi32>
        %add3A_687 = arith.addi %add3A_89, %add3A_686 : vector<16xi32>
        %broadcast_in_dim3A_688 = vector.shape_cast %and3A_26 : vector<16xi32> to vector<16x1xi32>
        %gather3A_689 = vector.shape_cast %broadcast_in_dim3A_688 : vector<16x1xi32> to vector<16xi32>
        %gather3A_690 = tpu.dynamic_gather %get3A_482[%gather3A_689] in [0] : vector<16xf32>, vector<16xi32> -> vector<16xf32>
        %add3A_691 = arith.addf %gather3A_615, %gather3A_690 : vector<16xf32>
        tpu.vector_store_idx %arg10[%add3A_687], %add3A_691 : memref<8192xf32, #tpu.memory_space<vmem>>[vector<16xi32>], vector<16xf32>,
        %add3A_692 = vector.broadcast %add3A_592 : i32 to vector<16xi32>
        %add3A_693 = arith.addi %add3A_93, %add3A_692 : vector<16xi32>
        %broadcast_in_dim3A_694 = vector.shape_cast %and3A_30 : vector<16xi32> to vector<16x1xi32>
        %gather3A_695 = vector.shape_cast %broadcast_in_dim3A_694 : vector<16x1xi32> to vector<16xi32>
        %gather3A_696 = tpu.dynamic_gather %get3A_482[%gather3A_695] in [0] : vector<16xf32>, vector<16xi32> -> vector<16xf32>
        %add3A_697 = arith.addf %gather3A_619, %gather3A_696 : vector<16xf32>
        tpu.vector_store_idx %arg10[%add3A_693], %add3A_697 : memref<8192xf32, #tpu.memory_space<vmem>>[vector<16xi32>], vector<16xf32>,
        %add3A_698 = vector.broadcast %add3A_592 : i32 to vector<16xi32>
        %add3A_699 = arith.addi %add3A_97, %add3A_698 : vector<16xi32>
        %broadcast_in_dim3A_700 = vector.shape_cast %and3A_34 : vector<16xi32> to vector<16x1xi32>
        %gather3A_701 = vector.shape_cast %broadcast_in_dim3A_700 : vector<16x1xi32> to vector<16xi32>
        %gather3A_702 = tpu.dynamic_gather %get3A_482[%gather3A_701] in [0] : vector<16xf32>, vector<16xi32> -> vector<16xf32>
        %add3A_703 = arith.addf %gather3A_623, %gather3A_702 : vector<16xf32>
        tpu.vector_store_idx %arg10[%add3A_699], %add3A_703 : memref<8192xf32, #tpu.memory_space<vmem>>[vector<16xi32>], vector<16xf32>,
        %add3A_704 = vector.broadcast %add3A_592 : i32 to vector<16xi32>
        %add3A_705 = arith.addi %add3A_101, %add3A_704 : vector<16xi32>
        %broadcast_in_dim3A_706 = vector.shape_cast %and3A_38 : vector<16xi32> to vector<16x1xi32>
        %gather3A_707 = vector.shape_cast %broadcast_in_dim3A_706 : vector<16x1xi32> to vector<16xi32>
        %gather3A_708 = tpu.dynamic_gather %get3A_482[%gather3A_707] in [0] : vector<16xf32>, vector<16xi32> -> vector<16xf32>
        %add3A_709 = arith.addf %gather3A_627, %gather3A_708 : vector<16xf32>
        tpu.vector_store_idx %arg10[%add3A_705], %add3A_709 : memref<8192xf32, #tpu.memory_space<vmem>>[vector<16xi32>], vector<16xf32>,
        %add3A_710 = vector.broadcast %add3A_592 : i32 to vector<16xi32>
        %add3A_711 = arith.addi %add3A_105, %add3A_710 : vector<16xi32>
        %broadcast_in_dim3A_712 = vector.shape_cast %and3A_42 : vector<16xi32> to vector<16x1xi32>
        %gather3A_713 = vector.shape_cast %broadcast_in_dim3A_712 : vector<16x1xi32> to vector<16xi32>
        %gather3A_714 = tpu.dynamic_gather %get3A_482[%gather3A_713] in [0] : vector<16xf32>, vector<16xi32> -> vector<16xf32>
        %add3A_715 = arith.addf %gather3A_631, %gather3A_714 : vector<16xf32>
        tpu.vector_store_idx %arg10[%add3A_711], %add3A_715 : memref<8192xf32, #tpu.memory_space<vmem>>[vector<16xi32>], vector<16xf32>,
        %add3A_716 = vector.broadcast %add3A_592 : i32 to vector<16xi32>
        %add3A_717 = arith.addi %add3A_109, %add3A_716 : vector<16xi32>
        %broadcast_in_dim3A_718 = vector.shape_cast %and3A_46 : vector<16xi32> to vector<16x1xi32>
        %gather3A_719 = vector.shape_cast %broadcast_in_dim3A_718 : vector<16x1xi32> to vector<16xi32>
        %gather3A_720 = tpu.dynamic_gather %get3A_482[%gather3A_719] in [0] : vector<16xf32>, vector<16xi32> -> vector<16xf32>
        %add3A_721 = arith.addf %gather3A_635, %gather3A_720 : vector<16xf32>
        tpu.vector_store_idx %arg10[%add3A_717], %add3A_721 : memref<8192xf32, #tpu.memory_space<vmem>>[vector<16xi32>], vector<16xf32>,
        %add3A_722 = vector.broadcast %add3A_592 : i32 to vector<16xi32>
        %add3A_723 = arith.addi %add3A_113, %add3A_722 : vector<16xi32>
        %broadcast_in_dim3A_724 = vector.shape_cast %and3A_50 : vector<16xi32> to vector<16x1xi32>
        %gather3A_725 = vector.shape_cast %broadcast_in_dim3A_724 : vector<16x1xi32> to vector<16xi32>
        %gather3A_726 = tpu.dynamic_gather %get3A_482[%gather3A_725] in [0] : vector<16xf32>, vector<16xi32> -> vector<16xf32>
        %add3A_727 = arith.addf %gather3A_639, %gather3A_726 : vector<16xf32>
        tpu.vector_store_idx %arg10[%add3A_723], %add3A_727 : memref<8192xf32, #tpu.memory_space<vmem>>[vector<16xi32>], vector<16xf32>,
        %add3A_728 = vector.broadcast %add3A_592 : i32 to vector<16xi32>
        %add3A_729 = arith.addi %add3A_117, %add3A_728 : vector<16xi32>
        %broadcast_in_dim3A_730 = vector.shape_cast %and3A_54 : vector<16xi32> to vector<16x1xi32>
        %gather3A_731 = vector.shape_cast %broadcast_in_dim3A_730 : vector<16x1xi32> to vector<16xi32>
        %gather3A_732 = tpu.dynamic_gather %get3A_482[%gather3A_731] in [0] : vector<16xf32>, vector<16xi32> -> vector<16xf32>
        %add3A_733 = arith.addf %gather3A_643, %gather3A_732 : vector<16xf32>
        tpu.vector_store_idx %arg10[%add3A_729], %add3A_733 : memref<8192xf32, #tpu.memory_space<vmem>>[vector<16xi32>], vector<16xf32>,
        %add3A_734 = vector.broadcast %add3A_592 : i32 to vector<16xi32>
        %add3A_735 = arith.addi %add3A_121, %add3A_734 : vector<16xi32>
        %broadcast_in_dim3A_736 = vector.shape_cast %and3A_58 : vector<16xi32> to vector<16x1xi32>
        %gather3A_737 = vector.shape_cast %broadcast_in_dim3A_736 : vector<16x1xi32> to vector<16xi32>
        %gather3A_738 = tpu.dynamic_gather %get3A_482[%gather3A_737] in [0] : vector<16xf32>, vector<16xi32> -> vector<16xf32>
        %add3A_739 = arith.addf %gather3A_647, %gather3A_738 : vector<16xf32>
        tpu.vector_store_idx %arg10[%add3A_735], %add3A_739 : memref<8192xf32, #tpu.memory_space<vmem>>[vector<16xi32>], vector<16xf32>,
        %add3A_740 = vector.broadcast %add3A_592 : i32 to vector<16xi32>
        %add3A_741 = arith.addi %add3A_125, %add3A_740 : vector<16xi32>
        %broadcast_in_dim3A_742 = vector.shape_cast %and3A_62 : vector<16xi32> to vector<16x1xi32>
        %gather3A_743 = vector.shape_cast %broadcast_in_dim3A_742 : vector<16x1xi32> to vector<16xi32>
        %gather3A_744 = tpu.dynamic_gather %get3A_482[%gather3A_743] in [0] : vector<16xf32>, vector<16xi32> -> vector<16xf32>
        %add3A_745 = arith.addf %gather3A_651, %gather3A_744 : vector<16xf32>
        tpu.vector_store_idx %arg10[%add3A_741], %add3A_745 : memref<8192xf32, #tpu.memory_space<vmem>>[vector<16xi32>], vector<16xf32>,
        %add3A_746 = vector.broadcast %add3A_592 : i32 to vector<16xi32>
        %add3A_747 = arith.addi %add3A_129, %add3A_746 : vector<16xi32>
        %broadcast_in_dim3A_748 = vector.shape_cast %and3A_66 : vector<16xi32> to vector<16x1xi32>
        %gather3A_749 = vector.shape_cast %broadcast_in_dim3A_748 : vector<16x1xi32> to vector<16xi32>
        %gather3A_750 = tpu.dynamic_gather %get3A_482[%gather3A_749] in [0] : vector<16xf32>, vector<16xi32> -> vector<16xf32>
        %add3A_751 = arith.addf %gather3A_655, %gather3A_750 : vector<16xf32>
        tpu.vector_store_idx %arg10[%add3A_747], %add3A_751 : memref<8192xf32, #tpu.memory_space<vmem>>[vector<16xi32>], vector<16xf32>,
        %add3A_752 = vector.broadcast %mul3A_588 : i32 to vector<16xi32>
        %add3A_753 = arith.addi %iota3A, %add3A_752 : vector<16xi32>
        %add3A_754 = arith.constant 2048 : i32
        %add3A_755 = arith.addi %add3A_754, %mul3A_588 : i32
        %add3A_756 = arith.constant 16 : i32
        %add3A_757 = vector.broadcast %add3A_756 : i32 to vector<16xi32>
        %add3A_758 = arith.addi %and3A, %add3A_757 : vector<16xi32>
        %gather3A_759 = tpu.vector_load_idx %arg8[%add3A_753, %add3A_758] : memref<128x64xf32, #tpu.memory_space<vmem>>[vector<16xi32>, vector<16xi32>], vector<16xf32>,
        %add3A_760 = arith.constant 16 : i32
        %add3A_761 = vector.broadcast %add3A_760 : i32 to vector<16xi32>
        %add3A_762 = arith.addi %and3A_10, %add3A_761 : vector<16xi32>
        %gather3A_763 = tpu.vector_load_idx %arg8[%add3A_753, %add3A_762] : memref<128x64xf32, #tpu.memory_space<vmem>>[vector<16xi32>, vector<16xi32>], vector<16xf32>,
        %add3A_764 = arith.constant 16 : i32
        %add3A_765 = vector.broadcast %add3A_764 : i32 to vector<16xi32>
        %add3A_766 = arith.addi %and3A_14, %add3A_765 : vector<16xi32>
        %gather3A_767 = tpu.vector_load_idx %arg8[%add3A_753, %add3A_766] : memref<128x64xf32, #tpu.memory_space<vmem>>[vector<16xi32>, vector<16xi32>], vector<16xf32>,
        %add3A_768 = arith.constant 16 : i32
        %add3A_769 = vector.broadcast %add3A_768 : i32 to vector<16xi32>
        %add3A_770 = arith.addi %and3A_18, %add3A_769 : vector<16xi32>
        %gather3A_771 = tpu.vector_load_idx %arg8[%add3A_753, %add3A_770] : memref<128x64xf32, #tpu.memory_space<vmem>>[vector<16xi32>, vector<16xi32>], vector<16xf32>,
        %add3A_772 = arith.constant 16 : i32
        %add3A_773 = vector.broadcast %add3A_772 : i32 to vector<16xi32>
        %add3A_774 = arith.addi %and3A_22, %add3A_773 : vector<16xi32>
        %gather3A_775 = tpu.vector_load_idx %arg8[%add3A_753, %add3A_774] : memref<128x64xf32, #tpu.memory_space<vmem>>[vector<16xi32>, vector<16xi32>], vector<16xf32>,
        %add3A_776 = arith.constant 16 : i32
        %add3A_777 = vector.broadcast %add3A_776 : i32 to vector<16xi32>
        %add3A_778 = arith.addi %and3A_26, %add3A_777 : vector<16xi32>
        %gather3A_779 = tpu.vector_load_idx %arg8[%add3A_753, %add3A_778] : memref<128x64xf32, #tpu.memory_space<vmem>>[vector<16xi32>, vector<16xi32>], vector<16xf32>,
        %add3A_780 = arith.constant 16 : i32
        %add3A_781 = vector.broadcast %add3A_780 : i32 to vector<16xi32>
        %add3A_782 = arith.addi %and3A_30, %add3A_781 : vector<16xi32>
        %gather3A_783 = tpu.vector_load_idx %arg8[%add3A_753, %add3A_782] : memref<128x64xf32, #tpu.memory_space<vmem>>[vector<16xi32>, vector<16xi32>], vector<16xf32>,
        %add3A_784 = arith.constant 16 : i32
        %add3A_785 = vector.broadcast %add3A_784 : i32 to vector<16xi32>
        %add3A_786 = arith.addi %and3A_34, %add3A_785 : vector<16xi32>
        %gather3A_787 = tpu.vector_load_idx %arg8[%add3A_753, %add3A_786] : memref<128x64xf32, #tpu.memory_space<vmem>>[vector<16xi32>, vector<16xi32>], vector<16xf32>,
        %add3A_788 = arith.constant 16 : i32
        %add3A_789 = vector.broadcast %add3A_788 : i32 to vector<16xi32>
        %add3A_790 = arith.addi %and3A_38, %add3A_789 : vector<16xi32>
        %gather3A_791 = tpu.vector_load_idx %arg8[%add3A_753, %add3A_790] : memref<128x64xf32, #tpu.memory_space<vmem>>[vector<16xi32>, vector<16xi32>], vector<16xf32>,
        %add3A_792 = arith.constant 16 : i32
        %add3A_793 = vector.broadcast %add3A_792 : i32 to vector<16xi32>
        %add3A_794 = arith.addi %and3A_42, %add3A_793 : vector<16xi32>
        %gather3A_795 = tpu.vector_load_idx %arg8[%add3A_753, %add3A_794] : memref<128x64xf32, #tpu.memory_space<vmem>>[vector<16xi32>, vector<16xi32>], vector<16xf32>,
        %add3A_796 = arith.constant 16 : i32
        %add3A_797 = vector.broadcast %add3A_796 : i32 to vector<16xi32>
        %add3A_798 = arith.addi %and3A_46, %add3A_797 : vector<16xi32>
        %gather3A_799 = tpu.vector_load_idx %arg8[%add3A_753, %add3A_798] : memref<128x64xf32, #tpu.memory_space<vmem>>[vector<16xi32>, vector<16xi32>], vector<16xf32>,
        %add3A_800 = arith.constant 16 : i32
        %add3A_801 = vector.broadcast %add3A_800 : i32 to vector<16xi32>
        %add3A_802 = arith.addi %and3A_50, %add3A_801 : vector<16xi32>
        %gather3A_803 = tpu.vector_load_idx %arg8[%add3A_753, %add3A_802] : memref<128x64xf32, #tpu.memory_space<vmem>>[vector<16xi32>, vector<16xi32>], vector<16xf32>,
        %add3A_804 = arith.constant 16 : i32
        %add3A_805 = vector.broadcast %add3A_804 : i32 to vector<16xi32>
        %add3A_806 = arith.addi %and3A_54, %add3A_805 : vector<16xi32>
        %gather3A_807 = tpu.vector_load_idx %arg8[%add3A_753, %add3A_806] : memref<128x64xf32, #tpu.memory_space<vmem>>[vector<16xi32>, vector<16xi32>], vector<16xf32>,
        %add3A_808 = arith.constant 16 : i32
        %add3A_809 = vector.broadcast %add3A_808 : i32 to vector<16xi32>
        %add3A_810 = arith.addi %and3A_58, %add3A_809 : vector<16xi32>
        %gather3A_811 = tpu.vector_load_idx %arg8[%add3A_753, %add3A_810] : memref<128x64xf32, #tpu.memory_space<vmem>>[vector<16xi32>, vector<16xi32>], vector<16xf32>,
        %add3A_812 = arith.constant 16 : i32
        %add3A_813 = vector.broadcast %add3A_812 : i32 to vector<16xi32>
        %add3A_814 = arith.addi %and3A_62, %add3A_813 : vector<16xi32>
        %gather3A_815 = tpu.vector_load_idx %arg8[%add3A_753, %add3A_814] : memref<128x64xf32, #tpu.memory_space<vmem>>[vector<16xi32>, vector<16xi32>], vector<16xf32>,
        %add3A_816 = arith.constant 16 : i32
        %add3A_817 = vector.broadcast %add3A_816 : i32 to vector<16xi32>
        %add3A_818 = arith.addi %and3A_66, %add3A_817 : vector<16xi32>
        %gather3A_819 = tpu.vector_load_idx %arg8[%add3A_753, %add3A_818] : memref<128x64xf32, #tpu.memory_space<vmem>>[vector<16xi32>, vector<16xi32>], vector<16xf32>,
        %add3A_820 = vector.broadcast %add3A_755 : i32 to vector<16xi32>
        %add3A_821 = arith.addi %add3A_69, %add3A_820 : vector<16xi32>
        %broadcast_in_dim3A_822 = vector.shape_cast %and3A : vector<16xi32> to vector<16x1xi32>
        %gather3A_823 = vector.shape_cast %broadcast_in_dim3A_822 : vector<16x1xi32> to vector<16xi32>
        %gather3A_824 = tpu.dynamic_gather %get3A_485[%gather3A_823] in [0] : vector<16xf32>, vector<16xi32> -> vector<16xf32>
        %add3A_825 = arith.addf %gather3A_759, %gather3A_824 : vector<16xf32>
        tpu.vector_store_idx %arg10[%add3A_821], %add3A_825 : memref<8192xf32, #tpu.memory_space<vmem>>[vector<16xi32>], vector<16xf32>,
        %add3A_826 = vector.broadcast %add3A_755 : i32 to vector<16xi32>
        %add3A_827 = arith.addi %add3A_73, %add3A_826 : vector<16xi32>
        %broadcast_in_dim3A_828 = vector.shape_cast %and3A_10 : vector<16xi32> to vector<16x1xi32>
        %gather3A_829 = vector.shape_cast %broadcast_in_dim3A_828 : vector<16x1xi32> to vector<16xi32>
        %gather3A_830 = tpu.dynamic_gather %get3A_485[%gather3A_829] in [0] : vector<16xf32>, vector<16xi32> -> vector<16xf32>
        %add3A_831 = arith.addf %gather3A_763, %gather3A_830 : vector<16xf32>
        tpu.vector_store_idx %arg10[%add3A_827], %add3A_831 : memref<8192xf32, #tpu.memory_space<vmem>>[vector<16xi32>], vector<16xf32>,
        %add3A_832 = vector.broadcast %add3A_755 : i32 to vector<16xi32>
        %add3A_833 = arith.addi %add3A_77, %add3A_832 : vector<16xi32>
        %broadcast_in_dim3A_834 = vector.shape_cast %and3A_14 : vector<16xi32> to vector<16x1xi32>
        %gather3A_835 = vector.shape_cast %broadcast_in_dim3A_834 : vector<16x1xi32> to vector<16xi32>
        %gather3A_836 = tpu.dynamic_gather %get3A_485[%gather3A_835] in [0] : vector<16xf32>, vector<16xi32> -> vector<16xf32>
        %add3A_837 = arith.addf %gather3A_767, %gather3A_836 : vector<16xf32>
        tpu.vector_store_idx %arg10[%add3A_833], %add3A_837 : memref<8192xf32, #tpu.memory_space<vmem>>[vector<16xi32>], vector<16xf32>,
        %add3A_838 = vector.broadcast %add3A_755 : i32 to vector<16xi32>
        %add3A_839 = arith.addi %add3A_81, %add3A_838 : vector<16xi32>
        %broadcast_in_dim3A_840 = vector.shape_cast %and3A_18 : vector<16xi32> to vector<16x1xi32>
        %gather3A_841 = vector.shape_cast %broadcast_in_dim3A_840 : vector<16x1xi32> to vector<16xi32>
        %gather3A_842 = tpu.dynamic_gather %get3A_485[%gather3A_841] in [0] : vector<16xf32>, vector<16xi32> -> vector<16xf32>
        %add3A_843 = arith.addf %gather3A_771, %gather3A_842 : vector<16xf32>
        tpu.vector_store_idx %arg10[%add3A_839], %add3A_843 : memref<8192xf32, #tpu.memory_space<vmem>>[vector<16xi32>], vector<16xf32>,
        %add3A_844 = vector.broadcast %add3A_755 : i32 to vector<16xi32>
        %add3A_845 = arith.addi %add3A_85, %add3A_844 : vector<16xi32>
        %broadcast_in_dim3A_846 = vector.shape_cast %and3A_22 : vector<16xi32> to vector<16x1xi32>
        %gather3A_847 = vector.shape_cast %broadcast_in_dim3A_846 : vector<16x1xi32> to vector<16xi32>
        %gather3A_848 = tpu.dynamic_gather %get3A_485[%gather3A_847] in [0] : vector<16xf32>, vector<16xi32> -> vector<16xf32>
        %add3A_849 = arith.addf %gather3A_775, %gather3A_848 : vector<16xf32>
        tpu.vector_store_idx %arg10[%add3A_845], %add3A_849 : memref<8192xf32, #tpu.memory_space<vmem>>[vector<16xi32>], vector<16xf32>,
        %add3A_850 = vector.broadcast %add3A_755 : i32 to vector<16xi32>
        %add3A_851 = arith.addi %add3A_89, %add3A_850 : vector<16xi32>
        %broadcast_in_dim3A_852 = vector.shape_cast %and3A_26 : vector<16xi32> to vector<16x1xi32>
        %gather3A_853 = vector.shape_cast %broadcast_in_dim3A_852 : vector<16x1xi32> to vector<16xi32>
        %gather3A_854 = tpu.dynamic_gather %get3A_485[%gather3A_853] in [0] : vector<16xf32>, vector<16xi32> -> vector<16xf32>
        %add3A_855 = arith.addf %gather3A_779, %gather3A_854 : vector<16xf32>
        tpu.vector_store_idx %arg10[%add3A_851], %add3A_855 : memref<8192xf32, #tpu.memory_space<vmem>>[vector<16xi32>], vector<16xf32>,
        %add3A_856 = vector.broadcast %add3A_755 : i32 to vector<16xi32>
        %add3A_857 = arith.addi %add3A_93, %add3A_856 : vector<16xi32>
        %broadcast_in_dim3A_858 = vector.shape_cast %and3A_30 : vector<16xi32> to vector<16x1xi32>
        %gather3A_859 = vector.shape_cast %broadcast_in_dim3A_858 : vector<16x1xi32> to vector<16xi32>
        %gather3A_860 = tpu.dynamic_gather %get3A_485[%gather3A_859] in [0] : vector<16xf32>, vector<16xi32> -> vector<16xf32>
        %add3A_861 = arith.addf %gather3A_783, %gather3A_860 : vector<16xf32>
        tpu.vector_store_idx %arg10[%add3A_857], %add3A_861 : memref<8192xf32, #tpu.memory_space<vmem>>[vector<16xi32>], vector<16xf32>,
        %add3A_862 = vector.broadcast %add3A_755 : i32 to vector<16xi32>
        %add3A_863 = arith.addi %add3A_97, %add3A_862 : vector<16xi32>
        %broadcast_in_dim3A_864 = vector.shape_cast %and3A_34 : vector<16xi32> to vector<16x1xi32>
        %gather3A_865 = vector.shape_cast %broadcast_in_dim3A_864 : vector<16x1xi32> to vector<16xi32>
        %gather3A_866 = tpu.dynamic_gather %get3A_485[%gather3A_865] in [0] : vector<16xf32>, vector<16xi32> -> vector<16xf32>
        %add3A_867 = arith.addf %gather3A_787, %gather3A_866 : vector<16xf32>
        tpu.vector_store_idx %arg10[%add3A_863], %add3A_867 : memref<8192xf32, #tpu.memory_space<vmem>>[vector<16xi32>], vector<16xf32>,
        %add3A_868 = vector.broadcast %add3A_755 : i32 to vector<16xi32>
        %add3A_869 = arith.addi %add3A_101, %add3A_868 : vector<16xi32>
        %broadcast_in_dim3A_870 = vector.shape_cast %and3A_38 : vector<16xi32> to vector<16x1xi32>
        %gather3A_871 = vector.shape_cast %broadcast_in_dim3A_870 : vector<16x1xi32> to vector<16xi32>
        %gather3A_872 = tpu.dynamic_gather %get3A_485[%gather3A_871] in [0] : vector<16xf32>, vector<16xi32> -> vector<16xf32>
        %add3A_873 = arith.addf %gather3A_791, %gather3A_872 : vector<16xf32>
        tpu.vector_store_idx %arg10[%add3A_869], %add3A_873 : memref<8192xf32, #tpu.memory_space<vmem>>[vector<16xi32>], vector<16xf32>,
        %add3A_874 = vector.broadcast %add3A_755 : i32 to vector<16xi32>
        %add3A_875 = arith.addi %add3A_105, %add3A_874 : vector<16xi32>
        %broadcast_in_dim3A_876 = vector.shape_cast %and3A_42 : vector<16xi32> to vector<16x1xi32>
        %gather3A_877 = vector.shape_cast %broadcast_in_dim3A_876 : vector<16x1xi32> to vector<16xi32>
        %gather3A_878 = tpu.dynamic_gather %get3A_485[%gather3A_877] in [0] : vector<16xf32>, vector<16xi32> -> vector<16xf32>
        %add3A_879 = arith.addf %gather3A_795, %gather3A_878 : vector<16xf32>
        tpu.vector_store_idx %arg10[%add3A_875], %add3A_879 : memref<8192xf32, #tpu.memory_space<vmem>>[vector<16xi32>], vector<16xf32>,
        %add3A_880 = vector.broadcast %add3A_755 : i32 to vector<16xi32>
        %add3A_881 = arith.addi %add3A_109, %add3A_880 : vector<16xi32>
        %broadcast_in_dim3A_882 = vector.shape_cast %and3A_46 : vector<16xi32> to vector<16x1xi32>
        %gather3A_883 = vector.shape_cast %broadcast_in_dim3A_882 : vector<16x1xi32> to vector<16xi32>
        %gather3A_884 = tpu.dynamic_gather %get3A_485[%gather3A_883] in [0] : vector<16xf32>, vector<16xi32> -> vector<16xf32>
        %add3A_885 = arith.addf %gather3A_799, %gather3A_884 : vector<16xf32>
        tpu.vector_store_idx %arg10[%add3A_881], %add3A_885 : memref<8192xf32, #tpu.memory_space<vmem>>[vector<16xi32>], vector<16xf32>,
        %add3A_886 = vector.broadcast %add3A_755 : i32 to vector<16xi32>
        %add3A_887 = arith.addi %add3A_113, %add3A_886 : vector<16xi32>
        %broadcast_in_dim3A_888 = vector.shape_cast %and3A_50 : vector<16xi32> to vector<16x1xi32>
        %gather3A_889 = vector.shape_cast %broadcast_in_dim3A_888 : vector<16x1xi32> to vector<16xi32>
        %gather3A_890 = tpu.dynamic_gather %get3A_485[%gather3A_889] in [0] : vector<16xf32>, vector<16xi32> -> vector<16xf32>
        %add3A_891 = arith.addf %gather3A_803, %gather3A_890 : vector<16xf32>
        tpu.vector_store_idx %arg10[%add3A_887], %add3A_891 : memref<8192xf32, #tpu.memory_space<vmem>>[vector<16xi32>], vector<16xf32>,
        %add3A_892 = vector.broadcast %add3A_755 : i32 to vector<16xi32>
        %add3A_893 = arith.addi %add3A_117, %add3A_892 : vector<16xi32>
        %broadcast_in_dim3A_894 = vector.shape_cast %and3A_54 : vector<16xi32> to vector<16x1xi32>
        %gather3A_895 = vector.shape_cast %broadcast_in_dim3A_894 : vector<16x1xi32> to vector<16xi32>
        %gather3A_896 = tpu.dynamic_gather %get3A_485[%gather3A_895] in [0] : vector<16xf32>, vector<16xi32> -> vector<16xf32>
        %add3A_897 = arith.addf %gather3A_807, %gather3A_896 : vector<16xf32>
        tpu.vector_store_idx %arg10[%add3A_893], %add3A_897 : memref<8192xf32, #tpu.memory_space<vmem>>[vector<16xi32>], vector<16xf32>,
        %add3A_898 = vector.broadcast %add3A_755 : i32 to vector<16xi32>
        %add3A_899 = arith.addi %add3A_121, %add3A_898 : vector<16xi32>
        %broadcast_in_dim3A_900 = vector.shape_cast %and3A_58 : vector<16xi32> to vector<16x1xi32>
        %gather3A_901 = vector.shape_cast %broadcast_in_dim3A_900 : vector<16x1xi32> to vector<16xi32>
        %gather3A_902 = tpu.dynamic_gather %get3A_485[%gather3A_901] in [0] : vector<16xf32>, vector<16xi32> -> vector<16xf32>
        %add3A_903 = arith.addf %gather3A_811, %gather3A_902 : vector<16xf32>
        tpu.vector_store_idx %arg10[%add3A_899], %add3A_903 : memref<8192xf32, #tpu.memory_space<vmem>>[vector<16xi32>], vector<16xf32>,
        %add3A_904 = vector.broadcast %add3A_755 : i32 to vector<16xi32>
        %add3A_905 = arith.addi %add3A_125, %add3A_904 : vector<16xi32>
        %broadcast_in_dim3A_906 = vector.shape_cast %and3A_62 : vector<16xi32> to vector<16x1xi32>
        %gather3A_907 = vector.shape_cast %broadcast_in_dim3A_906 : vector<16x1xi32> to vector<16xi32>
        %gather3A_908 = tpu.dynamic_gather %get3A_485[%gather3A_907] in [0] : vector<16xf32>, vector<16xi32> -> vector<16xf32>
        %add3A_909 = arith.addf %gather3A_815, %gather3A_908 : vector<16xf32>
        tpu.vector_store_idx %arg10[%add3A_905], %add3A_909 : memref<8192xf32, #tpu.memory_space<vmem>>[vector<16xi32>], vector<16xf32>,
        %add3A_910 = vector.broadcast %add3A_755 : i32 to vector<16xi32>
        %add3A_911 = arith.addi %add3A_129, %add3A_910 : vector<16xi32>
        %broadcast_in_dim3A_912 = vector.shape_cast %and3A_66 : vector<16xi32> to vector<16x1xi32>
        %gather3A_913 = vector.shape_cast %broadcast_in_dim3A_912 : vector<16x1xi32> to vector<16xi32>
        %gather3A_914 = tpu.dynamic_gather %get3A_485[%gather3A_913] in [0] : vector<16xf32>, vector<16xi32> -> vector<16xf32>
        %add3A_915 = arith.addf %gather3A_819, %gather3A_914 : vector<16xf32>
        tpu.vector_store_idx %arg10[%add3A_911], %add3A_915 : memref<8192xf32, #tpu.memory_space<vmem>>[vector<16xi32>], vector<16xf32>,
        %add3A_916 = vector.broadcast %mul3A_588 : i32 to vector<16xi32>
        %add3A_917 = arith.addi %iota3A, %add3A_916 : vector<16xi32>
        %add3A_918 = arith.constant 4096 : i32
        %add3A_919 = arith.addi %add3A_918, %mul3A_588 : i32
        %add3A_920 = arith.constant 32 : i32
        %add3A_921 = vector.broadcast %add3A_920 : i32 to vector<16xi32>
        %add3A_922 = arith.addi %and3A, %add3A_921 : vector<16xi32>
        %gather3A_923 = tpu.vector_load_idx %arg8[%add3A_917, %add3A_922] : memref<128x64xf32, #tpu.memory_space<vmem>>[vector<16xi32>, vector<16xi32>], vector<16xf32>,
        %add3A_924 = arith.constant 32 : i32
        %add3A_925 = vector.broadcast %add3A_924 : i32 to vector<16xi32>
        %add3A_926 = arith.addi %and3A_10, %add3A_925 : vector<16xi32>
        %gather3A_927 = tpu.vector_load_idx %arg8[%add3A_917, %add3A_926] : memref<128x64xf32, #tpu.memory_space<vmem>>[vector<16xi32>, vector<16xi32>], vector<16xf32>,
        %add3A_928 = arith.constant 32 : i32
        %add3A_929 = vector.broadcast %add3A_928 : i32 to vector<16xi32>
        %add3A_930 = arith.addi %and3A_14, %add3A_929 : vector<16xi32>
        %gather3A_931 = tpu.vector_load_idx %arg8[%add3A_917, %add3A_930] : memref<128x64xf32, #tpu.memory_space<vmem>>[vector<16xi32>, vector<16xi32>], vector<16xf32>,
        %add3A_932 = arith.constant 32 : i32
        %add3A_933 = vector.broadcast %add3A_932 : i32 to vector<16xi32>
        %add3A_934 = arith.addi %and3A_18, %add3A_933 : vector<16xi32>
        %gather3A_935 = tpu.vector_load_idx %arg8[%add3A_917, %add3A_934] : memref<128x64xf32, #tpu.memory_space<vmem>>[vector<16xi32>, vector<16xi32>], vector<16xf32>,
        %add3A_936 = arith.constant 32 : i32
        %add3A_937 = vector.broadcast %add3A_936 : i32 to vector<16xi32>
        %add3A_938 = arith.addi %and3A_22, %add3A_937 : vector<16xi32>
        %gather3A_939 = tpu.vector_load_idx %arg8[%add3A_917, %add3A_938] : memref<128x64xf32, #tpu.memory_space<vmem>>[vector<16xi32>, vector<16xi32>], vector<16xf32>,
        %add3A_940 = arith.constant 32 : i32
        %add3A_941 = vector.broadcast %add3A_940 : i32 to vector<16xi32>
        %add3A_942 = arith.addi %and3A_26, %add3A_941 : vector<16xi32>
        %gather3A_943 = tpu.vector_load_idx %arg8[%add3A_917, %add3A_942] : memref<128x64xf32, #tpu.memory_space<vmem>>[vector<16xi32>, vector<16xi32>], vector<16xf32>,
        %add3A_944 = arith.constant 32 : i32
        %add3A_945 = vector.broadcast %add3A_944 : i32 to vector<16xi32>
        %add3A_946 = arith.addi %and3A_30, %add3A_945 : vector<16xi32>
        %gather3A_947 = tpu.vector_load_idx %arg8[%add3A_917, %add3A_946] : memref<128x64xf32, #tpu.memory_space<vmem>>[vector<16xi32>, vector<16xi32>], vector<16xf32>,
        %add3A_948 = arith.constant 32 : i32
        %add3A_949 = vector.broadcast %add3A_948 : i32 to vector<16xi32>
        %add3A_950 = arith.addi %and3A_34, %add3A_949 : vector<16xi32>
        %gather3A_951 = tpu.vector_load_idx %arg8[%add3A_917, %add3A_950] : memref<128x64xf32, #tpu.memory_space<vmem>>[vector<16xi32>, vector<16xi32>], vector<16xf32>,
        %add3A_952 = arith.constant 32 : i32
        %add3A_953 = vector.broadcast %add3A_952 : i32 to vector<16xi32>
        %add3A_954 = arith.addi %and3A_38, %add3A_953 : vector<16xi32>
        %gather3A_955 = tpu.vector_load_idx %arg8[%add3A_917, %add3A_954] : memref<128x64xf32, #tpu.memory_space<vmem>>[vector<16xi32>, vector<16xi32>], vector<16xf32>,
        %add3A_956 = arith.constant 32 : i32
        %add3A_957 = vector.broadcast %add3A_956 : i32 to vector<16xi32>
        %add3A_958 = arith.addi %and3A_42, %add3A_957 : vector<16xi32>
        %gather3A_959 = tpu.vector_load_idx %arg8[%add3A_917, %add3A_958] : memref<128x64xf32, #tpu.memory_space<vmem>>[vector<16xi32>, vector<16xi32>], vector<16xf32>,
        %add3A_960 = arith.constant 32 : i32
        %add3A_961 = vector.broadcast %add3A_960 : i32 to vector<16xi32>
        %add3A_962 = arith.addi %and3A_46, %add3A_961 : vector<16xi32>
        %gather3A_963 = tpu.vector_load_idx %arg8[%add3A_917, %add3A_962] : memref<128x64xf32, #tpu.memory_space<vmem>>[vector<16xi32>, vector<16xi32>], vector<16xf32>,
        %add3A_964 = arith.constant 32 : i32
        %add3A_965 = vector.broadcast %add3A_964 : i32 to vector<16xi32>
        %add3A_966 = arith.addi %and3A_50, %add3A_965 : vector<16xi32>
        %gather3A_967 = tpu.vector_load_idx %arg8[%add3A_917, %add3A_966] : memref<128x64xf32, #tpu.memory_space<vmem>>[vector<16xi32>, vector<16xi32>], vector<16xf32>,
        %add3A_968 = arith.constant 32 : i32
        %add3A_969 = vector.broadcast %add3A_968 : i32 to vector<16xi32>
        %add3A_970 = arith.addi %and3A_54, %add3A_969 : vector<16xi32>
        %gather3A_971 = tpu.vector_load_idx %arg8[%add3A_917, %add3A_970] : memref<128x64xf32, #tpu.memory_space<vmem>>[vector<16xi32>, vector<16xi32>], vector<16xf32>,
        %add3A_972 = arith.constant 32 : i32
        %add3A_973 = vector.broadcast %add3A_972 : i32 to vector<16xi32>
        %add3A_974 = arith.addi %and3A_58, %add3A_973 : vector<16xi32>
        %gather3A_975 = tpu.vector_load_idx %arg8[%add3A_917, %add3A_974] : memref<128x64xf32, #tpu.memory_space<vmem>>[vector<16xi32>, vector<16xi32>], vector<16xf32>,
        %add3A_976 = arith.constant 32 : i32
        %add3A_977 = vector.broadcast %add3A_976 : i32 to vector<16xi32>
        %add3A_978 = arith.addi %and3A_62, %add3A_977 : vector<16xi32>
        %gather3A_979 = tpu.vector_load_idx %arg8[%add3A_917, %add3A_978] : memref<128x64xf32, #tpu.memory_space<vmem>>[vector<16xi32>, vector<16xi32>], vector<16xf32>,
        %add3A_980 = arith.constant 32 : i32
        %add3A_981 = vector.broadcast %add3A_980 : i32 to vector<16xi32>
        %add3A_982 = arith.addi %and3A_66, %add3A_981 : vector<16xi32>
        %gather3A_983 = tpu.vector_load_idx %arg8[%add3A_917, %add3A_982] : memref<128x64xf32, #tpu.memory_space<vmem>>[vector<16xi32>, vector<16xi32>], vector<16xf32>,
        %add3A_984 = vector.broadcast %add3A_919 : i32 to vector<16xi32>
        %add3A_985 = arith.addi %add3A_69, %add3A_984 : vector<16xi32>
        %broadcast_in_dim3A_986 = vector.shape_cast %and3A : vector<16xi32> to vector<16x1xi32>
        %gather3A_987 = vector.shape_cast %broadcast_in_dim3A_986 : vector<16x1xi32> to vector<16xi32>
        %gather3A_988 = tpu.dynamic_gather %get3A_488[%gather3A_987] in [0] : vector<16xf32>, vector<16xi32> -> vector<16xf32>
        %add3A_989 = arith.addf %gather3A_923, %gather3A_988 : vector<16xf32>
        tpu.vector_store_idx %arg10[%add3A_985], %add3A_989 : memref<8192xf32, #tpu.memory_space<vmem>>[vector<16xi32>], vector<16xf32>,
        %add3A_990 = vector.broadcast %add3A_919 : i32 to vector<16xi32>
        %add3A_991 = arith.addi %add3A_73, %add3A_990 : vector<16xi32>
        %broadcast_in_dim3A_992 = vector.shape_cast %and3A_10 : vector<16xi32> to vector<16x1xi32>
        %gather3A_993 = vector.shape_cast %broadcast_in_dim3A_992 : vector<16x1xi32> to vector<16xi32>
        %gather3A_994 = tpu.dynamic_gather %get3A_488[%gather3A_993] in [0] : vector<16xf32>, vector<16xi32> -> vector<16xf32>
        %add3A_995 = arith.addf %gather3A_927, %gather3A_994 : vector<16xf32>
        tpu.vector_store_idx %arg10[%add3A_991], %add3A_995 : memref<8192xf32, #tpu.memory_space<vmem>>[vector<16xi32>], vector<16xf32>,
        %add3A_996 = vector.broadcast %add3A_919 : i32 to vector<16xi32>
        %add3A_997 = arith.addi %add3A_77, %add3A_996 : vector<16xi32>
        %broadcast_in_dim3A_998 = vector.shape_cast %and3A_14 : vector<16xi32> to vector<16x1xi32>
        %gather3A_999 = vector.shape_cast %broadcast_in_dim3A_998 : vector<16x1xi32> to vector<16xi32>
        %gather3A_1000 = tpu.dynamic_gather %get3A_488[%gather3A_999] in [0] : vector<16xf32>, vector<16xi32> -> vector<16xf32>
        %add3A_1001 = arith.addf %gather3A_931, %gather3A_1000 : vector<16xf32>
        tpu.vector_store_idx %arg10[%add3A_997], %add3A_1001 : memref<8192xf32, #tpu.memory_space<vmem>>[vector<16xi32>], vector<16xf32>,
        %add3A_1002 = vector.broadcast %add3A_919 : i32 to vector<16xi32>
        %add3A_1003 = arith.addi %add3A_81, %add3A_1002 : vector<16xi32>
        %broadcast_in_dim3A_1004 = vector.shape_cast %and3A_18 : vector<16xi32> to vector<16x1xi32>
        %gather3A_1005 = vector.shape_cast %broadcast_in_dim3A_1004 : vector<16x1xi32> to vector<16xi32>
        %gather3A_1006 = tpu.dynamic_gather %get3A_488[%gather3A_1005] in [0] : vector<16xf32>, vector<16xi32> -> vector<16xf32>
        %add3A_1007 = arith.addf %gather3A_935, %gather3A_1006 : vector<16xf32>
        tpu.vector_store_idx %arg10[%add3A_1003], %add3A_1007 : memref<8192xf32, #tpu.memory_space<vmem>>[vector<16xi32>], vector<16xf32>,
        %add3A_1008 = vector.broadcast %add3A_919 : i32 to vector<16xi32>
        %add3A_1009 = arith.addi %add3A_85, %add3A_1008 : vector<16xi32>
        %broadcast_in_dim3A_1010 = vector.shape_cast %and3A_22 : vector<16xi32> to vector<16x1xi32>
        %gather3A_1011 = vector.shape_cast %broadcast_in_dim3A_1010 : vector<16x1xi32> to vector<16xi32>
        %gather3A_1012 = tpu.dynamic_gather %get3A_488[%gather3A_1011] in [0] : vector<16xf32>, vector<16xi32> -> vector<16xf32>
        %add3A_1013 = arith.addf %gather3A_939, %gather3A_1012 : vector<16xf32>
        tpu.vector_store_idx %arg10[%add3A_1009], %add3A_1013 : memref<8192xf32, #tpu.memory_space<vmem>>[vector<16xi32>], vector<16xf32>,
        %add3A_1014 = vector.broadcast %add3A_919 : i32 to vector<16xi32>
        %add3A_1015 = arith.addi %add3A_89, %add3A_1014 : vector<16xi32>
        %broadcast_in_dim3A_1016 = vector.shape_cast %and3A_26 : vector<16xi32> to vector<16x1xi32>
        %gather3A_1017 = vector.shape_cast %broadcast_in_dim3A_1016 : vector<16x1xi32> to vector<16xi32>
        %gather3A_1018 = tpu.dynamic_gather %get3A_488[%gather3A_1017] in [0] : vector<16xf32>, vector<16xi32> -> vector<16xf32>
        %add3A_1019 = arith.addf %gather3A_943, %gather3A_1018 : vector<16xf32>
        tpu.vector_store_idx %arg10[%add3A_1015], %add3A_1019 : memref<8192xf32, #tpu.memory_space<vmem>>[vector<16xi32>], vector<16xf32>,
        %add3A_1020 = vector.broadcast %add3A_919 : i32 to vector<16xi32>
        %add3A_1021 = arith.addi %add3A_93, %add3A_1020 : vector<16xi32>
        %broadcast_in_dim3A_1022 = vector.shape_cast %and3A_30 : vector<16xi32> to vector<16x1xi32>
        %gather3A_1023 = vector.shape_cast %broadcast_in_dim3A_1022 : vector<16x1xi32> to vector<16xi32>
        %gather3A_1024 = tpu.dynamic_gather %get3A_488[%gather3A_1023] in [0] : vector<16xf32>, vector<16xi32> -> vector<16xf32>
        %add3A_1025 = arith.addf %gather3A_947, %gather3A_1024 : vector<16xf32>
        tpu.vector_store_idx %arg10[%add3A_1021], %add3A_1025 : memref<8192xf32, #tpu.memory_space<vmem>>[vector<16xi32>], vector<16xf32>,
        %add3A_1026 = vector.broadcast %add3A_919 : i32 to vector<16xi32>
        %add3A_1027 = arith.addi %add3A_97, %add3A_1026 : vector<16xi32>
        %broadcast_in_dim3A_1028 = vector.shape_cast %and3A_34 : vector<16xi32> to vector<16x1xi32>
        %gather3A_1029 = vector.shape_cast %broadcast_in_dim3A_1028 : vector<16x1xi32> to vector<16xi32>
        %gather3A_1030 = tpu.dynamic_gather %get3A_488[%gather3A_1029] in [0] : vector<16xf32>, vector<16xi32> -> vector<16xf32>
        %add3A_1031 = arith.addf %gather3A_951, %gather3A_1030 : vector<16xf32>
        tpu.vector_store_idx %arg10[%add3A_1027], %add3A_1031 : memref<8192xf32, #tpu.memory_space<vmem>>[vector<16xi32>], vector<16xf32>,
        %add3A_1032 = vector.broadcast %add3A_919 : i32 to vector<16xi32>
        %add3A_1033 = arith.addi %add3A_101, %add3A_1032 : vector<16xi32>
        %broadcast_in_dim3A_1034 = vector.shape_cast %and3A_38 : vector<16xi32> to vector<16x1xi32>
        %gather3A_1035 = vector.shape_cast %broadcast_in_dim3A_1034 : vector<16x1xi32> to vector<16xi32>
        %gather3A_1036 = tpu.dynamic_gather %get3A_488[%gather3A_1035] in [0] : vector<16xf32>, vector<16xi32> -> vector<16xf32>
        %add3A_1037 = arith.addf %gather3A_955, %gather3A_1036 : vector<16xf32>
        tpu.vector_store_idx %arg10[%add3A_1033], %add3A_1037 : memref<8192xf32, #tpu.memory_space<vmem>>[vector<16xi32>], vector<16xf32>,
        %add3A_1038 = vector.broadcast %add3A_919 : i32 to vector<16xi32>
        %add3A_1039 = arith.addi %add3A_105, %add3A_1038 : vector<16xi32>
        %broadcast_in_dim3A_1040 = vector.shape_cast %and3A_42 : vector<16xi32> to vector<16x1xi32>
        %gather3A_1041 = vector.shape_cast %broadcast_in_dim3A_1040 : vector<16x1xi32> to vector<16xi32>
        %gather3A_1042 = tpu.dynamic_gather %get3A_488[%gather3A_1041] in [0] : vector<16xf32>, vector<16xi32> -> vector<16xf32>
        %add3A_1043 = arith.addf %gather3A_959, %gather3A_1042 : vector<16xf32>
        tpu.vector_store_idx %arg10[%add3A_1039], %add3A_1043 : memref<8192xf32, #tpu.memory_space<vmem>>[vector<16xi32>], vector<16xf32>,
        %add3A_1044 = vector.broadcast %add3A_919 : i32 to vector<16xi32>
        %add3A_1045 = arith.addi %add3A_109, %add3A_1044 : vector<16xi32>
        %broadcast_in_dim3A_1046 = vector.shape_cast %and3A_46 : vector<16xi32> to vector<16x1xi32>
        %gather3A_1047 = vector.shape_cast %broadcast_in_dim3A_1046 : vector<16x1xi32> to vector<16xi32>
        %gather3A_1048 = tpu.dynamic_gather %get3A_488[%gather3A_1047] in [0] : vector<16xf32>, vector<16xi32> -> vector<16xf32>
        %add3A_1049 = arith.addf %gather3A_963, %gather3A_1048 : vector<16xf32>
        tpu.vector_store_idx %arg10[%add3A_1045], %add3A_1049 : memref<8192xf32, #tpu.memory_space<vmem>>[vector<16xi32>], vector<16xf32>,
        %add3A_1050 = vector.broadcast %add3A_919 : i32 to vector<16xi32>
        %add3A_1051 = arith.addi %add3A_113, %add3A_1050 : vector<16xi32>
        %broadcast_in_dim3A_1052 = vector.shape_cast %and3A_50 : vector<16xi32> to vector<16x1xi32>
        %gather3A_1053 = vector.shape_cast %broadcast_in_dim3A_1052 : vector<16x1xi32> to vector<16xi32>
        %gather3A_1054 = tpu.dynamic_gather %get3A_488[%gather3A_1053] in [0] : vector<16xf32>, vector<16xi32> -> vector<16xf32>
        %add3A_1055 = arith.addf %gather3A_967, %gather3A_1054 : vector<16xf32>
        tpu.vector_store_idx %arg10[%add3A_1051], %add3A_1055 : memref<8192xf32, #tpu.memory_space<vmem>>[vector<16xi32>], vector<16xf32>,
        %add3A_1056 = vector.broadcast %add3A_919 : i32 to vector<16xi32>
        %add3A_1057 = arith.addi %add3A_117, %add3A_1056 : vector<16xi32>
        %broadcast_in_dim3A_1058 = vector.shape_cast %and3A_54 : vector<16xi32> to vector<16x1xi32>
        %gather3A_1059 = vector.shape_cast %broadcast_in_dim3A_1058 : vector<16x1xi32> to vector<16xi32>
        %gather3A_1060 = tpu.dynamic_gather %get3A_488[%gather3A_1059] in [0] : vector<16xf32>, vector<16xi32> -> vector<16xf32>
        %add3A_1061 = arith.addf %gather3A_971, %gather3A_1060 : vector<16xf32>
        tpu.vector_store_idx %arg10[%add3A_1057], %add3A_1061 : memref<8192xf32, #tpu.memory_space<vmem>>[vector<16xi32>], vector<16xf32>,
        %add3A_1062 = vector.broadcast %add3A_919 : i32 to vector<16xi32>
        %add3A_1063 = arith.addi %add3A_121, %add3A_1062 : vector<16xi32>
        %broadcast_in_dim3A_1064 = vector.shape_cast %and3A_58 : vector<16xi32> to vector<16x1xi32>
        %gather3A_1065 = vector.shape_cast %broadcast_in_dim3A_1064 : vector<16x1xi32> to vector<16xi32>
        %gather3A_1066 = tpu.dynamic_gather %get3A_488[%gather3A_1065] in [0] : vector<16xf32>, vector<16xi32> -> vector<16xf32>
        %add3A_1067 = arith.addf %gather3A_975, %gather3A_1066 : vector<16xf32>
        tpu.vector_store_idx %arg10[%add3A_1063], %add3A_1067 : memref<8192xf32, #tpu.memory_space<vmem>>[vector<16xi32>], vector<16xf32>,
        %add3A_1068 = vector.broadcast %add3A_919 : i32 to vector<16xi32>
        %add3A_1069 = arith.addi %add3A_125, %add3A_1068 : vector<16xi32>
        %broadcast_in_dim3A_1070 = vector.shape_cast %and3A_62 : vector<16xi32> to vector<16x1xi32>
        %gather3A_1071 = vector.shape_cast %broadcast_in_dim3A_1070 : vector<16x1xi32> to vector<16xi32>
        %gather3A_1072 = tpu.dynamic_gather %get3A_488[%gather3A_1071] in [0] : vector<16xf32>, vector<16xi32> -> vector<16xf32>
        %add3A_1073 = arith.addf %gather3A_979, %gather3A_1072 : vector<16xf32>
        tpu.vector_store_idx %arg10[%add3A_1069], %add3A_1073 : memref<8192xf32, #tpu.memory_space<vmem>>[vector<16xi32>], vector<16xf32>,
        %add3A_1074 = vector.broadcast %add3A_919 : i32 to vector<16xi32>
        %add3A_1075 = arith.addi %add3A_129, %add3A_1074 : vector<16xi32>
        %broadcast_in_dim3A_1076 = vector.shape_cast %and3A_66 : vector<16xi32> to vector<16x1xi32>
        %gather3A_1077 = vector.shape_cast %broadcast_in_dim3A_1076 : vector<16x1xi32> to vector<16xi32>
        %gather3A_1078 = tpu.dynamic_gather %get3A_488[%gather3A_1077] in [0] : vector<16xf32>, vector<16xi32> -> vector<16xf32>
        %add3A_1079 = arith.addf %gather3A_983, %gather3A_1078 : vector<16xf32>
        tpu.vector_store_idx %arg10[%add3A_1075], %add3A_1079 : memref<8192xf32, #tpu.memory_space<vmem>>[vector<16xi32>], vector<16xf32>,
        %add3A_1080 = vector.broadcast %mul3A_588 : i32 to vector<16xi32>
        %add3A_1081 = arith.addi %iota3A, %add3A_1080 : vector<16xi32>
        %add3A_1082 = arith.constant 6144 : i32
        %add3A_1083 = arith.addi %add3A_1082, %mul3A_588 : i32
        %add3A_1084 = arith.constant 48 : i32
        %add3A_1085 = vector.broadcast %add3A_1084 : i32 to vector<16xi32>
        %add3A_1086 = arith.addi %and3A, %add3A_1085 : vector<16xi32>
        %gather3A_1087 = tpu.vector_load_idx %arg8[%add3A_1081, %add3A_1086] : memref<128x64xf32, #tpu.memory_space<vmem>>[vector<16xi32>, vector<16xi32>], vector<16xf32>,
        %add3A_1088 = arith.constant 48 : i32
        %add3A_1089 = vector.broadcast %add3A_1088 : i32 to vector<16xi32>
        %add3A_1090 = arith.addi %and3A_10, %add3A_1089 : vector<16xi32>
        %gather3A_1091 = tpu.vector_load_idx %arg8[%add3A_1081, %add3A_1090] : memref<128x64xf32, #tpu.memory_space<vmem>>[vector<16xi32>, vector<16xi32>], vector<16xf32>,
        %add3A_1092 = arith.constant 48 : i32
        %add3A_1093 = vector.broadcast %add3A_1092 : i32 to vector<16xi32>
        %add3A_1094 = arith.addi %and3A_14, %add3A_1093 : vector<16xi32>
        %gather3A_1095 = tpu.vector_load_idx %arg8[%add3A_1081, %add3A_1094] : memref<128x64xf32, #tpu.memory_space<vmem>>[vector<16xi32>, vector<16xi32>], vector<16xf32>,
        %add3A_1096 = arith.constant 48 : i32
        %add3A_1097 = vector.broadcast %add3A_1096 : i32 to vector<16xi32>
        %add3A_1098 = arith.addi %and3A_18, %add3A_1097 : vector<16xi32>
        %gather3A_1099 = tpu.vector_load_idx %arg8[%add3A_1081, %add3A_1098] : memref<128x64xf32, #tpu.memory_space<vmem>>[vector<16xi32>, vector<16xi32>], vector<16xf32>,
        %add3A_1100 = arith.constant 48 : i32
        %add3A_1101 = vector.broadcast %add3A_1100 : i32 to vector<16xi32>
        %add3A_1102 = arith.addi %and3A_22, %add3A_1101 : vector<16xi32>
        %gather3A_1103 = tpu.vector_load_idx %arg8[%add3A_1081, %add3A_1102] : memref<128x64xf32, #tpu.memory_space<vmem>>[vector<16xi32>, vector<16xi32>], vector<16xf32>,
        %add3A_1104 = arith.constant 48 : i32
        %add3A_1105 = vector.broadcast %add3A_1104 : i32 to vector<16xi32>
        %add3A_1106 = arith.addi %and3A_26, %add3A_1105 : vector<16xi32>
        %gather3A_1107 = tpu.vector_load_idx %arg8[%add3A_1081, %add3A_1106] : memref<128x64xf32, #tpu.memory_space<vmem>>[vector<16xi32>, vector<16xi32>], vector<16xf32>,
        %add3A_1108 = arith.constant 48 : i32
        %add3A_1109 = vector.broadcast %add3A_1108 : i32 to vector<16xi32>
        %add3A_1110 = arith.addi %and3A_30, %add3A_1109 : vector<16xi32>
        %gather3A_1111 = tpu.vector_load_idx %arg8[%add3A_1081, %add3A_1110] : memref<128x64xf32, #tpu.memory_space<vmem>>[vector<16xi32>, vector<16xi32>], vector<16xf32>,
        %add3A_1112 = arith.constant 48 : i32
        %add3A_1113 = vector.broadcast %add3A_1112 : i32 to vector<16xi32>
        %add3A_1114 = arith.addi %and3A_34, %add3A_1113 : vector<16xi32>
        %gather3A_1115 = tpu.vector_load_idx %arg8[%add3A_1081, %add3A_1114] : memref<128x64xf32, #tpu.memory_space<vmem>>[vector<16xi32>, vector<16xi32>], vector<16xf32>,
        %add3A_1116 = arith.constant 48 : i32
        %add3A_1117 = vector.broadcast %add3A_1116 : i32 to vector<16xi32>
        %add3A_1118 = arith.addi %and3A_38, %add3A_1117 : vector<16xi32>
        %gather3A_1119 = tpu.vector_load_idx %arg8[%add3A_1081, %add3A_1118] : memref<128x64xf32, #tpu.memory_space<vmem>>[vector<16xi32>, vector<16xi32>], vector<16xf32>,
        %add3A_1120 = arith.constant 48 : i32
        %add3A_1121 = vector.broadcast %add3A_1120 : i32 to vector<16xi32>
        %add3A_1122 = arith.addi %and3A_42, %add3A_1121 : vector<16xi32>
        %gather3A_1123 = tpu.vector_load_idx %arg8[%add3A_1081, %add3A_1122] : memref<128x64xf32, #tpu.memory_space<vmem>>[vector<16xi32>, vector<16xi32>], vector<16xf32>,
        %add3A_1124 = arith.constant 48 : i32
        %add3A_1125 = vector.broadcast %add3A_1124 : i32 to vector<16xi32>
        %add3A_1126 = arith.addi %and3A_46, %add3A_1125 : vector<16xi32>
        %gather3A_1127 = tpu.vector_load_idx %arg8[%add3A_1081, %add3A_1126] : memref<128x64xf32, #tpu.memory_space<vmem>>[vector<16xi32>, vector<16xi32>], vector<16xf32>,
        %add3A_1128 = arith.constant 48 : i32
        %add3A_1129 = vector.broadcast %add3A_1128 : i32 to vector<16xi32>
        %add3A_1130 = arith.addi %and3A_50, %add3A_1129 : vector<16xi32>
        %gather3A_1131 = tpu.vector_load_idx %arg8[%add3A_1081, %add3A_1130] : memref<128x64xf32, #tpu.memory_space<vmem>>[vector<16xi32>, vector<16xi32>], vector<16xf32>,
        %add3A_1132 = arith.constant 48 : i32
        %add3A_1133 = vector.broadcast %add3A_1132 : i32 to vector<16xi32>
        %add3A_1134 = arith.addi %and3A_54, %add3A_1133 : vector<16xi32>
        %gather3A_1135 = tpu.vector_load_idx %arg8[%add3A_1081, %add3A_1134] : memref<128x64xf32, #tpu.memory_space<vmem>>[vector<16xi32>, vector<16xi32>], vector<16xf32>,
        %add3A_1136 = arith.constant 48 : i32
        %add3A_1137 = vector.broadcast %add3A_1136 : i32 to vector<16xi32>
        %add3A_1138 = arith.addi %and3A_58, %add3A_1137 : vector<16xi32>
        %gather3A_1139 = tpu.vector_load_idx %arg8[%add3A_1081, %add3A_1138] : memref<128x64xf32, #tpu.memory_space<vmem>>[vector<16xi32>, vector<16xi32>], vector<16xf32>,
        %add3A_1140 = arith.constant 48 : i32
        %add3A_1141 = vector.broadcast %add3A_1140 : i32 to vector<16xi32>
        %add3A_1142 = arith.addi %and3A_62, %add3A_1141 : vector<16xi32>
        %gather3A_1143 = tpu.vector_load_idx %arg8[%add3A_1081, %add3A_1142] : memref<128x64xf32, #tpu.memory_space<vmem>>[vector<16xi32>, vector<16xi32>], vector<16xf32>,
        %add3A_1144 = arith.constant 48 : i32
        %add3A_1145 = vector.broadcast %add3A_1144 : i32 to vector<16xi32>
        %add3A_1146 = arith.addi %and3A_66, %add3A_1145 : vector<16xi32>
        %gather3A_1147 = tpu.vector_load_idx %arg8[%add3A_1081, %add3A_1146] : memref<128x64xf32, #tpu.memory_space<vmem>>[vector<16xi32>, vector<16xi32>], vector<16xf32>,
        %add3A_1148 = vector.broadcast %add3A_1083 : i32 to vector<16xi32>
        %add3A_1149 = arith.addi %add3A_69, %add3A_1148 : vector<16xi32>
        %broadcast_in_dim3A_1150 = vector.shape_cast %and3A : vector<16xi32> to vector<16x1xi32>
        %gather3A_1151 = vector.shape_cast %broadcast_in_dim3A_1150 : vector<16x1xi32> to vector<16xi32>
        %gather3A_1152 = tpu.dynamic_gather %get3A_491[%gather3A_1151] in [0] : vector<16xf32>, vector<16xi32> -> vector<16xf32>
        %add3A_1153 = arith.addf %gather3A_1087, %gather3A_1152 : vector<16xf32>
        tpu.vector_store_idx %arg10[%add3A_1149], %add3A_1153 : memref<8192xf32, #tpu.memory_space<vmem>>[vector<16xi32>], vector<16xf32>,
        %add3A_1154 = vector.broadcast %add3A_1083 : i32 to vector<16xi32>
        %add3A_1155 = arith.addi %add3A_73, %add3A_1154 : vector<16xi32>
        %broadcast_in_dim3A_1156 = vector.shape_cast %and3A_10 : vector<16xi32> to vector<16x1xi32>
        %gather3A_1157 = vector.shape_cast %broadcast_in_dim3A_1156 : vector<16x1xi32> to vector<16xi32>
        %gather3A_1158 = tpu.dynamic_gather %get3A_491[%gather3A_1157] in [0] : vector<16xf32>, vector<16xi32> -> vector<16xf32>
        %add3A_1159 = arith.addf %gather3A_1091, %gather3A_1158 : vector<16xf32>
        tpu.vector_store_idx %arg10[%add3A_1155], %add3A_1159 : memref<8192xf32, #tpu.memory_space<vmem>>[vector<16xi32>], vector<16xf32>,
        %add3A_1160 = vector.broadcast %add3A_1083 : i32 to vector<16xi32>
        %add3A_1161 = arith.addi %add3A_77, %add3A_1160 : vector<16xi32>
        %broadcast_in_dim3A_1162 = vector.shape_cast %and3A_14 : vector<16xi32> to vector<16x1xi32>
        %gather3A_1163 = vector.shape_cast %broadcast_in_dim3A_1162 : vector<16x1xi32> to vector<16xi32>
        %gather3A_1164 = tpu.dynamic_gather %get3A_491[%gather3A_1163] in [0] : vector<16xf32>, vector<16xi32> -> vector<16xf32>
        %add3A_1165 = arith.addf %gather3A_1095, %gather3A_1164 : vector<16xf32>
        tpu.vector_store_idx %arg10[%add3A_1161], %add3A_1165 : memref<8192xf32, #tpu.memory_space<vmem>>[vector<16xi32>], vector<16xf32>,
        %add3A_1166 = vector.broadcast %add3A_1083 : i32 to vector<16xi32>
        %add3A_1167 = arith.addi %add3A_81, %add3A_1166 : vector<16xi32>
        %broadcast_in_dim3A_1168 = vector.shape_cast %and3A_18 : vector<16xi32> to vector<16x1xi32>
        %gather3A_1169 = vector.shape_cast %broadcast_in_dim3A_1168 : vector<16x1xi32> to vector<16xi32>
        %gather3A_1170 = tpu.dynamic_gather %get3A_491[%gather3A_1169] in [0] : vector<16xf32>, vector<16xi32> -> vector<16xf32>
        %add3A_1171 = arith.addf %gather3A_1099, %gather3A_1170 : vector<16xf32>
        tpu.vector_store_idx %arg10[%add3A_1167], %add3A_1171 : memref<8192xf32, #tpu.memory_space<vmem>>[vector<16xi32>], vector<16xf32>,
        %add3A_1172 = vector.broadcast %add3A_1083 : i32 to vector<16xi32>
        %add3A_1173 = arith.addi %add3A_85, %add3A_1172 : vector<16xi32>
        %broadcast_in_dim3A_1174 = vector.shape_cast %and3A_22 : vector<16xi32> to vector<16x1xi32>
        %gather3A_1175 = vector.shape_cast %broadcast_in_dim3A_1174 : vector<16x1xi32> to vector<16xi32>
        %gather3A_1176 = tpu.dynamic_gather %get3A_491[%gather3A_1175] in [0] : vector<16xf32>, vector<16xi32> -> vector<16xf32>
        %add3A_1177 = arith.addf %gather3A_1103, %gather3A_1176 : vector<16xf32>
        tpu.vector_store_idx %arg10[%add3A_1173], %add3A_1177 : memref<8192xf32, #tpu.memory_space<vmem>>[vector<16xi32>], vector<16xf32>,
        %add3A_1178 = vector.broadcast %add3A_1083 : i32 to vector<16xi32>
        %add3A_1179 = arith.addi %add3A_89, %add3A_1178 : vector<16xi32>
        %broadcast_in_dim3A_1180 = vector.shape_cast %and3A_26 : vector<16xi32> to vector<16x1xi32>
        %gather3A_1181 = vector.shape_cast %broadcast_in_dim3A_1180 : vector<16x1xi32> to vector<16xi32>
        %gather3A_1182 = tpu.dynamic_gather %get3A_491[%gather3A_1181] in [0] : vector<16xf32>, vector<16xi32> -> vector<16xf32>
        %add3A_1183 = arith.addf %gather3A_1107, %gather3A_1182 : vector<16xf32>
        tpu.vector_store_idx %arg10[%add3A_1179], %add3A_1183 : memref<8192xf32, #tpu.memory_space<vmem>>[vector<16xi32>], vector<16xf32>,
        %add3A_1184 = vector.broadcast %add3A_1083 : i32 to vector<16xi32>
        %add3A_1185 = arith.addi %add3A_93, %add3A_1184 : vector<16xi32>
        %broadcast_in_dim3A_1186 = vector.shape_cast %and3A_30 : vector<16xi32> to vector<16x1xi32>
        %gather3A_1187 = vector.shape_cast %broadcast_in_dim3A_1186 : vector<16x1xi32> to vector<16xi32>
        %gather3A_1188 = tpu.dynamic_gather %get3A_491[%gather3A_1187] in [0] : vector<16xf32>, vector<16xi32> -> vector<16xf32>
        %add3A_1189 = arith.addf %gather3A_1111, %gather3A_1188 : vector<16xf32>
        tpu.vector_store_idx %arg10[%add3A_1185], %add3A_1189 : memref<8192xf32, #tpu.memory_space<vmem>>[vector<16xi32>], vector<16xf32>,
        %add3A_1190 = vector.broadcast %add3A_1083 : i32 to vector<16xi32>
        %add3A_1191 = arith.addi %add3A_97, %add3A_1190 : vector<16xi32>
        %broadcast_in_dim3A_1192 = vector.shape_cast %and3A_34 : vector<16xi32> to vector<16x1xi32>
        %gather3A_1193 = vector.shape_cast %broadcast_in_dim3A_1192 : vector<16x1xi32> to vector<16xi32>
        %gather3A_1194 = tpu.dynamic_gather %get3A_491[%gather3A_1193] in [0] : vector<16xf32>, vector<16xi32> -> vector<16xf32>
        %add3A_1195 = arith.addf %gather3A_1115, %gather3A_1194 : vector<16xf32>
        tpu.vector_store_idx %arg10[%add3A_1191], %add3A_1195 : memref<8192xf32, #tpu.memory_space<vmem>>[vector<16xi32>], vector<16xf32>,
        %add3A_1196 = vector.broadcast %add3A_1083 : i32 to vector<16xi32>
        %add3A_1197 = arith.addi %add3A_101, %add3A_1196 : vector<16xi32>
        %broadcast_in_dim3A_1198 = vector.shape_cast %and3A_38 : vector<16xi32> to vector<16x1xi32>
        %gather3A_1199 = vector.shape_cast %broadcast_in_dim3A_1198 : vector<16x1xi32> to vector<16xi32>
        %gather3A_1200 = tpu.dynamic_gather %get3A_491[%gather3A_1199] in [0] : vector<16xf32>, vector<16xi32> -> vector<16xf32>
        %add3A_1201 = arith.addf %gather3A_1119, %gather3A_1200 : vector<16xf32>
        tpu.vector_store_idx %arg10[%add3A_1197], %add3A_1201 : memref<8192xf32, #tpu.memory_space<vmem>>[vector<16xi32>], vector<16xf32>,
        %add3A_1202 = vector.broadcast %add3A_1083 : i32 to vector<16xi32>
        %add3A_1203 = arith.addi %add3A_105, %add3A_1202 : vector<16xi32>
        %broadcast_in_dim3A_1204 = vector.shape_cast %and3A_42 : vector<16xi32> to vector<16x1xi32>
        %gather3A_1205 = vector.shape_cast %broadcast_in_dim3A_1204 : vector<16x1xi32> to vector<16xi32>
        %gather3A_1206 = tpu.dynamic_gather %get3A_491[%gather3A_1205] in [0] : vector<16xf32>, vector<16xi32> -> vector<16xf32>
        %add3A_1207 = arith.addf %gather3A_1123, %gather3A_1206 : vector<16xf32>
        tpu.vector_store_idx %arg10[%add3A_1203], %add3A_1207 : memref<8192xf32, #tpu.memory_space<vmem>>[vector<16xi32>], vector<16xf32>,
        %add3A_1208 = vector.broadcast %add3A_1083 : i32 to vector<16xi32>
        %add3A_1209 = arith.addi %add3A_109, %add3A_1208 : vector<16xi32>
        %broadcast_in_dim3A_1210 = vector.shape_cast %and3A_46 : vector<16xi32> to vector<16x1xi32>
        %gather3A_1211 = vector.shape_cast %broadcast_in_dim3A_1210 : vector<16x1xi32> to vector<16xi32>
        %gather3A_1212 = tpu.dynamic_gather %get3A_491[%gather3A_1211] in [0] : vector<16xf32>, vector<16xi32> -> vector<16xf32>
        %add3A_1213 = arith.addf %gather3A_1127, %gather3A_1212 : vector<16xf32>
        tpu.vector_store_idx %arg10[%add3A_1209], %add3A_1213 : memref<8192xf32, #tpu.memory_space<vmem>>[vector<16xi32>], vector<16xf32>,
        %add3A_1214 = vector.broadcast %add3A_1083 : i32 to vector<16xi32>
        %add3A_1215 = arith.addi %add3A_113, %add3A_1214 : vector<16xi32>
        %broadcast_in_dim3A_1216 = vector.shape_cast %and3A_50 : vector<16xi32> to vector<16x1xi32>
        %gather3A_1217 = vector.shape_cast %broadcast_in_dim3A_1216 : vector<16x1xi32> to vector<16xi32>
        %gather3A_1218 = tpu.dynamic_gather %get3A_491[%gather3A_1217] in [0] : vector<16xf32>, vector<16xi32> -> vector<16xf32>
        %add3A_1219 = arith.addf %gather3A_1131, %gather3A_1218 : vector<16xf32>
        tpu.vector_store_idx %arg10[%add3A_1215], %add3A_1219 : memref<8192xf32, #tpu.memory_space<vmem>>[vector<16xi32>], vector<16xf32>,
        %add3A_1220 = vector.broadcast %add3A_1083 : i32 to vector<16xi32>
        %add3A_1221 = arith.addi %add3A_117, %add3A_1220 : vector<16xi32>
        %broadcast_in_dim3A_1222 = vector.shape_cast %and3A_54 : vector<16xi32> to vector<16x1xi32>
        %gather3A_1223 = vector.shape_cast %broadcast_in_dim3A_1222 : vector<16x1xi32> to vector<16xi32>
        %gather3A_1224 = tpu.dynamic_gather %get3A_491[%gather3A_1223] in [0] : vector<16xf32>, vector<16xi32> -> vector<16xf32>
        %add3A_1225 = arith.addf %gather3A_1135, %gather3A_1224 : vector<16xf32>
        tpu.vector_store_idx %arg10[%add3A_1221], %add3A_1225 : memref<8192xf32, #tpu.memory_space<vmem>>[vector<16xi32>], vector<16xf32>,
        %add3A_1226 = vector.broadcast %add3A_1083 : i32 to vector<16xi32>
        %add3A_1227 = arith.addi %add3A_121, %add3A_1226 : vector<16xi32>
        %broadcast_in_dim3A_1228 = vector.shape_cast %and3A_58 : vector<16xi32> to vector<16x1xi32>
        %gather3A_1229 = vector.shape_cast %broadcast_in_dim3A_1228 : vector<16x1xi32> to vector<16xi32>
        %gather3A_1230 = tpu.dynamic_gather %get3A_491[%gather3A_1229] in [0] : vector<16xf32>, vector<16xi32> -> vector<16xf32>
        %add3A_1231 = arith.addf %gather3A_1139, %gather3A_1230 : vector<16xf32>
        tpu.vector_store_idx %arg10[%add3A_1227], %add3A_1231 : memref<8192xf32, #tpu.memory_space<vmem>>[vector<16xi32>], vector<16xf32>,
        %add3A_1232 = vector.broadcast %add3A_1083 : i32 to vector<16xi32>
        %add3A_1233 = arith.addi %add3A_125, %add3A_1232 : vector<16xi32>
        %broadcast_in_dim3A_1234 = vector.shape_cast %and3A_62 : vector<16xi32> to vector<16x1xi32>
        %gather3A_1235 = vector.shape_cast %broadcast_in_dim3A_1234 : vector<16x1xi32> to vector<16xi32>
        %gather3A_1236 = tpu.dynamic_gather %get3A_491[%gather3A_1235] in [0] : vector<16xf32>, vector<16xi32> -> vector<16xf32>
        %add3A_1237 = arith.addf %gather3A_1143, %gather3A_1236 : vector<16xf32>
        tpu.vector_store_idx %arg10[%add3A_1233], %add3A_1237 : memref<8192xf32, #tpu.memory_space<vmem>>[vector<16xi32>], vector<16xf32>,
        %add3A_1238 = vector.broadcast %add3A_1083 : i32 to vector<16xi32>
        %add3A_1239 = arith.addi %add3A_129, %add3A_1238 : vector<16xi32>
        %broadcast_in_dim3A_1240 = vector.shape_cast %and3A_66 : vector<16xi32> to vector<16x1xi32>
        %gather3A_1241 = vector.shape_cast %broadcast_in_dim3A_1240 : vector<16x1xi32> to vector<16xi32>
        %gather3A_1242 = tpu.dynamic_gather %get3A_491[%gather3A_1241] in [0] : vector<16xf32>, vector<16xi32> -> vector<16xf32>
        %add3A_1243 = arith.addf %gather3A_1147, %gather3A_1242 : vector<16xf32>
        tpu.vector_store_idx %arg10[%add3A_1239], %add3A_1243 : memref<8192xf32, #tpu.memory_space<vmem>>[vector<16xi32>], vector<16xf32>,
      }
      %scan3A_497 = arith.constant 8 : i32
      %dma_start3A_498 = arith.constant 0 : i32
      %dma_start3A_499 = arith.constant 0 : i32
      %dma_start3A_500 = tpu.memref_slice %arg10[%dma_start3A_499] : memref<8192xf32, #tpu.memory_space<vmem>> -> memref<1024xf32, #tpu.memory_space<vmem>>
      %dma_start3A_501 = arith.constant 0 : i32
      %dma_start3A_502 = tpu.memref_slice %arg5[%add3A_460, %dma_start3A_498, %add3A, %dma_start3A_501] : memref<200x8x32x1024xf32, #tpu.memory_space<hbm>> -> memref<1x1x1x1024xf32, #tpu.memory_space<hbm>>
      %dma_start3A_503 = tpu.memref_squeeze %dma_start3A_502 : memref<1x1x1x1024xf32, #tpu.memory_space<hbm>> -> memref<1024xf32, #tpu.memory_space<hbm>>
      %dma_start3A_504 = arith.constant 0 : i32
      %dma_start3A_505 = tpu.memref_slice %arg5[%add3A_460, %dma_start3A_498, %add3A, %dma_start3A_504] : memref<200x8x32x1024xf32, #tpu.memory_space<hbm>> -> memref<1x1x1x1024xf32, #tpu.memory_space<hbm>>
      %dma_start3A_506 = tpu.memref_squeeze %dma_start3A_505 : memref<1x1x1x1024xf32, #tpu.memory_space<hbm>> -> memref<1024xf32, #tpu.memory_space<hbm>>
      %dma_start3A_507 = arith.constant 0 : i32
      %dma_start3A_508 = tpu.memref_slice %arg10[%dma_start3A_507] : memref<8192xf32, #tpu.memory_space<vmem>> -> memref<1024xf32, #tpu.memory_space<vmem>>
      tpu.enqueue_dma source(%dma_start3A_508 : memref<1024xf32, #tpu.memory_space<vmem>>) target(%dma_start3A_506 : memref<1024xf32, #tpu.memory_space<hbm>>) target_semaphore(%arg15 : memref<!tpu.dma_semaphore, #tpu.memory_space<semaphore_mem>>)
      %dma_start3A_509 = arith.constant 1 : i32
      %dma_start3A_510 = arith.constant 1024 : i32
      %dma_start3A_511 = tpu.memref_slice %arg10[%dma_start3A_510] : memref<8192xf32, #tpu.memory_space<vmem>> -> memref<1024xf32, #tpu.memory_space<vmem>>
      %dma_start3A_512 = arith.constant 0 : i32
      %dma_start3A_513 = tpu.memref_slice %arg5[%add3A_460, %dma_start3A_509, %add3A, %dma_start3A_512] : memref<200x8x32x1024xf32, #tpu.memory_space<hbm>> -> memref<1x1x1x1024xf32, #tpu.memory_space<hbm>>
      %dma_start3A_514 = tpu.memref_squeeze %dma_start3A_513 : memref<1x1x1x1024xf32, #tpu.memory_space<hbm>> -> memref<1024xf32, #tpu.memory_space<hbm>>
      %dma_start3A_515 = arith.constant 0 : i32
      %dma_start3A_516 = tpu.memref_slice %arg5[%add3A_460, %dma_start3A_509, %add3A, %dma_start3A_515] : memref<200x8x32x1024xf32, #tpu.memory_space<hbm>> -> memref<1x1x1x1024xf32, #tpu.memory_space<hbm>>
      %dma_start3A_517 = tpu.memref_squeeze %dma_start3A_516 : memref<1x1x1x1024xf32, #tpu.memory_space<hbm>> -> memref<1024xf32, #tpu.memory_space<hbm>>
      %dma_start3A_518 = arith.constant 1024 : i32
      %dma_start3A_519 = tpu.memref_slice %arg10[%dma_start3A_518] : memref<8192xf32, #tpu.memory_space<vmem>> -> memref<1024xf32, #tpu.memory_space<vmem>>
      tpu.enqueue_dma source(%dma_start3A_519 : memref<1024xf32, #tpu.memory_space<vmem>>) target(%dma_start3A_517 : memref<1024xf32, #tpu.memory_space<hbm>>) target_semaphore(%arg15 : memref<!tpu.dma_semaphore, #tpu.memory_space<semaphore_mem>>)
      %dma_start3A_520 = arith.constant 2 : i32
      %dma_start3A_521 = arith.constant 2048 : i32
      %dma_start3A_522 = tpu.memref_slice %arg10[%dma_start3A_521] : memref<8192xf32, #tpu.memory_space<vmem>> -> memref<1024xf32, #tpu.memory_space<vmem>>
      %dma_start3A_523 = arith.constant 0 : i32
      %dma_start3A_524 = tpu.memref_slice %arg5[%add3A_460, %dma_start3A_520, %add3A, %dma_start3A_523] : memref<200x8x32x1024xf32, #tpu.memory_space<hbm>> -> memref<1x1x1x1024xf32, #tpu.memory_space<hbm>>
      %dma_start3A_525 = tpu.memref_squeeze %dma_start3A_524 : memref<1x1x1x1024xf32, #tpu.memory_space<hbm>> -> memref<1024xf32, #tpu.memory_space<hbm>>
      %dma_start3A_526 = arith.constant 0 : i32
      %dma_start3A_527 = tpu.memref_slice %arg5[%add3A_460, %dma_start3A_520, %add3A, %dma_start3A_526] : memref<200x8x32x1024xf32, #tpu.memory_space<hbm>> -> memref<1x1x1x1024xf32, #tpu.memory_space<hbm>>
      %dma_start3A_528 = tpu.memref_squeeze %dma_start3A_527 : memref<1x1x1x1024xf32, #tpu.memory_space<hbm>> -> memref<1024xf32, #tpu.memory_space<hbm>>
      %dma_start3A_529 = arith.constant 2048 : i32
      %dma_start3A_530 = tpu.memref_slice %arg10[%dma_start3A_529] : memref<8192xf32, #tpu.memory_space<vmem>> -> memref<1024xf32, #tpu.memory_space<vmem>>
      tpu.enqueue_dma source(%dma_start3A_530 : memref<1024xf32, #tpu.memory_space<vmem>>) target(%dma_start3A_528 : memref<1024xf32, #tpu.memory_space<hbm>>) target_semaphore(%arg15 : memref<!tpu.dma_semaphore, #tpu.memory_space<semaphore_mem>>)
      %dma_start3A_531 = arith.constant 3 : i32
      %dma_start3A_532 = arith.constant 3072 : i32
      %dma_start3A_533 = tpu.memref_slice %arg10[%dma_start3A_532] : memref<8192xf32, #tpu.memory_space<vmem>> -> memref<1024xf32, #tpu.memory_space<vmem>>
      %dma_start3A_534 = arith.constant 0 : i32
      %dma_start3A_535 = tpu.memref_slice %arg5[%add3A_460, %dma_start3A_531, %add3A, %dma_start3A_534] : memref<200x8x32x1024xf32, #tpu.memory_space<hbm>> -> memref<1x1x1x1024xf32, #tpu.memory_space<hbm>>
      %dma_start3A_536 = tpu.memref_squeeze %dma_start3A_535 : memref<1x1x1x1024xf32, #tpu.memory_space<hbm>> -> memref<1024xf32, #tpu.memory_space<hbm>>
      %dma_start3A_537 = arith.constant 0 : i32
      %dma_start3A_538 = tpu.memref_slice %arg5[%add3A_460, %dma_start3A_531, %add3A, %dma_start3A_537] : memref<200x8x32x1024xf32, #tpu.memory_space<hbm>> -> memref<1x1x1x1024xf32, #tpu.memory_space<hbm>>
      %dma_start3A_539 = tpu.memref_squeeze %dma_start3A_538 : memref<1x1x1x1024xf32, #tpu.memory_space<hbm>> -> memref<1024xf32, #tpu.memory_space<hbm>>
      %dma_start3A_540 = arith.constant 3072 : i32
      %dma_start3A_541 = tpu.memref_slice %arg10[%dma_start3A_540] : memref<8192xf32, #tpu.memory_space<vmem>> -> memref<1024xf32, #tpu.memory_space<vmem>>
      tpu.enqueue_dma source(%dma_start3A_541 : memref<1024xf32, #tpu.memory_space<vmem>>) target(%dma_start3A_539 : memref<1024xf32, #tpu.memory_space<hbm>>) target_semaphore(%arg15 : memref<!tpu.dma_semaphore, #tpu.memory_space<semaphore_mem>>)
      %dma_start3A_542 = arith.constant 4 : i32
      %dma_start3A_543 = arith.constant 4096 : i32
      %dma_start3A_544 = tpu.memref_slice %arg10[%dma_start3A_543] : memref<8192xf32, #tpu.memory_space<vmem>> -> memref<1024xf32, #tpu.memory_space<vmem>>
      %dma_start3A_545 = arith.constant 0 : i32
      %dma_start3A_546 = tpu.memref_slice %arg5[%add3A_460, %dma_start3A_542, %add3A, %dma_start3A_545] : memref<200x8x32x1024xf32, #tpu.memory_space<hbm>> -> memref<1x1x1x1024xf32, #tpu.memory_space<hbm>>
      %dma_start3A_547 = tpu.memref_squeeze %dma_start3A_546 : memref<1x1x1x1024xf32, #tpu.memory_space<hbm>> -> memref<1024xf32, #tpu.memory_space<hbm>>
      %dma_start3A_548 = arith.constant 0 : i32
      %dma_start3A_549 = tpu.memref_slice %arg5[%add3A_460, %dma_start3A_542, %add3A, %dma_start3A_548] : memref<200x8x32x1024xf32, #tpu.memory_space<hbm>> -> memref<1x1x1x1024xf32, #tpu.memory_space<hbm>>
      %dma_start3A_550 = tpu.memref_squeeze %dma_start3A_549 : memref<1x1x1x1024xf32, #tpu.memory_space<hbm>> -> memref<1024xf32, #tpu.memory_space<hbm>>
      %dma_start3A_551 = arith.constant 4096 : i32
      %dma_start3A_552 = tpu.memref_slice %arg10[%dma_start3A_551] : memref<8192xf32, #tpu.memory_space<vmem>> -> memref<1024xf32, #tpu.memory_space<vmem>>
      tpu.enqueue_dma source(%dma_start3A_552 : memref<1024xf32, #tpu.memory_space<vmem>>) target(%dma_start3A_550 : memref<1024xf32, #tpu.memory_space<hbm>>) target_semaphore(%arg15 : memref<!tpu.dma_semaphore, #tpu.memory_space<semaphore_mem>>)
      %dma_start3A_553 = arith.constant 5 : i32
      %dma_start3A_554 = arith.constant 5120 : i32
      %dma_start3A_555 = tpu.memref_slice %arg10[%dma_start3A_554] : memref<8192xf32, #tpu.memory_space<vmem>> -> memref<1024xf32, #tpu.memory_space<vmem>>
      %dma_start3A_556 = arith.constant 0 : i32
      %dma_start3A_557 = tpu.memref_slice %arg5[%add3A_460, %dma_start3A_553, %add3A, %dma_start3A_556] : memref<200x8x32x1024xf32, #tpu.memory_space<hbm>> -> memref<1x1x1x1024xf32, #tpu.memory_space<hbm>>
      %dma_start3A_558 = tpu.memref_squeeze %dma_start3A_557 : memref<1x1x1x1024xf32, #tpu.memory_space<hbm>> -> memref<1024xf32, #tpu.memory_space<hbm>>
      %dma_start3A_559 = arith.constant 0 : i32
      %dma_start3A_560 = tpu.memref_slice %arg5[%add3A_460, %dma_start3A_553, %add3A, %dma_start3A_559] : memref<200x8x32x1024xf32, #tpu.memory_space<hbm>> -> memref<1x1x1x1024xf32, #tpu.memory_space<hbm>>
      %dma_start3A_561 = tpu.memref_squeeze %dma_start3A_560 : memref<1x1x1x1024xf32, #tpu.memory_space<hbm>> -> memref<1024xf32, #tpu.memory_space<hbm>>
      %dma_start3A_562 = arith.constant 5120 : i32
      %dma_start3A_563 = tpu.memref_slice %arg10[%dma_start3A_562] : memref<8192xf32, #tpu.memory_space<vmem>> -> memref<1024xf32, #tpu.memory_space<vmem>>
      tpu.enqueue_dma source(%dma_start3A_563 : memref<1024xf32, #tpu.memory_space<vmem>>) target(%dma_start3A_561 : memref<1024xf32, #tpu.memory_space<hbm>>) target_semaphore(%arg15 : memref<!tpu.dma_semaphore, #tpu.memory_space<semaphore_mem>>)
      %dma_start3A_564 = arith.constant 6 : i32
      %dma_start3A_565 = arith.constant 6144 : i32
      %dma_start3A_566 = tpu.memref_slice %arg10[%dma_start3A_565] : memref<8192xf32, #tpu.memory_space<vmem>> -> memref<1024xf32, #tpu.memory_space<vmem>>
      %dma_start3A_567 = arith.constant 0 : i32
      %dma_start3A_568 = tpu.memref_slice %arg5[%add3A_460, %dma_start3A_564, %add3A, %dma_start3A_567] : memref<200x8x32x1024xf32, #tpu.memory_space<hbm>> -> memref<1x1x1x1024xf32, #tpu.memory_space<hbm>>
      %dma_start3A_569 = tpu.memref_squeeze %dma_start3A_568 : memref<1x1x1x1024xf32, #tpu.memory_space<hbm>> -> memref<1024xf32, #tpu.memory_space<hbm>>
      %dma_start3A_570 = arith.constant 0 : i32
      %dma_start3A_571 = tpu.memref_slice %arg5[%add3A_460, %dma_start3A_564, %add3A, %dma_start3A_570] : memref<200x8x32x1024xf32, #tpu.memory_space<hbm>> -> memref<1x1x1x1024xf32, #tpu.memory_space<hbm>>
      %dma_start3A_572 = tpu.memref_squeeze %dma_start3A_571 : memref<1x1x1x1024xf32, #tpu.memory_space<hbm>> -> memref<1024xf32, #tpu.memory_space<hbm>>
      %dma_start3A_573 = arith.constant 6144 : i32
      %dma_start3A_574 = tpu.memref_slice %arg10[%dma_start3A_573] : memref<8192xf32, #tpu.memory_space<vmem>> -> memref<1024xf32, #tpu.memory_space<vmem>>
      tpu.enqueue_dma source(%dma_start3A_574 : memref<1024xf32, #tpu.memory_space<vmem>>) target(%dma_start3A_572 : memref<1024xf32, #tpu.memory_space<hbm>>) target_semaphore(%arg15 : memref<!tpu.dma_semaphore, #tpu.memory_space<semaphore_mem>>)
      %dma_start3A_575 = arith.constant 7 : i32
      %dma_start3A_576 = arith.constant 7168 : i32
      %dma_start3A_577 = tpu.memref_slice %arg10[%dma_start3A_576] : memref<8192xf32, #tpu.memory_space<vmem>> -> memref<1024xf32, #tpu.memory_space<vmem>>
      %dma_start3A_578 = arith.constant 0 : i32
      %dma_start3A_579 = tpu.memref_slice %arg5[%add3A_460, %dma_start3A_575, %add3A, %dma_start3A_578] : memref<200x8x32x1024xf32, #tpu.memory_space<hbm>> -> memref<1x1x1x1024xf32, #tpu.memory_space<hbm>>
      %dma_start3A_580 = tpu.memref_squeeze %dma_start3A_579 : memref<1x1x1x1024xf32, #tpu.memory_space<hbm>> -> memref<1024xf32, #tpu.memory_space<hbm>>
      %dma_start3A_581 = arith.constant 0 : i32
      %dma_start3A_582 = tpu.memref_slice %arg5[%add3A_460, %dma_start3A_575, %add3A, %dma_start3A_581] : memref<200x8x32x1024xf32, #tpu.memory_space<hbm>> -> memref<1x1x1x1024xf32, #tpu.memory_space<hbm>>
      %dma_start3A_583 = tpu.memref_squeeze %dma_start3A_582 : memref<1x1x1x1024xf32, #tpu.memory_space<hbm>> -> memref<1024xf32, #tpu.memory_space<hbm>>
      %dma_start3A_584 = arith.constant 7168 : i32
      %dma_start3A_585 = tpu.memref_slice %arg10[%dma_start3A_584] : memref<8192xf32, #tpu.memory_space<vmem>> -> memref<1024xf32, #tpu.memory_space<vmem>>
      tpu.enqueue_dma source(%dma_start3A_585 : memref<1024xf32, #tpu.memory_space<vmem>>) target(%dma_start3A_583 : memref<1024xf32, #tpu.memory_space<hbm>>) target_semaphore(%arg15 : memref<!tpu.dma_semaphore, #tpu.memory_space<semaphore_mem>>)
    }
    %scan3A_140 = arith.constant 100 : i32
    %dma_wait3A = arith.constant 0 : i32
    %dma_wait3A_141 = arith.constant 0 : i32
    %dma_wait3A_142 = arith.constant 0 : i32
    %dma_wait3A_143 = tpu.memref_slice %arg9[%dma_wait3A_142] : memref<8192xf32, #tpu.memory_space<vmem>> -> memref<1024xf32, #tpu.memory_space<vmem>>
    %dma_wait3A_144 = arith.constant 0 : i32
    %dma_wait3A_145 = tpu.memref_slice %arg5[%dma_wait3A, %dma_wait3A_141, %add3A, %dma_wait3A_144] : memref<200x8x32x1024xf32, #tpu.memory_space<hbm>> -> memref<1x1x1x1024xf32, #tpu.memory_space<hbm>>
    %dma_wait3A_146 = tpu.memref_squeeze %dma_wait3A_145 : memref<1x1x1x1024xf32, #tpu.memory_space<hbm>> -> memref<1024xf32, #tpu.memory_space<hbm>>
    %dma_wait3A_147 = arith.constant 0 : i32
    %dma_wait3A_148 = tpu.memref_slice %arg5[%dma_wait3A, %dma_wait3A_141, %add3A, %dma_wait3A_147] : memref<200x8x32x1024xf32, #tpu.memory_space<hbm>> -> memref<1x1x1x1024xf32, #tpu.memory_space<hbm>>
    %dma_wait3A_149 = tpu.memref_squeeze %dma_wait3A_148 : memref<1x1x1x1024xf32, #tpu.memory_space<hbm>> -> memref<1024xf32, #tpu.memory_space<hbm>>
    %dma_wait3A_150 = arith.constant 0 : i32
    %dma_wait3A_151 = tpu.memref_slice %arg9[%dma_wait3A_150] : memref<8192xf32, #tpu.memory_space<vmem>> -> memref<1024xf32, #tpu.memory_space<vmem>>
    tpu.wait_dma2 semaphore(%arg14 : memref<!tpu.dma_semaphore, #tpu.memory_space<semaphore_mem>>) src(%dma_wait3A_151 : memref<1024xf32, #tpu.memory_space<vmem>>) dst(%dma_wait3A_149 : memref<1024xf32, #tpu.memory_space<hbm>>)
    %dma_wait3A_152 = arith.constant 0 : i32
    %dma_wait3A_153 = arith.constant 1 : i32
    %dma_wait3A_154 = arith.constant 1024 : i32
    %dma_wait3A_155 = tpu.memref_slice %arg9[%dma_wait3A_154] : memref<8192xf32, #tpu.memory_space<vmem>> -> memref<1024xf32, #tpu.memory_space<vmem>>
    %dma_wait3A_156 = arith.constant 0 : i32
    %dma_wait3A_157 = tpu.memref_slice %arg5[%dma_wait3A_152, %dma_wait3A_153, %add3A, %dma_wait3A_156] : memref<200x8x32x1024xf32, #tpu.memory_space<hbm>> -> memref<1x1x1x1024xf32, #tpu.memory_space<hbm>>
    %dma_wait3A_158 = tpu.memref_squeeze %dma_wait3A_157 : memref<1x1x1x1024xf32, #tpu.memory_space<hbm>> -> memref<1024xf32, #tpu.memory_space<hbm>>
    %dma_wait3A_159 = arith.constant 0 : i32
    %dma_wait3A_160 = tpu.memref_slice %arg5[%dma_wait3A_152, %dma_wait3A_153, %add3A, %dma_wait3A_159] : memref<200x8x32x1024xf32, #tpu.memory_space<hbm>> -> memref<1x1x1x1024xf32, #tpu.memory_space<hbm>>
    %dma_wait3A_161 = tpu.memref_squeeze %dma_wait3A_160 : memref<1x1x1x1024xf32, #tpu.memory_space<hbm>> -> memref<1024xf32, #tpu.memory_space<hbm>>
    %dma_wait3A_162 = arith.constant 1024 : i32
    %dma_wait3A_163 = tpu.memref_slice %arg9[%dma_wait3A_162] : memref<8192xf32, #tpu.memory_space<vmem>> -> memref<1024xf32, #tpu.memory_space<vmem>>
    tpu.wait_dma2 semaphore(%arg14 : memref<!tpu.dma_semaphore, #tpu.memory_space<semaphore_mem>>) src(%dma_wait3A_163 : memref<1024xf32, #tpu.memory_space<vmem>>) dst(%dma_wait3A_161 : memref<1024xf32, #tpu.memory_space<hbm>>)
    %dma_wait3A_164 = arith.constant 0 : i32
    %dma_wait3A_165 = arith.constant 2 : i32
    %dma_wait3A_166 = arith.constant 2048 : i32
    %dma_wait3A_167 = tpu.memref_slice %arg9[%dma_wait3A_166] : memref<8192xf32, #tpu.memory_space<vmem>> -> memref<1024xf32, #tpu.memory_space<vmem>>
    %dma_wait3A_168 = arith.constant 0 : i32
    %dma_wait3A_169 = tpu.memref_slice %arg5[%dma_wait3A_164, %dma_wait3A_165, %add3A, %dma_wait3A_168] : memref<200x8x32x1024xf32, #tpu.memory_space<hbm>> -> memref<1x1x1x1024xf32, #tpu.memory_space<hbm>>
    %dma_wait3A_170 = tpu.memref_squeeze %dma_wait3A_169 : memref<1x1x1x1024xf32, #tpu.memory_space<hbm>> -> memref<1024xf32, #tpu.memory_space<hbm>>
    %dma_wait3A_171 = arith.constant 0 : i32
    %dma_wait3A_172 = tpu.memref_slice %arg5[%dma_wait3A_164, %dma_wait3A_165, %add3A, %dma_wait3A_171] : memref<200x8x32x1024xf32, #tpu.memory_space<hbm>> -> memref<1x1x1x1024xf32, #tpu.memory_space<hbm>>
    %dma_wait3A_173 = tpu.memref_squeeze %dma_wait3A_172 : memref<1x1x1x1024xf32, #tpu.memory_space<hbm>> -> memref<1024xf32, #tpu.memory_space<hbm>>
    %dma_wait3A_174 = arith.constant 2048 : i32
    %dma_wait3A_175 = tpu.memref_slice %arg9[%dma_wait3A_174] : memref<8192xf32, #tpu.memory_space<vmem>> -> memref<1024xf32, #tpu.memory_space<vmem>>
    tpu.wait_dma2 semaphore(%arg14 : memref<!tpu.dma_semaphore, #tpu.memory_space<semaphore_mem>>) src(%dma_wait3A_175 : memref<1024xf32, #tpu.memory_space<vmem>>) dst(%dma_wait3A_173 : memref<1024xf32, #tpu.memory_space<hbm>>)
    %dma_wait3A_176 = arith.constant 0 : i32
    %dma_wait3A_177 = arith.constant 3 : i32
    %dma_wait3A_178 = arith.constant 3072 : i32
    %dma_wait3A_179 = tpu.memref_slice %arg9[%dma_wait3A_178] : memref<8192xf32, #tpu.memory_space<vmem>> -> memref<1024xf32, #tpu.memory_space<vmem>>
    %dma_wait3A_180 = arith.constant 0 : i32
    %dma_wait3A_181 = tpu.memref_slice %arg5[%dma_wait3A_176, %dma_wait3A_177, %add3A, %dma_wait3A_180] : memref<200x8x32x1024xf32, #tpu.memory_space<hbm>> -> memref<1x1x1x1024xf32, #tpu.memory_space<hbm>>
    %dma_wait3A_182 = tpu.memref_squeeze %dma_wait3A_181 : memref<1x1x1x1024xf32, #tpu.memory_space<hbm>> -> memref<1024xf32, #tpu.memory_space<hbm>>
    %dma_wait3A_183 = arith.constant 0 : i32
    %dma_wait3A_184 = tpu.memref_slice %arg5[%dma_wait3A_176, %dma_wait3A_177, %add3A, %dma_wait3A_183] : memref<200x8x32x1024xf32, #tpu.memory_space<hbm>> -> memref<1x1x1x1024xf32, #tpu.memory_space<hbm>>
    %dma_wait3A_185 = tpu.memref_squeeze %dma_wait3A_184 : memref<1x1x1x1024xf32, #tpu.memory_space<hbm>> -> memref<1024xf32, #tpu.memory_space<hbm>>
    %dma_wait3A_186 = arith.constant 3072 : i32
    %dma_wait3A_187 = tpu.memref_slice %arg9[%dma_wait3A_186] : memref<8192xf32, #tpu.memory_space<vmem>> -> memref<1024xf32, #tpu.memory_space<vmem>>
    tpu.wait_dma2 semaphore(%arg14 : memref<!tpu.dma_semaphore, #tpu.memory_space<semaphore_mem>>) src(%dma_wait3A_187 : memref<1024xf32, #tpu.memory_space<vmem>>) dst(%dma_wait3A_185 : memref<1024xf32, #tpu.memory_space<hbm>>)
    %dma_wait3A_188 = arith.constant 0 : i32
    %dma_wait3A_189 = arith.constant 4 : i32
    %dma_wait3A_190 = arith.constant 4096 : i32
    %dma_wait3A_191 = tpu.memref_slice %arg9[%dma_wait3A_190] : memref<8192xf32, #tpu.memory_space<vmem>> -> memref<1024xf32, #tpu.memory_space<vmem>>
    %dma_wait3A_192 = arith.constant 0 : i32
    %dma_wait3A_193 = tpu.memref_slice %arg5[%dma_wait3A_188, %dma_wait3A_189, %add3A, %dma_wait3A_192] : memref<200x8x32x1024xf32, #tpu.memory_space<hbm>> -> memref<1x1x1x1024xf32, #tpu.memory_space<hbm>>
    %dma_wait3A_194 = tpu.memref_squeeze %dma_wait3A_193 : memref<1x1x1x1024xf32, #tpu.memory_space<hbm>> -> memref<1024xf32, #tpu.memory_space<hbm>>
    %dma_wait3A_195 = arith.constant 0 : i32
    %dma_wait3A_196 = tpu.memref_slice %arg5[%dma_wait3A_188, %dma_wait3A_189, %add3A, %dma_wait3A_195] : memref<200x8x32x1024xf32, #tpu.memory_space<hbm>> -> memref<1x1x1x1024xf32, #tpu.memory_space<hbm>>
    %dma_wait3A_197 = tpu.memref_squeeze %dma_wait3A_196 : memref<1x1x1x1024xf32, #tpu.memory_space<hbm>> -> memref<1024xf32, #tpu.memory_space<hbm>>
    %dma_wait3A_198 = arith.constant 4096 : i32
    %dma_wait3A_199 = tpu.memref_slice %arg9[%dma_wait3A_198] : memref<8192xf32, #tpu.memory_space<vmem>> -> memref<1024xf32, #tpu.memory_space<vmem>>
    tpu.wait_dma2 semaphore(%arg14 : memref<!tpu.dma_semaphore, #tpu.memory_space<semaphore_mem>>) src(%dma_wait3A_199 : memref<1024xf32, #tpu.memory_space<vmem>>) dst(%dma_wait3A_197 : memref<1024xf32, #tpu.memory_space<hbm>>)
    %dma_wait3A_200 = arith.constant 0 : i32
    %dma_wait3A_201 = arith.constant 5 : i32
    %dma_wait3A_202 = arith.constant 5120 : i32
    %dma_wait3A_203 = tpu.memref_slice %arg9[%dma_wait3A_202] : memref<8192xf32, #tpu.memory_space<vmem>> -> memref<1024xf32, #tpu.memory_space<vmem>>
    %dma_wait3A_204 = arith.constant 0 : i32
    %dma_wait3A_205 = tpu.memref_slice %arg5[%dma_wait3A_200, %dma_wait3A_201, %add3A, %dma_wait3A_204] : memref<200x8x32x1024xf32, #tpu.memory_space<hbm>> -> memref<1x1x1x1024xf32, #tpu.memory_space<hbm>>
    %dma_wait3A_206 = tpu.memref_squeeze %dma_wait3A_205 : memref<1x1x1x1024xf32, #tpu.memory_space<hbm>> -> memref<1024xf32, #tpu.memory_space<hbm>>
    %dma_wait3A_207 = arith.constant 0 : i32
    %dma_wait3A_208 = tpu.memref_slice %arg5[%dma_wait3A_200, %dma_wait3A_201, %add3A, %dma_wait3A_207] : memref<200x8x32x1024xf32, #tpu.memory_space<hbm>> -> memref<1x1x1x1024xf32, #tpu.memory_space<hbm>>
    %dma_wait3A_209 = tpu.memref_squeeze %dma_wait3A_208 : memref<1x1x1x1024xf32, #tpu.memory_space<hbm>> -> memref<1024xf32, #tpu.memory_space<hbm>>
    %dma_wait3A_210 = arith.constant 5120 : i32
    %dma_wait3A_211 = tpu.memref_slice %arg9[%dma_wait3A_210] : memref<8192xf32, #tpu.memory_space<vmem>> -> memref<1024xf32, #tpu.memory_space<vmem>>
    tpu.wait_dma2 semaphore(%arg14 : memref<!tpu.dma_semaphore, #tpu.memory_space<semaphore_mem>>) src(%dma_wait3A_211 : memref<1024xf32, #tpu.memory_space<vmem>>) dst(%dma_wait3A_209 : memref<1024xf32, #tpu.memory_space<hbm>>)
    %dma_wait3A_212 = arith.constant 0 : i32
    %dma_wait3A_213 = arith.constant 6 : i32
    %dma_wait3A_214 = arith.constant 6144 : i32
    %dma_wait3A_215 = tpu.memref_slice %arg9[%dma_wait3A_214] : memref<8192xf32, #tpu.memory_space<vmem>> -> memref<1024xf32, #tpu.memory_space<vmem>>
    %dma_wait3A_216 = arith.constant 0 : i32
    %dma_wait3A_217 = tpu.memref_slice %arg5[%dma_wait3A_212, %dma_wait3A_213, %add3A, %dma_wait3A_216] : memref<200x8x32x1024xf32, #tpu.memory_space<hbm>> -> memref<1x1x1x1024xf32, #tpu.memory_space<hbm>>
    %dma_wait3A_218 = tpu.memref_squeeze %dma_wait3A_217 : memref<1x1x1x1024xf32, #tpu.memory_space<hbm>> -> memref<1024xf32, #tpu.memory_space<hbm>>
    %dma_wait3A_219 = arith.constant 0 : i32
    %dma_wait3A_220 = tpu.memref_slice %arg5[%dma_wait3A_212, %dma_wait3A_213, %add3A, %dma_wait3A_219] : memref<200x8x32x1024xf32, #tpu.memory_space<hbm>> -> memref<1x1x1x1024xf32, #tpu.memory_space<hbm>>
    %dma_wait3A_221 = tpu.memref_squeeze %dma_wait3A_220 : memref<1x1x1x1024xf32, #tpu.memory_space<hbm>> -> memref<1024xf32, #tpu.memory_space<hbm>>
    %dma_wait3A_222 = arith.constant 6144 : i32
    %dma_wait3A_223 = tpu.memref_slice %arg9[%dma_wait3A_222] : memref<8192xf32, #tpu.memory_space<vmem>> -> memref<1024xf32, #tpu.memory_space<vmem>>
    tpu.wait_dma2 semaphore(%arg14 : memref<!tpu.dma_semaphore, #tpu.memory_space<semaphore_mem>>) src(%dma_wait3A_223 : memref<1024xf32, #tpu.memory_space<vmem>>) dst(%dma_wait3A_221 : memref<1024xf32, #tpu.memory_space<hbm>>)
    %dma_wait3A_224 = arith.constant 0 : i32
    %dma_wait3A_225 = arith.constant 7 : i32
    %dma_wait3A_226 = arith.constant 7168 : i32
    %dma_wait3A_227 = tpu.memref_slice %arg9[%dma_wait3A_226] : memref<8192xf32, #tpu.memory_space<vmem>> -> memref<1024xf32, #tpu.memory_space<vmem>>
    %dma_wait3A_228 = arith.constant 0 : i32
    %dma_wait3A_229 = tpu.memref_slice %arg5[%dma_wait3A_224, %dma_wait3A_225, %add3A, %dma_wait3A_228] : memref<200x8x32x1024xf32, #tpu.memory_space<hbm>> -> memref<1x1x1x1024xf32, #tpu.memory_space<hbm>>
    %dma_wait3A_230 = tpu.memref_squeeze %dma_wait3A_229 : memref<1x1x1x1024xf32, #tpu.memory_space<hbm>> -> memref<1024xf32, #tpu.memory_space<hbm>>
    %dma_wait3A_231 = arith.constant 0 : i32
    %dma_wait3A_232 = tpu.memref_slice %arg5[%dma_wait3A_224, %dma_wait3A_225, %add3A, %dma_wait3A_231] : memref<200x8x32x1024xf32, #tpu.memory_space<hbm>> -> memref<1x1x1x1024xf32, #tpu.memory_space<hbm>>
    %dma_wait3A_233 = tpu.memref_squeeze %dma_wait3A_232 : memref<1x1x1x1024xf32, #tpu.memory_space<hbm>> -> memref<1024xf32, #tpu.memory_space<hbm>>
    %dma_wait3A_234 = arith.constant 7168 : i32
    %dma_wait3A_235 = tpu.memref_slice %arg9[%dma_wait3A_234] : memref<8192xf32, #tpu.memory_space<vmem>> -> memref<1024xf32, #tpu.memory_space<vmem>>
    tpu.wait_dma2 semaphore(%arg14 : memref<!tpu.dma_semaphore, #tpu.memory_space<semaphore_mem>>) src(%dma_wait3A_235 : memref<1024xf32, #tpu.memory_space<vmem>>) dst(%dma_wait3A_233 : memref<1024xf32, #tpu.memory_space<hbm>>)
    %dma_wait3A_236 = arith.constant 0 : i32
    %dma_wait3A_237 = arith.constant 0 : i32
    %dma_wait3A_238 = arith.constant 0 : i32
    %dma_wait3A_239 = tpu.memref_slice %arg10[%dma_wait3A_238] : memref<8192xf32, #tpu.memory_space<vmem>> -> memref<1024xf32, #tpu.memory_space<vmem>>
    %dma_wait3A_240 = arith.constant 0 : i32
    %dma_wait3A_241 = tpu.memref_slice %arg5[%dma_wait3A_236, %dma_wait3A_237, %add3A, %dma_wait3A_240] : memref<200x8x32x1024xf32, #tpu.memory_space<hbm>> -> memref<1x1x1x1024xf32, #tpu.memory_space<hbm>>
    %dma_wait3A_242 = tpu.memref_squeeze %dma_wait3A_241 : memref<1x1x1x1024xf32, #tpu.memory_space<hbm>> -> memref<1024xf32, #tpu.memory_space<hbm>>
    %dma_wait3A_243 = arith.constant 0 : i32
    %dma_wait3A_244 = tpu.memref_slice %arg5[%dma_wait3A_236, %dma_wait3A_237, %add3A, %dma_wait3A_243] : memref<200x8x32x1024xf32, #tpu.memory_space<hbm>> -> memref<1x1x1x1024xf32, #tpu.memory_space<hbm>>
    %dma_wait3A_245 = tpu.memref_squeeze %dma_wait3A_244 : memref<1x1x1x1024xf32, #tpu.memory_space<hbm>> -> memref<1024xf32, #tpu.memory_space<hbm>>
    %dma_wait3A_246 = arith.constant 0 : i32
    %dma_wait3A_247 = tpu.memref_slice %arg10[%dma_wait3A_246] : memref<8192xf32, #tpu.memory_space<vmem>> -> memref<1024xf32, #tpu.memory_space<vmem>>
    tpu.wait_dma2 semaphore(%arg15 : memref<!tpu.dma_semaphore, #tpu.memory_space<semaphore_mem>>) src(%dma_wait3A_247 : memref<1024xf32, #tpu.memory_space<vmem>>) dst(%dma_wait3A_245 : memref<1024xf32, #tpu.memory_space<hbm>>)
    %dma_wait3A_248 = arith.constant 0 : i32
    %dma_wait3A_249 = arith.constant 1 : i32
    %dma_wait3A_250 = arith.constant 1024 : i32
    %dma_wait3A_251 = tpu.memref_slice %arg10[%dma_wait3A_250] : memref<8192xf32, #tpu.memory_space<vmem>> -> memref<1024xf32, #tpu.memory_space<vmem>>
    %dma_wait3A_252 = arith.constant 0 : i32
    %dma_wait3A_253 = tpu.memref_slice %arg5[%dma_wait3A_248, %dma_wait3A_249, %add3A, %dma_wait3A_252] : memref<200x8x32x1024xf32, #tpu.memory_space<hbm>> -> memref<1x1x1x1024xf32, #tpu.memory_space<hbm>>
    %dma_wait3A_254 = tpu.memref_squeeze %dma_wait3A_253 : memref<1x1x1x1024xf32, #tpu.memory_space<hbm>> -> memref<1024xf32, #tpu.memory_space<hbm>>
    %dma_wait3A_255 = arith.constant 0 : i32
    %dma_wait3A_256 = tpu.memref_slice %arg5[%dma_wait3A_248, %dma_wait3A_249, %add3A, %dma_wait3A_255] : memref<200x8x32x1024xf32, #tpu.memory_space<hbm>> -> memref<1x1x1x1024xf32, #tpu.memory_space<hbm>>
    %dma_wait3A_257 = tpu.memref_squeeze %dma_wait3A_256 : memref<1x1x1x1024xf32, #tpu.memory_space<hbm>> -> memref<1024xf32, #tpu.memory_space<hbm>>
    %dma_wait3A_258 = arith.constant 1024 : i32
    %dma_wait3A_259 = tpu.memref_slice %arg10[%dma_wait3A_258] : memref<8192xf32, #tpu.memory_space<vmem>> -> memref<1024xf32, #tpu.memory_space<vmem>>
    tpu.wait_dma2 semaphore(%arg15 : memref<!tpu.dma_semaphore, #tpu.memory_space<semaphore_mem>>) src(%dma_wait3A_259 : memref<1024xf32, #tpu.memory_space<vmem>>) dst(%dma_wait3A_257 : memref<1024xf32, #tpu.memory_space<hbm>>)
    %dma_wait3A_260 = arith.constant 0 : i32
    %dma_wait3A_261 = arith.constant 2 : i32
    %dma_wait3A_262 = arith.constant 2048 : i32
    %dma_wait3A_263 = tpu.memref_slice %arg10[%dma_wait3A_262] : memref<8192xf32, #tpu.memory_space<vmem>> -> memref<1024xf32, #tpu.memory_space<vmem>>
    %dma_wait3A_264 = arith.constant 0 : i32
    %dma_wait3A_265 = tpu.memref_slice %arg5[%dma_wait3A_260, %dma_wait3A_261, %add3A, %dma_wait3A_264] : memref<200x8x32x1024xf32, #tpu.memory_space<hbm>> -> memref<1x1x1x1024xf32, #tpu.memory_space<hbm>>
    %dma_wait3A_266 = tpu.memref_squeeze %dma_wait3A_265 : memref<1x1x1x1024xf32, #tpu.memory_space<hbm>> -> memref<1024xf32, #tpu.memory_space<hbm>>
    %dma_wait3A_267 = arith.constant 0 : i32
    %dma_wait3A_268 = tpu.memref_slice %arg5[%dma_wait3A_260, %dma_wait3A_261, %add3A, %dma_wait3A_267] : memref<200x8x32x1024xf32, #tpu.memory_space<hbm>> -> memref<1x1x1x1024xf32, #tpu.memory_space<hbm>>
    %dma_wait3A_269 = tpu.memref_squeeze %dma_wait3A_268 : memref<1x1x1x1024xf32, #tpu.memory_space<hbm>> -> memref<1024xf32, #tpu.memory_space<hbm>>
    %dma_wait3A_270 = arith.constant 2048 : i32
    %dma_wait3A_271 = tpu.memref_slice %arg10[%dma_wait3A_270] : memref<8192xf32, #tpu.memory_space<vmem>> -> memref<1024xf32, #tpu.memory_space<vmem>>
    tpu.wait_dma2 semaphore(%arg15 : memref<!tpu.dma_semaphore, #tpu.memory_space<semaphore_mem>>) src(%dma_wait3A_271 : memref<1024xf32, #tpu.memory_space<vmem>>) dst(%dma_wait3A_269 : memref<1024xf32, #tpu.memory_space<hbm>>)
    %dma_wait3A_272 = arith.constant 0 : i32
    %dma_wait3A_273 = arith.constant 3 : i32
    %dma_wait3A_274 = arith.constant 3072 : i32
    %dma_wait3A_275 = tpu.memref_slice %arg10[%dma_wait3A_274] : memref<8192xf32, #tpu.memory_space<vmem>> -> memref<1024xf32, #tpu.memory_space<vmem>>
    %dma_wait3A_276 = arith.constant 0 : i32
    %dma_wait3A_277 = tpu.memref_slice %arg5[%dma_wait3A_272, %dma_wait3A_273, %add3A, %dma_wait3A_276] : memref<200x8x32x1024xf32, #tpu.memory_space<hbm>> -> memref<1x1x1x1024xf32, #tpu.memory_space<hbm>>
    %dma_wait3A_278 = tpu.memref_squeeze %dma_wait3A_277 : memref<1x1x1x1024xf32, #tpu.memory_space<hbm>> -> memref<1024xf32, #tpu.memory_space<hbm>>
    %dma_wait3A_279 = arith.constant 0 : i32
    %dma_wait3A_280 = tpu.memref_slice %arg5[%dma_wait3A_272, %dma_wait3A_273, %add3A, %dma_wait3A_279] : memref<200x8x32x1024xf32, #tpu.memory_space<hbm>> -> memref<1x1x1x1024xf32, #tpu.memory_space<hbm>>
    %dma_wait3A_281 = tpu.memref_squeeze %dma_wait3A_280 : memref<1x1x1x1024xf32, #tpu.memory_space<hbm>> -> memref<1024xf32, #tpu.memory_space<hbm>>
    %dma_wait3A_282 = arith.constant 3072 : i32
    %dma_wait3A_283 = tpu.memref_slice %arg10[%dma_wait3A_282] : memref<8192xf32, #tpu.memory_space<vmem>> -> memref<1024xf32, #tpu.memory_space<vmem>>
    tpu.wait_dma2 semaphore(%arg15 : memref<!tpu.dma_semaphore, #tpu.memory_space<semaphore_mem>>) src(%dma_wait3A_283 : memref<1024xf32, #tpu.memory_space<vmem>>) dst(%dma_wait3A_281 : memref<1024xf32, #tpu.memory_space<hbm>>)
    %dma_wait3A_284 = arith.constant 0 : i32
    %dma_wait3A_285 = arith.constant 4 : i32
    %dma_wait3A_286 = arith.constant 4096 : i32
    %dma_wait3A_287 = tpu.memref_slice %arg10[%dma_wait3A_286] : memref<8192xf32, #tpu.memory_space<vmem>> -> memref<1024xf32, #tpu.memory_space<vmem>>
    %dma_wait3A_288 = arith.constant 0 : i32
    %dma_wait3A_289 = tpu.memref_slice %arg5[%dma_wait3A_284, %dma_wait3A_285, %add3A, %dma_wait3A_288] : memref<200x8x32x1024xf32, #tpu.memory_space<hbm>> -> memref<1x1x1x1024xf32, #tpu.memory_space<hbm>>
    %dma_wait3A_290 = tpu.memref_squeeze %dma_wait3A_289 : memref<1x1x1x1024xf32, #tpu.memory_space<hbm>> -> memref<1024xf32, #tpu.memory_space<hbm>>
    %dma_wait3A_291 = arith.constant 0 : i32
    %dma_wait3A_292 = tpu.memref_slice %arg5[%dma_wait3A_284, %dma_wait3A_285, %add3A, %dma_wait3A_291] : memref<200x8x32x1024xf32, #tpu.memory_space<hbm>> -> memref<1x1x1x1024xf32, #tpu.memory_space<hbm>>
    %dma_wait3A_293 = tpu.memref_squeeze %dma_wait3A_292 : memref<1x1x1x1024xf32, #tpu.memory_space<hbm>> -> memref<1024xf32, #tpu.memory_space<hbm>>
    %dma_wait3A_294 = arith.constant 4096 : i32
    %dma_wait3A_295 = tpu.memref_slice %arg10[%dma_wait3A_294] : memref<8192xf32, #tpu.memory_space<vmem>> -> memref<1024xf32, #tpu.memory_space<vmem>>
    tpu.wait_dma2 semaphore(%arg15 : memref<!tpu.dma_semaphore, #tpu.memory_space<semaphore_mem>>) src(%dma_wait3A_295 : memref<1024xf32, #tpu.memory_space<vmem>>) dst(%dma_wait3A_293 : memref<1024xf32, #tpu.memory_space<hbm>>)
    %dma_wait3A_296 = arith.constant 0 : i32
    %dma_wait3A_297 = arith.constant 5 : i32
    %dma_wait3A_298 = arith.constant 5120 : i32
    %dma_wait3A_299 = tpu.memref_slice %arg10[%dma_wait3A_298] : memref<8192xf32, #tpu.memory_space<vmem>> -> memref<1024xf32, #tpu.memory_space<vmem>>
    %dma_wait3A_300 = arith.constant 0 : i32
    %dma_wait3A_301 = tpu.memref_slice %arg5[%dma_wait3A_296, %dma_wait3A_297, %add3A, %dma_wait3A_300] : memref<200x8x32x1024xf32, #tpu.memory_space<hbm>> -> memref<1x1x1x1024xf32, #tpu.memory_space<hbm>>
    %dma_wait3A_302 = tpu.memref_squeeze %dma_wait3A_301 : memref<1x1x1x1024xf32, #tpu.memory_space<hbm>> -> memref<1024xf32, #tpu.memory_space<hbm>>
    %dma_wait3A_303 = arith.constant 0 : i32
    %dma_wait3A_304 = tpu.memref_slice %arg5[%dma_wait3A_296, %dma_wait3A_297, %add3A, %dma_wait3A_303] : memref<200x8x32x1024xf32, #tpu.memory_space<hbm>> -> memref<1x1x1x1024xf32, #tpu.memory_space<hbm>>
    %dma_wait3A_305 = tpu.memref_squeeze %dma_wait3A_304 : memref<1x1x1x1024xf32, #tpu.memory_space<hbm>> -> memref<1024xf32, #tpu.memory_space<hbm>>
    %dma_wait3A_306 = arith.constant 5120 : i32
    %dma_wait3A_307 = tpu.memref_slice %arg10[%dma_wait3A_306] : memref<8192xf32, #tpu.memory_space<vmem>> -> memref<1024xf32, #tpu.memory_space<vmem>>
    tpu.wait_dma2 semaphore(%arg15 : memref<!tpu.dma_semaphore, #tpu.memory_space<semaphore_mem>>) src(%dma_wait3A_307 : memref<1024xf32, #tpu.memory_space<vmem>>) dst(%dma_wait3A_305 : memref<1024xf32, #tpu.memory_space<hbm>>)
    %dma_wait3A_308 = arith.constant 0 : i32
    %dma_wait3A_309 = arith.constant 6 : i32
    %dma_wait3A_310 = arith.constant 6144 : i32
    %dma_wait3A_311 = tpu.memref_slice %arg10[%dma_wait3A_310] : memref<8192xf32, #tpu.memory_space<vmem>> -> memref<1024xf32, #tpu.memory_space<vmem>>
    %dma_wait3A_312 = arith.constant 0 : i32
    %dma_wait3A_313 = tpu.memref_slice %arg5[%dma_wait3A_308, %dma_wait3A_309, %add3A, %dma_wait3A_312] : memref<200x8x32x1024xf32, #tpu.memory_space<hbm>> -> memref<1x1x1x1024xf32, #tpu.memory_space<hbm>>
    %dma_wait3A_314 = tpu.memref_squeeze %dma_wait3A_313 : memref<1x1x1x1024xf32, #tpu.memory_space<hbm>> -> memref<1024xf32, #tpu.memory_space<hbm>>
    %dma_wait3A_315 = arith.constant 0 : i32
    %dma_wait3A_316 = tpu.memref_slice %arg5[%dma_wait3A_308, %dma_wait3A_309, %add3A, %dma_wait3A_315] : memref<200x8x32x1024xf32, #tpu.memory_space<hbm>> -> memref<1x1x1x1024xf32, #tpu.memory_space<hbm>>
    %dma_wait3A_317 = tpu.memref_squeeze %dma_wait3A_316 : memref<1x1x1x1024xf32, #tpu.memory_space<hbm>> -> memref<1024xf32, #tpu.memory_space<hbm>>
    %dma_wait3A_318 = arith.constant 6144 : i32
    %dma_wait3A_319 = tpu.memref_slice %arg10[%dma_wait3A_318] : memref<8192xf32, #tpu.memory_space<vmem>> -> memref<1024xf32, #tpu.memory_space<vmem>>
    tpu.wait_dma2 semaphore(%arg15 : memref<!tpu.dma_semaphore, #tpu.memory_space<semaphore_mem>>) src(%dma_wait3A_319 : memref<1024xf32, #tpu.memory_space<vmem>>) dst(%dma_wait3A_317 : memref<1024xf32, #tpu.memory_space<hbm>>)
    %dma_wait3A_320 = arith.constant 0 : i32
    %dma_wait3A_321 = arith.constant 7 : i32
    %dma_wait3A_322 = arith.constant 7168 : i32
    %dma_wait3A_323 = tpu.memref_slice %arg10[%dma_wait3A_322] : memref<8192xf32, #tpu.memory_space<vmem>> -> memref<1024xf32, #tpu.memory_space<vmem>>
    %dma_wait3A_324 = arith.constant 0 : i32
    %dma_wait3A_325 = tpu.memref_slice %arg5[%dma_wait3A_320, %dma_wait3A_321, %add3A, %dma_wait3A_324] : memref<200x8x32x1024xf32, #tpu.memory_space<hbm>> -> memref<1x1x1x1024xf32, #tpu.memory_space<hbm>>
    %dma_wait3A_326 = tpu.memref_squeeze %dma_wait3A_325 : memref<1x1x1x1024xf32, #tpu.memory_space<hbm>> -> memref<1024xf32, #tpu.memory_space<hbm>>
    %dma_wait3A_327 = arith.constant 0 : i32
    %dma_wait3A_328 = tpu.memref_slice %arg5[%dma_wait3A_320, %dma_wait3A_321, %add3A, %dma_wait3A_327] : memref<200x8x32x1024xf32, #tpu.memory_space<hbm>> -> memref<1x1x1x1024xf32, #tpu.memory_space<hbm>>
    %dma_wait3A_329 = tpu.memref_squeeze %dma_wait3A_328 : memref<1x1x1x1024xf32, #tpu.memory_space<hbm>> -> memref<1024xf32, #tpu.memory_space<hbm>>
    %dma_wait3A_330 = arith.constant 7168 : i32
    %dma_wait3A_331 = tpu.memref_slice %arg10[%dma_wait3A_330] : memref<8192xf32, #tpu.memory_space<vmem>> -> memref<1024xf32, #tpu.memory_space<vmem>>
    tpu.wait_dma2 semaphore(%arg15 : memref<!tpu.dma_semaphore, #tpu.memory_space<semaphore_mem>>) src(%dma_wait3A_331 : memref<1024xf32, #tpu.memory_space<vmem>>) dst(%dma_wait3A_329 : memref<1024xf32, #tpu.memory_space<hbm>>)
    return
  }
}

</mosaic_0001>

<sc_bundles>
// kernel: kernel.3.cloned.1.call-start
scs
__scs_entry_jumppad:
0x0: {  	(pc) =	sbr.rel $0x88, $3  }
0x1: {  	(tag) =	ssettag $0x0;
	lr =	simm.s32 $0x1  }
0x2: {  	[smem:$0x3F9E] =	sst lr;
	_ =	strace $0xD0000000  }
0x3: {  	_ = 	snop  }
0x4: {  	_ = 	snop  }
0x5: {  	_ = 	snop  }
0x6: {  	_ = 	snop  }
0x7: {  	_ = 	snop  }
__scs_overlays_trampoline_lowered:
0x8: {  	[smem:$0x3FAD] =	sst s0  }
0x9: {  	[smem:$0x3FAE] =	sst s1  }
0xa: {  	[smem:$0x3FAF] =	sst s2  }
0xb: {  	[smem:$0x3FB0] =	sst s3  }
0xc: {  	[smem:$0x3FB1] =	sst s4  }
0xd: {  	[smem:$0x3FB2] =	sst s5  }
0xe: {  	[smem:$0x3FB3] =	sst s6  }
0xf: {  	[smem:$0x3FB4] =	sst s7  }
0x10: {  	[smem:$0x3FB5] =	sst s8  }
0x11: {  	[smem:$0x3FB6] =	sst s9;
	s0 =	simm.s32 @!p0 $0x0  }
0x12: {  	s1 =	sld [smem:$0x3F9C];
	s0 =	simm.s32 @p0 $0x1  }
0x13: {  	[smem:$0x3FB7] =	sst s0;
	s0 =	simm.s32 @!p1 $0x0  }
0x14: {  	s2 =	sld [smem:$0x3F9B];
	s0 =	simm.s32 @p1 $0x1  }
0x15: {  	[smem:$0x3FB8] =	sst s0;
	s0 =	simm.s32 @!p2 $0x0  }
0x16: {  	s3 =	sld [smem:$0x3FDB];
	s0 =	simm.s32 @p2 $0x1  }
0x17: {  	s4 =	simm.s32 $0x1BF5;
	[smem:$0x3FBA] =	sst s0  }
0x18: {  	s0 =	sld [smem:$0x3F9D];
	_ =	swait.ge [sflag:s4], $0x0  }
0x19: {  	s7 =	sld [smem:$0x3F9E]  }
0x1a: {  	s8 =	sadd.s32 $0xFFFFE003, lr  }
0x1b: {  	s9 =	sadd.s32 $0xFFFFFEF7, lr;
	s5 =	simm.s32 $0xFFFFFFFF;
	p2 =	slt.u32 s8, $0xFFFFF086  }
0x1c: {  	p1 =	slt.u32 s9, $0xF7A;
	s5 =	simm.s32 @!p2 $0x0  }
0x1d: {  	s5 =	simm.s32 @p1 $0x1;
	p0 =	seq.s32 s7, s2  }
0x1e: {  	s7 =	smul.u32 @!p0 $0xF7A, s2;
	p2 =	seq.s32 @!p0 s5, $0x0  }
0x1f: {  	s9 =	smul.u32 $0xF7A, s1;
	s8 =	simm.s32 @!p0 $0x1BF5;
	p2 =	por !p2, p0  }
0x20: {  	[sflag:s8] =	ssyncset.s32 @!p0 $0xFFFFF086;
	s6 =	sadd.s32 @!p0 s3, s7;
	s7 =	simm.s32 @!p0 $0x108  }
0x21: {  	s3 =	sadd.s32 s3, s9;
	s6 =	sadd.s32 @!p0 $0x88, s6;
	s7 =	simm.s32 @p2 $0x1082  }
0x22: {  	[simem:s7], [sflag:s8] =	dma.local @!p0 [hbm:s6], $0xF7A  }
0x23: {  	s9 =	sor.u32 $0xD0000000, s2;
	s6 =	simm.s32 $0x108;
	_ =	swait.ge @!p0 [sflag:s8], $0x0  }
0x24: {  	s3 =	sadd.s32 $0x88, s3;
	s6 =	simm.s32 @!p1 $0x1082;
	[sflag:s4] =	ssyncset.s32 $0xFFFFF086  }
0x25: {  	[simem:s6], [sflag:s4] =	dma.local [hbm:s3], $0xF7A  }
0x26: {  	[smem:$0x3F9E] =	sst s1;
	(tag) =	ssettag s2;
	_ =	strace s9  }
0x27: {  	s1 =	sld [smem:$0x3FAE]  }
0x28: {  	s2 =	sld [smem:$0x3FAF]  }
0x29: {  	s4 =	sld [smem:$0x3FB1]  }
0x2a: {  	p0 =	seq.s32 s5, $0x0;
	s5 =	sld [smem:$0x3FB2]  }
0x2b: {  	s6 =	sld [smem:$0x3FB3]  }
0x2c: {  	s7 =	sld [smem:$0x3FB4]  }
0x2d: {  	s3 =	simm.s32 $0x108;
	s8 =	sld [smem:$0x3FB5]  }
0x2e: {  	s3 =	simm.s32 @!p0 $0x1082;
	s9 =	sld [smem:$0x3FB6]  }
0x2f: {  	lr =	sadd.s32 s0, s3;
	s0 =	sld [smem:$0x3FAD]  }
0x30: {  	s3 =	sld [smem:$0x3FB0]  }
0x31: {  	[smem:$0x3FB9] =	sst s10  }
0x32: {  	s10 =	sld [smem:$0x3FB7];
	_ =	sdelay $0x3  }
0x33: {  	p0 =	seq.s32 s10, $0x1;
	s10 =	sld [smem:$0x3FB9];
	_ =	sdelay $0x3  }
0x34: {  	[smem:$0x3FB9] =	sst s10  }
0x35: {  	s10 =	sld [smem:$0x3FB8];
	_ =	sdelay $0x3  }
0x36: {  	p1 =	seq.s32 s10, $0x1;
	s10 =	sld [smem:$0x3FB9];
	_ =	sdelay $0x3  }
0x37: {  	[smem:$0x3FB9] =	sst s10  }
0x38: {  	s10 =	sld [smem:$0x3FBA]  }
0x39: {  	_ = 	snop;
	(pc) =	sbr.ind lr, $3  }
0x3a: {  	_ = 	snop  }
0x3b: {  	_ = 	snop  }
0x3c: {  	p2 =	seq.s32 s10, $0x1;
	s10 =	sld [smem:$0x3FB9]  }
0x3d: {  	_ =	shalt  }
0x3e: {  	_ =	shalt  }
0x3f: {  	_ =	shalt  }
0x40: {  	_ =	shalt  }
0x41: {  	_ =	shalt  }
0x42: {  	_ =	shalt  }
0x43: {  	_ =	shalt  }
0x44: {  	_ =	shalt  }
0x45: {  	_ =	shalt  }
0x46: {  	_ =	shalt  }
0x47: {  	_ =	shalt  }
0x48: {  	_ =	shalt  }
0x49: {  	_ =	shalt  }
0x4a: {  	_ =	shalt  }
0x4b: {  	_ =	shalt  }
0x4c: {  	_ =	shalt  }
0x4d: {  	_ =	shalt  }
0x4e: {  	_ =	shalt  }
0x4f: {  	_ =	shalt  }
0x50: {  	_ =	shalt  }
0x51: {  	_ =	shalt  }
0x52: {  	_ =	shalt  }
0x53: {  	_ =	shalt  }
0x54: {  	_ =	shalt  }
0x55: {  	_ =	shalt  }
0x56: {  	_ =	shalt  }
0x57: {  	_ =	shalt  }
0x58: {  	_ =	shalt  }
0x59: {  	_ =	shalt  }
0x5a: {  	_ =	shalt  }
0x5b: {  	_ =	shalt  }
0x5c: {  	_ =	shalt  }
0x5d: {  	_ =	shalt  }
0x5e: {  	_ =	shalt  }
0x5f: {  	_ =	shalt  }
0x60: {  	_ =	shalt  }
0x61: {  	_ =	shalt  }
0x62: {  	_ =	shalt  }
0x63: {  	_ =	shalt  }
0x64: {  	_ =	shalt  }
0x65: {  	_ =	shalt  }
0x66: {  	_ =	shalt  }
0x67: {  	_ =	shalt  }
0x68: {  	_ =	shalt  }
0x69: {  	_ =	shalt  }
0x6a: {  	_ =	shalt  }
0x6b: {  	_ =	shalt  }
0x6c: {  	_ =	shalt  }
0x6d: {  	_ =	shalt  }
0x6e: {  	_ =	shalt  }
0x6f: {  	_ =	shalt  }
0x70: {  	_ =	shalt  }
0x71: {  	_ =	shalt  }
0x72: {  	_ =	shalt  }
0x73: {  	_ =	shalt  }
0x74: {  	_ =	shalt  }
0x75: {  	_ =	shalt  }
0x76: {  	_ =	shalt  }
0x77: {  	_ =	shalt  }
0x78: {  	_ =	shalt  }
0x79: {  	_ =	shalt  }
0x7a: {  	_ =	shalt  }
0x7b: {  	_ =	shalt  }
0x7c: {  	_ =	shalt  }
0x7d: {  	_ =	shalt  }
0x7e: {  	_ =	shalt  }
0x7f: {  	_ =	shalt  }
0x80: {  	_ =	shalt  }
0x81: {  	_ =	shalt  }
0x82: {  	_ =	shalt  }
0x83: {  	_ =	shalt  }
0x84: {  	_ =	shalt  }
0x85: {  	_ =	shalt  }
0x86: {  	_ =	shalt  }
0x87: {  	_ =	shalt  }
.Lfunc_end0:
.L_simem_size_0:
called_computation_lowered:
.L_overlay_start_0:
0x88: {  	s2 =	sld [smem:$0x3FD9]  }
0x89: {  	s3 =	sld [smem:$0x3FFE];
	_ =	sdelay $0x1  }
0x8a: {  	s1 =	srdreg.scid  }
0x8b: {  	s0 =	sand.u32 $0x1, s1  }
0x8c: {  	s17 =	sshll.u32 s0, $0xA;
	s2 =	sadd.s32 s3, s2  }
0x8d: {  	s2 =	sadd.s32 s2, s17  }
0x8e: {  	[smem:$0x3FC5] =	sst s2  }
0x8f: {  	_ = 	snop  }
0x90: {  	s2 =	sld [smem:$0x3FD0];
	(tm) =	ssettm $0x1  }
0x91: {  	s18 =	sld [smem:$0x3FFB];
	_ =	sdelay $0x3  }
0x92: {  	_ =	strace s18  }
0x93: {  	s3 =	sld [smem:$0x3FFC];
	_ =	sdelay $0x3  }
0x94: {  	_ =	strace s3  }
0x95: {  	s3 =	sld [smem:$0x3FFD];
	_ =	sdelay $0x3  }
0x96: {  	_ =	strace s3  }
0x97: {  	_ =	strace $0x8FFFFFFF  }
0x98: {  	s19 =	sld [smem:$0x3FDB];
	_ =	sdelay $0x1  }
0x99: {  	s4 =	simm.s32 $_scs_section_size  }
0x9a: {  	s5 =	simm.s32 $_size__tile_overlayer_lowered;
	s6 =	simm.s32 $_tile_overlayer_lowered  }
0x9b: {  	s22 =	simm.s32 $0x1BFF;
	s21 =	sshll.u32 s6, $0x1;
	s3 =	sadd.s32 s4, s19  }
0x9c: {  	s7 =	simm.s32 $0x0;
	s20 =	sshll.u32 s5, $0x1;
	s5 =	sadd.s32 s21, s3  }
0x9d: {  	[timem:s7], [sflag:s22] =	dma.local [hbm:s5], s20  }
0x9e: {  	_ =	swait.ge [sflag:s22], s20  }
0x9f: {  	s4 =	ssub.s32 $0x0, s20;
	[sflag:s22] =	ssyncset.done $0x0  }
0xa0: {  	[sflag:s22] =	ssyncadd.s32 s4;
	_ =	sdelay $0x1  }
0xa1: {  	s23 =	simm.s32 $0x1B8B  }
0xa2: {  	_ =	swait.ge [sflag:s23], $0x1  }
0xa3: {  	[sflag:s23] =	ssyncset.done $0x0  }
0xa4: {  	s25 =	simm.s32 $0x1B8E;
	s24 =	sld [smem:$0x3FFE];
	[sflag:s23] =	ssyncadd.s32 $0xFFFFFFFF  }
0xa5: {  	s26 =	simm.s32 $execute0_lowered;
	[smem:$0x3FD2] =	sst s25  }
0xa6: {  	s5 =	sshll.u32 s26, $0x1;
	_ =	strace $0x80000046;
	[dreg:$0x1] =	wrdreg $0xFFFFFFFF  }
0xa7: {  	s28 =	simm.s32 $_size_execute0_lowered;
	s3 =	sadd.s32 s3, s5;
	[dreg:$0x0] =	wrdreg $0x0  }
0xa8: {  	s5 =	sshll.u32 s28, $0x1;
	[dreg:$0x2] =	wrdreg s3  }
0xa9: {  	[dreg:$0x3] =	wrdreg s5  }
0xaa: {  	[dreg:$0x4] =	wrdreg $0xC0  }
0xab: {  	_ =	task [dreg:s7], $0x5FFFF  }
0xac: {  	[dreg:$0x1] =	wrdreg $0xFFFFFFFF  }
0xad: {  	[dreg:$0x0] =	wrdreg $0x60  }
0xae: {  	[dreg:$0x2] =	wrdreg s24  }
0xaf: {  	[dreg:$0x3] =	wrdreg s2  }
0xb0: {  	[dreg:$0x4] =	wrdreg $0x9  }
0xb1: {  	_ =	task.clear_ibuf [dreg:s7], $0x5FFFF;
	_ =	strace $0x90000046  }
0xb2: {  	s29 =	simm.s32 $0x9;
	_ =	strace $0x80000048  }
0xb3: {  	_ =	swait.ge [sflag:s29], $0x1  }
0xb4: {  	[sflag:s29] =	ssyncadd.s32 $0xFFFFFFFF  }
0xb5: {  	_ =	strace $0x90000048  }
0xb6: {  	_ =	sfence  }
0xb7: {  	s30 =	sld [smem:$0x0];
	_ =	sdelay $0x2  }
0xb8: {  	s31 =	sshll.u32 s1, $0xD;
	s1 =	sshrl.u32 s1, $0x2  }
0xb9: {  	s3 =	sand.u32 $0x4000, s31;
	s1 =	sadd.s32 s1, s30  }
0xba: {  	s0 =	sor.u32 s3, s0;
	s1 =	sshll.u32 s1, $0x11  }
0xbb: {  	s0 =	sor.u32 s1, s0  }
0xbc: {  	s0 =	sadd.s32 $0x8F2B, s0  }
0xbd: {  	[sflag:s0] =	ssyncadd.remote.s32 $0x1  }
0xbe: {  	_ =	sfence.sel $0xFFFF  }
0xbf: {  	[dreg:$0x0] =	wrdreg $0xFFFFFFFF;
	(pc) =	sbr.abs _section_cstart, $3  }
0xc0: {  	[dreg:$0x1] =	wrdreg $0xFFFFFFFF  }
0xc1: {  	_ =	task.clear_ibuf [dreg:s7], $0x2FFFF;
	_ =	strace $0x9FFFFFFF  }
0xc2: {  	(tm) =	ssettm $0x7FFFFFFF  }
0xc3: {  	_ =	shalt  }
tec
execute0_lowered:
.L_overlay_start_1:
0x0: {  	(tag) =	ssettag $0x1  }
0x1: {  	v0 =	vimm.s32 $0xFEDCBA9;
	v1 =	vimm.s32 $0x87654321  }
0x2: {  	v3 =	vimm.s32 $0x98765432;
	v4 =	vimm.s32 $0x210FEDCB;
	v5 =	vimm.s32 $0xA9876543  }
0x3: {  	v6 =	vimm.s32 $0x3210FEDC;
	v7 =	vimm.s32 $0xBA987654;
	v13 =	vimm.s32 $0x543210FE  }
0x4: {  	vm0 =	vcmask $0x300;
	v0 =	vunpack.c.l.s4.s8 v0;
	v1 =	vunpack.c.l.s4.s8 v1  }
0x5: {  	vm1 =	vcmask $0x704;
	vm2 =	vcmask $0xB08;
	vm3 =	vcmask $0xF0C  }
0x6: {  	vm4 =	vcmask $0x1310;
	v0 =	vunpack.c.0.s8.s32 v0;
	v1 =	vunpack.c.0.s8.s32 v1  }
0x7: {  	vm5 =	vcmask $0x1714;
	vm6 =	vcmask $0x1B18;
	vm7 =	vcmask $0x1F1C  }
0x8: {  	vm8 =	vcmask $0x2320;
	vm9 =	vcmask $0x2724;
	v2 =	vcombine.low v1, v0  }
0x9: {  	vm10 =	vcmask $0x2B28;
	v3 =	vunpack.c.l.s4.s8 v3;
	v6 =	vunpack.c.l.s4.s8 v6  }
0xa: {  	v4 =	vunpack.c.l.s4.s8 v4;
	v7 =	vunpack.c.l.s4.s8 v7;
	v2 =	vand.u32 $0xF, v2  }
0xb: {  	v11 =	vunpack.c.0.s8.s32 v6;
	v6 =	vimm.s32 $0x43210FED;
	[tilespmem:$0x1FB30] =	vst v2;
	v2 =	vimm.s32 $0x10FEDCBA  }
0xc: {  	v5 =	vunpack.c.l.s4.s8 v5;
	v6 =	vunpack.c.l.s4.s8 v6;
	v2 =	vunpack.c.l.s4.s8 v2  }
0xd: {  	v3 =	vunpack.c.0.s8.s32 v3;
	v12 =	vunpack.c.0.s8.s32 v7;
	v7 =	vimm.s32 $0xCBA98765  }
0xe: {  	v14 =	vunpack.c.0.s8.s32 v6;
	v6 =	vunpack.c.l.s4.s8 v13;
	v2 =	vunpack.c.0.s8.s32 v2  }
0xf: {  	v4 =	vunpack.c.0.s8.s32 v4;
	v5 =	vunpack.c.0.s8.s32 v5;
	v7 =	vunpack.c.l.s4.s8 v7  }
0x10: {  	v13 =	vunpack.c.0.s8.s32 v6;
	v6 =	vimm.s32 $0xDCBA9876;
	v8 =	vcombine.low v3, v2  }
0x11: {  	vm11 =	vcmask $0x2F2C;
	v9 =	vcombine.low v5, v4;
	v6 =	vunpack.c.l.s4.s8 v6  }
0x12: {  	v10 =	vcombine.low v12, v11;
	v15 =	vunpack.c.0.s8.s32 v7;
	v7 =	vand.u32 $0xF, v8  }
0x13: {  	vm12 =	vcmask $0x3330;
	v16 =	vunpack.c.0.s8.s32 v6;
	[tilespmem:$0x1FB40] =	vst v7;
	v7 =	vand.u32 $0xF, v9  }
0x14: {  	v8 =	vimm.s32 $0x6543210F;
	[tilespmem:$0x1FB50] =	vst v7;
	v7 =	vand.u32 $0xF, v10;
	v10 =	vimm.s32 $0xFEDCBA98  }
0x15: {  	v6 =	vimm.s32 $0x76543210;
	v8 =	vunpack.c.l.s4.s8 v8;
	v10 =	vunpack.c.l.s4.s8 v10  }
0x16: {  	v0 =	vcombine.low v0, v1;
	v6 =	vunpack.c.l.s4.s8 v6;
	v2 =	vcombine.low v2, v3  }
0x17: {  	v3 =	vcombine.low v4, v5;
	v17 =	vunpack.c.0.s8.s32 v8;
	v8 =	vunpack.c.0.s8.s32 v10  }
0x18: {  	v61 =	vand.u32 $0xF, v0;
	v9 =	vimm.s32 $0xEDCBA987;
	v10 =	vunpack.c.0.s8.s32 v6  }
0x19: {  	v0 =	vand.u32 $0xF, v3;
	v9 =	vunpack.c.l.s4.s8 v9;
	v1 =	vand.u32 $0xF, v8  }
0x1a: {  	v59 =	vand.u32 $0xF, v2;
	v2 =	vcombine.low v14, v15;
	[tilespmem:$0x1FBB0] =	vst v0;
	v1 =	vcombine.low v1, v10  }
0x1b: {  	vm13 =	vcmask $0x3734;
	v0 =	vcombine.low v11, v12;
	[tilespmem:$0x1FB60] =	vst v7;
	v18 =	vunpack.c.0.s8.s32 v9  }
0x1c: {  	v3 =	vand.u32 $0xF, v2;
	v7 =	vcombine.low v15, v14;
	[tilespmem:$0x1FBA0] =	vst v1;
	v1 =	vimm.s32 $0xF  }
0x1d: {  	v62 =	vand.u32 $0xF, v0;
	v2 =	vcombine.low v17, v18;
	v1 =	vsel vm0, $0x80, v1  }
0x1e: {  	v7 =	vand.u32 $0xF, v7;
	v0 =	vsel vm1, $0x101, v1;
	v1 =	vcombine.low v13, v16  }
0x1f: {  	vm14 =	vcmask $0x3B38;
	[tilespmem:$0x1FB70] =	vst v7;
	v7 =	vcombine.low v16, v13;
	v34 =	vand.u32 $0xF, v2  }
0x20: {  	v2 =	vimm.s32 $0x10F;
	v47 =	vand.u32 $0xF, v1;
	v1 =	vimm.s32 $0x8F  }
0x21: {  	v2 =	vsel vm0, $0x180, v2;
	v0 =	vsel vm2, $0x182, v0;
	v1 =	vsel vm0, $0x100, v1  }
0x22: {  	v2 =	vsel vm1, $0x201, v2;
	v0 =	vsel vm3, $0x203, v0;
	v1 =	vsel vm1, $0x181, v1  }
0x23: {  	v2 =	vsel vm2, $0x282, v2;
	v0 =	vsel vm4, $0x284, v0;
	v1 =	vsel vm2, $0x202, v1  }
0x24: {  	v2 =	vsel vm3, $0x303, v2;
	v0 =	vsel vm5, $0x305, v0;
	v1 =	vsel vm3, $0x283, v1  }
0x25: {  	v2 =	vsel vm4, $0x384, v2;
	v0 =	vsel vm6, $0x386, v0;
	v1 =	vsel vm4, $0x304, v1  }
0x26: {  	v2 =	vsel vm5, $0x405, v2;
	v0 =	vsel vm7, $0x407, v0;
	v1 =	vsel vm5, $0x385, v1  }
0x27: {  	v2 =	vsel vm6, $0x486, v2;
	v0 =	vsel vm8, $0x488, v0;
	v1 =	vsel vm6, $0x406, v1  }
0x28: {  	v2 =	vsel vm7, $0x507, v2;
	v0 =	vsel vm9, $0x509, v0;
	v1 =	vsel vm7, $0x487, v1  }
0x29: {  	v2 =	vsel vm8, $0x588, v2;
	v0 =	vsel vm10, $0x58A, v0;
	v1 =	vsel vm8, $0x508, v1  }
0x2a: {  	v2 =	vsel vm9, $0x609, v2;
	v0 =	vsel vm11, $0x60B, v0;
	v1 =	vsel vm9, $0x589, v1  }
0x2b: {  	v2 =	vsel vm10, $0x68A, v2;
	v0 =	vsel vm12, $0x68C, v0;
	v1 =	vsel vm10, $0x60A, v1  }
0x2c: {  	v2 =	vsel vm11, $0x70B, v2;
	v0 =	vsel vm13, $0x70D, v0;
	v1 =	vsel vm11, $0x68B, v1  }
0x2d: {  	v2 =	vsel vm12, $0x78C, v2;
	v0 =	vsel vm14, $0x78E, v0;
	v1 =	vsel vm12, $0x70C, v1  }
0x2e: {  	[tilespmem:$0x1FBC0] =	vst v0;
	v0 =	vsel vm13, $0x78D, v1;
	v1 =	vsel vm13, $0xD, v2  }
0x2f: {  	v4 =	vand.u32 $0xF, v7;
	v7 =	vsel vm14, $0xE, v0;
	v0 =	vsel vm14, $0x8E, v1  }
0x30: {  	[tilespmem:$0x1FBD0] =	vst v0;
	v0 =	vimm.s32 $0x18F  }
0x31: {  	v0 =	vsel vm0, $0x200, v0  }
0x32: {  	v1 =	vimm.s32 $0x20F;
	v0 =	vsel vm1, $0x281, v0  }
0x33: {  	v2 =	vimm.s32 $0x28F;
	v1 =	vsel vm0, $0x280, v1;
	v0 =	vsel vm2, $0x302, v0  }
0x34: {  	v2 =	vsel vm0, $0x300, v2;
	v1 =	vsel vm1, $0x301, v1;
	v0 =	vsel vm3, $0x383, v0  }
0x35: {  	v2 =	vsel vm1, $0x381, v2;
	v1 =	vsel vm2, $0x382, v1;
	v0 =	vsel vm4, $0x404, v0  }
0x36: {  	v2 =	vsel vm2, $0x402, v2;
	v1 =	vsel vm3, $0x403, v1;
	v0 =	vsel vm5, $0x485, v0  }
0x37: {  	v2 =	vsel vm3, $0x483, v2;
	v1 =	vsel vm4, $0x484, v1;
	v0 =	vsel vm6, $0x506, v0  }
0x38: {  	v2 =	vsel vm4, $0x504, v2;
	v1 =	vsel vm5, $0x505, v1;
	v0 =	vsel vm7, $0x587, v0  }
0x39: {  	v2 =	vsel vm5, $0x585, v2;
	v1 =	vsel vm6, $0x586, v1;
	v0 =	vsel vm8, $0x608, v0  }
0x3a: {  	v2 =	vsel vm6, $0x606, v2;
	v1 =	vsel vm7, $0x607, v1;
	v0 =	vsel vm9, $0x689, v0  }
0x3b: {  	v2 =	vsel vm7, $0x687, v2;
	v1 =	vsel vm8, $0x688, v1;
	v0 =	vsel vm10, $0x70A, v0  }
0x3c: {  	v2 =	vsel vm8, $0x708, v2;
	v1 =	vsel vm9, $0x709, v1;
	v0 =	vsel vm11, $0x78B, v0  }
0x3d: {  	v2 =	vsel vm9, $0x789, v2;
	v1 =	vsel vm10, $0x78A, v1;
	v0 =	vsel vm12, $0xC, v0  }
0x3e: {  	v2 =	vsel vm10, $0xA, v2;
	v1 =	vsel vm11, $0xB, v1;
	v0 =	vsel vm13, $0x8D, v0  }
0x3f: {  	v2 =	vsel vm11, $0x8B, v2;
	v1 =	vsel vm12, $0x8C, v1;
	v0 =	vsel vm14, $0x10E, v0  }
0x40: {  	v2 =	vsel vm12, $0x10C, v2;
	[tilespmem:$0x1FBE0] =	vst v0;
	v0 =	vsel vm13, $0x10D, v1  }
0x41: {  	v1 =	vsel vm13, $0x18D, v2;
	v8 =	vsel vm14, $0x18E, v0;
	v0 =	vimm.s32 $0x30F  }
0x42: {  	v28 =	vsel vm14, $0x20E, v1;
	v1 =	vimm.s32 $0x38F;
	v0 =	vsel vm0, $0x380, v0  }
0x43: {  	v2 =	vimm.s32 $0x40F;
	v1 =	vsel vm0, $0x400, v1;
	v0 =	vsel vm1, $0x401, v0  }
0x44: {  	v2 =	vsel vm0, $0x480, v2;
	v1 =	vsel vm1, $0x481, v1;
	v0 =	vsel vm2, $0x482, v0  }
0x45: {  	v2 =	vsel vm1, $0x501, v2;
	v1 =	vsel vm2, $0x502, v1;
	v0 =	vsel vm3, $0x503, v0  }
0x46: {  	v2 =	vsel vm2, $0x582, v2;
	v1 =	vsel vm3, $0x583, v1;
	v0 =	vsel vm4, $0x584, v0  }
0x47: {  	v2 =	vsel vm3, $0x603, v2;
	v1 =	vsel vm4, $0x604, v1;
	v0 =	vsel vm5, $0x605, v0  }
0x48: {  	v2 =	vsel vm4, $0x684, v2;
	v1 =	vsel vm5, $0x685, v1;
	v0 =	vsel vm6, $0x686, v0  }
0x49: {  	v2 =	vsel vm5, $0x705, v2;
	v1 =	vsel vm6, $0x706, v1;
	v0 =	vsel vm7, $0x707, v0  }
0x4a: {  	v2 =	vsel vm6, $0x786, v2;
	v1 =	vsel vm7, $0x787, v1;
	v0 =	vsel vm8, $0x788, v0  }
0x4b: {  	v2 =	vsel vm7, $0x7, v2;
	v1 =	vsel vm8, $0x8, v1;
	v0 =	vsel vm9, $0x9, v0  }
0x4c: {  	v2 =	vsel vm8, $0x88, v2;
	v1 =	vsel vm9, $0x89, v1;
	v0 =	vsel vm10, $0x8A, v0  }
0x4d: {  	v2 =	vsel vm9, $0x109, v2;
	v1 =	vsel vm10, $0x10A, v1;
	v0 =	vsel vm11, $0x10B, v0  }
0x4e: {  	v2 =	vsel vm10, $0x18A, v2;
	v1 =	vsel vm11, $0x18B, v1;
	v0 =	vsel vm12, $0x18C, v0  }
0x4f: {  	v2 =	vsel vm11, $0x20B, v2;
	v1 =	vsel vm12, $0x20C, v1;
	v0 =	vsel vm13, $0x20D, v0  }
0x50: {  	v2 =	vsel vm12, $0x28C, v2;
	v12 =	vsel vm14, $0x28E, v0;
	v0 =	vsel vm13, $0x28D, v1  }
0x51: {  	v1 =	vsel vm13, $0x30D, v2;
	v58 =	vsel vm14, $0x30E, v0;
	v0 =	vimm.s32 $0x48F  }
0x52: {  	v6 =	vsel vm14, $0x38E, v1;
	v1 =	vimm.s32 $0x50F;
	v0 =	vsel vm0, $0x500, v0  }
0x53: {  	v2 =	vimm.s32 $0x58F;
	v1 =	vsel vm0, $0x580, v1;
	v0 =	vsel vm1, $0x581, v0  }
0x54: {  	v2 =	vsel vm0, $0x600, v2;
	v1 =	vsel vm1, $0x601, v1;
	v0 =	vsel vm2, $0x602, v0  }
0x55: {  	v2 =	vsel vm1, $0x681, v2;
	v1 =	vsel vm2, $0x682, v1;
	v0 =	vsel vm3, $0x683, v0  }
0x56: {  	v2 =	vsel vm2, $0x702, v2;
	v1 =	vsel vm3, $0x703, v1;
	v0 =	vsel vm4, $0x704, v0  }
0x57: {  	v2 =	vsel vm3, $0x783, v2;
	v1 =	vsel vm4, $0x784, v1;
	v0 =	vsel vm5, $0x785, v0  }
0x58: {  	v2 =	vsel vm4, $0x4, v2;
	v1 =	vsel vm5, $0x5, v1;
	v0 =	vsel vm6, $0x6, v0  }
0x59: {  	v2 =	vsel vm5, $0x85, v2;
	v1 =	vsel vm6, $0x86, v1;
	v0 =	vsel vm7, $0x87, v0  }
0x5a: {  	v2 =	vsel vm6, $0x106, v2;
	v1 =	vsel vm7, $0x107, v1;
	v0 =	vsel vm8, $0x108, v0  }
0x5b: {  	v2 =	vsel vm7, $0x187, v2;
	v1 =	vsel vm8, $0x188, v1;
	v0 =	vsel vm9, $0x189, v0  }
0x5c: {  	v2 =	vsel vm8, $0x208, v2;
	v1 =	vsel vm9, $0x209, v1;
	v0 =	vsel vm10, $0x20A, v0  }
0x5d: {  	v2 =	vsel vm9, $0x289, v2;
	v1 =	vsel vm10, $0x28A, v1;
	v0 =	vsel vm11, $0x28B, v0  }
0x5e: {  	v2 =	vsel vm10, $0x30A, v2;
	v1 =	vsel vm11, $0x30B, v1;
	v0 =	vsel vm12, $0x30C, v0  }
0x5f: {  	v2 =	vsel vm11, $0x38B, v2;
	v1 =	vsel vm12, $0x38C, v1;
	v0 =	vsel vm13, $0x38D, v0  }
0x60: {  	v2 =	vsel vm12, $0x40C, v2;
	v54 =	vsel vm14, $0x40E, v0;
	v0 =	vsel vm13, $0x40D, v1  }
0x61: {  	v1 =	vsel vm13, $0x48D, v2;
	v25 =	vsel vm14, $0x48E, v0;
	v0 =	vimm.s32 $0x60F  }
0x62: {  	v38 =	vsel vm14, $0x50E, v1;
	v1 =	vimm.s32 $0x68F;
	v0 =	vsel vm0, $0x680, v0  }
0x63: {  	v1 =	vsel vm0, $0x700, v1;
	v0 =	vsel vm1, $0x701, v0  }
0x64: {  	v1 =	vsel vm1, $0x781, v1;
	v0 =	vsel vm2, $0x782, v0  }
0x65: {  	v1 =	vsel vm2, $0x2, v1;
	v0 =	vsel vm3, $0x3, v0  }
0x66: {  	v1 =	vsel vm3, $0x83, v1;
	v0 =	vsel vm4, $0x84, v0  }
0x67: {  	v1 =	vsel vm4, $0x104, v1;
	v0 =	vsel vm5, $0x105, v0  }
0x68: {  	v2 =	vimm.s32 $0x70F;
	v1 =	vsel vm5, $0x185, v1;
	v0 =	vsel vm6, $0x186, v0  }
0x69: {  	v2 =	vsel vm0, $0x780, v2;
	v1 =	vsel vm6, $0x206, v1;
	v0 =	vsel vm7, $0x207, v0  }
0x6a: {  	v2 =	vsel vm1, $0x1, v2;
	v1 =	vsel vm7, $0x287, v1;
	v0 =	vsel vm8, $0x288, v0  }
0x6b: {  	v2 =	vsel vm2, $0x82, v2;
	v1 =	vsel vm8, $0x308, v1;
	v0 =	vsel vm9, $0x309, v0  }
0x6c: {  	v2 =	vsel vm3, $0x103, v2;
	v1 =	vsel vm9, $0x389, v1;
	v0 =	vsel vm10, $0x38A, v0  }
0x6d: {  	v2 =	vsel vm4, $0x184, v2;
	v1 =	vsel vm10, $0x40A, v1;
	v0 =	vsel vm11, $0x40B, v0  }
0x6e: {  	v2 =	vsel vm5, $0x205, v2;
	v1 =	vsel vm11, $0x48B, v1;
	v0 =	vsel vm12, $0x48C, v0  }
0x6f: {  	v2 =	vsel vm6, $0x286, v2;
	v1 =	vsel vm12, $0x50C, v1;
	v0 =	vsel vm13, $0x50D, v0  }
0x70: {  	v2 =	vsel vm7, $0x307, v2;
	v23 =	vsel vm14, $0x58E, v0;
	v0 =	vsel vm13, $0x58D, v1  }
0x71: {  	v2 =	vsel vm8, $0x388, v2;
	v14 =	vsel vm14, $0x60E, v0;
	v0 =	vimm.s32 $0x1C1B1A19  }
0x72: {  	v2 =	vsel vm9, $0x409, v2;
	v19 =	vunpack.c.0.s8.s32 v0;
	v0 =	vimm.s32 $0x101F1E1D  }
0x73: {  	v2 =	vsel vm10, $0x48A, v2;
	v0 =	vunpack.c.0.s8.s32 v0  }
0x74: {  	v2 =	vsel vm11, $0x50B, v2  }
0x75: {  	v2 =	vsel vm12, $0x58C, v2;
	[tilespmem:$0x1FBF0] =	vst v0;
	v0 =	vimm.s32 $0x14131211  }
0x76: {  	v1 =	vsel vm13, $0x60D, v2;
	v0 =	vunpack.c.0.s8.s32 v0  }
0x77: {  	v55 =	vsel vm14, $0x68E, v1;
	v1 =	vimm.s32 $0x18171615  }
0x78: {  	[tilespmem:$0x1FC00] =	vst v0;
	v0 =	vunpack.c.0.s8.s32 v1;
	_ =	sdelay $0x1  }
0x79: {  	[tilespmem:$0x1FC10] =	vst v0;
	v0 =	vimm.s32 $0x1D1C1B1A  }
0x7a: {  	v0 =	vunpack.c.0.s8.s32 v0;
	_ =	sdelay $0x1  }
0x7b: {  	[tilespmem:$0x1FC20] =	vst v0;
	v0 =	vimm.s32 $0x11101F1E  }
0x7c: {  	v0 =	vunpack.c.0.s8.s32 v0  }
0x7d: {  	v1 =	vimm.s32 $0x15141312  }
0x7e: {  	[tilespmem:$0x1FC30] =	vst v0;
	v0 =	vunpack.c.0.s8.s32 v1;
	_ =	sdelay $0x1  }
0x7f: {  	[tilespmem:$0x1FC40] =	vst v0;
	v0 =	vimm.s32 $0x19181716  }
0x80: {  	v0 =	vunpack.c.0.s8.s32 v0;
	_ =	sdelay $0x1  }
0x81: {  	[tilespmem:$0x1FC50] =	vst v0;
	v0 =	vimm.s32 $0x1E1D1C1B  }
0x82: {  	v0 =	vunpack.c.0.s8.s32 v0  }
0x83: {  	v1 =	vimm.s32 $0x1211101F  }
0x84: {  	[tilespmem:$0x1FC60] =	vst v0;
	v0 =	vunpack.c.0.s8.s32 v1;
	_ =	sdelay $0x1  }
0x85: {  	[tilespmem:$0x1FC70] =	vst v0;
	v0 =	vimm.s32 $0x16151413  }
0x86: {  	v0 =	vunpack.c.0.s8.s32 v0;
	_ =	sdelay $0x1  }
0x87: {  	[tilespmem:$0x1FC80] =	vst v0;
	v0 =	vimm.s32 $0x1A191817  }
0x88: {  	v0 =	vunpack.c.0.s8.s32 v0  }
0x89: {  	v1 =	vimm.s32 $0x1F1E1D1C  }
0x8a: {  	[tilespmem:$0x1FC90] =	vst v0;
	v0 =	vunpack.c.0.s8.s32 v1;
	_ =	sdelay $0x1  }
0x8b: {  	[tilespmem:$0x1FCA0] =	vst v0;
	v0 =	vimm.s32 $0x13121110  }
0x8c: {  	v0 =	vunpack.c.0.s8.s32 v0;
	_ =	sdelay $0x1  }
0x8d: {  	[tilespmem:$0x1FCB0] =	vst v0;
	v0 =	vimm.s32 $0x17161514  }
0x8e: {  	v0 =	vunpack.c.0.s8.s32 v0  }
0x8f: {  	v1 =	vimm.s32 $0x1B1A1918  }
0x90: {  	[tilespmem:$0x1FCC0] =	vst v0;
	v0 =	vunpack.c.0.s8.s32 v1;
	_ =	sdelay $0x1  }
0x91: {  	[tilespmem:$0x1FCD0] =	vst v0;
	v0 =	vimm.s32 $0x2C2B2A29  }
0x92: {  	v0 =	vunpack.c.0.s8.s32 v0;
	_ =	sdelay $0x1  }
0x93: {  	[tilespmem:$0x1FCE0] =	vst v0;
	v0 =	vimm.s32 $0x202F2E2D  }
0x94: {  	v0 =	vunpack.c.0.s8.s32 v0  }
0x95: {  	v1 =	vimm.s32 $0x24232221  }
0x96: {  	[tilespmem:$0x1FCF0] =	vst v0;
	v0 =	vunpack.c.0.s8.s32 v1;
	_ =	sdelay $0x1  }
0x97: {  	[tilespmem:$0x1FD00] =	vst v0;
	v0 =	vimm.s32 $0x28272625  }
0x98: {  	v0 =	vunpack.c.0.s8.s32 v0;
	_ =	sdelay $0x1  }
0x99: {  	[tilespmem:$0x1FD10] =	vst v0;
	v0 =	vimm.s32 $0x2D2C2B2A  }
0x9a: {  	v0 =	vunpack.c.0.s8.s32 v0  }
0x9b: {  	v1 =	vimm.s32 $0x21202F2E  }
0x9c: {  	[tilespmem:$0x1FD20] =	vst v0;
	v0 =	vunpack.c.0.s8.s32 v1;
	_ =	sdelay $0x1  }
0x9d: {  	[tilespmem:$0x1FD30] =	vst v0;
	v0 =	vimm.s32 $0x25242322  }
0x9e: {  	v0 =	vunpack.c.0.s8.s32 v0;
	_ =	sdelay $0x1  }
0x9f: {  	[tilespmem:$0x1FD40] =	vst v0;
	v0 =	vimm.s32 $0x29282726  }
0xa0: {  	v0 =	vunpack.c.0.s8.s32 v0  }
0xa1: {  	v1 =	vimm.s32 $0x2E2D2C2B  }
0xa2: {  	[tilespmem:$0x1FD50] =	vst v0;
	v0 =	vunpack.c.0.s8.s32 v1;
	_ =	sdelay $0x1  }
0xa3: {  	[tilespmem:$0x1FD60] =	vst v0;
	v0 =	vimm.s32 $0x2221202F  }
0xa4: {  	v0 =	vunpack.c.0.s8.s32 v0  }
0xa5: {  	v9 =	vcombine.low v18, v17  }
0xa6: {  	s3 =	stileid.u32;
	[tilespmem:$0x1FD70] =	vst v0;
	v0 =	vimm.s32 $0x26252423  }
0xa7: {  	s0 =	rddreg [dreg:$0x0];
	s4 =	sshll.u32 s3, $0x1;
	s3 =	simm.s32 $0x0;
	[tilespmem:$0x1FB80] =	vst v4;
	v4 =	vand.u32 $0xF, v9;
	v0 =	vunpack.c.0.s8.s32 v0  }
0xa8: {  	[smem:$0x7FF] =	sst s3;
	[tilespmem:$0x1FB90] =	vst v4;
	v1 =	vimm.s32 $0x2A292827  }
0xa9: {  	s2 =	rddreg [dreg:$0x1];
	_ =	strace $0x80000047;
	[tilespmem:$0x1FD80] =	vst v0;
	v0 =	vunpack.c.0.s8.s32 v1;
	_ =	sdelay $0x1  }
0xaa: {  	[tilespmem:$0x1FD90] =	vst v0;
	v0 =	vimm.s32 $0x2F2E2D2C  }
0xab: {  	v0 =	vunpack.c.0.s8.s32 v0;
	_ =	sdelay $0x1  }
0xac: {  	[tilespmem:$0x1FDA0] =	vst v0;
	v0 =	vimm.s32 $0x23222120  }
0xad: {  	v0 =	vunpack.c.0.s8.s32 v0  }
0xae: {  	v1 =	vimm.s32 $0x27262524  }
0xaf: {  	[tilespmem:$0x1FDB0] =	vst v0;
	v0 =	vunpack.c.0.s8.s32 v1;
	_ =	sdelay $0x1  }
0xb0: {  	[tilespmem:$0x1FDC0] =	vst v0;
	v0 =	vimm.s32 $0x2B2A2928  }
0xb1: {  	v0 =	vunpack.c.0.s8.s32 v0;
	_ =	sdelay $0x1  }
0xb2: {  	[tilespmem:$0x1FDD0] =	vst v0;
	v0 =	vimm.s32 $0x3C3B3A39  }
0xb3: {  	v36 =	vunpack.c.0.s8.s32 v0;
	v0 =	vimm.s32 $0x34333231  }
0xb4: {  	v0 =	vunpack.c.0.s8.s32 v0;
	_ =	sdelay $0x1  }
0xb5: {  	[tilespmem:$0x1FDE0] =	vst v0;
	v0 =	vimm.s32 $0x38373635  }
0xb6: {  	v1 =	vimm.s32 $0x303F3E3D;
	v0 =	vunpack.c.0.s8.s32 v0  }
0xb7: {  	v37 =	vunpack.c.0.s8.s32 v1;
	v1 =	vimm.s32 $0x3D3C3B3A  }
0xb8: {  	[tilespmem:$0x1FDF0] =	vst v0;
	v0 =	vunpack.c.0.s8.s32 v1;
	_ =	sdelay $0x1  }
0xb9: {  	[tilespmem:$0x1FE00] =	vst v0;
	v0 =	vimm.s32 $0x31303F3E  }
0xba: {  	v0 =	vunpack.c.0.s8.s32 v0  }
0xbb: {  	[tilespmem:$0x1FED0] =	vst v34  }
0xbc: {  	[tilespmem:$0x1FE10] =	vst v0;
	v0 =	vimm.s32 $0x35343332  }
0xbd: {  	[tilespmem:$0x1FEE0] =	vst v19;
	v0 =	vunpack.c.0.s8.s32 v0  }
0xbe: {  	[tilespmem:$0x1FF20] =	vst v25;
	v1 =	vimm.s32 $0x39383736  }
0xbf: {  	[tilespmem:$0x1FE20] =	vst v0;
	v0 =	vunpack.c.0.s8.s32 v1  }
0xc0: {  	[tilespmem:$0x1FF30] =	vst v38  }
0xc1: {  	[tilespmem:$0x1FE30] =	vst v0;
	v0 =	vimm.s32 $0x3E3D3C3B  }
0xc2: {  	[tilespmem:$0x1FF40] =	vst v14;
	v0 =	vunpack.c.0.s8.s32 v0  }
0xc3: {  	[tilespmem:$0x1FF50] =	vst v55  }
0xc4: {  	[tilespmem:$0x1FE40] =	vst v0;
	v0 =	vimm.s32 $0x3231303F  }
0xc5: {  	[tilespmem:$0x1FF60] =	vst v23;
	v0 =	vunpack.c.0.s8.s32 v0  }
0xc6: {  	[tilespmem:$0x1FF70] =	vst v61;
	v1 =	vimm.s32 $0x36353433  }
0xc7: {  	[tilespmem:$0x1FE50] =	vst v0;
	v0 =	vunpack.c.0.s8.s32 v1  }
0xc8: {  	[tilespmem:$0x1FF80] =	vst v59  }
0xc9: {  	[tilespmem:$0x1FE60] =	vst v0;
	v0 =	vimm.s32 $0x3A393837  }
0xca: {  	[tilespmem:$0x1FF90] =	vst v62;
	v0 =	vunpack.c.0.s8.s32 v0  }
0xcb: {  	[tilespmem:$0x1FFA0] =	vst v54  }
0xcc: {  	[tilespmem:$0x1FE70] =	vst v0;
	v0 =	vimm.s32 $0x3F3E3D3C  }
0xcd: {  	s1 =	srdreg.scid;
	s16 =	simm.s32 $0x80;
	s20 =	simm.s32 $0x6400;
	[tilespmem:$0x1FFB0] =	vst v3;
	v0 =	vunpack.c.0.s8.s32 v0  }
0xce: {  	s21 =	simm.s32 $0x8400;
	s22 =	simm.s32 $0xA400;
	s25 =	simm.s32 $0x1;
	[tilespmem:$0x1FFC0] =	vst v47;
	v1 =	vimm.s32 $0x33323130  }
0xcf: {  	s17 =	simm.s32 $0xC400;
	s18 =	simm.s32 $0xC800;
	s15 =	simm.s32 $0xD400;
	[tilespmem:$0x1FE80] =	vst v0;
	v0 =	vunpack.c.0.s8.s32 v1  }
0xd0: {  	s19 =	simm.s32 $0xD800;
	s23 =	simm.s32 $0xDC00;
	s24 =	simm.s32 $0xE000;
	[tilespmem:$0x1FFD0] =	vst v58  }
0xd1: {  	s28 =	simm.s32 $0x0;
	s1 =	sand.u32 $0x1, s1;
	s8 =	sadd.s32 $0x1000, s2;
	[tilespmem:$0x1FE90] =	vst v0;
	v0 =	vimm.s32 $0x37363534  }
0xd2: {  	s9 =	sadd.s32 $0x2000, s2;
	s10 =	sadd.s32 $0x3000, s2;
	s11 =	sadd.s32 $0x4000, s2;
	[tilespmem:$0x1FFE0] =	vst v28;
	v0 =	vunpack.c.0.s8.s32 v0  }
0xd3: {  	s12 =	sadd.s32 $0x5000, s2;
	s13 =	sadd.s32 $0x6000, s2;
	s5 =	sor.u32 s1, s4;
	[tilespmem:$0x1FFF0] =	vst v8  }
0xd4: {  	s14 =	sadd.s32 $0x7000, s2;
	s31 =	ssub.s32 $0x2, s1;
	s4 =	sshll.u32 s5, $0x4;
	[tilespmem:$0x1FEA0] =	vst v0;
	v0 =	vimm.s32 $0x3B3A3938  }
0xd5: {  	s1 =	sshrl.u32 s31, $0x1;
	s7 =	sshll.u32 s5, $0xA;
	s5 =	simm.s32 $0xCC00;
	[tilespmem:$0x1FF00] =	vst v37;
	v1 =	vlaneseq.u32;
	v0 =	vunpack.c.0.s8.s32 v0  }
0xd6: {  	s6 =	sadd.s32 s4, s0;
	s4 =	sadd.s32 $0x19C00, s0;
	s0 =	sadd.s32 $0x400, s0;
	[tilespmem:$0x1FEF0] =	vst v36;
	v24 =	vmul.u32 $0x40, v1  }
0xd7: {  	s6 =	sadd.s32 $0xC00, s6;
	[dreg:$0x3] =	wrdreg s0;
	s0 =	ssub.s32 s31, s1;
	[tilespmem:$0x1FEB0] =	vst v0;
	v0 =	vmul.u32 $0x81, v1  }
0xd8: {  	[dreg:$0x4] =	wrdreg s6;
	s1 =	simm.s32 $0x2;
	s0 =	smax.u32 s0, $0x1;
	[tilespmem:$0x1FF10] =	vst v24  }
0xd9: {  	vm0 =	vcmask $0x1F10;
	s6 =	simm.s32 $0xD000;
	[dreg:$0x5] =	wrdreg s0;
	s0 =	simm.s32 $0x4;
	[tilespmem:$0x1FEC0] =	vst v0  }
.LBB2_1:
0xda: {  	s26 =	rddreg [dreg:$0x4];
	s29 =	simm.s32 $0x1000  }
0xdb: {  	[tilespmem:s3], [sflag:$0x5] =	stream.strided.gather [hbm4b:s26+s16], $0x6400, s29, s16, $0x38;
	[tilespmem:$0x11600] =	vst v63  }
0xdc: {  	[dreg:$0x6] =	wrdreg s28;
	s29 =	simm.s32 $0x5  }
0xdd: {  	_ =	swait.ge [sflag:s29], $0x6400  }
0xde: {  	[sflag:s29] =	ssyncset.done $0x0  }
0xdf: {  	s31 =	simm.s32 $0xE400;
	s30 =	rddreg [dreg:$0x3];
	[sflag:s29] =	ssyncadd.s32 $0xFFFF9C00  }
0xe0: {  	[tilespmem:s31], [sflag:$0x5] =	stream.linear.gather [hbm4b:s30+s3], $0x3200, $0x38;
	[tilespmem:$0x11600] =	vst v63  }
0xe1: {  	_ =	swait.ge [sflag:s29], $0x3200  }
0xe2: {  	[sflag:s29] =	ssyncset.done $0x0  }
0xe3: {  	s26 =	simm.s32 $0x0;
	[sflag:s29] =	ssyncadd.s32 $0xFFFFCE00  }
0xe4: {  	[tilespmem:s20], [sflag:$0x1] =	stream.indirect.gather [hbm4b:s4+s16], $0x40, s3, s16, $0xb8;
	[tilespmem:$0x11600] =	vst v63  }
.LBB2_2:
0xe5: {  	s28 =	sshllo.u32 s26, $0x1  }
0xe6: {  	s29 =	sshll.u32 s28, $0x7  }
0xe7: {  	s29 =	sand.u32 $0x3FFFFF80, s29  }
0xe8: {  	[tilespmem:s21], [sflag:$0x2] =	stream.indirect.gather [hbm4b:s4+s16], $0x40, s29, s16, $0xb8;
	[tilespmem:$0x11600] =	vst v63  }
0xe9: {  	_ =	swait.ge [sflag:s25], $0x2000  }
0xea: {  	p0 =	seq.s32 s26, $0x0;
	[sflag:s25] =	ssyncset.done $0x0  }
0xeb: {  	s29 =	simm.s32 @!p0 $0x3;
	[sflag:s25] =	ssyncadd.s32 $0xFFFFE000  }
0xec: {  	_ =	swait.ge @!p0 [sflag:s29], $0x400  }
0xed: {  	[sflag:s29] =	ssyncset.done @!p0 $0x0  }
0xee: {  	[sflag:s29] =	ssyncadd.s32 @!p0 $0xFFFFFC00  }
0xef: {  	_ =	swait.ge @!p0 [sflag:s29], $0x400  }
0xf0: {  	[sflag:s29] =	ssyncset.done @!p0 $0x0  }
0xf1: {  	[sflag:s29] =	ssyncadd.s32 @!p0 $0xFFFFFC00  }
0xf2: {  	_ =	swait.ge @!p0 [sflag:s29], $0x400  }
0xf3: {  	[sflag:s29] =	ssyncset.done @!p0 $0x0  }
0xf4: {  	[sflag:s29] =	ssyncadd.s32 @!p0 $0xFFFFFC00  }
0xf5: {  	_ =	swait.ge @!p0 [sflag:s29], $0x400  }
0xf6: {  	[sflag:s29] =	ssyncset.done @!p0 $0x0  }
0xf7: {  	[sflag:s29] =	ssyncadd.s32 @!p0 $0xFFFFFC00  }
0xf8: {  	_ =	swait.ge @!p0 [sflag:s29], $0x400  }
0xf9: {  	[sflag:s29] =	ssyncset.done @!p0 $0x0  }
0xfa: {  	[sflag:s29] =	ssyncadd.s32 @!p0 $0xFFFFFC00  }
0xfb: {  	_ =	swait.ge @!p0 [sflag:s29], $0x400  }
0xfc: {  	[sflag:s29] =	ssyncset.done @!p0 $0x0  }
0xfd: {  	[sflag:s29] =	ssyncadd.s32 @!p0 $0xFFFFFC00  }
0xfe: {  	_ =	swait.ge @!p0 [sflag:s29], $0x400  }
0xff: {  	[sflag:s29] =	ssyncset.done @!p0 $0x0  }
0x100: {  	[sflag:s29] =	ssyncadd.s32 @!p0 $0xFFFFFC00  }
0x101: {  	_ =	swait.ge @!p0 [sflag:s29], $0x400  }
0x102: {  	s30 =	sshll.u32 s26, $0x7;
	[sflag:s29] =	ssyncset.done @!p0 $0x0  }
0x103: {  	[sflag:s29] =	ssyncadd.s32 @!p0 $0xFFFFFC00;
	s29 =	sand.u32 $0x3FFFFF80, s30  }
0x104: {  	v2 =	vld [tilespmem:s29+$0xE400];
	_ =	sdelay $0x1  }
0x105: {  	v43 =	vld [tilespmem:$0x1FB30];
	_ =	sdelay $0x1  }
0x106: {  	v44 =	vld [tilespmem:$0x1FB40]  }
0x107: {  	v0 =	vperm.xlane v2, v1  }
0x108: {  	v45 =	vld [tilespmem:$0x1FB50]  }
0x109: {  	[tilespmem:$0x1FA30] =	vst v0;
	v0 =	vperm.xlane v2, v43  }
0x10a: {  	v46 =	vld [tilespmem:$0x1FB60]  }
0x10b: {  	[tilespmem:$0x1FA40] =	vst v0;
	v0 =	vperm.xlane v2, v44  }
0x10c: {  	v48 =	vld [tilespmem:$0x1FB70]  }
0x10d: {  	[tilespmem:$0x1FA50] =	vst v0;
	v0 =	vperm.xlane v2, v45  }
0x10e: {  	v49 =	vld [tilespmem:$0x1FB80]  }
0x10f: {  	[tilespmem:$0x1FA60] =	vst v0;
	v0 =	vperm.xlane v2, v46  }
0x110: {  	v50 =	vld [tilespmem:$0x1FB90];
	v52 =	vperm.xlane v2, v61;
	[tilespmem:$0x1FB10] =	vst v2  }
0x111: {  	[tilespmem:$0x1FA70] =	vst v0;
	v0 =	vperm.xlane v2, v48  }
0x112: {  	v51 =	vld [tilespmem:$0x1FBA0];
	v53 =	vperm.xlane v2, v59;
	[tilespmem:$0x1FAC0] =	vst v52  }
0x113: {  	[tilespmem:$0x1FA80] =	vst v0;
	v0 =	vperm.xlane v2, v49  }
0x114: {  	v56 =	vld [tilespmem:$0x1FBB0];
	v57 =	vperm.xlane v2, v62;
	[tilespmem:$0x1FAD0] =	vst v53  }
0x115: {  	[tilespmem:$0x1FA90] =	vst v0;
	v0 =	vperm.xlane v2, v50  }
0x116: {  	v60 =	vperm.xlane v2, v3;
	[tilespmem:$0x1FAF0] =	vst v57  }
0x117: {  	[tilespmem:$0x1FAA0] =	vst v0;
	v0 =	vperm.xlane v2, v51  }
0x118: {  	v63 =	vperm.xlane v2, v47;
	[tilespmem:$0x1FB00] =	vst v60  }
0x119: {  	v4 =	vld [tilespmem:s29+$0xE430];
	[tilespmem:$0x1FAB0] =	vst v0;
	v0 =	vperm.xlane v2, v56  }
0x11a: {  	v53 =	vld [tilespmem:s29+$0xE420];
	[tilespmem:$0x1FB20] =	vst v63  }
0x11b: {  	v46 =	vld [tilespmem:s29+$0xE410];
	s29 =	simm.s32 $0x0;
	[tilespmem:$0x1FAE0] =	vst v0  }
.LBB2_3:
0x11c: {  	v13 =	vld [tilespmem:$0x1FB90]  }
0x11d: {  	v10 =	vld [tilespmem:$0x1FB30]  }
0x11e: {  	v3 =	vld [tilespmem:$0x1FB40]  }
0x11f: {  	v0 =	vmov s29;
	v63 =	vld [tilespmem:$0x1FB50]  }
0x120: {  	v60 =	vld [tilespmem:$0x1FB60];
	v0 =	vshll.u32 v0, $0x6  }
0x121: {  	v52 =	vld [tilespmem:$0x1FB70];
	v21 =	vor.u32 v24, v0;
	v0 =	vlaneseq.u32  }
0x122: {  	v51 =	vld [tilespmem:$0x1FB80];
	v0 =	vor.u32 v0, v21  }
0x123: {  	v9 =	vld [tilespmem:$0x1FEC0];
	v1 =	vor.u32 v10, v21  }
0x124: {  	v5 =	vmov v8;
	v2 =	vor.u32 v3, v21;
	v8 =	vmov v3;
	v3 =	vld [tilespmem:$0x1FBA0]  }
0x125: {  	v48 =	vld [tilespmem:$0x1FBC0]  }
0x126: {  	v22 =	vmov v61;
	v15 =	vor.u32 v63, v21;
	v30 =	vor.u32 v61, v21;
	v61 =	vld [tilespmem:$0x1FFB0]  }
0x127: {  	v16 =	vor.u32 v60, v21;
	v0 =	vld.idx.msk [tilespmem:v0+s20+$0x0], $0xffff  }
0x128: {  	v17 =	vor.u32 v52, v21;
	v1 =	vld.idx.msk [tilespmem:v1+s20+$0x0], $0xffff  }
0x129: {  	v20 =	vor.u32 v3, v21;
	v3 =	vld [tilespmem:$0x1FBB0]  }
0x12a: {  	v18 =	vor.u32 v51, v21;
	v2 =	vld.idx.msk [tilespmem:v2+s20+$0x0], $0xffff  }
0x12b: {  	v57 =	vmov v7;
	v7 =	vmov v19;
	v19 =	vor.u32 v13, v21;
	v15 =	vld.idx.msk [tilespmem:v15+s20+$0x0], $0xffff  }
0x12c: {  	v16 =	vld.idx.msk [tilespmem:v16+s20+$0x0], $0xffff  }
0x12d: {  	v31 =	vor.u32 v59, v21;
	v17 =	vld.idx.msk [tilespmem:v17+s20+$0x0], $0xffff  }
0x12e: {  	v32 =	vor.u32 v3, v21;
	v3 =	vld [tilespmem:$0x1FFC0]  }
0x12f: {  	v49 =	vmov v34;
	v33 =	vor.u32 v62, v21;
	v18 =	vld.idx.msk [tilespmem:v18+s20+$0x0], $0xffff  }
0x130: {  	v36 =	vor.u32 v49, v21;
	v19 =	vld.idx.msk [tilespmem:v19+s20+$0x0], $0xffff  }
0x131: {  	v30 =	vld.idx.msk [tilespmem:v30+s20+$0x0], $0xffff  }
0x132: {  	v47 =	vor.u32 v61, v21;
	v31 =	vld.idx.msk [tilespmem:v31+s20+$0x0], $0xffff  }
0x133: {  	v35 =	vor.u32 v3, v21;
	v3 =	vld [tilespmem:$0x1FA30]  }
0x134: {  	v33 =	vld.idx.msk [tilespmem:v33+s20+$0x0], $0xffff  }
0x135: {  	v36 =	vld.idx.msk [tilespmem:v36+s20+$0x0], $0xffff  }
0x136: {  	v37 =	vor.u32 s29, v9;
	v20 =	vld.idx.msk [tilespmem:v20+s20+$0x0], $0xffff  }
0x137: {  	v34 =	vld.idx.msk [tilespmem:v47+s20+$0x0], $0xffff  }
0x138: {  	v0 =	vadd.f32 v3, v0;
	v3 =	vld [tilespmem:$0x1FA40]  }
0x139: {  	v32 =	vld.idx.msk [tilespmem:v32+s20+$0x0], $0xffff  }
0x13a: {  	v38 =	vor.u32 s29, v48;
	v35 =	vld.idx.msk [tilespmem:v35+s20+$0x0], $0xffff  }
0x13b: {  	[tilespmem:v37+s22+$0x0] =	vst.idx.msk $0xffff, v0;
	v0 =	vld [tilespmem:$0x1FA50]  }
0x13c: {  	v11 =	vld [tilespmem:$0x1FBD0]  }
0x13d: {  	v39 =	vor.u32 s29, v57;
	v1 =	vadd.f32 v3, v1  }
0x13e: {  	v25 =	vld [tilespmem:$0x1FBE0]  }
0x13f: {  	[tilespmem:v38+s22+$0x0] =	vst.idx.msk $0xffff, v1;
	v1 =	vld [tilespmem:$0x1FA60]  }
0x140: {  	v0 =	vadd.f32 v0, v2  }
0x141: {  	v40 =	vor.u32 s29, v11  }
0x142: {  	[tilespmem:v39+s22+$0x0] =	vst.idx.msk $0xffff, v0;
	v0 =	vld [tilespmem:$0x1FA70];
	_ =	sdelay $0x1  }
0x143: {  	v41 =	vor.u32 s29, v25;
	v1 =	vadd.f32 v1, v15;
	_ =	sdelay $0x1  }
0x144: {  	[tilespmem:v40+s22+$0x0] =	vst.idx.msk $0xffff, v1;
	v1 =	vld [tilespmem:$0x1FA80]  }
0x145: {  	v0 =	vadd.f32 v0, v16  }
0x146: {  	v2 =	vor.u32 s29, v5  }
0x147: {  	[tilespmem:v41+s22+$0x0] =	vst.idx.msk $0xffff, v0;
	v0 =	vld [tilespmem:$0x1FA90];
	_ =	sdelay $0x1  }
0x148: {  	v15 =	vor.u32 s29, v28;
	v1 =	vadd.f32 v1, v17;
	_ =	sdelay $0x1  }
0x149: {  	[tilespmem:v2+s22+$0x0] =	vst.idx.msk $0xffff, v1;
	v1 =	vld [tilespmem:$0x1FAA0]  }
0x14a: {  	v0 =	vadd.f32 v0, v18  }
0x14b: {  	v26 =	vld [tilespmem:$0x1FC10];
	v16 =	vor.u32 s29, v12  }
0x14c: {  	[tilespmem:v15+s22+$0x0] =	vst.idx.msk $0xffff, v0;
	v0 =	vld [tilespmem:$0x1FAB0]  }
0x14d: {  	v42 =	vld [tilespmem:$0x1FC90]  }
0x14e: {  	v43 =	vld [tilespmem:$0x1FCA0];
	v17 =	vor.u32 s29, v58;
	v1 =	vadd.f32 v1, v19  }
0x14f: {  	v44 =	vld [tilespmem:$0x1FCB0]  }
0x150: {  	[tilespmem:v16+s22+$0x0] =	vst.idx.msk $0xffff, v1;
	v1 =	vld [tilespmem:$0x1FAC0]  }
0x151: {  	v45 =	vld [tilespmem:$0x1FCC0];
	v0 =	vadd.f32 v0, v20  }
0x152: {  	v56 =	vmov v5;
	v5 =	vld [tilespmem:$0x1FF20];
	v18 =	vor.u32 s29, v6  }
0x153: {  	[tilespmem:v17+s22+$0x0] =	vst.idx.msk $0xffff, v0;
	v0 =	vld [tilespmem:$0x1FAD0]  }
0x154: {  	v47 =	vld [tilespmem:$0x1FCD0]  }
0x155: {  	v3 =	vld [tilespmem:$0x1FB10];
	v2 =	vor.u32 s29, v54;
	v1 =	vadd.f32 v1, v30  }
0x156: {  	v39 =	vld [tilespmem:$0x1FC70]  }
0x157: {  	[tilespmem:v18+s22+$0x0] =	vst.idx.msk $0xffff, v1;
	v1 =	vld [tilespmem:$0x1FAE0]  }
0x158: {  	v15 =	vor.u32 s29, v5;
	v5 =	vld [tilespmem:$0x1FF30];
	v0 =	vadd.f32 v0, v31  }
0x159: {  	v40 =	vld [tilespmem:$0x1FC60]  }
0x15a: {  	[tilespmem:v2+s22+$0x0] =	vst.idx.msk $0xffff, v0;
	v2 =	vld [tilespmem:$0x1FED0]  }
0x15b: {  	v0 =	vld [tilespmem:$0x1FAF0]  }
0x15c: {  	v41 =	vld [tilespmem:$0x1FC80];
	v1 =	vadd.f32 v1, v32  }
0x15d: {  	v16 =	vor.u32 s29, v5;
	v5 =	vld [tilespmem:$0x1FC00]  }
0x15e: {  	[tilespmem:v15+s22+$0x0] =	vst.idx.msk $0xffff, v1;
	v1 =	vld [tilespmem:$0x1FB00]  }
0x15f: {  	v2 =	vperm.xlane v3, v2;
	v3 =	vld [tilespmem:$0x1FBF0]  }
0x160: {  	v29 =	vld [tilespmem:$0x1FC40];
	v19 =	vsel vm0, v39, v40;
	v17 =	vor.u32 s29, v23;
	v0 =	vadd.f32 v0, v33  }
0x161: {  	v24 =	vmovc v28;
	v28 =	vld [tilespmem:$0x1FC30];
	v39 =	vsel vm0, v41, v39;
	v30 =	vsel vm0, v44, v43;
	v31 =	vsel vm0, v47, v45  }
0x162: {  	v13 =	vmov v58;
	v40 =	vsel vm0, v40, v42;
	v58 =	vcombine.low v31, v30;
	[tilespmem:v16+s22+$0x0] =	vst.idx.msk $0xffff, v0;
	v0 =	vld [tilespmem:$0x1FB20]  }
0x163: {  	v27 =	vld [tilespmem:$0x1FC20];
	v18 =	vor.u32 s29, v14;
	v16 =	vsel vm0, v26, v5;
	v1 =	vadd.f32 v1, v34  }
0x164: {  	v38 =	vld [tilespmem:$0x1FC50];
	[tilespmem:$0x1F8A0] =	vst v58;
	v15 =	vsel vm0, v3, v7;
	v32 =	vsel vm0, v5, v3;
	v5 =	vcombine.low v40, v39  }
0x165: {  	v33 =	vsel vm0, v7, v26;
	v34 =	vcombine.low v16, v15;
	[tilespmem:v17+s22+$0x0] =	vst.idx.msk $0xffff, v1  }
0x166: {  	v37 =	vsel vm0, v29, v28;
	v20 =	vsel vm0, v42, v41;
	v3 =	vcombine.low v33, v32;
	[tilespmem:$0x1F8D0] =	vst v5  }
0x167: {  	v50 =	vmovc v55;
	v45 =	vsel vm0, v45, v44;
	v0 =	vadd.f32 v0, v35;
	v1 =	vor.u32 s29, v55;
	[tilespmem:$0x1F870] =	vst v34  }
0x168: {  	v47 =	vsel vm0, v43, v47;
	v17 =	vsel vm0, v28, v27;
	v55 =	vcombine.low v20, v19;
	[tilespmem:$0x1F8B0] =	vst v3  }
0x169: {  	v49 =	vlaneseq.u32;
	[tilespmem:v18+s22+$0x0] =	vst.idx.msk $0xffff, v0;
	v0 =	vadd.f32 v2, v36;
	v18 =	vsel vm0, v38, v29  }
0x16a: {  	v2 =	vor.u32 $0x10, v49;
	[tilespmem:$0x1F890] =	vst v55;
	v38 =	vsel vm0, v27, v38;
	v35 =	vcombine.low v18, v17  }
0x16b: {  	v36 =	vor.u32 v3, v21;
	[tilespmem:$0x1F860] =	vst v2;
	v2 =	vor.u32 v2, v21;
	v3 =	vcombine.low v38, v37  }
0x16c: {  	[tilespmem:v1+s22+$0x0] =	vst.idx.msk $0xffff, v0;
	v0 =	vor.u32 v34, v21;
	v1 =	vor.u32 v35, v21  }
0x16d: {  	v34 =	vor.u32 v55, v21;
	[tilespmem:$0x1F8C0] =	vst v3;
	v55 =	vor.u32 v3, v21;
	v3 =	vcombine.low v47, v45  }
0x16e: {  	[tilespmem:$0x1F880] =	vst v35;
	v35 =	vor.u32 v58, v21;
	v58 =	vor.u32 v5, v21;
	v5 =	vcombine.low v15, v16  }
0x16f: {  	[tilespmem:$0x1F8E0] =	vst v3;
	v16 =	vor.u32 v3, v21;
	v3 =	vcombine.low v17, v18  }
0x170: {  	[tilespmem:$0x1F8F0] =	vst v5;
	v18 =	vor.u32 v5, v21;
	v5 =	vcombine.low v19, v20;
	v19 =	vld.idx.msk [tilespmem:v36+s20+$0x0], $0xffff  }
0x171: {  	v2 =	vld.idx.msk [tilespmem:v2+s20+$0x0], $0xffff  }
0x172: {  	v0 =	vld.idx.msk [tilespmem:v0+s20+$0x0], $0xffff  }
0x173: {  	v1 =	vld.idx.msk [tilespmem:v1+s20+$0x0], $0xffff  }
0x174: {  	v15 =	vld.idx.msk [tilespmem:v34+s20+$0x0], $0xffff  }
0x175: {  	[tilespmem:$0x1F900] =	vst v3;
	v20 =	vor.u32 v3, v21;
	v3 =	vcombine.low v30, v31;
	v17 =	vld.idx.msk [tilespmem:v35+s20+$0x0], $0xffff  }
0x176: {  	[tilespmem:$0x1F910] =	vst v5;
	v31 =	vor.u32 v5, v21;
	v5 =	vcombine.low v32, v33;
	v30 =	vld.idx.msk [tilespmem:v55+s20+$0x0], $0xffff  }
0x177: {  	v32 =	vld.idx.msk [tilespmem:v58+s20+$0x0], $0xffff  }
0x178: {  	v42 =	vor.u32 v3, v21;
	[tilespmem:$0x1F930] =	vst v5;
	v43 =	vor.u32 v5, v21;
	v5 =	vcombine.low v39, v40  }
0x179: {  	[tilespmem:$0x1F920] =	vst v3;
	v3 =	vcombine.low v37, v38;
	v16 =	vld.idx.msk [tilespmem:v16+s20+$0x0], $0xffff  }
0x17a: {  	s30 =	sadd.s32 $0x800, s29;
	v18 =	vld.idx.msk [tilespmem:v18+s20+$0x0], $0xffff;
	v45 =	vor.u32 v5, v21  }
0x17b: {  	v37 =	vor.u32 s30, v9;
	v44 =	vor.u32 v3, v21;
	v20 =	vld.idx.msk [tilespmem:v20+s20+$0x0], $0xffff  }
0x17c: {  	v47 =	vperm.xlane v46, v49;
	v58 =	vperm.xlane v46, v8;
	v39 =	vor.u32 s30, v48;
	v31 =	vld.idx.msk [tilespmem:v31+s20+$0x0], $0xffff  }
0x17d: {  	v49 =	vperm.xlane v46, v10;
	v33 =	vld.idx.msk [tilespmem:v42+s20+$0x0], $0xffff  }
0x17e: {  	v41 =	vor.u32 s30, v57;
	v2 =	vadd.f32 v47, v2;
	v34 =	vld.idx.msk [tilespmem:v43+s20+$0x0], $0xffff  }
0x17f: {  	v47 =	vor.u32 s30, v25;
	v0 =	vadd.f32 v49, v0;
	v36 =	vld.idx.msk [tilespmem:v45+s20+$0x0], $0xffff;
	v45 =	vperm.xlane v46, v63  }
0x180: {  	v1 =	vadd.f32 v58, v1;
	v58 =	vmov v52;
	v42 =	vor.u32 s30, v11;
	v35 =	vld.idx.msk [tilespmem:v44+s20+$0x0], $0xffff;
	[tilespmem:v37+s22+$0x0] =	vst.idx.msk $0xffff, v2  }
0x181: {  	[tilespmem:v39+s22+$0x0] =	vst.idx.msk $0xffff, v0;
	v0 =	vadd.f32 v45, v15;
	v15 =	vperm.xlane v46, v52;
	v52 =	vor.u32 s30, v24;
	v24 =	vld [tilespmem:$0x1FBA0]  }
0x182: {  	v49 =	vor.u32 s30, v56;
	v2 =	vperm.xlane v46, v60  }
0x183: {  	[tilespmem:$0x1F950] =	vst v5;
	v5 =	vld [tilespmem:$0x1FF20]  }
0x184: {  	v11 =	vld [tilespmem:$0x1FB90];
	[tilespmem:v41+s22+$0x0] =	vst.idx.msk $0xffff, v1;
	v1 =	vadd.f32 v2, v17;
	v2 =	vperm.xlane v46, v51  }
0x185: {  	[tilespmem:v42+s22+$0x0] =	vst.idx.msk $0xffff, v0;
	v0 =	vadd.f32 v15, v19  }
0x186: {  	[tilespmem:v47+s22+$0x0] =	vst.idx.msk $0xffff, v1;
	v1 =	vadd.f32 v2, v30;
	v2 =	vperm.xlane v46, v24  }
0x187: {  	v55 =	vmov v8;
	v8 =	vld [tilespmem:$0x1FBB0];
	[tilespmem:v49+s22+$0x0] =	vst.idx.msk $0xffff, v0  }
0x188: {  	v17 =	vor.u32 s30, v12;
	[tilespmem:v52+s22+$0x0] =	vst.idx.msk $0xffff, v1;
	v1 =	vadd.f32 v2, v16;
	v16 =	vor.u32 s30, v5;
	v5 =	vld [tilespmem:$0x1FF30]  }
0x189: {  	v26 =	vld [tilespmem:$0x1FD20];
	v15 =	vperm.xlane v46, v11;
	v19 =	vor.u32 s30, v13  }
0x18a: {  	v28 =	vld [tilespmem:$0x1FD40];
	v30 =	vor.u32 s30, v6  }
0x18b: {  	v54 =	vor.u32 s30, v54;
	v13 =	vld [tilespmem:$0x1FFC0];
	v0 =	vadd.f32 v15, v32;
	v15 =	vperm.xlane v46, v22  }
0x18c: {  	v27 =	vld [tilespmem:$0x1FD30];
	v2 =	vperm.xlane v46, v59  }
0x18d: {  	v29 =	vld [tilespmem:$0x1FD50];
	[tilespmem:v17+s22+$0x0] =	vst.idx.msk $0xffff, v0;
	v0 =	vadd.f32 v15, v18;
	v15 =	vperm.xlane v46, v8;
	v17 =	vor.u32 s30, v5  }
0x18e: {  	v32 =	vld [tilespmem:$0x1FD80];
	[tilespmem:v19+s22+$0x0] =	vst.idx.msk $0xffff, v1;
	v1 =	vadd.f32 v2, v20;
	v2 =	vperm.xlane v46, v62  }
0x18f: {  	v18 =	vor.u32 s30, v23;
	v23 =	vld [tilespmem:$0x1FD10];
	[tilespmem:v30+s22+$0x0] =	vst.idx.msk $0xffff, v0;
	v0 =	vadd.f32 v15, v31  }
0x190: {  	v59 =	vld [tilespmem:$0x1FD90];
	[tilespmem:v54+s22+$0x0] =	vst.idx.msk $0xffff, v1;
	v1 =	vadd.f32 v2, v33;
	v2 =	vperm.xlane v46, v13  }
0x191: {  	v19 =	vor.u32 s30, v14;
	v14 =	vld [tilespmem:$0x1FD00];
	[tilespmem:v16+s22+$0x0] =	vst.idx.msk $0xffff, v0  }
0x192: {  	[tilespmem:v17+s22+$0x0] =	vst.idx.msk $0xffff, v1;
	v1 =	vadd.f32 v2, v35;
	v2 =	vld [tilespmem:$0x1FED0]  }
0x193: {  	v15 =	vperm.xlane v46, v61;
	v31 =	vld [tilespmem:$0x1FD70]  }
0x194: {  	v30 =	vld [tilespmem:$0x1FD60]  }
0x195: {  	v0 =	vadd.f32 v15, v34;
	v5 =	vld [tilespmem:$0x1FCF0]  }
0x196: {  	[tilespmem:$0x1F940] =	vst v3;
	v47 =	vsel vm0, v28, v27;
	v52 =	vld [tilespmem:$0x1FDD0]  }
0x197: {  	v3 =	vlaneseq.u32;
	v20 =	vsel vm0, v59, v32;
	v34 =	vld [tilespmem:$0x1FDA0];
	[tilespmem:v18+s22+$0x0] =	vst.idx.msk $0xffff, v0;
	v2 =	vperm.xlane v46, v2  }
0x198: {  	v16 =	vsel vm0, v23, v14;
	v49 =	vsel vm0, v32, v31;
	v35 =	vld [tilespmem:$0x1FDB0];
	[tilespmem:v19+s22+$0x0] =	vst.idx.msk $0xffff, v1;
	v1 =	vor.u32 s30, v50  }
0x199: {  	v59 =	vsel vm0, v30, v59;
	v0 =	vadd.f32 v2, v36;
	v2 =	vor.u32 $0x20, v3;
	v3 =	vld [tilespmem:$0x1FCE0]  }
0x19a: {  	v17 =	vsel vm0, v27, v26;
	v43 =	vsel vm0, v14, v5;
	v18 =	vsel vm0, v29, v28;
	v36 =	vld [tilespmem:$0x1FDC0]  }
0x19b: {  	v14 =	vmovc v48;
	v48 =	vsel vm0, v26, v29;
	v22 =	vcombine.low v18, v17;
	v19 =	vsel vm0, v31, v30  }
0x19c: {  	v38 =	vsel vm0, v34, v52;
	v25 =	vcombine.low v20, v19;
	[tilespmem:$0x1F960] =	vst v2;
	v2 =	vor.u32 v2, v21  }
0x19d: {  	v26 =	vcombine.low v49, v59;
	[tilespmem:v1+s22+$0x0] =	vst.idx.msk $0xffff, v0;
	v1 =	vor.u32 v22, v21  }
0x19e: {  	v29 =	vcombine.low v47, v48;
	v41 =	vsel vm0, v35, v34;
	v39 =	vor.u32 v25, v21  }
0x19f: {  	v7 =	vmovc v9;
	v15 =	vsel vm0, v5, v3;
	v42 =	vsel vm0, v52, v36;
	v44 =	vsel vm0, v3, v23  }
0x1a0: {  	v9 =	vmovc v10;
	v5 =	vcombine.low v59, v49;
	v33 =	vsel vm0, v36, v35;
	v10 =	vcombine.low v16, v15  }
0x1a1: {  	v49 =	vor.u32 v26, v21;
	v54 =	vcombine.low v42, v41;
	v3 =	vcombine.low v44, v43;
	v2 =	vld.idx.msk [tilespmem:v2+s20+$0x0], $0xffff  }
0x1a2: {  	v1 =	vld.idx.msk [tilespmem:v1+s20+$0x0], $0xffff;
	[tilespmem:$0x1F9D0] =	vst v5;
	v36 =	vor.u32 v5, v21;
	v5 =	vcombine.low v17, v18  }
0x1a3: {  	v27 =	vld [tilespmem:$0x1FED0];
	v0 =	vor.u32 v10, v21;
	[tilespmem:$0x1F9B0] =	vst v3;
	v45 =	vor.u32 v3, v21;
	v3 =	vcombine.low v48, v47  }
0x1a4: {  	[tilespmem:$0x1F970] =	vst v10;
	v40 =	vor.u32 v54, v21;
	v10 =	vcombine.low v38, v33;
	v33 =	vcombine.low v43, v44;
	v44 =	vld [tilespmem:$0x1FFF0]  }
0x1a5: {  	[tilespmem:$0x1F9C0] =	vst v3;
	v35 =	vor.u32 v3, v21;
	v3 =	vcombine.low v15, v16;
	v15 =	vld.idx.msk [tilespmem:v39+s20+$0x0], $0xffff  }
0x1a6: {  	v48 =	vor.u32 v29, v21;
	[tilespmem:$0x1FA00] =	vst v5;
	v49 =	vld.idx.msk [tilespmem:v49+s20+$0x0], $0xffff  }
0x1a7: {  	[tilespmem:$0x1F9F0] =	vst v3;
	v18 =	vor.u32 v3, v21;
	v38 =	vld.idx.msk [tilespmem:v36+s20+$0x0], $0xffff  }
0x1a8: {  	v3 =	vcombine.low v19, v20;
	v20 =	vor.u32 v5, v21;
	v5 =	vcombine.low v41, v42;
	v0 =	vld.idx.msk [tilespmem:v0+s20+$0x0], $0xffff  }
0x1a9: {  	v42 =	vor.u32 v33, v21;
	v17 =	vld.idx.msk [tilespmem:v40+s20+$0x0], $0xffff  }
0x1aa: {  	v19 =	vld.idx.msk [tilespmem:v45+s20+$0x0], $0xffff;
	v41 =	vor.u32 v5, v21  }
0x1ab: {  	v48 =	vld.idx.msk [tilespmem:v48+s20+$0x0], $0xffff  }
0x1ac: {  	v45 =	vld [tilespmem:$0x1FFE0]  }
0x1ad: {  	v56 =	vmov v51;
	v16 =	vor.u32 v10, v21;
	v51 =	vld.idx.msk [tilespmem:v35+s20+$0x0], $0xffff  }
0x1ae: {  	v47 =	vld.idx.msk [tilespmem:v42+s20+$0x0], $0xffff  }
0x1af: {  	v52 =	vld.idx.msk [tilespmem:v41+s20+$0x0], $0xffff  }
0x1b0: {  	s31 =	sadd.s32 $0x1000, s29;
	v37 =	vor.u32 v3, v21;
	v41 =	vld [tilespmem:$0x1FBD0]  }
0x1b1: {  	v34 =	vor.u32 s31, v7;
	[tilespmem:$0x1F9E0] =	vst v10;
	v10 =	vlaneseq.u32;
	v42 =	vld [tilespmem:$0x1FBE0]  }
0x1b2: {  	[tilespmem:$0x1F980] =	vst v22;
	v22 =	vperm.xlane v53, v10;
	v16 =	vld.idx.msk [tilespmem:v16+s20+$0x0], $0xffff  }
0x1b3: {  	v23 =	vor.u32 s31, v14;
	[tilespmem:$0x1FA20] =	vst v5;
	v5 =	vperm.xlane v53, v9;
	v18 =	vld.idx.msk [tilespmem:v18+s20+$0x0], $0xffff  }
0x1b4: {  	v30 =	vmov v6;
	v6 =	vor.u32 s31, v57;
	v2 =	vadd.f32 v22, v2;
	v20 =	vld.idx.msk [tilespmem:v20+s20+$0x0], $0xffff  }
0x1b5: {  	v22 =	vperm.xlane v53, v55;
	v0 =	vadd.f32 v5, v0;
	v59 =	vld.idx.msk [tilespmem:v37+s20+$0x0], $0xffff;
	v35 =	vor.u32 s31, v41  }
0x1b6: {  	v5 =	vperm.xlane v53, v63;
	[tilespmem:v34+s22+$0x0] =	vst.idx.msk $0xffff, v2;
	v2 =	vperm.xlane v53, v60;
	v60 =	vld [tilespmem:$0x1FFD0];
	v7 =	vor.u32 s31, v42  }
0x1b7: {  	[tilespmem:$0x1FA10] =	vst v3;
	v3 =	vld [tilespmem:$0x1FF70];
	v1 =	vadd.f32 v22, v1;
	v22 =	vor.u32 s31, v44  }
0x1b8: {  	v43 =	vld [tilespmem:$0x1FE40];
	[tilespmem:v23+s22+$0x0] =	vst.idx.msk $0xffff, v0;
	v0 =	vadd.f32 v5, v15;
	v5 =	vperm.xlane v53, v58;
	v15 =	vor.u32 s31, v45  }
0x1b9: {  	v39 =	vld [tilespmem:$0x1FE30];
	v40 =	vmov v57;
	[tilespmem:v6+s22+$0x0] =	vst.idx.msk $0xffff, v1;
	v1 =	vadd.f32 v2, v17;
	v2 =	vperm.xlane v53, v56  }
0x1ba: {  	v36 =	vld [tilespmem:$0x1FEF0];
	v6 =	vor.u32 s31, v12;
	[tilespmem:v35+s22+$0x0] =	vst.idx.msk $0xffff, v0;
	v0 =	vadd.f32 v5, v19;
	v5 =	vperm.xlane v53, v11  }
0x1bb: {  	v57 =	vld [tilespmem:$0x1FE60];
	v17 =	vor.u32 s31, v60;
	[tilespmem:v7+s22+$0x0] =	vst.idx.msk $0xffff, v1;
	v1 =	vadd.f32 v2, v51;
	v2 =	vperm.xlane v53, v24  }
0x1bc: {  	v7 =	vor.u32 s31, v30;
	[tilespmem:v22+s22+$0x0] =	vst.idx.msk $0xffff, v0;
	v0 =	vadd.f32 v5, v38;
	v5 =	vperm.xlane v53, v3;
	v3 =	vld [tilespmem:$0x1FFA0]  }
0x1bd: {  	[tilespmem:v15+s22+$0x0] =	vst.idx.msk $0xffff, v1;
	v1 =	vadd.f32 v2, v16;
	v2 =	vld [tilespmem:$0x1FF80]  }
0x1be: {  	v15 =	vld [tilespmem:$0x1FF20]  }
0x1bf: {  	[tilespmem:v6+s22+$0x0] =	vst.idx.msk $0xffff, v0;
	v0 =	vadd.f32 v5, v18;
	v6 =	vld [tilespmem:$0x1FF30]  }
0x1c0: {  	v16 =	vld [tilespmem:$0x1FF60];
	[tilespmem:v17+s22+$0x0] =	vst.idx.msk $0xffff, v1  }
0x1c1: {  	[tilespmem:v7+s22+$0x0] =	vst.idx.msk $0xffff, v0;
	v7 =	vld [tilespmem:$0x1FF40]  }
0x1c2: {  	v37 =	vld [tilespmem:$0x1FF00];
	v19 =	vor.u32 s31, v3  }
0x1c3: {  	v58 =	vld [tilespmem:$0x1FE70];
	v2 =	vperm.xlane v53, v2;
	v15 =	vor.u32 s31, v15  }
0x1c4: {  	v35 =	vld [tilespmem:$0x1FE20];
	v5 =	vperm.xlane v53, v8;
	v6 =	vor.u32 s31, v6  }
0x1c5: {  	v18 =	vld [tilespmem:$0x1FE00];
	v16 =	vor.u32 s31, v16;
	v1 =	vadd.f32 v2, v20;
	v2 =	vperm.xlane v53, v62  }
0x1c6: {  	v0 =	vadd.f32 v5, v59;
	v5 =	vperm.xlane v53, v61;
	v59 =	vld [tilespmem:$0x1FE80];
	v7 =	vor.u32 s31, v7  }
0x1c7: {  	v3 =	vld [tilespmem:$0x1FDE0];
	[tilespmem:v19+s22+$0x0] =	vst.idx.msk $0xffff, v1;
	v1 =	vadd.f32 v2, v52;
	v2 =	vperm.xlane v53, v13  }
0x1c8: {  	v62 =	vld [tilespmem:$0x1FE90];
	[tilespmem:v15+s22+$0x0] =	vst.idx.msk $0xffff, v0;
	v0 =	vadd.f32 v5, v47  }
0x1c9: {  	v13 =	vld [tilespmem:$0x1FEA0];
	[tilespmem:v6+s22+$0x0] =	vst.idx.msk $0xffff, v1;
	v1 =	vadd.f32 v2, v48  }
0x1ca: {  	v19 =	vld [tilespmem:$0x1FEB0];
	[tilespmem:v16+s22+$0x0] =	vst.idx.msk $0xffff, v0  }
0x1cb: {  	[tilespmem:v7+s22+$0x0] =	vst.idx.msk $0xffff, v1;
	v1 =	vld [tilespmem:$0x1FF50]  }
0x1cc: {  	v48 =	vld [tilespmem:$0x1FE50]  }
0x1cd: {  	v50 =	vsel vm0, v58, v57;
	v15 =	vld [tilespmem:$0x1FDF0];
	v2 =	vperm.xlane v53, v27  }
0x1ce: {  	[tilespmem:$0x1F9A0] =	vst v54;
	v63 =	vmovc v27;
	v22 =	vsel vm0, v39, v35;
	v20 =	vor.u32 $0x30, v10;
	v54 =	vsel vm0, v3, v37;
	v27 =	vld [tilespmem:$0x1FE10]  }
0x1cf: {  	v5 =	vsel vm0, v37, v36;
	v51 =	vsel vm0, v62, v59;
	v0 =	vadd.f32 v2, v49  }
0x1d0: {  	v2 =	vor.u32 v20, v21;
	v52 =	vsel vm0, v19, v13;
	v1 =	vor.u32 s31, v1  }
0x1d1: {  	v37 =	vsel vm0, v59, v19;
	v31 =	vcombine.low v52, v51;
	v23 =	vsel vm0, v48, v43  }
0x1d2: {  	v6 =	vsel vm0, v15, v3;
	v47 =	vcombine.low v50, v23;
	v50 =	vcombine.low v23, v50  }
0x1d3: {  	v55 =	vsel vm0, v36, v15;
	v17 =	vcombine.low v6, v5;
	v7 =	vsel vm0, v27, v18  }
0x1d4: {  	v36 =	vsel vm0, v18, v39;
	v16 =	vcombine.low v22, v7;
	v23 =	vor.u32 v50, v21  }
0x1d5: {  	v10 =	vsel vm0, v35, v27;
	[tilespmem:v1+s22+$0x0] =	vst.idx.msk $0xffff, v0;
	v0 =	vor.u32 v17, v21  }
0x1d6: {  	v52 =	vcombine.low v51, v52;
	v35 =	vcombine.low v36, v10;
	v1 =	vor.u32 v16, v21  }
0x1d7: {  	v19 =	vld [tilespmem:$0x1FB30];
	v11 =	vsel vm0, v57, v48;
	v57 =	vsel vm0, v43, v58;
	v49 =	vor.u32 v47, v21  }
0x1d8: {  	v43 =	vmov v12;
	v51 =	vcombine.low v54, v55;
	v39 =	vor.u32 v35, v21;
	v12 =	vld.idx.msk [tilespmem:v2+s20+$0x0], $0xffff  }
0x1d9: {  	v3 =	vcombine.low v10, v36;
	v23 =	vld.idx.msk [tilespmem:v23+s20+$0x0], $0xffff  }
0x1da: {  	v18 =	vcombine.low v57, v11;
	v36 =	vor.u32 v51, v21;
	v58 =	vld.idx.msk [tilespmem:v0+s20+$0x0], $0xffff  }
0x1db: {  	v27 =	vcombine.low v11, v57;
	v11 =	vor.u32 v3, v21;
	v2 =	vsel vm0, v13, v62;
	v13 =	vld.idx.msk [tilespmem:v1+s20+$0x0], $0xffff  }
0x1dc: {  	v1 =	vor.u32 v18, v21;
	v0 =	vcombine.low v5, v6;
	v5 =	vld.idx.msk [tilespmem:v49+s20+$0x0], $0xffff  }
0x1dd: {  	v49 =	vcombine.low v7, v22;
	v22 =	vld.idx.msk [tilespmem:v39+s20+$0x0], $0xffff  }
0x1de: {  	v32 =	vcombine.low v55, v54;
	v39 =	vperm.xlane v4, v19;
	v19 =	vld [tilespmem:$0x1FB40]  }
0x1df: {  	[tilespmem:$0x1F990] =	vst v25;
	v25 =	vmov v24;
	v24 =	vmov v8;
	v8 =	vor.u32 v31, v21;
	v56 =	vld.idx.msk [tilespmem:v36+s20+$0x0], $0xffff  }
0x1e0: {  	v9 =	vor.u32 v32, v21;
	v11 =	vld.idx.msk [tilespmem:v11+s20+$0x0], $0xffff;
	v48 =	vcombine.low v37, v2  }
0x1e1: {  	v62 =	vor.u32 v52, v21;
	v54 =	vld.idx.msk [tilespmem:v1+s20+$0x0], $0xffff  }
0x1e2: {  	v2 =	vor.u32 v48, v21;
	v1 =	vld [tilespmem:$0x1FEC0]  }
0x1e3: {  	v59 =	vperm.xlane v4, v19;
	v19 =	vld [tilespmem:$0x1FB50]  }
0x1e4: {  	v6 =	vld.idx.msk [tilespmem:v8+s20+$0x0], $0xffff;
	v7 =	vor.u32 v0, v21  }
0x1e5: {  	v8 =	vld.idx.msk [tilespmem:v9+s20+$0x0], $0xffff;
	v9 =	vor.u32 v49, v21  }
0x1e6: {  	s31 =	sadd.s32 $0x1800, s29;
	v55 =	vld.idx.msk [tilespmem:v62+s20+$0x0], $0xffff;
	v21 =	vor.u32 v27, v21  }
0x1e7: {  	v61 =	vlaneseq.u32;
	v10 =	vld.idx.msk [tilespmem:v2+s20+$0x0], $0xffff;
	v57 =	vor.u32 s31, v1  }
0x1e8: {  	v15 =	vmovc v60;
	v60 =	vor.u32 s31, v14;
	v37 =	vperm.xlane v4, v61;
	v61 =	vperm.xlane v4, v19;
	v19 =	vld [tilespmem:$0x1FB70]  }
0x1e9: {  	v62 =	vor.u32 s31, v40;
	v7 =	vld.idx.msk [tilespmem:v7+s20+$0x0], $0xffff  }
0x1ea: {  	v12 =	vadd.f32 v37, v12;
	v2 =	vmov v24;
	v24 =	vor.u32 s31, v41;
	v9 =	vld.idx.msk [tilespmem:v9+s20+$0x0], $0xffff  }
0x1eb: {  	v58 =	vadd.f32 v39, v58;
	v21 =	vld.idx.msk [tilespmem:v21+s20+$0x0], $0xffff  }
0x1ec: {  	[tilespmem:v57+s22+$0x0] =	vst.idx.msk $0xffff, v12;
	v12 =	vadd.f32 v59, v13;
	v13 =	vld [tilespmem:$0x1FB60]  }
0x1ed: {  	v5 =	vadd.f32 v61, v5;
	v36 =	vperm.xlane v4, v19;
	[tilespmem:v60+s22+$0x0] =	vst.idx.msk $0xffff, v58  }
0x1ee: {  	[tilespmem:v62+s22+$0x0] =	vst.idx.msk $0xffff, v12  }
0x1ef: {  	[tilespmem:v24+s22+$0x0] =	vst.idx.msk $0xffff, v5;
	v5 =	vadd.f32 v36, v8;
	v8 =	vld [tilespmem:$0x1FB90]  }
0x1f0: {  	v1 =	vmov v25;
	v25 =	vor.u32 s31, v42  }
0x1f1: {  	v57 =	vor.u32 s31, v44;
	v12 =	vld [tilespmem:$0x1FB80];
	v13 =	vperm.xlane v4, v13  }
0x1f2: {  	v39 =	vmov v14;
	v14 =	vld [tilespmem:$0x1FF70]  }
0x1f3: {  	v6 =	vadd.f32 v13, v6  }
0x1f4: {  	v8 =	vperm.xlane v4, v8  }
0x1f5: {  	v37 =	vor.u32 s31, v45;
	[tilespmem:v25+s22+$0x0] =	vst.idx.msk $0xffff, v6  }
0x1f6: {  	v12 =	vperm.xlane v4, v12;
	v13 =	vor.u32 s31, v43;
	[tilespmem:v57+s22+$0x0] =	vst.idx.msk $0xffff, v5;
	v5 =	vadd.f32 v8, v54;
	v54 =	vld [tilespmem:$0x1FFA0]  }
0x1f7: {  	v61 =	vmov v14;
	v24 =	vor.u32 s31, v15;
	v8 =	vperm.xlane v4, v14;
	v14 =	vld [tilespmem:$0x1FF80]  }
0x1f8: {  	v6 =	vadd.f32 v12, v22;
	v12 =	vperm.xlane v4, v1;
	v22 =	vor.u32 s31, v30  }
0x1f9: {  	v19 =	vld [tilespmem:$0x1FF90]  }
0x1fa: {  	[tilespmem:v37+s22+$0x0] =	vst.idx.msk $0xffff, v6;
	v6 =	vadd.f32 v12, v10  }
0x1fb: {  	v28 =	vld [tilespmem:$0x1FF20];
	[tilespmem:v13+s22+$0x0] =	vst.idx.msk $0xffff, v5;
	v5 =	vadd.f32 v8, v7;
	v25 =	vor.u32 s31, v54  }
0x1fc: {  	v34 =	vld [tilespmem:$0x1FF60];
	v7 =	vperm.xlane v4, v2;
	[tilespmem:v24+s22+$0x0] =	vst.idx.msk $0xffff, v6;
	v10 =	vperm.xlane v4, v14  }
0x1fd: {  	v38 =	vld [tilespmem:$0x1FF30];
	[tilespmem:v22+s22+$0x0] =	vst.idx.msk $0xffff, v5  }
0x1fe: {  	v5 =	vadd.f32 v7, v23;
	v7 =	vld [tilespmem:$0x1FFB0];
	v6 =	vadd.f32 v10, v9;
	v9 =	vperm.xlane v4, v19  }
0x1ff: {  	v59 =	vmov v14;
	v14 =	vld [tilespmem:$0x1FF40]  }
0x200: {  	[tilespmem:v25+s22+$0x0] =	vst.idx.msk $0xffff, v6;
	v6 =	vadd.f32 v9, v55;
	v9 =	vld [tilespmem:$0x1FFC0]  }
0x201: {  	v12 =	vor.u32 s31, v28;
	v55 =	vld [tilespmem:$0x1FF50]  }
0x202: {  	v8 =	vor.u32 s31, v38;
	_ =	sdelay $0x1  }
0x203: {  	v10 =	vor.u32 s31, v34;
	v7 =	vperm.xlane v4, v7  }
0x204: {  	v13 =	vor.u32 s31, v14;
	v9 =	vperm.xlane v4, v9  }
0x205: {  	p1 =	sne.s32 s29, $0x70;
	[tilespmem:v12+s22+$0x0] =	vst.idx.msk $0xffff, v5;
	v5 =	vadd.f32 v7, v56;
	v22 =	vor.u32 s31, v55  }
.Ltmp0:
0x206: {  	v7 =	vperm.xlane v4, v63;
	[tilespmem:v8+s22+$0x0] =	vst.idx.msk $0xffff, v6;
	v6 =	vadd.f32 v9, v11;
	(pc) =	sbr.rel @p1 .LBB2_3-.Ltmp0, $4  }
0x207: {  	_ = 	snop  }
0x208: {  	[tilespmem:v10+s22+$0x0] =	vst.idx.msk $0xffff, v5;
	v5 =	vadd.f32 v7, v21  }
0x209: {  	v58 =	vmovc v15;
	v62 =	vmov v19;
	v28 =	vmov v45;
	v24 =	vld [tilespmem:$0x1FF10];
	v23 =	vmov v34;
	[tilespmem:v13+s22+$0x0] =	vst.idx.msk $0xffff, v6  }
0x20a: {  	s29 =	sadd.s32 $0x10, s29;
	v19 =	vld [tilespmem:$0x1FEE0];
	v34 =	vmovc v63;
	v12 =	vmovc v43;
	v8 =	vmov v44;
	v7 =	vmov v40;
	[tilespmem:v22+s22+$0x0] =	vst.idx.msk $0xffff, v5;
	v6 =	vmov v30  }
0x20b: {  	[tilespmem:$0x1F7A0] =	vst v51;
	s29 =	sshll.u32 s26, $0x13  }
0x20c: {  	[tilespmem:$0x1F7B0] =	vst v50;
	s29 =	sor.u32 s7, s29  }
0x20d: {  	[tilespmem:$0x1F7C0] =	vst v49;
	s29 =	sshrl.u32 s29, $0x3  }
0x20e: {  	[tilespmem:$0x1F7D0] =	vst v0;
	s30 =	sadd.s32 s2, s29  }
0x20f: {  	[hbm4b:s30+s3] =	stream.linear.scatter [tilespmem:s22], [sflag:$0x3], $0x400, $0x38;
	[tilespmem:$0x11600] =	vst v63  }
0x210: {  	[tilespmem:$0x1F7E0] =	vst v48;
	s31 =	simm.s32 $0xA800;
	s30 =	sadd.s32 s29, s8  }
0x211: {  	[hbm4b:s30+s3] =	stream.linear.scatter [tilespmem:s31], [sflag:$0x3], $0x400, $0x38;
	[tilespmem:$0x11600] =	vst v63  }
0x212: {  	[tilespmem:$0x1F7F0] =	vst v18;
	s30 =	sadd.s32 s29, s9;
	s31 =	simm.s32 $0xAC00  }
0x213: {  	[hbm4b:s30+s3] =	stream.linear.scatter [tilespmem:s31], [sflag:$0x3], $0x400, $0x38;
	[tilespmem:$0x11600] =	vst v63  }
0x214: {  	[tilespmem:$0x1F800] =	vst v35;
	s30 =	sadd.s32 s29, s10;
	s31 =	simm.s32 $0xB000  }
0x215: {  	[hbm4b:s30+s3] =	stream.linear.scatter [tilespmem:s31], [sflag:$0x3], $0x400, $0x38;
	[tilespmem:$0x11600] =	vst v63  }
0x216: {  	[tilespmem:$0x1F810] =	vst v32;
	s30 =	sadd.s32 s29, s11;
	s31 =	simm.s32 $0xB400  }
0x217: {  	[hbm4b:s30+s3] =	stream.linear.scatter [tilespmem:s31], [sflag:$0x3], $0x400, $0x38;
	[tilespmem:$0x11600] =	vst v63  }
0x218: {  	[tilespmem:$0x1F820] =	vst v47;
	p1 =	sne.s32 s26, $0x63;
	s30 =	sadd.s32 s29, s12;
	s31 =	simm.s32 $0xB800  }
0x219: {  	[hbm4b:s30+s3] =	stream.linear.scatter [tilespmem:s31], [sflag:$0x3], $0x400, $0x38;
	[tilespmem:$0x11600] =	vst v63  }
.Ltmp1:
0x21a: {  	[tilespmem:$0x1F830] =	vst v26;
	(pc) =	sbr.rel @p1 .LBB2_6-.Ltmp1, $4  }
0x21b: {  	[tilespmem:$0x1F840] =	vst v29;
	s30 =	sadd.s32 s29, s13;
	s31 =	simm.s32 $0xBC00  }
0x21c: {  	[hbm4b:s30+s3] =	stream.linear.scatter [tilespmem:s31], [sflag:$0x3], $0x400, $0x38;
	[tilespmem:$0x11600] =	vst v63  }
0x21d: {  	[tilespmem:$0x1F850] =	vst v33;
	v47 =	vld [tilespmem:$0x1FFC0];
	s29 =	sadd.s32 s29, s14;
	s31 =	simm.s32 $0xC000  }
0x21e: {  	v51 =	vmov v52;
	v46 =	vld [tilespmem:$0x1FFB0];
	[hbm4b:s29+s3] =	stream.linear.scatter [tilespmem:s31], [sflag:$0x3], $0x400, $0x38  }
.Ltmp2:
0x21f: {  	(pc) =	sbr.rel .LBB2_7-.Ltmp2, $4  }
0x220: {  	_ = 	snop  }
0x221: {  	_ =	swait.ge [sflag:s1], $0x2000  }
0x222: {  	[sflag:s1] =	ssyncset.done $0x0  }
0x223: {  	v60 =	vmov v3;
	[sflag:s1] =	ssyncadd.s32 $0xFFFFE000  }
.LBB2_6:
0x224: {  	s29 =	sshll.u32 s26, $0x8  }
0x225: {  	s29 =	sand.u32 $0x3FFFFF00, s29  }
.Ltmp3:
0x226: {  	s29 =	sadd.s32 $0x100, s29;
	(pc) =	sbr.rel @p0 .LBB2_8-.Ltmp3, $4  }
0x227: {  	[tilespmem:s20], [sflag:$0x1] =	stream.indirect.gather [hbm4b:s4+s16], $0x40, s29, s16, $0xb8;
	[tilespmem:$0x11600] =	vst v63  }
0x228: {  	_ =	swait.ge [sflag:s1], $0x2000  }
0x229: {  	[sflag:s1] =	ssyncset.done $0x0  }
0x22a: {  	v60 =	vmov v3;
	[sflag:s1] =	ssyncadd.s32 $0xFFFFE000  }
.LBB2_7:
0x22b: {  	_ =	swait.ge [sflag:s0], $0x400  }
0x22c: {  	[sflag:s0] =	ssyncset.done $0x0  }
0x22d: {  	[sflag:s0] =	ssyncadd.s32 $0xFFFFFC00  }
0x22e: {  	_ =	swait.ge [sflag:s0], $0x400  }
0x22f: {  	[sflag:s0] =	ssyncset.done $0x0  }
0x230: {  	[sflag:s0] =	ssyncadd.s32 $0xFFFFFC00  }
0x231: {  	_ =	swait.ge [sflag:s0], $0x400  }
0x232: {  	[sflag:s0] =	ssyncset.done $0x0  }
0x233: {  	[sflag:s0] =	ssyncadd.s32 $0xFFFFFC00  }
0x234: {  	_ =	swait.ge [sflag:s0], $0x400  }
0x235: {  	[sflag:s0] =	ssyncset.done $0x0  }
0x236: {  	[sflag:s0] =	ssyncadd.s32 $0xFFFFFC00  }
0x237: {  	_ =	swait.ge [sflag:s0], $0x400  }
0x238: {  	[sflag:s0] =	ssyncset.done $0x0  }
0x239: {  	[sflag:s0] =	ssyncadd.s32 $0xFFFFFC00  }
0x23a: {  	_ =	swait.ge [sflag:s0], $0x400  }
0x23b: {  	[sflag:s0] =	ssyncset.done $0x0  }
0x23c: {  	[sflag:s0] =	ssyncadd.s32 $0xFFFFFC00  }
0x23d: {  	_ =	swait.ge [sflag:s0], $0x400  }
0x23e: {  	[sflag:s0] =	ssyncset.done $0x0  }
0x23f: {  	[sflag:s0] =	ssyncadd.s32 $0xFFFFFC00  }
0x240: {  	_ =	swait.ge [sflag:s0], $0x400  }
0x241: {  	[sflag:s0] =	ssyncset.done $0x0  }
0x242: {  	[sflag:s0] =	ssyncadd.s32 $0xFFFFFC00  }
.LBB2_8:
0x243: {  	v49 =	vld [tilespmem:$0x1FFA0]  }
0x244: {  	v18 =	vld [tilespmem:$0x1FF20]  }
0x245: {  	v35 =	vld [tilespmem:$0x1FF30]  }
0x246: {  	v19 =	vld [tilespmem:$0x1FF60]  }
0x247: {  	v48 =	vld [tilespmem:$0x1FEC0]  }
0x248: {  	[tilespmem:$0x1F760] =	vst v20;
	v20 =	vld [tilespmem:$0x1F7F0]  }
0x249: {  	[tilespmem:$0x1F770] =	vst v17;
	v17 =	vld [tilespmem:$0x1F7E0]  }
0x24a: {  	[tilespmem:$0x1F780] =	vst v16;
	v16 =	vld [tilespmem:$0x1F7D0]  }
0x24b: {  	v33 =	vld [tilespmem:$0x1F7C0]  }
0x24c: {  	s29 =	sshll.u32 s28, $0x6;
	[tilespmem:$0x1F790] =	vst v31;
	v31 =	vld [tilespmem:$0x1F7B0]  }
0x24d: {  	v52 =	vld [tilespmem:$0x1F7A0];
	s29 =	sand.u32 $0x3FFFFFC0, s29  }
0x24e: {  	v3 =	vld [tilespmem:s29+$0xE400]  }
0x24f: {  	v4 =	vld [tilespmem:s29+$0xE410]  }
0x250: {  	v21 =	vld [tilespmem:s29+$0xE420]  }
0x251: {  	v32 =	vmov v30;
	v50 =	vmov v27;
	v36 =	vmov v60;
	v53 =	vld [tilespmem:s29+$0xE430];
	s29 =	simm.s32 $0x0  }
.LBB2_9:
0x252: {  	v38 =	vld [tilespmem:$0x1FB30]  }
0x253: {  	v27 =	vld [tilespmem:$0x1FB40]  }
0x254: {  	v5 =	vmov s29;
	v28 =	vld [tilespmem:$0x1FB50]  }
0x255: {  	v14 =	vld [tilespmem:$0x1FB60];
	v5 =	vshll.u32 v5, $0x6  }
0x256: {  	v37 =	vlaneseq.u32;
	v0 =	vld [tilespmem:$0x1FB90];
	v54 =	vor.u32 v24, v5  }
0x257: {  	v29 =	vld [tilespmem:$0x1FB70];
	v5 =	vor.u32 v37, v54  }
0x258: {  	v6 =	vor.u32 v38, v54  }
0x259: {  	v63 =	vld [tilespmem:$0x1FB80];
	v7 =	vor.u32 v27, v54  }
0x25a: {  	v8 =	vor.u32 v28, v54  }
0x25b: {  	v9 =	vor.u32 v14, v54;
	v12 =	vor.u32 v0, v54;
	v0 =	vld [tilespmem:$0x1FBA0]  }
0x25c: {  	v10 =	vor.u32 v29, v54;
	v5 =	vld.idx.msk [tilespmem:v5+s21+$0x0], $0xffff  }
0x25d: {  	v6 =	vld.idx.msk [tilespmem:v6+s21+$0x0], $0xffff  }
0x25e: {  	v11 =	vor.u32 v63, v54;
	v7 =	vld.idx.msk [tilespmem:v7+s21+$0x0], $0xffff  }
0x25f: {  	v8 =	vld.idx.msk [tilespmem:v8+s21+$0x0], $0xffff  }
0x260: {  	v22 =	vor.u32 v61, v54;
	v9 =	vld.idx.msk [tilespmem:v9+s21+$0x0], $0xffff  }
0x261: {  	v23 =	vor.u32 v59, v54;
	v10 =	vld.idx.msk [tilespmem:v10+s21+$0x0], $0xffff  }
0x262: {  	v25 =	vor.u32 v62, v54;
	v13 =	vor.u32 v0, v54;
	v0 =	vld [tilespmem:$0x1FBB0]  }
0x263: {  	v55 =	vor.u32 v46, v54;
	v11 =	vld.idx.msk [tilespmem:v11+s21+$0x0], $0xffff  }
0x264: {  	v56 =	vor.u32 v47, v54;
	v12 =	vld.idx.msk [tilespmem:v12+s21+$0x0], $0xffff  }
0x265: {  	v57 =	vor.u32 v34, v54;
	v22 =	vld.idx.msk [tilespmem:v22+s21+$0x0], $0xffff  }
0x266: {  	v23 =	vld.idx.msk [tilespmem:v23+s21+$0x0], $0xffff  }
0x267: {  	v25 =	vld.idx.msk [tilespmem:v25+s21+$0x0], $0xffff;
	v24 =	vor.u32 v0, v54  }
0x268: {  	v58 =	vor.u32 s29, v48;
	v55 =	vld.idx.msk [tilespmem:v55+s21+$0x0], $0xffff  }
0x269: {  	v60 =	vor.u32 s29, v39;
	v59 =	vperm.xlane v3, v37;
	v56 =	vld.idx.msk [tilespmem:v56+s21+$0x0], $0xffff  }
0x26a: {  	v34 =	vperm.xlane v3, v38;
	v62 =	vor.u32 s29, v40;
	v57 =	vld.idx.msk [tilespmem:v57+s21+$0x0], $0xffff  }
0x26b: {  	v26 =	vor.u32 s29, v41;
	v13 =	vld.idx.msk [tilespmem:v13+s21+$0x0], $0xffff;
	v5 =	vadd.f32 v59, v5;
	v59 =	vperm.xlane v3, v27  }
0x26c: {  	v30 =	vmovc v27;
	v6 =	vadd.f32 v34, v6;
	v34 =	vperm.xlane v3, v28;
	v27 =	vor.u32 s29, v42;
	v24 =	vld.idx.msk [tilespmem:v24+s21+$0x0], $0xffff  }
0x26d: {  	[tilespmem:v58+s17+$0x0] =	vst.idx.msk $0xffff, v5;
	v5 =	vadd.f32 v59, v7;
	v7 =	vperm.xlane v3, v14;
	v58 =	vor.u32 s29, v44  }
0x26e: {  	v0 =	vld [tilespmem:$0x1FF80];
	v59 =	vor.u32 s29, v45;
	[tilespmem:v60+s17+$0x0] =	vst.idx.msk $0xffff, v6;
	v6 =	vadd.f32 v34, v8;
	v34 =	vperm.xlane v3, v29  }
0x26f: {  	[tilespmem:v62+s17+$0x0] =	vst.idx.msk $0xffff, v5;
	v5 =	vadd.f32 v7, v9;
	v7 =	vperm.xlane v3, v63  }
0x270: {  	v61 =	vld [tilespmem:$0x1FB90];
	[tilespmem:v26+s17+$0x0] =	vst.idx.msk $0xffff, v6;
	v6 =	vadd.f32 v34, v10  }
0x271: {  	[tilespmem:v27+s17+$0x0] =	vst.idx.msk $0xffff, v5;
	v5 =	vadd.f32 v7, v11;
	v7 =	vperm.xlane v3, v1  }
0x272: {  	[tilespmem:v58+s17+$0x0] =	vst.idx.msk $0xffff, v6;
	v58 =	vld [tilespmem:$0x1FF70]  }
0x273: {  	[tilespmem:v59+s17+$0x0] =	vst.idx.msk $0xffff, v5;
	v5 =	vadd.f32 v7, v13;
	v7 =	vperm.xlane v3, v0;
	v0 =	vld [tilespmem:$0x1FF90]  }
0x274: {  	v60 =	vor.u32 s29, v43  }
0x275: {  	v8 =	vperm.xlane v3, v61;
	v62 =	vor.u32 s29, v15  }
0x276: {  	v34 =	vor.u32 s29, v32  }
0x277: {  	v6 =	vadd.f32 v8, v12;
	v12 =	vor.u32 s29, v49;
	v8 =	vperm.xlane v3, v58  }
0x278: {  	v13 =	vor.u32 s29, v18;
	v61 =	vperm.xlane v3, v0;
	v0 =	vld [tilespmem:$0x1F860]  }
0x279: {  	[tilespmem:v60+s17+$0x0] =	vst.idx.msk $0xffff, v6;
	v60 =	vperm.xlane v3, v2;
	v6 =	vadd.f32 v8, v22  }
0x27a: {  	[tilespmem:v62+s17+$0x0] =	vst.idx.msk $0xffff, v5;
	v5 =	vadd.f32 v7, v23  }
0x27b: {  	[tilespmem:v34+s17+$0x0] =	vst.idx.msk $0xffff, v6;
	v6 =	vadd.f32 v60, v24  }
0x27c: {  	[tilespmem:v12+s17+$0x0] =	vst.idx.msk $0xffff, v5  }
0x27d: {  	v7 =	vor.u32 s29, v35;
	[tilespmem:v13+s17+$0x0] =	vst.idx.msk $0xffff, v6;
	v13 =	vor.u32 v0, v54;
	v0 =	vld [tilespmem:$0x1F870];
	_ =	sdelay $0x2  }
0x27e: {  	v6 =	vadd.f32 v61, v25  }
0x27f: {  	v34 =	vld [tilespmem:$0x1FF40]  }
0x280: {  	[tilespmem:v7+s17+$0x0] =	vst.idx.msk $0xffff, v6;
	v7 =	vor.u32 v0, v54;
	v0 =	vld [tilespmem:$0x1F880];
	_ =	sdelay $0x3  }
0x281: {  	v59 =	vld [tilespmem:$0x1FF50];
	v62 =	vor.u32 s29, v19  }
0x282: {  	v5 =	vperm.xlane v3, v46;
	v10 =	vor.u32 s29, v34;
	v60 =	vor.u32 v0, v54;
	v0 =	vld [tilespmem:$0x1F890]  }
0x283: {  	v58 =	vperm.xlane v3, v47;
	v12 =	vld [tilespmem:$0x1FED0]  }
0x284: {  	v5 =	vadd.f32 v5, v55  }
0x285: {  	v6 =	vadd.f32 v58, v56  }
0x286: {  	[tilespmem:v62+s17+$0x0] =	vst.idx.msk $0xffff, v5  }
0x287: {  	v11 =	vor.u32 s29, v59;
	[tilespmem:v10+s17+$0x0] =	vst.idx.msk $0xffff, v6;
	v6 =	vor.u32 v0, v54;
	v0 =	vld [tilespmem:$0x1F8A0]  }
0x288: {  	v12 =	vperm.xlane v3, v12;
	_ =	sdelay $0x1  }
0x289: {  	v5 =	vadd.f32 v12, v57;
	_ =	sdelay $0x1  }
0x28a: {  	[tilespmem:v11+s17+$0x0] =	vst.idx.msk $0xffff, v5;
	v5 =	vor.u32 v0, v54;
	v0 =	vld [tilespmem:$0x1F8B0];
	_ =	sdelay $0x4  }
0x28b: {  	v61 =	vor.u32 v0, v54;
	v0 =	vld [tilespmem:$0x1F8C0];
	_ =	sdelay $0x4  }
0x28c: {  	v62 =	vor.u32 v0, v54;
	v0 =	vld [tilespmem:$0x1F8D0];
	_ =	sdelay $0x4  }
0x28d: {  	v12 =	vor.u32 v0, v54;
	v0 =	vld [tilespmem:$0x1F8E0];
	_ =	sdelay $0x3  }
0x28e: {  	v9 =	vld.idx.msk [tilespmem:v13+s21+$0x0], $0xffff  }
0x28f: {  	v13 =	vor.u32 v0, v54;
	v0 =	vld [tilespmem:$0x1F8F0];
	_ =	sdelay $0x4  }
0x290: {  	v22 =	vor.u32 v0, v54;
	v0 =	vld [tilespmem:$0x1F900];
	_ =	sdelay $0x4  }
0x291: {  	v23 =	vor.u32 v0, v54;
	v0 =	vld [tilespmem:$0x1F910];
	_ =	sdelay $0x4  }
0x292: {  	v24 =	vor.u32 v0, v54;
	v0 =	vld [tilespmem:$0x1F920];
	_ =	sdelay $0x4  }
0x293: {  	v25 =	vor.u32 v0, v54;
	v0 =	vld [tilespmem:$0x1F930];
	_ =	sdelay $0x3  }
0x294: {  	v7 =	vld.idx.msk [tilespmem:v7+s21+$0x0], $0xffff  }
0x295: {  	v26 =	vor.u32 v0, v54;
	v0 =	vld [tilespmem:$0x1F940]  }
0x296: {  	v8 =	vld.idx.msk [tilespmem:v60+s21+$0x0], $0xffff  }
0x297: {  	v6 =	vld.idx.msk [tilespmem:v6+s21+$0x0], $0xffff  }
0x298: {  	v5 =	vld.idx.msk [tilespmem:v5+s21+$0x0], $0xffff  }
0x299: {  	v10 =	vld.idx.msk [tilespmem:v61+s21+$0x0], $0xffff  }
0x29a: {  	v27 =	vor.u32 v0, v54;
	v0 =	vld [tilespmem:$0x1F950]  }
0x29b: {  	v11 =	vld.idx.msk [tilespmem:v62+s21+$0x0], $0xffff  }
0x29c: {  	v12 =	vld.idx.msk [tilespmem:v12+s21+$0x0], $0xffff  }
0x29d: {  	v13 =	vld.idx.msk [tilespmem:v13+s21+$0x0], $0xffff  }
0x29e: {  	s30 =	sadd.s32 $0x800, s29;
	v22 =	vld.idx.msk [tilespmem:v22+s21+$0x0], $0xffff  }
0x29f: {  	v56 =	vor.u32 s30, v48;
	v23 =	vld.idx.msk [tilespmem:v23+s21+$0x0], $0xffff;
	v55 =	vor.u32 v0, v54  }
0x2a0: {  	v58 =	vor.u32 s30, v39;
	v57 =	vperm.xlane v4, v37;
	v24 =	vld.idx.msk [tilespmem:v24+s21+$0x0], $0xffff  }
0x2a1: {  	v34 =	vperm.xlane v4, v38;
	v60 =	vor.u32 s30, v40;
	v25 =	vld.idx.msk [tilespmem:v25+s21+$0x0], $0xffff  }
0x2a2: {  	v9 =	vadd.f32 v57, v9;
	v57 =	vperm.xlane v4, v30;
	v61 =	vor.u32 s30, v41;
	v26 =	vld.idx.msk [tilespmem:v26+s21+$0x0], $0xffff  }
0x2a3: {  	v7 =	vadd.f32 v34, v7;
	v34 =	vperm.xlane v4, v28;
	v27 =	vld.idx.msk [tilespmem:v27+s21+$0x0], $0xffff  }
0x2a4: {  	v8 =	vadd.f32 v57, v8;
	v55 =	vld.idx.msk [tilespmem:v55+s21+$0x0], $0xffff;
	[tilespmem:v56+s17+$0x0] =	vst.idx.msk $0xffff, v9  }
0x2a5: {  	v6 =	vadd.f32 v34, v6;
	[tilespmem:v58+s17+$0x0] =	vst.idx.msk $0xffff, v7;
	v7 =	vperm.xlane v4, v29  }
0x2a6: {  	[tilespmem:v60+s17+$0x0] =	vst.idx.msk $0xffff, v8  }
0x2a7: {  	[tilespmem:v61+s17+$0x0] =	vst.idx.msk $0xffff, v6;
	v6 =	vadd.f32 v7, v10;
	v7 =	vld [tilespmem:$0x1FB90]  }
0x2a8: {  	v62 =	vor.u32 s30, v42  }
0x2a9: {  	v9 =	vperm.xlane v4, v14;
	v56 =	vor.u32 s30, v44;
	_ =	sdelay $0x1  }
0x2aa: {  	v5 =	vadd.f32 v9, v5  }
0x2ab: {  	v7 =	vperm.xlane v4, v7  }
0x2ac: {  	v34 =	vor.u32 s30, v45;
	v0 =	vld [tilespmem:$0x1FF80];
	[tilespmem:v62+s17+$0x0] =	vst.idx.msk $0xffff, v5  }
0x2ad: {  	v58 =	vperm.xlane v4, v63;
	[tilespmem:v56+s17+$0x0] =	vst.idx.msk $0xffff, v6;
	v6 =	vadd.f32 v7, v12;
	v7 =	vld [tilespmem:$0x1FF70];
	_ =	sdelay $0x1  }
0x2ae: {  	v59 =	vor.u32 s30, v43;
	v5 =	vadd.f32 v58, v11  }
0x2af: {  	v60 =	vor.u32 s30, v15  }
0x2b0: {  	v61 =	vperm.xlane v4, v1;
	v62 =	vor.u32 s30, v32;
	[tilespmem:v34+s17+$0x0] =	vst.idx.msk $0xffff, v5;
	v34 =	vperm.xlane v4, v0;
	v0 =	vld [tilespmem:$0x1FF90]  }
0x2b1: {  	v7 =	vperm.xlane v4, v7  }
0x2b2: {  	v5 =	vadd.f32 v61, v13  }
0x2b3: {  	[tilespmem:v59+s17+$0x0] =	vst.idx.msk $0xffff, v6;
	v6 =	vadd.f32 v7, v22;
	v7 =	vperm.xlane v4, v2  }
0x2b4: {  	v12 =	vor.u32 s30, v49;
	[tilespmem:v60+s17+$0x0] =	vst.idx.msk $0xffff, v5  }
0x2b5: {  	v13 =	vor.u32 s30, v18;
	[tilespmem:v62+s17+$0x0] =	vst.idx.msk $0xffff, v6;
	v6 =	vadd.f32 v7, v24;
	v7 =	vperm.xlane v4, v0;
	v0 =	vld [tilespmem:$0x1F960];
	_ =	sdelay $0x1  }
0x2b6: {  	v5 =	vadd.f32 v34, v23;
	_ =	sdelay $0x1  }
0x2b7: {  	[tilespmem:v12+s17+$0x0] =	vst.idx.msk $0xffff, v5  }
0x2b8: {  	v56 =	vor.u32 s30, v35;
	[tilespmem:v13+s17+$0x0] =	vst.idx.msk $0xffff, v6;
	v13 =	vor.u32 v0, v54;
	v0 =	vld [tilespmem:$0x1F970];
	_ =	sdelay $0x2  }
0x2b9: {  	v6 =	vadd.f32 v7, v25;
	v7 =	vperm.xlane v4, v47  }
0x2ba: {  	v58 =	vld [tilespmem:$0x1FF40]  }
0x2bb: {  	[tilespmem:v56+s17+$0x0] =	vst.idx.msk $0xffff, v6;
	v6 =	vadd.f32 v7, v27;
	v7 =	vor.u32 v0, v54;
	v0 =	vld [tilespmem:$0x1F980];
	_ =	sdelay $0x3  }
0x2bc: {  	v57 =	vor.u32 s30, v19;
	v59 =	vld [tilespmem:$0x1FF50]  }
0x2bd: {  	v10 =	vor.u32 s30, v58;
	v5 =	vperm.xlane v4, v46;
	v60 =	vor.u32 v0, v54;
	v0 =	vld [tilespmem:$0x1F990]  }
0x2be: {  	v12 =	vld [tilespmem:$0x1FED0]  }
0x2bf: {  	v5 =	vadd.f32 v5, v26;
	_ =	sdelay $0x1  }
0x2c0: {  	[tilespmem:v57+s17+$0x0] =	vst.idx.msk $0xffff, v5  }
0x2c1: {  	v11 =	vor.u32 s30, v59;
	[tilespmem:v10+s17+$0x0] =	vst.idx.msk $0xffff, v6;
	v6 =	vor.u32 v0, v54;
	v0 =	vld [tilespmem:$0x1F9A0]  }
0x2c2: {  	v12 =	vperm.xlane v4, v12;
	_ =	sdelay $0x1  }
0x2c3: {  	v5 =	vadd.f32 v12, v55;
	_ =	sdelay $0x1  }
0x2c4: {  	[tilespmem:v11+s17+$0x0] =	vst.idx.msk $0xffff, v5;
	v5 =	vor.u32 v0, v54;
	v0 =	vld [tilespmem:$0x1F9B0];
	_ =	sdelay $0x4  }
0x2c5: {  	v61 =	vor.u32 v0, v54;
	v0 =	vld [tilespmem:$0x1F9C0];
	_ =	sdelay $0x4  }
0x2c6: {  	v62 =	vor.u32 v0, v54;
	v0 =	vld [tilespmem:$0x1F9D0];
	_ =	sdelay $0x4  }
0x2c7: {  	v12 =	vor.u32 v0, v54;
	v0 =	vld [tilespmem:$0x1F9E0];
	_ =	sdelay $0x3  }
0x2c8: {  	v9 =	vld.idx.msk [tilespmem:v13+s21+$0x0], $0xffff  }
0x2c9: {  	v13 =	vor.u32 v0, v54;
	v0 =	vld [tilespmem:$0x1F9F0];
	_ =	sdelay $0x4  }
0x2ca: {  	v22 =	vor.u32 v0, v54;
	v0 =	vld [tilespmem:$0x1FA00];
	_ =	sdelay $0x4  }
0x2cb: {  	v23 =	vor.u32 v0, v54;
	v0 =	vld [tilespmem:$0x1FA10];
	_ =	sdelay $0x4  }
0x2cc: {  	v24 =	vor.u32 v0, v54;
	v0 =	vld [tilespmem:$0x1FA20];
	_ =	sdelay $0x4  }
0x2cd: {  	v25 =	vor.u32 v0, v54;
	v0 =	vld [tilespmem:$0x1F850];
	_ =	sdelay $0x3  }
0x2ce: {  	v7 =	vld.idx.msk [tilespmem:v7+s21+$0x0], $0xffff  }
0x2cf: {  	v26 =	vor.u32 v0, v54;
	v0 =	vld [tilespmem:$0x1F840]  }
0x2d0: {  	v8 =	vld.idx.msk [tilespmem:v60+s21+$0x0], $0xffff  }
0x2d1: {  	v6 =	vld.idx.msk [tilespmem:v6+s21+$0x0], $0xffff  }
0x2d2: {  	v5 =	vld.idx.msk [tilespmem:v5+s21+$0x0], $0xffff  }
0x2d3: {  	v10 =	vld.idx.msk [tilespmem:v61+s21+$0x0], $0xffff  }
0x2d4: {  	v27 =	vor.u32 v0, v54;
	v0 =	vld [tilespmem:$0x1F830]  }
0x2d5: {  	v11 =	vld.idx.msk [tilespmem:v62+s21+$0x0], $0xffff  }
0x2d6: {  	v12 =	vld.idx.msk [tilespmem:v12+s21+$0x0], $0xffff  }
0x2d7: {  	v13 =	vld.idx.msk [tilespmem:v13+s21+$0x0], $0xffff  }
0x2d8: {  	s31 =	sadd.s32 $0x1000, s29;
	v22 =	vld.idx.msk [tilespmem:v22+s21+$0x0], $0xffff  }
0x2d9: {  	v56 =	vor.u32 s31, v48;
	v23 =	vld.idx.msk [tilespmem:v23+s21+$0x0], $0xffff;
	v55 =	vor.u32 v0, v54  }
0x2da: {  	v58 =	vor.u32 s31, v39;
	v34 =	vperm.xlane v21, v37;
	v24 =	vld.idx.msk [tilespmem:v24+s21+$0x0], $0xffff  }
0x2db: {  	v59 =	vperm.xlane v21, v38;
	v60 =	vor.u32 s31, v40;
	v25 =	vld.idx.msk [tilespmem:v25+s21+$0x0], $0xffff  }
0x2dc: {  	v9 =	vadd.f32 v34, v9;
	v34 =	vperm.xlane v21, v30;
	v61 =	vor.u32 s31, v41;
	v26 =	vld.idx.msk [tilespmem:v26+s21+$0x0], $0xffff  }
0x2dd: {  	v7 =	vadd.f32 v59, v7;
	v59 =	vperm.xlane v21, v28;
	v27 =	vld.idx.msk [tilespmem:v27+s21+$0x0], $0xffff  }
0x2de: {  	v8 =	vadd.f32 v34, v8;
	v55 =	vld.idx.msk [tilespmem:v55+s21+$0x0], $0xffff;
	[tilespmem:v56+s17+$0x0] =	vst.idx.msk $0xffff, v9  }
0x2df: {  	v6 =	vadd.f32 v59, v6;
	[tilespmem:v58+s17+$0x0] =	vst.idx.msk $0xffff, v7;
	v7 =	vperm.xlane v21, v29  }
0x2e0: {  	[tilespmem:v60+s17+$0x0] =	vst.idx.msk $0xffff, v8  }
0x2e1: {  	[tilespmem:v61+s17+$0x0] =	vst.idx.msk $0xffff, v6;
	v6 =	vadd.f32 v7, v10;
	v7 =	vld [tilespmem:$0x1FB90]  }
0x2e2: {  	v62 =	vor.u32 s31, v42  }
0x2e3: {  	v34 =	vperm.xlane v21, v14;
	v56 =	vor.u32 s31, v44;
	_ =	sdelay $0x1  }
0x2e4: {  	v5 =	vadd.f32 v34, v5  }
0x2e5: {  	v7 =	vperm.xlane v21, v7  }
0x2e6: {  	[tilespmem:v62+s17+$0x0] =	vst.idx.msk $0xffff, v5  }
0x2e7: {  	[tilespmem:v56+s17+$0x0] =	vst.idx.msk $0xffff, v6;
	v6 =	vadd.f32 v7, v12;
	v7 =	vld [tilespmem:$0x1FF70]  }
0x2e8: {  	v57 =	vor.u32 s31, v45;
	v0 =	vld [tilespmem:$0x1FF80]  }
0x2e9: {  	v9 =	vor.u32 s31, v43;
	v60 =	vperm.xlane v21, v63  }
0x2ea: {  	v58 =	vor.u32 s31, v15  }
0x2eb: {  	v59 =	vperm.xlane v21, v1;
	v5 =	vadd.f32 v60, v11;
	v60 =	vor.u32 s31, v32  }
0x2ec: {  	v12 =	vor.u32 s31, v49;
	v7 =	vperm.xlane v21, v7  }
0x2ed: {  	v61 =	vperm.xlane v21, v0;
	v0 =	vld [tilespmem:$0x1F760];
	[tilespmem:v57+s17+$0x0] =	vst.idx.msk $0xffff, v5;
	v5 =	vadd.f32 v59, v13;
	v13 =	vor.u32 s31, v18  }
0x2ee: {  	v34 =	vld [tilespmem:$0x1FF90];
	[tilespmem:v9+s17+$0x0] =	vst.idx.msk $0xffff, v6;
	v6 =	vadd.f32 v7, v22;
	v7 =	vperm.xlane v21, v2  }
0x2ef: {  	[tilespmem:v58+s17+$0x0] =	vst.idx.msk $0xffff, v5;
	v5 =	vadd.f32 v61, v23  }
0x2f0: {  	[tilespmem:v60+s17+$0x0] =	vst.idx.msk $0xffff, v6;
	v6 =	vadd.f32 v7, v24  }
0x2f1: {  	[tilespmem:v12+s17+$0x0] =	vst.idx.msk $0xffff, v5  }
0x2f2: {  	v62 =	vor.u32 s31, v35;
	[tilespmem:v13+s17+$0x0] =	vst.idx.msk $0xffff, v6;
	v13 =	vor.u32 v0, v54;
	v0 =	vld [tilespmem:$0x1F770]  }
0x2f3: {  	v7 =	vperm.xlane v21, v34;
	_ =	sdelay $0x1  }
0x2f4: {  	v6 =	vadd.f32 v7, v25;
	v7 =	vperm.xlane v21, v47  }
0x2f5: {  	v57 =	vld [tilespmem:$0x1FF40]  }
0x2f6: {  	[tilespmem:v62+s17+$0x0] =	vst.idx.msk $0xffff, v6;
	v6 =	vadd.f32 v7, v27;
	v7 =	vor.u32 v0, v54;
	v0 =	vld [tilespmem:$0x1F780];
	_ =	sdelay $0x2  }
0x2f7: {  	v58 =	vld [tilespmem:$0x1FF50]  }
0x2f8: {  	v56 =	vor.u32 s31, v19;
	v12 =	vld [tilespmem:$0x1FED0]  }
0x2f9: {  	v10 =	vor.u32 s31, v57;
	v5 =	vperm.xlane v21, v46;
	v59 =	vor.u32 v0, v54;
	v0 =	vld [tilespmem:$0x1F820];
	_ =	sdelay $0x1  }
0x2fa: {  	v5 =	vadd.f32 v5, v26  }
0x2fb: {  	v11 =	vor.u32 s31, v58  }
0x2fc: {  	[tilespmem:v56+s17+$0x0] =	vst.idx.msk $0xffff, v5;
	v12 =	vperm.xlane v21, v12  }
0x2fd: {  	[tilespmem:v10+s17+$0x0] =	vst.idx.msk $0xffff, v6;
	v6 =	vor.u32 v0, v54;
	v0 =	vld [tilespmem:$0x1F790]  }
0x2fe: {  	v22 =	vor.u32 v16, v54;
	v5 =	vadd.f32 v12, v55  }
0x2ff: {  	v23 =	vor.u32 v33, v54  }
0x300: {  	v24 =	vor.u32 v31, v54;
	[tilespmem:v11+s17+$0x0] =	vst.idx.msk $0xffff, v5  }
0x301: {  	v25 =	vor.u32 v51, v54;
	v9 =	vld.idx.msk [tilespmem:v13+s21+$0x0], $0xffff  }
0x302: {  	v5 =	vor.u32 v0, v54;
	v0 =	vld [tilespmem:$0x1F810]  }
0x303: {  	v26 =	vor.u32 v52, v54;
	v22 =	vld.idx.msk [tilespmem:v22+s21+$0x0], $0xffff  }
0x304: {  	v27 =	vor.u32 v36, v54;
	v23 =	vld.idx.msk [tilespmem:v23+s21+$0x0], $0xffff  }
0x305: {  	v24 =	vld.idx.msk [tilespmem:v24+s21+$0x0], $0xffff  }
0x306: {  	v12 =	vor.u32 v20, v54;
	v25 =	vld.idx.msk [tilespmem:v25+s21+$0x0], $0xffff  }
0x307: {  	v13 =	vor.u32 v17, v54;
	v60 =	vor.u32 v0, v54;
	v0 =	vld [tilespmem:$0x1F800]  }
0x308: {  	v26 =	vld.idx.msk [tilespmem:v26+s21+$0x0], $0xffff  }
0x309: {  	v27 =	vld.idx.msk [tilespmem:v27+s21+$0x0], $0xffff  }
0x30a: {  	v7 =	vld.idx.msk [tilespmem:v7+s21+$0x0], $0xffff  }
0x30b: {  	v12 =	vld.idx.msk [tilespmem:v12+s21+$0x0], $0xffff  }
0x30c: {  	v13 =	vld.idx.msk [tilespmem:v13+s21+$0x0], $0xffff;
	v61 =	vor.u32 v0, v54  }
0x30d: {  	s31 =	sadd.s32 $0x1800, s29;
	v8 =	vld.idx.msk [tilespmem:v59+s21+$0x0], $0xffff;
	v54 =	vor.u32 v50, v54  }
0x30e: {  	v55 =	vor.u32 s31, v48;
	v6 =	vld.idx.msk [tilespmem:v6+s21+$0x0], $0xffff  }
0x30f: {  	v62 =	vperm.xlane v53, v37;
	v5 =	vld.idx.msk [tilespmem:v5+s21+$0x0], $0xffff  }
0x310: {  	v10 =	vld.idx.msk [tilespmem:v60+s21+$0x0], $0xffff  }
0x311: {  	v57 =	vor.u32 s31, v39;
	v9 =	vadd.f32 v62, v9;
	v11 =	vld.idx.msk [tilespmem:v61+s21+$0x0], $0xffff  }
0x312: {  	v58 =	vperm.xlane v53, v38;
	v59 =	vor.u32 s31, v40;
	v54 =	vld.idx.msk [tilespmem:v54+s21+$0x0], $0xffff  }
0x313: {  	v56 =	vperm.xlane v53, v30;
	v60 =	vor.u32 s31, v41;
	[tilespmem:v55+s17+$0x0] =	vst.idx.msk $0xffff, v9;
	v9 =	vperm.xlane v53, v14;
	v14 =	vld [tilespmem:$0x1FB90]  }
0x314: {  	v38 =	vperm.xlane v53, v28;
	v7 =	vadd.f32 v58, v7;
	v61 =	vor.u32 s31, v42  }
0x315: {  	v28 =	vld [tilespmem:$0x1FF70];
	v62 =	vor.u32 s31, v44;
	v8 =	vadd.f32 v56, v8  }
0x316: {  	v6 =	vadd.f32 v38, v6;
	v38 =	vor.u32 s31, v45;
	[tilespmem:v57+s17+$0x0] =	vst.idx.msk $0xffff, v7;
	v7 =	vperm.xlane v53, v29;
	v29 =	vld [tilespmem:$0x1FF80]  }
0x317: {  	v58 =	vperm.xlane v53, v63;
	[tilespmem:v59+s17+$0x0] =	vst.idx.msk $0xffff, v8;
	v5 =	vadd.f32 v9, v5;
	v9 =	vor.u32 s31, v43  }
0x318: {  	[tilespmem:v60+s17+$0x0] =	vst.idx.msk $0xffff, v6;
	v6 =	vadd.f32 v7, v10;
	v10 =	vor.u32 s31, v15;
	v7 =	vperm.xlane v53, v14  }
0x319: {  	v59 =	vperm.xlane v53, v1;
	[tilespmem:v61+s17+$0x0] =	vst.idx.msk $0xffff, v5;
	v5 =	vadd.f32 v58, v11;
	v11 =	vor.u32 s31, v32;
	v14 =	vld [tilespmem:$0x1FF40]  }
0x31a: {  	v55 =	vld [tilespmem:$0x1FF50];
	[tilespmem:v62+s17+$0x0] =	vst.idx.msk $0xffff, v6;
	v6 =	vadd.f32 v7, v12;
	v7 =	vperm.xlane v53, v28;
	v12 =	vor.u32 s31, v49  }
0x31b: {  	v37 =	vld [tilespmem:$0x1FED0];
	[tilespmem:v38+s17+$0x0] =	vst.idx.msk $0xffff, v5;
	v5 =	vadd.f32 v59, v13;
	v38 =	vperm.xlane v53, v29;
	v13 =	vor.u32 s31, v18  }
0x31c: {  	v56 =	vor.u32 s31, v35;
	[tilespmem:v9+s17+$0x0] =	vst.idx.msk $0xffff, v6;
	v6 =	vadd.f32 v7, v22;
	v7 =	vperm.xlane v53, v2  }
0x31d: {  	v57 =	vperm.xlane v53, v34;
	v58 =	vor.u32 s31, v19;
	[tilespmem:v10+s17+$0x0] =	vst.idx.msk $0xffff, v5;
	v5 =	vadd.f32 v38, v23  }
0x31e: {  	v60 =	vor.u32 s31, v14;
	[tilespmem:v11+s17+$0x0] =	vst.idx.msk $0xffff, v6;
	v6 =	vadd.f32 v7, v24;
	v7 =	vperm.xlane v53, v46  }
0x31f: {  	p0 =	sne.s32 s29, $0x70;
	v63 =	vperm.xlane v53, v47;
	[tilespmem:v12+s17+$0x0] =	vst.idx.msk $0xffff, v5;
	v5 =	vadd.f32 v57, v25;
	v12 =	vor.u32 s31, v55  }
.Ltmp4:
0x320: {  	[tilespmem:v13+s17+$0x0] =	vst.idx.msk $0xffff, v6;
	v6 =	vadd.f32 v7, v26;
	v7 =	vperm.xlane v53, v37;
	(pc) =	sbr.rel @p0 .LBB2_9-.Ltmp4, $4  }
0x321: {  	[tilespmem:v56+s17+$0x0] =	vst.idx.msk $0xffff, v5;
	v5 =	vadd.f32 v63, v27  }
0x322: {  	[tilespmem:v58+s17+$0x0] =	vst.idx.msk $0xffff, v6;
	v6 =	vadd.f32 v7, v54  }
0x323: {  	[tilespmem:v60+s17+$0x0] =	vst.idx.msk $0xffff, v5  }
0x324: {  	s29 =	sadd.s32 $0x10, s29;
	v61 =	vmovc v28;
	v62 =	vmov v34;
	v34 =	vmov v37;
	v59 =	vmov v29;
	v24 =	vld [tilespmem:$0x1FF10];
	[tilespmem:v12+s17+$0x0] =	vst.idx.msk $0xffff, v6  }
0x325: {  	s28 =	sshll.u32 s28, $0x12  }
0x326: {  	s28 =	sor.u32 s7, s28  }
0x327: {  	s28 =	sshrl.u32 s28, $0x3  }
0x328: {  	s29 =	sadd.s32 s2, s28  }
0x329: {  	[hbm4b:s29+s3] =	stream.linear.scatter [tilespmem:s17], [sflag:$0x4], $0x400, $0x38;
	[tilespmem:$0x11600] =	vst v63  }
0x32a: {  	s30 =	sadd.s32 s28, s8  }
0x32b: {  	[hbm4b:s30+s3] =	stream.linear.scatter [tilespmem:s18], [sflag:$0x4], $0x400, $0x38;
	[tilespmem:$0x11600] =	vst v63  }
0x32c: {  	s31 =	sadd.s32 s28, s9  }
0x32d: {  	[hbm4b:s31+s3] =	stream.linear.scatter [tilespmem:s5], [sflag:$0x4], $0x400, $0x38;
	[tilespmem:$0x11600] =	vst v63  }
0x32e: {  	s30 =	sadd.s32 s28, s10  }
0x32f: {  	[hbm4b:s30+s3] =	stream.linear.scatter [tilespmem:s6], [sflag:$0x4], $0x400, $0x38;
	[tilespmem:$0x11600] =	vst v63  }
0x330: {  	s26 =	sadd.s32 $0x1, s26;
	s31 =	sadd.s32 s28, s11  }
0x331: {  	[hbm4b:s31+s3] =	stream.linear.scatter [tilespmem:s15], [sflag:$0x4], $0x400, $0x38;
	[tilespmem:$0x11600] =	vst v63  }
0x332: {  	p0 =	sne.s32 s26, $0x64;
	s30 =	sadd.s32 s28, s12  }
0x333: {  	[hbm4b:s30+s3] =	stream.linear.scatter [tilespmem:s19], [sflag:$0x4], $0x400, $0x38;
	[tilespmem:$0x11600] =	vst v63  }
.Ltmp5:
0x334: {  	_ = 	snop;
	(pc) =	sbr.rel @p0 .LBB2_2-.Ltmp5, $4  }
0x335: {  	s31 =	sadd.s32 s28, s13  }
0x336: {  	[hbm4b:s31+s3] =	stream.linear.scatter [tilespmem:s23], [sflag:$0x4], $0x400, $0x38;
	[tilespmem:$0x11600] =	vst v63  }
0x337: {  	v3 =	vmovc v46;
	v7 =	vmovc v40;
	v8 =	vmov v44;
	v28 =	vmov v45;
	v12 =	vmov v43;
	s28 =	sadd.s32 s28, s14  }
0x338: {  	v58 =	vmovc v15;
	v6 =	vmovc v32;
	v54 =	vmov v49;
	v23 =	vmov v19;
	v19 =	vld [tilespmem:$0x1FEE0];
	v1 =	vlaneseq.u32;
	[hbm4b:s28+s3] =	stream.linear.scatter [tilespmem:s24], [sflag:$0x4], $0x400, $0x38  }
0x339: {  	s26 =	simm.s32 $0x3  }
0x33a: {  	_ =	swait.ge [sflag:s26], $0x400  }
0x33b: {  	[sflag:s26] =	ssyncset.done $0x0  }
0x33c: {  	[sflag:s26] =	ssyncadd.s32 $0xFFFFFC00  }
0x33d: {  	_ =	swait.ge [sflag:s26], $0x400  }
0x33e: {  	[sflag:s26] =	ssyncset.done $0x0  }
0x33f: {  	[sflag:s26] =	ssyncadd.s32 $0xFFFFFC00  }
0x340: {  	_ =	swait.ge [sflag:s26], $0x400  }
0x341: {  	[sflag:s26] =	ssyncset.done $0x0  }
0x342: {  	[sflag:s26] =	ssyncadd.s32 $0xFFFFFC00  }
0x343: {  	_ =	swait.ge [sflag:s26], $0x400  }
0x344: {  	[sflag:s26] =	ssyncset.done $0x0  }
0x345: {  	[sflag:s26] =	ssyncadd.s32 $0xFFFFFC00  }
0x346: {  	_ =	swait.ge [sflag:s26], $0x400  }
0x347: {  	[sflag:s26] =	ssyncset.done $0x0  }
0x348: {  	[sflag:s26] =	ssyncadd.s32 $0xFFFFFC00  }
0x349: {  	_ =	swait.ge [sflag:s26], $0x400  }
0x34a: {  	[sflag:s26] =	ssyncset.done $0x0  }
0x34b: {  	[sflag:s26] =	ssyncadd.s32 $0xFFFFFC00  }
0x34c: {  	_ =	swait.ge [sflag:s26], $0x400  }
0x34d: {  	[sflag:s26] =	ssyncset.done $0x0  }
0x34e: {  	[sflag:s26] =	ssyncadd.s32 $0xFFFFFC00  }
0x34f: {  	_ =	swait.ge [sflag:s26], $0x400  }
0x350: {  	[sflag:s26] =	ssyncset.done $0x0  }
0x351: {  	[sflag:s26] =	ssyncadd.s32 $0xFFFFFC00  }
0x352: {  	_ =	swait.ge [sflag:s0], $0x400  }
0x353: {  	[sflag:s0] =	ssyncset.done $0x0  }
0x354: {  	[sflag:s0] =	ssyncadd.s32 $0xFFFFFC00  }
0x355: {  	_ =	swait.ge [sflag:s0], $0x400  }
0x356: {  	[sflag:s0] =	ssyncset.done $0x0  }
0x357: {  	[sflag:s0] =	ssyncadd.s32 $0xFFFFFC00  }
0x358: {  	_ =	swait.ge [sflag:s0], $0x400  }
0x359: {  	[sflag:s0] =	ssyncset.done $0x0  }
0x35a: {  	[sflag:s0] =	ssyncadd.s32 $0xFFFFFC00  }
0x35b: {  	_ =	swait.ge [sflag:s0], $0x400  }
0x35c: {  	[sflag:s0] =	ssyncset.done $0x0  }
0x35d: {  	[sflag:s0] =	ssyncadd.s32 $0xFFFFFC00  }
0x35e: {  	_ =	swait.ge [sflag:s0], $0x400  }
0x35f: {  	[sflag:s0] =	ssyncset.done $0x0  }
0x360: {  	[sflag:s0] =	ssyncadd.s32 $0xFFFFFC00  }
0x361: {  	_ =	swait.ge [sflag:s0], $0x400  }
0x362: {  	[sflag:s0] =	ssyncset.done $0x0  }
0x363: {  	[sflag:s0] =	ssyncadd.s32 $0xFFFFFC00  }
0x364: {  	_ =	swait.ge [sflag:s0], $0x400  }
0x365: {  	[sflag:s0] =	ssyncset.done $0x0  }
0x366: {  	[sflag:s0] =	ssyncadd.s32 $0xFFFFFC00  }
0x367: {  	_ =	swait.ge [sflag:s0], $0x400  }
0x368: {  	s28 =	rddreg [dreg:$0x6]  }
0x369: {  	s31 =	rddreg [dreg:$0x5];
	s28 =	sadd.s32 $0x1, s28  }
0x36a: {  	p0 =	sne.s32 s28, s31  }
.Ltmp6:
0x36b: {  	_ = 	snop;
	(pc) =	sbr.rel @p0 .LBB2_1-.Ltmp6, $3  }
0x36c: {  	_ =	sdelay $0x1  }
0x36d: {  	[sflag:s0] =	ssyncset.done $0x0  }
0x36e: {  	[sflag:s0] =	ssyncadd.s32 $0xFFFFFC00  }
0x36f: {  	_ =	sfence.sel $0x180000  }
0x370: {  	[bflag:$0x0] =	sbarrier.arrive $0xFFFF  }
0x371: {  	_ =	strace $0x90000047  }
0x372: {  	s0 =	stileid.u32;
	[bflag:$0x2] =	sbarrier.arrive $0xFFFF  }
0x373: {  	p0 =	sne.s32 s0, $0x0;
	s0 =	rddreg [dreg:$0x2]  }
0x374: {  	s0 =	sadd.s32 @!p0 $0x100000, s0  }
0x375: {  	[sflag:s0] =	ssyncadd.tile.s32 @!p0 $0x1;
	_ =	shalt  }
.Lfunc_end2:
_tile_overlayer_lowered:
.L_overlay_start_2:
0x376: {  	(tag) =	ssettag $0x2  }
0x377: {  	s0 =	rddreg [dreg:$0x0];
	s2 =	stileid.u32  }
0x378: {  	s1 =	rddreg [dreg:$0x1];
	p0 =	sne.s32 s2, $0x0  }
0x379: {  	s3 =	rddreg [dreg:$0x2];
	[bflag:$0x3] =	sbarrier.arrive $0xFFFF;
	s2 =	simm.s32 @!p0 $0x1C05  }
0x37a: {  	[timem:s3], [sflag:s2] =	dma.local @!p0 [hbm:s0], s1  }
0x37b: {  	s0 =	simm.s32 @!p0 $0x5  }
0x37c: {  	_ =	swait.ge @!p0 [sflag:s0], s1  }
0x37d: {  	s1 =	ssub.s32 @!p0 $0x0, s1;
	[sflag:s0] =	ssyncset.done @!p0 $0x0  }
0x37e: {  	[sflag:s0] =	ssyncadd.s32 @!p0 s1  }
0x37f: {  	[bflag:$0x3] =	sbarrier.arrive $0xFFFF  }
0x380: {  	_ =	shalt  }

</sc_bundles>
